<compile_context>
chip_gen: v7x
topology: tpu7x:2x2x1
jax: 0.10.2.dev20260603
libtpu: 0.0.44.dev20260713+nightly
codegen_flags: <defaults>
</compile_context>

<pallas_src>
import functools

import jax
import jax.numpy as jnp
from jax import lax
from jax.experimental import pallas as pl
from jax.experimental.pallas import tpu as pltpu
from jax.experimental.pallas import tpu_sc as plsc

NC = 2
NS = 16
L = 16

K = 80
NBUF = 3
OWN = 624
ZROWS = 208


def _matmul_tc(features, wsplit):
    n, d_in = features.shape
    dh = wsplit.shape[2]

    def body(x_ref, w_ref, o_ref):
        o_ref[0] = jnp.dot(x_ref[...], w_ref[0],
                           preferred_element_type=jnp.float32)

    return pl.pallas_call(
        body,
        grid=(NC,),
        in_specs=[
            pl.BlockSpec((n, d_in), lambda c: (0, 0)),
            pl.BlockSpec((1, d_in, dh), lambda c: (c, 0, 0)),
        ],
        out_specs=pl.BlockSpec((1, n, dh), lambda c: (c, 0, 0)),
        out_shape=jax.ShapeDtypeStruct((NC, n, dh), jnp.float32),
    )(features, wsplit)


def _spmm_sc(hs, src, dst, ew, bsplit):
    _, n, dh = hs.shape
    nblk = src.shape[1]
    tail = n - OWN * NS

    mesh = plsc.VectorSubcoreMesh(core_axis_name="c", subcore_axis_name="s")

    @functools.partial(
        pl.kernel,
        out_type=jax.ShapeDtypeStruct((n, NC * dh), jnp.float32),
        mesh=mesh,
        scratch_types=[
            pltpu.VMEM((nblk, K), jnp.int32),
            pltpu.VMEM((nblk, K), jnp.int32),
            pltpu.VMEM((nblk, K), jnp.float32),
            pltpu.VMEM((NBUF, K, dh), jnp.float32),
            pltpu.VMEM((ZROWS, dh), jnp.float32),
            pltpu.VMEM((1, dh), jnp.float32),
            pltpu.VMEM_SHARED((n, dh), jnp.float32),
            pltpu.SemaphoreType.DMA((NBUF,)),
            pltpu.SemaphoreType.DMA((NBUF,)),
        ],
        compiler_params=pltpu.CompilerParams(use_tc_tiling_on_sc=False),
    )
    def sc_kernel(hs_hbm, src_hbm, dst_hbm, ew_hbm, b_hbm, out_hbm,
                  src_v, dst_v, ew_v, rows_v, zbuf, bias_v, acc,
                  gsems, ssems):
        cid = lax.axis_index("c")
        sid = lax.axis_index("s")

        pltpu.sync_copy(src_hbm.at[sid], src_v)
        pltpu.sync_copy(dst_hbm.at[sid], dst_v)
        pltpu.sync_copy(ew_hbm.at[sid], ew_v)
        pltpu.sync_copy(b_hbm.at[cid], bias_v)

        @pl.loop(0, ZROWS)
        def _(i):
            for q in range(dh // L):
                zbuf[i, pl.ds(q * L, L)] = bias_v[0, pl.ds(q * L, L)]

        base = pl.multiple_of(sid * OWN, 8)
        for z in range(OWN // ZROWS):
            pltpu.sync_copy(zbuf, acc.at[pl.ds(base + z * ZROWS, ZROWS)])

        @pl.when(sid == NS - 1)
        def _():
            pltpu.sync_copy(zbuf.at[pl.ds(0, tail)],
                            acc.at[pl.ds(n - tail, tail)])

        plsc.subcore_barrier()

        def gather(j, b):
            return pltpu.async_copy(hs_hbm.at[cid].at[src_v.at[j]],
                                    rows_v.at[b], gsems.at[b])

        def wait_gather(j, b):
            pltpu.make_async_copy(hs_hbm.at[cid].at[src_v.at[j]],
                                  rows_v.at[b], gsems.at[b]).wait()

        def scatter(j, b):
            return pltpu.async_copy(rows_v.at[b], acc.at[dst_v.at[j]],
                                    ssems.at[b], add=True)

        def wait_scatter(j, b):
            pltpu.make_async_copy(rows_v.at[b], acc.at[dst_v.at[j]],
                                  ssems.at[b]).wait()

        for p in range(NBUF - 1):
            gather(p, p)

        @pl.loop(0, nblk + NBUF - 1, step=NBUF)
        def _(jj):
            for b in range(NBUF):
                j = jj + b

                @pl.when(j < nblk)
                def _():
                    wait_gather(j, b)

                    @pl.when(j >= 1)
                    def _():
                        wait_scatter(j, (b - 1) % NBUF)

                    @pl.when(j + NBUF - 1 < nblk)
                    def _():
                        gather(j + NBUF - 1, (b - 1) % NBUF)

                    @plsc.parallel_loop(0, K // L)
                    def _(g):
                        wchunk = ew_v[j, pl.ds(g * L, L)]
                        for e in range(L):
                            i = g * L + e
                            w_s = wchunk[e]
                            for q in range(dh // L):
                                sl = pl.ds(q * L, L)
                                rows_v[b, i, sl] = rows_v[b, i, sl] * w_s

                    scatter(j, b)

        wait_scatter(nblk - 1, (nblk - 1) % NBUF)
        plsc.subcore_barrier()
        col = pl.multiple_of(cid * dh, 8)
        pltpu.sync_copy(acc.at[pl.ds(base, OWN)],
                        out_hbm.at[pl.ds(base, OWN), pl.ds(col, dh)])

        @pl.when(sid == NS - 1)
        def _():
            pltpu.sync_copy(acc.at[pl.ds(n - tail, tail)],
                            out_hbm.at[pl.ds(n - tail, tail), pl.ds(col, dh)])

    return sc_kernel(hs, src, dst, ew, bsplit)


def kernel(features, edge_index, edge_weight, weight, bias):
    e = edge_weight.shape[0]
    d_out = weight.shape[1]
    dh = d_out // NC
    nblk = -(-e // (NS * K))
    e_pad = NS * nblk * K
    padn = e_pad - e

    wsplit = jnp.stack([weight[:, :dh], weight[:, dh:]])
    bsplit = jnp.stack([bias[:, :dh], bias[:, dh:]])

    hs = _matmul_tc(features, wsplit)
    zi = jnp.zeros((padn,), jnp.int32)
    src = jnp.concatenate([edge_index[0], zi]).reshape(NS, nblk, K)
    dst = jnp.concatenate([edge_index[1], zi]).reshape(NS, nblk, K)
    ew = jnp.concatenate([edge_weight,
                          jnp.zeros((padn,), jnp.float32)]).reshape(NS, nblk, K)
    return _spmm_sc(hs, src, dst, ew, bsplit)

# --- scband reference (transcript-rebuilt; emitter-appended) ---
"""Pipeline reference for scband-graph-convolution-layer-sparse-21071109554802 (READ-ONLY COPY).

The authoritative reference and input builder live on the scoring server;
editing this copy changes nothing except your own understanding.
"""

import jax, jax.numpy as jnp
import numpy as np

N = 10000
E = 320000
D_IN = 128
D_OUT = 128


def setup_inputs(seed: int = 0) -> dict:
    key = jax.random.key(seed)
    k1, k2, k3, k4, k5 = jax.random.split(key, 5)
    features = jax.random.normal(k1, (N, D_IN), dtype=jnp.float32)
    edge_index = jax.random.randint(k2, (2, E), 0, N, dtype=jnp.int32)
    edge_weight = jax.random.uniform(k3, (E,), dtype=jnp.float32)
    # xavier_normal_ with gain=0.02 (as in reset_parameters_xavier)
    w_std = 0.02 * np.sqrt(2.0 / (D_IN + D_OUT))
    weight = jax.random.normal(k4, (D_IN, D_OUT), dtype=jnp.float32) * w_std
    b_std = 0.02 * np.sqrt(2.0 / (1 + D_OUT))
    bias = jax.random.normal(k5, (1, D_OUT), dtype=jnp.float32) * b_std
    return {"features": features, "edge_index": edge_index, "edge_weight": edge_weight, "weight": weight, "bias": bias}


def reference(features, edge_index, edge_weight, weight, bias):
    # features = torch.mm(features, self.weight)
    h = features @ weight
    # features = torch.spmm(adj_matrix, features)  -- sparse adj in COO form:
    # out[dst] += edge_weight[e] * h[src]
    src = edge_index[0]
    dst = edge_index[1]
    msgs = h[src] * edge_weight[:, None]
    out = jax.ops.segment_sum(msgs, dst, num_segments=N)
    # + bias
    return out + bias

if __name__ == "__main__":
    import jax
    _d = setup_inputs()
    print(jax.jit(kernel)(*tuple(_d.values())))

</pallas_src>

<mosaic_0001>
#map = affine_map<(d0, d1) -> (0, 0, 0)>
#map1 = affine_map<(d0, d1) -> (0, 0)>
module attributes {stable_mosaic.version = 14 : i64} {
  func.func @sc_kernel(%arg0: i32, %arg1: i32, %arg2: memref<2x10000x64xf32, #tpu.memory_space<hbm>>, %arg3: memref<16x250x80xi32, #tpu.memory_space<hbm>>, %arg4: memref<16x250x80xi32, #tpu.memory_space<hbm>>, %arg5: memref<16x250x80xf32, #tpu.memory_space<hbm>>, %arg6: memref<2x1x64xf32, #tpu.memory_space<hbm>>, %arg7: memref<10000x128xf32, #tpu.memory_space<hbm>>, %arg8: memref<250x80xi32, #tpu.memory_space<vmem>>, %arg9: memref<250x80xi32, #tpu.memory_space<vmem>>, %arg10: memref<250x80xf32, #tpu.memory_space<vmem>>, %arg11: memref<3x80x64xf32, #tpu.memory_space<vmem>>, %arg12: memref<208x64xf32, #tpu.memory_space<vmem>>, %arg13: memref<1x64xf32, #tpu.memory_space<vmem>>, %arg14: memref<10000x64xf32, #tpu.memory_space<vmem_shared>>, %arg15: memref<3x!tpu.dma_semaphore, #tpu.memory_space<semaphore_mem>>, %arg16: memref<3x!tpu.dma_semaphore, #tpu.memory_space<semaphore_mem>>) attributes {dimension_semantics = [#tpu.dimension_semantics<core_parallel>, #tpu.dimension_semantics<subcore_parallel>], iteration_bounds = array<i64: 2, 16>, scalar_prefetch = 0 : i64, scratch_operands = 9 : i64, tpu.core_type = #tpu.core_type<sc_vector_subcore>, window_params = [{transform_indices = #map}, {transform_indices = #map}, {transform_indices = #map}, {transform_indices = #map}, {transform_indices = #map}, {transform_indices = #map1}]} {
    "tpu.region"() ({
      %run_scoped3A = tpu.sem_alloc : memref<!tpu.dma_semaphore, #tpu.memory_space<semaphore_mem>>
      %dma_start3A_77 = arith.constant 0 : i32
      %dma_start3A_78 = arith.constant 0 : i32
      %dma_start3A_79 = tpu.memref_slice %arg3[%arg1, %dma_start3A_77, %dma_start3A_78] : memref<16x250x80xi32, #tpu.memory_space<hbm>> -> memref<1x250x80xi32, #tpu.memory_space<hbm>>
      %dma_start3A_80 = tpu.memref_squeeze %dma_start3A_79 : memref<1x250x80xi32, #tpu.memory_space<hbm>> -> memref<250x80xi32, #tpu.memory_space<hbm>>
      %dma_start3A_81 = arith.constant 0 : i32
      %dma_start3A_82 = arith.constant 0 : i32
      %dma_start3A_83 = tpu.memref_slice %arg3[%arg1, %dma_start3A_81, %dma_start3A_82] : memref<16x250x80xi32, #tpu.memory_space<hbm>> -> memref<1x250x80xi32, #tpu.memory_space<hbm>>
      %dma_start3A_84 = tpu.memref_squeeze %dma_start3A_83 : memref<1x250x80xi32, #tpu.memory_space<hbm>> -> memref<250x80xi32, #tpu.memory_space<hbm>>
      tpu.enqueue_dma source(%dma_start3A_84 : memref<250x80xi32, #tpu.memory_space<hbm>>) target(%arg8 : memref<250x80xi32, #tpu.memory_space<vmem>>) target_semaphore(%run_scoped3A : memref<!tpu.dma_semaphore, #tpu.memory_space<semaphore_mem>>)
      %dma_wait3A_85 = arith.constant 0 : i32
      %dma_wait3A_86 = arith.constant 0 : i32
      %dma_wait3A_87 = tpu.memref_slice %arg3[%arg1, %dma_wait3A_85, %dma_wait3A_86] : memref<16x250x80xi32, #tpu.memory_space<hbm>> -> memref<1x250x80xi32, #tpu.memory_space<hbm>>
      %dma_wait3A_88 = tpu.memref_squeeze %dma_wait3A_87 : memref<1x250x80xi32, #tpu.memory_space<hbm>> -> memref<250x80xi32, #tpu.memory_space<hbm>>
      %dma_wait3A_89 = arith.constant 0 : i32
      %dma_wait3A_90 = arith.constant 0 : i32
      %dma_wait3A_91 = tpu.memref_slice %arg3[%arg1, %dma_wait3A_89, %dma_wait3A_90] : memref<16x250x80xi32, #tpu.memory_space<hbm>> -> memref<1x250x80xi32, #tpu.memory_space<hbm>>
      %dma_wait3A_92 = tpu.memref_squeeze %dma_wait3A_91 : memref<1x250x80xi32, #tpu.memory_space<hbm>> -> memref<250x80xi32, #tpu.memory_space<hbm>>
      tpu.wait_dma2 semaphore(%run_scoped3A : memref<!tpu.dma_semaphore, #tpu.memory_space<semaphore_mem>>) src(%dma_wait3A_92 : memref<250x80xi32, #tpu.memory_space<hbm>>) dst(%arg8 : memref<250x80xi32, #tpu.memory_space<vmem>>)
      tpu.yield
    }) : () -> ()
    "tpu.region"() ({
      %run_scoped3A = tpu.sem_alloc : memref<!tpu.dma_semaphore, #tpu.memory_space<semaphore_mem>>
      %dma_start3A_77 = arith.constant 0 : i32
      %dma_start3A_78 = arith.constant 0 : i32
      %dma_start3A_79 = tpu.memref_slice %arg4[%arg1, %dma_start3A_77, %dma_start3A_78] : memref<16x250x80xi32, #tpu.memory_space<hbm>> -> memref<1x250x80xi32, #tpu.memory_space<hbm>>
      %dma_start3A_80 = tpu.memref_squeeze %dma_start3A_79 : memref<1x250x80xi32, #tpu.memory_space<hbm>> -> memref<250x80xi32, #tpu.memory_space<hbm>>
      %dma_start3A_81 = arith.constant 0 : i32
      %dma_start3A_82 = arith.constant 0 : i32
      %dma_start3A_83 = tpu.memref_slice %arg4[%arg1, %dma_start3A_81, %dma_start3A_82] : memref<16x250x80xi32, #tpu.memory_space<hbm>> -> memref<1x250x80xi32, #tpu.memory_space<hbm>>
      %dma_start3A_84 = tpu.memref_squeeze %dma_start3A_83 : memref<1x250x80xi32, #tpu.memory_space<hbm>> -> memref<250x80xi32, #tpu.memory_space<hbm>>
      tpu.enqueue_dma source(%dma_start3A_84 : memref<250x80xi32, #tpu.memory_space<hbm>>) target(%arg9 : memref<250x80xi32, #tpu.memory_space<vmem>>) target_semaphore(%run_scoped3A : memref<!tpu.dma_semaphore, #tpu.memory_space<semaphore_mem>>)
      %dma_wait3A_85 = arith.constant 0 : i32
      %dma_wait3A_86 = arith.constant 0 : i32
      %dma_wait3A_87 = tpu.memref_slice %arg4[%arg1, %dma_wait3A_85, %dma_wait3A_86] : memref<16x250x80xi32, #tpu.memory_space<hbm>> -> memref<1x250x80xi32, #tpu.memory_space<hbm>>
      %dma_wait3A_88 = tpu.memref_squeeze %dma_wait3A_87 : memref<1x250x80xi32, #tpu.memory_space<hbm>> -> memref<250x80xi32, #tpu.memory_space<hbm>>
      %dma_wait3A_89 = arith.constant 0 : i32
      %dma_wait3A_90 = arith.constant 0 : i32
      %dma_wait3A_91 = tpu.memref_slice %arg4[%arg1, %dma_wait3A_89, %dma_wait3A_90] : memref<16x250x80xi32, #tpu.memory_space<hbm>> -> memref<1x250x80xi32, #tpu.memory_space<hbm>>
      %dma_wait3A_92 = tpu.memref_squeeze %dma_wait3A_91 : memref<1x250x80xi32, #tpu.memory_space<hbm>> -> memref<250x80xi32, #tpu.memory_space<hbm>>
      tpu.wait_dma2 semaphore(%run_scoped3A : memref<!tpu.dma_semaphore, #tpu.memory_space<semaphore_mem>>) src(%dma_wait3A_92 : memref<250x80xi32, #tpu.memory_space<hbm>>) dst(%arg9 : memref<250x80xi32, #tpu.memory_space<vmem>>)
      tpu.yield
    }) : () -> ()
    "tpu.region"() ({
      %run_scoped3A = tpu.sem_alloc : memref<!tpu.dma_semaphore, #tpu.memory_space<semaphore_mem>>
      %dma_start3A_77 = arith.constant 0 : i32
      %dma_start3A_78 = arith.constant 0 : i32
      %dma_start3A_79 = tpu.memref_slice %arg5[%arg1, %dma_start3A_77, %dma_start3A_78] : memref<16x250x80xf32, #tpu.memory_space<hbm>> -> memref<1x250x80xf32, #tpu.memory_space<hbm>>
      %dma_start3A_80 = tpu.memref_squeeze %dma_start3A_79 : memref<1x250x80xf32, #tpu.memory_space<hbm>> -> memref<250x80xf32, #tpu.memory_space<hbm>>
      %dma_start3A_81 = arith.constant 0 : i32
      %dma_start3A_82 = arith.constant 0 : i32
      %dma_start3A_83 = tpu.memref_slice %arg5[%arg1, %dma_start3A_81, %dma_start3A_82] : memref<16x250x80xf32, #tpu.memory_space<hbm>> -> memref<1x250x80xf32, #tpu.memory_space<hbm>>
      %dma_start3A_84 = tpu.memref_squeeze %dma_start3A_83 : memref<1x250x80xf32, #tpu.memory_space<hbm>> -> memref<250x80xf32, #tpu.memory_space<hbm>>
      tpu.enqueue_dma source(%dma_start3A_84 : memref<250x80xf32, #tpu.memory_space<hbm>>) target(%arg10 : memref<250x80xf32, #tpu.memory_space<vmem>>) target_semaphore(%run_scoped3A : memref<!tpu.dma_semaphore, #tpu.memory_space<semaphore_mem>>)
      %dma_wait3A_85 = arith.constant 0 : i32
      %dma_wait3A_86 = arith.constant 0 : i32
      %dma_wait3A_87 = tpu.memref_slice %arg5[%arg1, %dma_wait3A_85, %dma_wait3A_86] : memref<16x250x80xf32, #tpu.memory_space<hbm>> -> memref<1x250x80xf32, #tpu.memory_space<hbm>>
      %dma_wait3A_88 = tpu.memref_squeeze %dma_wait3A_87 : memref<1x250x80xf32, #tpu.memory_space<hbm>> -> memref<250x80xf32, #tpu.memory_space<hbm>>
      %dma_wait3A_89 = arith.constant 0 : i32
      %dma_wait3A_90 = arith.constant 0 : i32
      %dma_wait3A_91 = tpu.memref_slice %arg5[%arg1, %dma_wait3A_89, %dma_wait3A_90] : memref<16x250x80xf32, #tpu.memory_space<hbm>> -> memref<1x250x80xf32, #tpu.memory_space<hbm>>
      %dma_wait3A_92 = tpu.memref_squeeze %dma_wait3A_91 : memref<1x250x80xf32, #tpu.memory_space<hbm>> -> memref<250x80xf32, #tpu.memory_space<hbm>>
      tpu.wait_dma2 semaphore(%run_scoped3A : memref<!tpu.dma_semaphore, #tpu.memory_space<semaphore_mem>>) src(%dma_wait3A_92 : memref<250x80xf32, #tpu.memory_space<hbm>>) dst(%arg10 : memref<250x80xf32, #tpu.memory_space<vmem>>)
      tpu.yield
    }) : () -> ()
    "tpu.region"() ({
      %run_scoped3A = tpu.sem_alloc : memref<!tpu.dma_semaphore, #tpu.memory_space<semaphore_mem>>
      %dma_start3A_77 = arith.constant 0 : i32
      %dma_start3A_78 = arith.constant 0 : i32
      %dma_start3A_79 = tpu.memref_slice %arg6[%arg0, %dma_start3A_77, %dma_start3A_78] : memref<2x1x64xf32, #tpu.memory_space<hbm>> -> memref<1x1x64xf32, #tpu.memory_space<hbm>>
      %dma_start3A_80 = tpu.memref_squeeze %dma_start3A_79 : memref<1x1x64xf32, #tpu.memory_space<hbm>> -> memref<1x64xf32, #tpu.memory_space<hbm>>
      %dma_start3A_81 = arith.constant 0 : i32
      %dma_start3A_82 = arith.constant 0 : i32
      %dma_start3A_83 = tpu.memref_slice %arg6[%arg0, %dma_start3A_81, %dma_start3A_82] : memref<2x1x64xf32, #tpu.memory_space<hbm>> -> memref<1x1x64xf32, #tpu.memory_space<hbm>>
      %dma_start3A_84 = tpu.memref_squeeze %dma_start3A_83 : memref<1x1x64xf32, #tpu.memory_space<hbm>> -> memref<1x64xf32, #tpu.memory_space<hbm>>
      tpu.enqueue_dma source(%dma_start3A_84 : memref<1x64xf32, #tpu.memory_space<hbm>>) target(%arg13 : memref<1x64xf32, #tpu.memory_space<vmem>>) target_semaphore(%run_scoped3A : memref<!tpu.dma_semaphore, #tpu.memory_space<semaphore_mem>>)
      %dma_wait3A_85 = arith.constant 0 : i32
      %dma_wait3A_86 = arith.constant 0 : i32
      %dma_wait3A_87 = tpu.memref_slice %arg6[%arg0, %dma_wait3A_85, %dma_wait3A_86] : memref<2x1x64xf32, #tpu.memory_space<hbm>> -> memref<1x1x64xf32, #tpu.memory_space<hbm>>
      %dma_wait3A_88 = tpu.memref_squeeze %dma_wait3A_87 : memref<1x1x64xf32, #tpu.memory_space<hbm>> -> memref<1x64xf32, #tpu.memory_space<hbm>>
      %dma_wait3A_89 = arith.constant 0 : i32
      %dma_wait3A_90 = arith.constant 0 : i32
      %dma_wait3A_91 = tpu.memref_slice %arg6[%arg0, %dma_wait3A_89, %dma_wait3A_90] : memref<2x1x64xf32, #tpu.memory_space<hbm>> -> memref<1x1x64xf32, #tpu.memory_space<hbm>>
      %dma_wait3A_92 = tpu.memref_squeeze %dma_wait3A_91 : memref<1x1x64xf32, #tpu.memory_space<hbm>> -> memref<1x64xf32, #tpu.memory_space<hbm>>
      tpu.wait_dma2 semaphore(%run_scoped3A : memref<!tpu.dma_semaphore, #tpu.memory_space<semaphore_mem>>) src(%dma_wait3A_92 : memref<1x64xf32, #tpu.memory_space<hbm>>) dst(%arg13 : memref<1x64xf32, #tpu.memory_space<vmem>>)
      tpu.yield
    }) : () -> ()
    %scan3A = arith.constant 0 : i32
    %scan3A_0 = arith.constant 208 : i32
    %scan3A_1 = arith.addi %scan3A, %scan3A_0 : i32
    %scan3A_2 = arith.constant 1 : i32
    scf.for %scan3A_77 = %scan3A to %scan3A_1 step %scan3A_2  : i32 {
      %mul3A_78 = arith.constant 1 : i32
      %mul3A_79 = arith.muli %scan3A_77, %mul3A_78 : i32
      %add3A_80 = arith.constant 0 : i32
      %add3A_81 = arith.addi %add3A_80, %mul3A_79 : i32
      %get3A = arith.constant 0 : i32
      %get3A_82 = arith.index_cast %get3A : i32 to index
      %get3A_83 = arith.constant 0 : index
      %get3A_84 = tpu.vector_load %arg13[%get3A_82, %get3A_83] {strides = array<i32>} : memref<1x64xf32, #tpu.memory_space<vmem>>, vector<1x16xf32>,
      %get3A_85 = vector.shape_cast %get3A_84 : vector<1x16xf32> to vector<16xf32>
      %swap3A = arith.index_cast %add3A_81 : i32 to index
      %swap3A_86 = arith.constant 0 : index
      %swap3A_87 = tpu.vector_load %arg12[%swap3A, %swap3A_86] {strides = array<i32>} : memref<208x64xf32, #tpu.memory_space<vmem>>, vector<1x16xf32>,
      %swap3A_88 = vector.shape_cast %swap3A_87 : vector<1x16xf32> to vector<16xf32>
      %swap3A_89 = vector.shape_cast %get3A_85 : vector<16xf32> to vector<1x16xf32>
      tpu.vector_store %arg12[%swap3A, %swap3A_86], %swap3A_89 {strides = array<i32>} : memref<208x64xf32, #tpu.memory_space<vmem>>, vector<1x16xf32>,
      %get3A_90 = arith.constant 0 : i32
      %get3A_91 = arith.index_cast %get3A_90 : i32 to index
      %get3A_92 = arith.constant 16 : index
      %get3A_93 = tpu.vector_load %arg13[%get3A_91, %get3A_92] {strides = array<i32>} : memref<1x64xf32, #tpu.memory_space<vmem>>, vector<1x16xf32>,
      %get3A_94 = vector.shape_cast %get3A_93 : vector<1x16xf32> to vector<16xf32>
      %swap3A_95 = arith.index_cast %add3A_81 : i32 to index
      %swap3A_96 = arith.constant 16 : index
      %swap3A_97 = tpu.vector_load %arg12[%swap3A_95, %swap3A_96] {strides = array<i32>} : memref<208x64xf32, #tpu.memory_space<vmem>>, vector<1x16xf32>,
      %swap3A_98 = vector.shape_cast %swap3A_97 : vector<1x16xf32> to vector<16xf32>
      %swap3A_99 = vector.shape_cast %get3A_94 : vector<16xf32> to vector<1x16xf32>
      tpu.vector_store %arg12[%swap3A_95, %swap3A_96], %swap3A_99 {strides = array<i32>} : memref<208x64xf32, #tpu.memory_space<vmem>>, vector<1x16xf32>,
      %get3A_100 = arith.constant 0 : i32
      %get3A_101 = arith.index_cast %get3A_100 : i32 to index
      %get3A_102 = arith.constant 32 : index
      %get3A_103 = tpu.vector_load %arg13[%get3A_101, %get3A_102] {strides = array<i32>} : memref<1x64xf32, #tpu.memory_space<vmem>>, vector<1x16xf32>,
      %get3A_104 = vector.shape_cast %get3A_103 : vector<1x16xf32> to vector<16xf32>
      %swap3A_105 = arith.index_cast %add3A_81 : i32 to index
      %swap3A_106 = arith.constant 32 : index
      %swap3A_107 = tpu.vector_load %arg12[%swap3A_105, %swap3A_106] {strides = array<i32>} : memref<208x64xf32, #tpu.memory_space<vmem>>, vector<1x16xf32>,
      %swap3A_108 = vector.shape_cast %swap3A_107 : vector<1x16xf32> to vector<16xf32>
      %swap3A_109 = vector.shape_cast %get3A_104 : vector<16xf32> to vector<1x16xf32>
      tpu.vector_store %arg12[%swap3A_105, %swap3A_106], %swap3A_109 {strides = array<i32>} : memref<208x64xf32, #tpu.memory_space<vmem>>, vector<1x16xf32>,
      %get3A_110 = arith.constant 0 : i32
      %get3A_111 = arith.index_cast %get3A_110 : i32 to index
      %get3A_112 = arith.constant 48 : index
      %get3A_113 = tpu.vector_load %arg13[%get3A_111, %get3A_112] {strides = array<i32>} : memref<1x64xf32, #tpu.memory_space<vmem>>, vector<1x16xf32>,
      %get3A_114 = vector.shape_cast %get3A_113 : vector<1x16xf32> to vector<16xf32>
      %swap3A_115 = arith.index_cast %add3A_81 : i32 to index
      %swap3A_116 = arith.constant 48 : index
      %swap3A_117 = tpu.vector_load %arg12[%swap3A_115, %swap3A_116] {strides = array<i32>} : memref<208x64xf32, #tpu.memory_space<vmem>>, vector<1x16xf32>,
      %swap3A_118 = vector.shape_cast %swap3A_117 : vector<1x16xf32> to vector<16xf32>
      %swap3A_119 = vector.shape_cast %get3A_114 : vector<16xf32> to vector<1x16xf32>
      tpu.vector_store %arg12[%swap3A_115, %swap3A_116], %swap3A_119 {strides = array<i32>} : memref<208x64xf32, #tpu.memory_space<vmem>>, vector<1x16xf32>,
    }
    %scan3A_3 = arith.constant 208 : i32
    %mul3A = arith.constant 624 : i32
    %mul3A_4 = arith.muli %arg1, %mul3A : i32
    %multiple_of3A = tpu.assume_multiple %mul3A_4, 8 : i32
    %add3A = arith.constant 0 : i32
    %add3A_5 = arith.addi %multiple_of3A, %add3A : i32
    "tpu.region"() ({
      %run_scoped3A = tpu.sem_alloc : memref<!tpu.dma_semaphore, #tpu.memory_space<semaphore_mem>>
      %dma_start3A_77 = arith.constant 0 : i32
      %dma_start3A_78 = tpu.memref_slice %arg14[%add3A_5, %dma_start3A_77] : memref<10000x64xf32, #tpu.memory_space<vmem_shared>> -> memref<208x64xf32, #tpu.memory_space<vmem_shared>>
      %dma_start3A_79 = arith.constant 0 : i32
      %dma_start3A_80 = tpu.memref_slice %arg14[%add3A_5, %dma_start3A_79] : memref<10000x64xf32, #tpu.memory_space<vmem_shared>> -> memref<208x64xf32, #tpu.memory_space<vmem_shared>>
      tpu.enqueue_dma source(%arg12 : memref<208x64xf32, #tpu.memory_space<vmem>>) target(%dma_start3A_80 : memref<208x64xf32, #tpu.memory_space<vmem_shared>>) target_semaphore(%run_scoped3A : memref<!tpu.dma_semaphore, #tpu.memory_space<semaphore_mem>>)
      %dma_wait3A_81 = arith.constant 0 : i32
      %dma_wait3A_82 = tpu.memref_slice %arg14[%add3A_5, %dma_wait3A_81] : memref<10000x64xf32, #tpu.memory_space<vmem_shared>> -> memref<208x64xf32, #tpu.memory_space<vmem_shared>>
      %dma_wait3A_83 = arith.constant 0 : i32
      %dma_wait3A_84 = tpu.memref_slice %arg14[%add3A_5, %dma_wait3A_83] : memref<10000x64xf32, #tpu.memory_space<vmem_shared>> -> memref<208x64xf32, #tpu.memory_space<vmem_shared>>
      tpu.wait_dma2 semaphore(%run_scoped3A : memref<!tpu.dma_semaphore, #tpu.memory_space<semaphore_mem>>) src(%arg12 : memref<208x64xf32, #tpu.memory_space<vmem>>) dst(%dma_wait3A_84 : memref<208x64xf32, #tpu.memory_space<vmem_shared>>)
      tpu.yield
    }) : () -> ()
    %add3A_6 = arith.constant 208 : i32
    %add3A_7 = arith.addi %multiple_of3A, %add3A_6 : i32
    "tpu.region"() ({
      %run_scoped3A = tpu.sem_alloc : memref<!tpu.dma_semaphore, #tpu.memory_space<semaphore_mem>>
      %dma_start3A_77 = arith.constant 0 : i32
      %dma_start3A_78 = tpu.memref_slice %arg14[%add3A_7, %dma_start3A_77] : memref<10000x64xf32, #tpu.memory_space<vmem_shared>> -> memref<208x64xf32, #tpu.memory_space<vmem_shared>>
      %dma_start3A_79 = arith.constant 0 : i32
      %dma_start3A_80 = tpu.memref_slice %arg14[%add3A_7, %dma_start3A_79] : memref<10000x64xf32, #tpu.memory_space<vmem_shared>> -> memref<208x64xf32, #tpu.memory_space<vmem_shared>>
      tpu.enqueue_dma source(%arg12 : memref<208x64xf32, #tpu.memory_space<vmem>>) target(%dma_start3A_80 : memref<208x64xf32, #tpu.memory_space<vmem_shared>>) target_semaphore(%run_scoped3A : memref<!tpu.dma_semaphore, #tpu.memory_space<semaphore_mem>>)
      %dma_wait3A_81 = arith.constant 0 : i32
      %dma_wait3A_82 = tpu.memref_slice %arg14[%add3A_7, %dma_wait3A_81] : memref<10000x64xf32, #tpu.memory_space<vmem_shared>> -> memref<208x64xf32, #tpu.memory_space<vmem_shared>>
      %dma_wait3A_83 = arith.constant 0 : i32
      %dma_wait3A_84 = tpu.memref_slice %arg14[%add3A_7, %dma_wait3A_83] : memref<10000x64xf32, #tpu.memory_space<vmem_shared>> -> memref<208x64xf32, #tpu.memory_space<vmem_shared>>
      tpu.wait_dma2 semaphore(%run_scoped3A : memref<!tpu.dma_semaphore, #tpu.memory_space<semaphore_mem>>) src(%arg12 : memref<208x64xf32, #tpu.memory_space<vmem>>) dst(%dma_wait3A_84 : memref<208x64xf32, #tpu.memory_space<vmem_shared>>)
      tpu.yield
    }) : () -> ()
    %add3A_8 = arith.constant 416 : i32
    %add3A_9 = arith.addi %multiple_of3A, %add3A_8 : i32
    "tpu.region"() ({
      %run_scoped3A = tpu.sem_alloc : memref<!tpu.dma_semaphore, #tpu.memory_space<semaphore_mem>>
      %dma_start3A_77 = arith.constant 0 : i32
      %dma_start3A_78 = tpu.memref_slice %arg14[%add3A_9, %dma_start3A_77] : memref<10000x64xf32, #tpu.memory_space<vmem_shared>> -> memref<208x64xf32, #tpu.memory_space<vmem_shared>>
      %dma_start3A_79 = arith.constant 0 : i32
      %dma_start3A_80 = tpu.memref_slice %arg14[%add3A_9, %dma_start3A_79] : memref<10000x64xf32, #tpu.memory_space<vmem_shared>> -> memref<208x64xf32, #tpu.memory_space<vmem_shared>>
      tpu.enqueue_dma source(%arg12 : memref<208x64xf32, #tpu.memory_space<vmem>>) target(%dma_start3A_80 : memref<208x64xf32, #tpu.memory_space<vmem_shared>>) target_semaphore(%run_scoped3A : memref<!tpu.dma_semaphore, #tpu.memory_space<semaphore_mem>>)
      %dma_wait3A_81 = arith.constant 0 : i32
      %dma_wait3A_82 = tpu.memref_slice %arg14[%add3A_9, %dma_wait3A_81] : memref<10000x64xf32, #tpu.memory_space<vmem_shared>> -> memref<208x64xf32, #tpu.memory_space<vmem_shared>>
      %dma_wait3A_83 = arith.constant 0 : i32
      %dma_wait3A_84 = tpu.memref_slice %arg14[%add3A_9, %dma_wait3A_83] : memref<10000x64xf32, #tpu.memory_space<vmem_shared>> -> memref<208x64xf32, #tpu.memory_space<vmem_shared>>
      tpu.wait_dma2 semaphore(%run_scoped3A : memref<!tpu.dma_semaphore, #tpu.memory_space<semaphore_mem>>) src(%arg12 : memref<208x64xf32, #tpu.memory_space<vmem>>) dst(%dma_wait3A_84 : memref<208x64xf32, #tpu.memory_space<vmem_shared>>)
      tpu.yield
    }) : () -> ()
    %eq3A = arith.constant 15 : i32
    %eq3A_10 = arith.cmpi eq, %arg1, %eq3A : i32
    %convert_element_type3A = arith.extui %eq3A_10 : i1 to i32
    %cond3A = arith.constant 0 : i32
    %cond3A_11 = arith.cmpi ne, %convert_element_type3A, %cond3A : i32
    scf.if %cond3A_11 {
      "tpu.region"() ({
        %run_scoped3A = tpu.sem_alloc : memref<!tpu.dma_semaphore, #tpu.memory_space<semaphore_mem>>
        %dma_start3A_77 = arith.constant 0 : i32
        %dma_start3A_78 = arith.constant 0 : i32
        %dma_start3A_79 = tpu.memref_slice %arg12[%dma_start3A_77, %dma_start3A_78] : memref<208x64xf32, #tpu.memory_space<vmem>> -> memref<16x64xf32, #tpu.memory_space<vmem>>
        %dma_start3A_80 = arith.constant 9984 : i32
        %dma_start3A_81 = arith.constant 0 : i32
        %dma_start3A_82 = tpu.memref_slice %arg14[%dma_start3A_80, %dma_start3A_81] : memref<10000x64xf32, #tpu.memory_space<vmem_shared>> -> memref<16x64xf32, #tpu.memory_space<vmem_shared>>
        %dma_start3A_83 = arith.constant 9984 : i32
        %dma_start3A_84 = arith.constant 0 : i32
        %dma_start3A_85 = tpu.memref_slice %arg14[%dma_start3A_83, %dma_start3A_84] : memref<10000x64xf32, #tpu.memory_space<vmem_shared>> -> memref<16x64xf32, #tpu.memory_space<vmem_shared>>
        %dma_start3A_86 = arith.constant 0 : i32
        %dma_start3A_87 = arith.constant 0 : i32
        %dma_start3A_88 = tpu.memref_slice %arg12[%dma_start3A_86, %dma_start3A_87] : memref<208x64xf32, #tpu.memory_space<vmem>> -> memref<16x64xf32, #tpu.memory_space<vmem>>
        tpu.enqueue_dma source(%dma_start3A_88 : memref<16x64xf32, #tpu.memory_space<vmem>>) target(%dma_start3A_85 : memref<16x64xf32, #tpu.memory_space<vmem_shared>>) target_semaphore(%run_scoped3A : memref<!tpu.dma_semaphore, #tpu.memory_space<semaphore_mem>>)
        %dma_wait3A_89 = arith.constant 0 : i32
        %dma_wait3A_90 = arith.constant 0 : i32
        %dma_wait3A_91 = tpu.memref_slice %arg12[%dma_wait3A_89, %dma_wait3A_90] : memref<208x64xf32, #tpu.memory_space<vmem>> -> memref<16x64xf32, #tpu.memory_space<vmem>>
        %dma_wait3A_92 = arith.constant 9984 : i32
        %dma_wait3A_93 = arith.constant 0 : i32
        %dma_wait3A_94 = tpu.memref_slice %arg14[%dma_wait3A_92, %dma_wait3A_93] : memref<10000x64xf32, #tpu.memory_space<vmem_shared>> -> memref<16x64xf32, #tpu.memory_space<vmem_shared>>
        %dma_wait3A_95 = arith.constant 9984 : i32
        %dma_wait3A_96 = arith.constant 0 : i32
        %dma_wait3A_97 = tpu.memref_slice %arg14[%dma_wait3A_95, %dma_wait3A_96] : memref<10000x64xf32, #tpu.memory_space<vmem_shared>> -> memref<16x64xf32, #tpu.memory_space<vmem_shared>>
        %dma_wait3A_98 = arith.constant 0 : i32
        %dma_wait3A_99 = arith.constant 0 : i32
        %dma_wait3A_100 = tpu.memref_slice %arg12[%dma_wait3A_98, %dma_wait3A_99] : memref<208x64xf32, #tpu.memory_space<vmem>> -> memref<16x64xf32, #tpu.memory_space<vmem>>
        tpu.wait_dma2 semaphore(%run_scoped3A : memref<!tpu.dma_semaphore, #tpu.memory_space<semaphore_mem>>) src(%dma_wait3A_100 : memref<16x64xf32, #tpu.memory_space<vmem>>) dst(%dma_wait3A_97 : memref<16x64xf32, #tpu.memory_space<vmem_shared>>)
        tpu.yield
      }) : () -> ()
    } else {
    }
    %barrier3A = arith.constant 0 : index
    tpu.barrier barrier_id(%barrier3A)
    %dma_start3A = arith.constant 0 : i32
    %dma_start3A_12 = arith.constant 0 : i32
    %dma_start3A_13 = arith.constant 0 : i32
    %dma_start3A_14 = arith.constant 0 : i32
    %dma_start3A_15 = arith.constant 0 : i32
    %dma_start3A_16 = tpu.memref_slice %arg11[%dma_start3A_12, %dma_start3A_14, %dma_start3A_15] : memref<3x80x64xf32, #tpu.memory_space<vmem>> -> memref<1x80x64xf32, #tpu.memory_space<vmem>>
    %dma_start3A_17 = tpu.memref_squeeze %dma_start3A_16 : memref<1x80x64xf32, #tpu.memory_space<vmem>> -> memref<80x64xf32, #tpu.memory_space<vmem>>
    %dma_start3A_18 = arith.constant 0 : i32
    %dma_start3A_19 = tpu.memref_slice %arg8[%dma_start3A, %dma_start3A_18] : memref<250x80xi32, #tpu.memory_space<vmem>> -> memref<1x80xi32, #tpu.memory_space<vmem>>
    %dma_start3A_20 = tpu.memref_squeeze %dma_start3A_19 : memref<1x80xi32, #tpu.memory_space<vmem>> -> memref<80xi32, #tpu.memory_space<vmem>>
    %dma_start3A_21 = arith.constant 0 : i32
    %dma_start3A_22 = arith.constant 0 : i32
    %dma_start3A_23 = tpu.memref_slice %arg2[%arg0, %dma_start3A_21, %dma_start3A_22] : memref<2x10000x64xf32, #tpu.memory_space<hbm>> -> memref<1x10000x64xf32, #tpu.memory_space<hbm>>
    %dma_start3A_24 = tpu.memref_squeeze %dma_start3A_23 : memref<1x10000x64xf32, #tpu.memory_space<hbm>> -> memref<10000x64xf32, #tpu.memory_space<hbm>>
    %dma_start3A_25 = arith.constant 0 : i32
    %dma_start3A_26 = arith.constant 0 : i32
    %dma_start3A_27 = tpu.memref_slice %dma_start3A_24[%dma_start3A_25, %dma_start3A_26] : memref<10000x64xf32, #tpu.memory_space<hbm>> -> memref<10000x64xf32, #tpu.memory_space<hbm>>
    %dma_start3A_28 = tpu.memref_slice %arg15[%dma_start3A_13] : memref<3x!tpu.dma_semaphore, #tpu.memory_space<semaphore_mem>> -> memref<1x!tpu.dma_semaphore, #tpu.memory_space<semaphore_mem>>
    %dma_start3A_29 = tpu.memref_squeeze %dma_start3A_28 : memref<1x!tpu.dma_semaphore, #tpu.memory_space<semaphore_mem>> -> memref<!tpu.dma_semaphore, #tpu.memory_space<semaphore_mem>>
    tpu.enqueue_indirect_dma source(%dma_start3A_27 : memref<10000x64xf32, #tpu.memory_space<hbm>>) target(%dma_start3A_17 : memref<80x64xf32, #tpu.memory_space<vmem>>) offsets(%dma_start3A_20 : memref<80xi32, #tpu.memory_space<vmem>>) semaphore(%dma_start3A_29 : memref<!tpu.dma_semaphore, #tpu.memory_space<semaphore_mem>>)
    %dma_start3A_30 = arith.constant 1 : i32
    %dma_start3A_31 = arith.constant 1 : i32
    %dma_start3A_32 = arith.constant 1 : i32
    %dma_start3A_33 = arith.constant 0 : i32
    %dma_start3A_34 = arith.constant 0 : i32
    %dma_start3A_35 = tpu.memref_slice %arg11[%dma_start3A_31, %dma_start3A_33, %dma_start3A_34] : memref<3x80x64xf32, #tpu.memory_space<vmem>> -> memref<1x80x64xf32, #tpu.memory_space<vmem>>
    %dma_start3A_36 = tpu.memref_squeeze %dma_start3A_35 : memref<1x80x64xf32, #tpu.memory_space<vmem>> -> memref<80x64xf32, #tpu.memory_space<vmem>>
    %dma_start3A_37 = arith.constant 0 : i32
    %dma_start3A_38 = tpu.memref_slice %arg8[%dma_start3A_30, %dma_start3A_37] : memref<250x80xi32, #tpu.memory_space<vmem>> -> memref<1x80xi32, #tpu.memory_space<vmem>>
    %dma_start3A_39 = tpu.memref_squeeze %dma_start3A_38 : memref<1x80xi32, #tpu.memory_space<vmem>> -> memref<80xi32, #tpu.memory_space<vmem>>
    %dma_start3A_40 = arith.constant 0 : i32
    %dma_start3A_41 = arith.constant 0 : i32
    %dma_start3A_42 = tpu.memref_slice %arg2[%arg0, %dma_start3A_40, %dma_start3A_41] : memref<2x10000x64xf32, #tpu.memory_space<hbm>> -> memref<1x10000x64xf32, #tpu.memory_space<hbm>>
    %dma_start3A_43 = tpu.memref_squeeze %dma_start3A_42 : memref<1x10000x64xf32, #tpu.memory_space<hbm>> -> memref<10000x64xf32, #tpu.memory_space<hbm>>
    %dma_start3A_44 = arith.constant 0 : i32
    %dma_start3A_45 = arith.constant 0 : i32
    %dma_start3A_46 = tpu.memref_slice %dma_start3A_43[%dma_start3A_44, %dma_start3A_45] : memref<10000x64xf32, #tpu.memory_space<hbm>> -> memref<10000x64xf32, #tpu.memory_space<hbm>>
    %dma_start3A_47 = tpu.memref_slice %arg15[%dma_start3A_32] : memref<3x!tpu.dma_semaphore, #tpu.memory_space<semaphore_mem>> -> memref<1x!tpu.dma_semaphore, #tpu.memory_space<semaphore_mem>>
    %dma_start3A_48 = tpu.memref_squeeze %dma_start3A_47 : memref<1x!tpu.dma_semaphore, #tpu.memory_space<semaphore_mem>> -> memref<!tpu.dma_semaphore, #tpu.memory_space<semaphore_mem>>
    tpu.enqueue_indirect_dma source(%dma_start3A_46 : memref<10000x64xf32, #tpu.memory_space<hbm>>) target(%dma_start3A_36 : memref<80x64xf32, #tpu.memory_space<vmem>>) offsets(%dma_start3A_39 : memref<80xi32, #tpu.memory_space<vmem>>) semaphore(%dma_start3A_48 : memref<!tpu.dma_semaphore, #tpu.memory_space<semaphore_mem>>)
    %scan3A_49 = arith.constant 0 : i32
    %scan3A_50 = arith.constant 84 : i32
    %scan3A_51 = arith.addi %scan3A_49, %scan3A_50 : i32
    %scan3A_52 = arith.constant 1 : i32
    scf.for %scan3A_77 = %scan3A_49 to %scan3A_51 step %scan3A_52  : i32 {
      %mul3A_78 = arith.constant 3 : i32
      %mul3A_79 = arith.muli %scan3A_77, %mul3A_78 : i32
      %add3A_80 = arith.constant 0 : i32
      %add3A_81 = arith.addi %add3A_80, %mul3A_79 : i32
      %add3A_82 = arith.constant 0 : i32
      %add3A_83 = arith.addi %add3A_81, %add3A_82 : i32
      %lt3A = arith.constant 250 : i32
      %lt3A_84 = arith.cmpi slt, %add3A_83, %lt3A : i32
      %convert_element_type3A_85 = arith.extui %lt3A_84 : i1 to i32
      %cond3A_86 = arith.constant 0 : i32
      %cond3A_87 = arith.cmpi ne, %convert_element_type3A_85, %cond3A_86 : i32
      scf.if %cond3A_87 {
        %dma_wait3A_102 = arith.constant 0 : i32
        %dma_wait3A_103 = arith.constant 0 : i32
        %dma_wait3A_104 = arith.constant 0 : i32
        %dma_wait3A_105 = arith.constant 0 : i32
        %dma_wait3A_106 = tpu.memref_slice %arg11[%dma_wait3A_102, %dma_wait3A_104, %dma_wait3A_105] : memref<3x80x64xf32, #tpu.memory_space<vmem>> -> memref<1x80x64xf32, #tpu.memory_space<vmem>>
        %dma_wait3A_107 = tpu.memref_squeeze %dma_wait3A_106 : memref<1x80x64xf32, #tpu.memory_space<vmem>> -> memref<80x64xf32, #tpu.memory_space<vmem>>
        %dma_wait3A_108 = arith.constant 0 : i32
        %dma_wait3A_109 = tpu.memref_slice %arg8[%add3A_83, %dma_wait3A_108] : memref<250x80xi32, #tpu.memory_space<vmem>> -> memref<1x80xi32, #tpu.memory_space<vmem>>
        %dma_wait3A_110 = tpu.memref_squeeze %dma_wait3A_109 : memref<1x80xi32, #tpu.memory_space<vmem>> -> memref<80xi32, #tpu.memory_space<vmem>>
        %dma_wait3A_111 = arith.constant 0 : i32
        %dma_wait3A_112 = arith.constant 0 : i32
        %dma_wait3A_113 = tpu.memref_slice %arg2[%arg0, %dma_wait3A_111, %dma_wait3A_112] : memref<2x10000x64xf32, #tpu.memory_space<hbm>> -> memref<1x10000x64xf32, #tpu.memory_space<hbm>>
        %dma_wait3A_114 = tpu.memref_squeeze %dma_wait3A_113 : memref<1x10000x64xf32, #tpu.memory_space<hbm>> -> memref<10000x64xf32, #tpu.memory_space<hbm>>
        %dma_wait3A_115 = arith.constant 0 : i32
        %dma_wait3A_116 = arith.constant 0 : i32
        %dma_wait3A_117 = tpu.memref_slice %dma_wait3A_114[%dma_wait3A_115, %dma_wait3A_116] : memref<10000x64xf32, #tpu.memory_space<hbm>> -> memref<10000x64xf32, #tpu.memory_space<hbm>>
        %dma_wait3A_118 = tpu.memref_slice %arg15[%dma_wait3A_103] : memref<3x!tpu.dma_semaphore, #tpu.memory_space<semaphore_mem>> -> memref<1x!tpu.dma_semaphore, #tpu.memory_space<semaphore_mem>>
        %dma_wait3A_119 = tpu.memref_squeeze %dma_wait3A_118 : memref<1x!tpu.dma_semaphore, #tpu.memory_space<semaphore_mem>> -> memref<!tpu.dma_semaphore, #tpu.memory_space<semaphore_mem>>
        tpu.wait_indirect_dma semaphore(%dma_wait3A_119 : memref<!tpu.dma_semaphore, #tpu.memory_space<semaphore_mem>>) src(%dma_wait3A_117 : memref<10000x64xf32, #tpu.memory_space<hbm>>) dst(%dma_wait3A_107 : memref<80x64xf32, #tpu.memory_space<vmem>>)
        %ge3A = arith.constant 1 : i32
        %ge3A_120 = arith.cmpi sge, %add3A_83, %ge3A : i32
        %convert_element_type3A_121 = arith.extui %ge3A_120 : i1 to i32
        %cond3A_122 = arith.constant 0 : i32
        %cond3A_123 = arith.cmpi ne, %convert_element_type3A_121, %cond3A_122 : i32
        scf.if %cond3A_123 {
          %dma_wait3A_148 = arith.constant 2 : i32
          %dma_wait3A_149 = arith.constant 2 : i32
          %dma_wait3A_150 = arith.constant 0 : i32
          %dma_wait3A_151 = arith.constant 0 : i32
          %dma_wait3A_152 = tpu.memref_slice %arg11[%dma_wait3A_148, %dma_wait3A_150, %dma_wait3A_151] : memref<3x80x64xf32, #tpu.memory_space<vmem>> -> memref<1x80x64xf32, #tpu.memory_space<vmem>>
          %dma_wait3A_153 = tpu.memref_squeeze %dma_wait3A_152 : memref<1x80x64xf32, #tpu.memory_space<vmem>> -> memref<80x64xf32, #tpu.memory_space<vmem>>
          %dma_wait3A_154 = arith.constant 0 : i32
          %dma_wait3A_155 = tpu.memref_slice %arg9[%add3A_83, %dma_wait3A_154] : memref<250x80xi32, #tpu.memory_space<vmem>> -> memref<1x80xi32, #tpu.memory_space<vmem>>
          %dma_wait3A_156 = tpu.memref_squeeze %dma_wait3A_155 : memref<1x80xi32, #tpu.memory_space<vmem>> -> memref<80xi32, #tpu.memory_space<vmem>>
          %dma_wait3A_157 = arith.constant 0 : i32
          %dma_wait3A_158 = arith.constant 0 : i32
          %dma_wait3A_159 = tpu.memref_slice %arg14[%dma_wait3A_157, %dma_wait3A_158] : memref<10000x64xf32, #tpu.memory_space<vmem_shared>> -> memref<10000x64xf32, #tpu.memory_space<vmem_shared>>
          %dma_wait3A_160 = tpu.memref_slice %arg16[%dma_wait3A_149] : memref<3x!tpu.dma_semaphore, #tpu.memory_space<semaphore_mem>> -> memref<1x!tpu.dma_semaphore, #tpu.memory_space<semaphore_mem>>
          %dma_wait3A_161 = tpu.memref_squeeze %dma_wait3A_160 : memref<1x!tpu.dma_semaphore, #tpu.memory_space<semaphore_mem>> -> memref<!tpu.dma_semaphore, #tpu.memory_space<semaphore_mem>>
          tpu.wait_indirect_dma semaphore(%dma_wait3A_161 : memref<!tpu.dma_semaphore, #tpu.memory_space<semaphore_mem>>) src(%dma_wait3A_153 : memref<80x64xf32, #tpu.memory_space<vmem>>) dst(%dma_wait3A_159 : memref<10000x64xf32, #tpu.memory_space<vmem_shared>>)
        } else {
        }
        %add3A_124 = arith.constant 3 : i32
        %add3A_125 = arith.addi %add3A_83, %add3A_124 : i32
        %sub3A = arith.constant 1 : i32
        %sub3A_126 = arith.subi %add3A_125, %sub3A : i32
        %lt3A_127 = arith.constant 250 : i32
        %lt3A_128 = arith.cmpi slt, %sub3A_126, %lt3A_127 : i32
        %convert_element_type3A_129 = arith.extui %lt3A_128 : i1 to i32
        %cond3A_130 = arith.constant 0 : i32
        %cond3A_131 = arith.cmpi ne, %convert_element_type3A_129, %cond3A_130 : i32
        scf.if %cond3A_131 {
          %add3A_148 = arith.constant 3 : i32
          %add3A_149 = arith.addi %add3A_83, %add3A_148 : i32
          %sub3A_150 = arith.constant 1 : i32
          %sub3A_151 = arith.subi %add3A_149, %sub3A_150 : i32
          %dma_start3A_152 = arith.constant 2 : i32
          %dma_start3A_153 = arith.constant 2 : i32
          %dma_start3A_154 = arith.constant 0 : i32
          %dma_start3A_155 = arith.constant 0 : i32
          %dma_start3A_156 = tpu.memref_slice %arg11[%dma_start3A_152, %dma_start3A_154, %dma_start3A_155] : memref<3x80x64xf32, #tpu.memory_space<vmem>> -> memref<1x80x64xf32, #tpu.memory_space<vmem>>
          %dma_start3A_157 = tpu.memref_squeeze %dma_start3A_156 : memref<1x80x64xf32, #tpu.memory_space<vmem>> -> memref<80x64xf32, #tpu.memory_space<vmem>>
          %dma_start3A_158 = arith.constant 0 : i32
          %dma_start3A_159 = tpu.memref_slice %arg8[%sub3A_151, %dma_start3A_158] : memref<250x80xi32, #tpu.memory_space<vmem>> -> memref<1x80xi32, #tpu.memory_space<vmem>>
          %dma_start3A_160 = tpu.memref_squeeze %dma_start3A_159 : memref<1x80xi32, #tpu.memory_space<vmem>> -> memref<80xi32, #tpu.memory_space<vmem>>
          %dma_start3A_161 = arith.constant 0 : i32
          %dma_start3A_162 = arith.constant 0 : i32
          %dma_start3A_163 = tpu.memref_slice %arg2[%arg0, %dma_start3A_161, %dma_start3A_162] : memref<2x10000x64xf32, #tpu.memory_space<hbm>> -> memref<1x10000x64xf32, #tpu.memory_space<hbm>>
          %dma_start3A_164 = tpu.memref_squeeze %dma_start3A_163 : memref<1x10000x64xf32, #tpu.memory_space<hbm>> -> memref<10000x64xf32, #tpu.memory_space<hbm>>
          %dma_start3A_165 = arith.constant 0 : i32
          %dma_start3A_166 = arith.constant 0 : i32
          %dma_start3A_167 = tpu.memref_slice %dma_start3A_164[%dma_start3A_165, %dma_start3A_166] : memref<10000x64xf32, #tpu.memory_space<hbm>> -> memref<10000x64xf32, #tpu.memory_space<hbm>>
          %dma_start3A_168 = tpu.memref_slice %arg15[%dma_start3A_153] : memref<3x!tpu.dma_semaphore, #tpu.memory_space<semaphore_mem>> -> memref<1x!tpu.dma_semaphore, #tpu.memory_space<semaphore_mem>>
          %dma_start3A_169 = tpu.memref_squeeze %dma_start3A_168 : memref<1x!tpu.dma_semaphore, #tpu.memory_space<semaphore_mem>> -> memref<!tpu.dma_semaphore, #tpu.memory_space<semaphore_mem>>
          tpu.enqueue_indirect_dma source(%dma_start3A_167 : memref<10000x64xf32, #tpu.memory_space<hbm>>) target(%dma_start3A_157 : memref<80x64xf32, #tpu.memory_space<vmem>>) offsets(%dma_start3A_160 : memref<80xi32, #tpu.memory_space<vmem>>) semaphore(%dma_start3A_169 : memref<!tpu.dma_semaphore, #tpu.memory_space<semaphore_mem>>)
        } else {
        }
        %parallel_loop3A = arith.constant 0 : i32
        %parallel_loop3A_132 = arith.constant 5 : i32
        %parallel_loop3A_133 = arith.constant 1 : i32
        scf.for %parallel_loop3A_148 = %parallel_loop3A to %parallel_loop3A_132 step %parallel_loop3A_133  : i32 {
          %parallel_loop3A_149 = arith.constant 16 : i32
          %parallel_loop3A_150 = arith.muli %parallel_loop3A_148, %parallel_loop3A_149 : i32
          %parallel_loop3A_151 = arith.index_cast %add3A_83 : i32 to index
          %parallel_loop3A_152 = arith.index_cast %parallel_loop3A_150 : i32 to index
          %parallel_loop3A_153 = tpu.vector_load %arg10[%parallel_loop3A_151, %parallel_loop3A_152] {strides = array<i32>} : memref<250x80xf32, #tpu.memory_space<vmem>>, vector<1x16xf32>,
          %parallel_loop3A_154 = vector.shape_cast %parallel_loop3A_153 : vector<1x16xf32> to vector<16xf32>
          %parallel_loop3A_155 = arith.constant 16 : i32
          %parallel_loop3A_156 = arith.muli %parallel_loop3A_148, %parallel_loop3A_155 : i32
          %parallel_loop3A_157 = arith.constant 0 : i32
          %parallel_loop3A_158 = arith.addi %parallel_loop3A_156, %parallel_loop3A_157 : i32
          %parallel_loop3A_159 = vector.extract_strided_slice %parallel_loop3A_154 {offsets = [0], sizes = [1], strides = [1]} : vector<16xf32> to vector<1xf32>
          %parallel_loop3A_160 = vector.extract %parallel_loop3A_159[0] : f32 from vector<1xf32>
          %parallel_loop3A_161 = arith.constant 0 : i32
          %parallel_loop3A_162 = arith.index_cast %parallel_loop3A_161 : i32 to index
          %parallel_loop3A_163 = arith.index_cast %parallel_loop3A_158 : i32 to index
          %parallel_loop3A_164 = arith.constant 0 : index
          %parallel_loop3A_165 = tpu.vector_load %arg11[%parallel_loop3A_162, %parallel_loop3A_163, %parallel_loop3A_164] {strides = array<i32>} : memref<3x80x64xf32, #tpu.memory_space<vmem>>, vector<1x1x16xf32>,
          %parallel_loop3A_166 = vector.shape_cast %parallel_loop3A_165 : vector<1x1x16xf32> to vector<16xf32>
          %parallel_loop3A_167 = vector.broadcast %parallel_loop3A_160 : f32 to vector<16xf32>
          %parallel_loop3A_168 = arith.mulf %parallel_loop3A_166, %parallel_loop3A_167 : vector<16xf32>
          %parallel_loop3A_169 = arith.constant 0 : i32
          %parallel_loop3A_170 = arith.index_cast %parallel_loop3A_169 : i32 to index
          %parallel_loop3A_171 = arith.index_cast %parallel_loop3A_158 : i32 to index
          %parallel_loop3A_172 = arith.constant 0 : index
          %parallel_loop3A_173 = tpu.vector_load %arg11[%parallel_loop3A_170, %parallel_loop3A_171, %parallel_loop3A_172] {strides = array<i32>} : memref<3x80x64xf32, #tpu.memory_space<vmem>>, vector<1x1x16xf32>,
          %parallel_loop3A_174 = vector.shape_cast %parallel_loop3A_173 : vector<1x1x16xf32> to vector<16xf32>
          %parallel_loop3A_175 = vector.shape_cast %parallel_loop3A_168 : vector<16xf32> to vector<1x1x16xf32>
          tpu.vector_store %arg11[%parallel_loop3A_170, %parallel_loop3A_171, %parallel_loop3A_172], %parallel_loop3A_175 {strides = array<i32>} : memref<3x80x64xf32, #tpu.memory_space<vmem>>, vector<1x1x16xf32>,
          %parallel_loop3A_176 = arith.constant 0 : i32
          %parallel_loop3A_177 = arith.index_cast %parallel_loop3A_176 : i32 to index
          %parallel_loop3A_178 = arith.index_cast %parallel_loop3A_158 : i32 to index
          %parallel_loop3A_179 = arith.constant 16 : index
          %parallel_loop3A_180 = tpu.vector_load %arg11[%parallel_loop3A_177, %parallel_loop3A_178, %parallel_loop3A_179] {strides = array<i32>} : memref<3x80x64xf32, #tpu.memory_space<vmem>>, vector<1x1x16xf32>,
          %parallel_loop3A_181 = vector.shape_cast %parallel_loop3A_180 : vector<1x1x16xf32> to vector<16xf32>
          %parallel_loop3A_182 = vector.broadcast %parallel_loop3A_160 : f32 to vector<16xf32>
          %parallel_loop3A_183 = arith.mulf %parallel_loop3A_181, %parallel_loop3A_182 : vector<16xf32>
          %parallel_loop3A_184 = arith.constant 0 : i32
          %parallel_loop3A_185 = arith.index_cast %parallel_loop3A_184 : i32 to index
          %parallel_loop3A_186 = arith.index_cast %parallel_loop3A_158 : i32 to index
          %parallel_loop3A_187 = arith.constant 16 : index
          %parallel_loop3A_188 = tpu.vector_load %arg11[%parallel_loop3A_185, %parallel_loop3A_186, %parallel_loop3A_187] {strides = array<i32>} : memref<3x80x64xf32, #tpu.memory_space<vmem>>, vector<1x1x16xf32>,
          %parallel_loop3A_189 = vector.shape_cast %parallel_loop3A_188 : vector<1x1x16xf32> to vector<16xf32>
          %parallel_loop3A_190 = vector.shape_cast %parallel_loop3A_183 : vector<16xf32> to vector<1x1x16xf32>
          tpu.vector_store %arg11[%parallel_loop3A_185, %parallel_loop3A_186, %parallel_loop3A_187], %parallel_loop3A_190 {strides = array<i32>} : memref<3x80x64xf32, #tpu.memory_space<vmem>>, vector<1x1x16xf32>,
          %parallel_loop3A_191 = arith.constant 0 : i32
          %parallel_loop3A_192 = arith.index_cast %parallel_loop3A_191 : i32 to index
          %parallel_loop3A_193 = arith.index_cast %parallel_loop3A_158 : i32 to index
          %parallel_loop3A_194 = arith.constant 32 : index
          %parallel_loop3A_195 = tpu.vector_load %arg11[%parallel_loop3A_192, %parallel_loop3A_193, %parallel_loop3A_194] {strides = array<i32>} : memref<3x80x64xf32, #tpu.memory_space<vmem>>, vector<1x1x16xf32>,
          %parallel_loop3A_196 = vector.shape_cast %parallel_loop3A_195 : vector<1x1x16xf32> to vector<16xf32>
          %parallel_loop3A_197 = vector.broadcast %parallel_loop3A_160 : f32 to vector<16xf32>
          %parallel_loop3A_198 = arith.mulf %parallel_loop3A_196, %parallel_loop3A_197 : vector<16xf32>
          %parallel_loop3A_199 = arith.constant 0 : i32
          %parallel_loop3A_200 = arith.index_cast %parallel_loop3A_199 : i32 to index
          %parallel_loop3A_201 = arith.index_cast %parallel_loop3A_158 : i32 to index
          %parallel_loop3A_202 = arith.constant 32 : index
          %parallel_loop3A_203 = tpu.vector_load %arg11[%parallel_loop3A_200, %parallel_loop3A_201, %parallel_loop3A_202] {strides = array<i32>} : memref<3x80x64xf32, #tpu.memory_space<vmem>>, vector<1x1x16xf32>,
          %parallel_loop3A_204 = vector.shape_cast %parallel_loop3A_203 : vector<1x1x16xf32> to vector<16xf32>
          %parallel_loop3A_205 = vector.shape_cast %parallel_loop3A_198 : vector<16xf32> to vector<1x1x16xf32>
          tpu.vector_store %arg11[%parallel_loop3A_200, %parallel_loop3A_201, %parallel_loop3A_202], %parallel_loop3A_205 {strides = array<i32>} : memref<3x80x64xf32, #tpu.memory_space<vmem>>, vector<1x1x16xf32>,
          %parallel_loop3A_206 = arith.constant 0 : i32
          %parallel_loop3A_207 = arith.index_cast %parallel_loop3A_206 : i32 to index
          %parallel_loop3A_208 = arith.index_cast %parallel_loop3A_158 : i32 to index
          %parallel_loop3A_209 = arith.constant 48 : index
          %parallel_loop3A_210 = tpu.vector_load %arg11[%parallel_loop3A_207, %parallel_loop3A_208, %parallel_loop3A_209] {strides = array<i32>} : memref<3x80x64xf32, #tpu.memory_space<vmem>>, vector<1x1x16xf32>,
          %parallel_loop3A_211 = vector.shape_cast %parallel_loop3A_210 : vector<1x1x16xf32> to vector<16xf32>
          %parallel_loop3A_212 = vector.broadcast %parallel_loop3A_160 : f32 to vector<16xf32>
          %parallel_loop3A_213 = arith.mulf %parallel_loop3A_211, %parallel_loop3A_212 : vector<16xf32>
          %parallel_loop3A_214 = arith.constant 0 : i32
          %parallel_loop3A_215 = arith.index_cast %parallel_loop3A_214 : i32 to index
          %parallel_loop3A_216 = arith.index_cast %parallel_loop3A_158 : i32 to index
          %parallel_loop3A_217 = arith.constant 48 : index
          %parallel_loop3A_218 = tpu.vector_load %arg11[%parallel_loop3A_215, %parallel_loop3A_216, %parallel_loop3A_217] {strides = array<i32>} : memref<3x80x64xf32, #tpu.memory_space<vmem>>, vector<1x1x16xf32>,
          %parallel_loop3A_219 = vector.shape_cast %parallel_loop3A_218 : vector<1x1x16xf32> to vector<16xf32>
          %parallel_loop3A_220 = vector.shape_cast %parallel_loop3A_213 : vector<16xf32> to vector<1x1x16xf32>
          tpu.vector_store %arg11[%parallel_loop3A_215, %parallel_loop3A_216, %parallel_loop3A_217], %parallel_loop3A_220 {strides = array<i32>} : memref<3x80x64xf32, #tpu.memory_space<vmem>>, vector<1x1x16xf32>,
          %parallel_loop3A_221 = arith.constant 16 : i32
          %parallel_loop3A_222 = arith.muli %parallel_loop3A_148, %parallel_loop3A_221 : i32
          %parallel_loop3A_223 = arith.constant 1 : i32
          %parallel_loop3A_224 = arith.addi %parallel_loop3A_222, %parallel_loop3A_223 : i32
          %parallel_loop3A_225 = vector.extract_strided_slice %parallel_loop3A_154 {offsets = [1], sizes = [1], strides = [1]} : vector<16xf32> to vector<1xf32>
          %parallel_loop3A_226 = vector.extract %parallel_loop3A_225[0] : f32 from vector<1xf32>
          %parallel_loop3A_227 = arith.constant 0 : i32
          %parallel_loop3A_228 = arith.index_cast %parallel_loop3A_227 : i32 to index
          %parallel_loop3A_229 = arith.index_cast %parallel_loop3A_224 : i32 to index
          %parallel_loop3A_230 = arith.constant 0 : index
          %parallel_loop3A_231 = tpu.vector_load %arg11[%parallel_loop3A_228, %parallel_loop3A_229, %parallel_loop3A_230] {strides = array<i32>} : memref<3x80x64xf32, #tpu.memory_space<vmem>>, vector<1x1x16xf32>,
          %parallel_loop3A_232 = vector.shape_cast %parallel_loop3A_231 : vector<1x1x16xf32> to vector<16xf32>
          %parallel_loop3A_233 = vector.broadcast %parallel_loop3A_226 : f32 to vector<16xf32>
          %parallel_loop3A_234 = arith.mulf %parallel_loop3A_232, %parallel_loop3A_233 : vector<16xf32>
          %parallel_loop3A_235 = arith.constant 0 : i32
          %parallel_loop3A_236 = arith.index_cast %parallel_loop3A_235 : i32 to index
          %parallel_loop3A_237 = arith.index_cast %parallel_loop3A_224 : i32 to index
          %parallel_loop3A_238 = arith.constant 0 : index
          %parallel_loop3A_239 = tpu.vector_load %arg11[%parallel_loop3A_236, %parallel_loop3A_237, %parallel_loop3A_238] {strides = array<i32>} : memref<3x80x64xf32, #tpu.memory_space<vmem>>, vector<1x1x16xf32>,
          %parallel_loop3A_240 = vector.shape_cast %parallel_loop3A_239 : vector<1x1x16xf32> to vector<16xf32>
          %parallel_loop3A_241 = vector.shape_cast %parallel_loop3A_234 : vector<16xf32> to vector<1x1x16xf32>
          tpu.vector_store %arg11[%parallel_loop3A_236, %parallel_loop3A_237, %parallel_loop3A_238], %parallel_loop3A_241 {strides = array<i32>} : memref<3x80x64xf32, #tpu.memory_space<vmem>>, vector<1x1x16xf32>,
          %parallel_loop3A_242 = arith.constant 0 : i32
          %parallel_loop3A_243 = arith.index_cast %parallel_loop3A_242 : i32 to index
          %parallel_loop3A_244 = arith.index_cast %parallel_loop3A_224 : i32 to index
          %parallel_loop3A_245 = arith.constant 16 : index
          %parallel_loop3A_246 = tpu.vector_load %arg11[%parallel_loop3A_243, %parallel_loop3A_244, %parallel_loop3A_245] {strides = array<i32>} : memref<3x80x64xf32, #tpu.memory_space<vmem>>, vector<1x1x16xf32>,
          %parallel_loop3A_247 = vector.shape_cast %parallel_loop3A_246 : vector<1x1x16xf32> to vector<16xf32>
          %parallel_loop3A_248 = vector.broadcast %parallel_loop3A_226 : f32 to vector<16xf32>
          %parallel_loop3A_249 = arith.mulf %parallel_loop3A_247, %parallel_loop3A_248 : vector<16xf32>
          %parallel_loop3A_250 = arith.constant 0 : i32
          %parallel_loop3A_251 = arith.index_cast %parallel_loop3A_250 : i32 to index
          %parallel_loop3A_252 = arith.index_cast %parallel_loop3A_224 : i32 to index
          %parallel_loop3A_253 = arith.constant 16 : index
          %parallel_loop3A_254 = tpu.vector_load %arg11[%parallel_loop3A_251, %parallel_loop3A_252, %parallel_loop3A_253] {strides = array<i32>} : memref<3x80x64xf32, #tpu.memory_space<vmem>>, vector<1x1x16xf32>,
          %parallel_loop3A_255 = vector.shape_cast %parallel_loop3A_254 : vector<1x1x16xf32> to vector<16xf32>
          %parallel_loop3A_256 = vector.shape_cast %parallel_loop3A_249 : vector<16xf32> to vector<1x1x16xf32>
          tpu.vector_store %arg11[%parallel_loop3A_251, %parallel_loop3A_252, %parallel_loop3A_253], %parallel_loop3A_256 {strides = array<i32>} : memref<3x80x64xf32, #tpu.memory_space<vmem>>, vector<1x1x16xf32>,
          %parallel_loop3A_257 = arith.constant 0 : i32
          %parallel_loop3A_258 = arith.index_cast %parallel_loop3A_257 : i32 to index
          %parallel_loop3A_259 = arith.index_cast %parallel_loop3A_224 : i32 to index
          %parallel_loop3A_260 = arith.constant 32 : index
          %parallel_loop3A_261 = tpu.vector_load %arg11[%parallel_loop3A_258, %parallel_loop3A_259, %parallel_loop3A_260] {strides = array<i32>} : memref<3x80x64xf32, #tpu.memory_space<vmem>>, vector<1x1x16xf32>,
          %parallel_loop3A_262 = vector.shape_cast %parallel_loop3A_261 : vector<1x1x16xf32> to vector<16xf32>
          %parallel_loop3A_263 = vector.broadcast %parallel_loop3A_226 : f32 to vector<16xf32>
          %parallel_loop3A_264 = arith.mulf %parallel_loop3A_262, %parallel_loop3A_263 : vector<16xf32>
          %parallel_loop3A_265 = arith.constant 0 : i32
          %parallel_loop3A_266 = arith.index_cast %parallel_loop3A_265 : i32 to index
          %parallel_loop3A_267 = arith.index_cast %parallel_loop3A_224 : i32 to index
          %parallel_loop3A_268 = arith.constant 32 : index
          %parallel_loop3A_269 = tpu.vector_load %arg11[%parallel_loop3A_266, %parallel_loop3A_267, %parallel_loop3A_268] {strides = array<i32>} : memref<3x80x64xf32, #tpu.memory_space<vmem>>, vector<1x1x16xf32>,
          %parallel_loop3A_270 = vector.shape_cast %parallel_loop3A_269 : vector<1x1x16xf32> to vector<16xf32>
          %parallel_loop3A_271 = vector.shape_cast %parallel_loop3A_264 : vector<16xf32> to vector<1x1x16xf32>
          tpu.vector_store %arg11[%parallel_loop3A_266, %parallel_loop3A_267, %parallel_loop3A_268], %parallel_loop3A_271 {strides = array<i32>} : memref<3x80x64xf32, #tpu.memory_space<vmem>>, vector<1x1x16xf32>,
          %parallel_loop3A_272 = arith.constant 0 : i32
          %parallel_loop3A_273 = arith.index_cast %parallel_loop3A_272 : i32 to index
          %parallel_loop3A_274 = arith.index_cast %parallel_loop3A_224 : i32 to index
          %parallel_loop3A_275 = arith.constant 48 : index
          %parallel_loop3A_276 = tpu.vector_load %arg11[%parallel_loop3A_273, %parallel_loop3A_274, %parallel_loop3A_275] {strides = array<i32>} : memref<3x80x64xf32, #tpu.memory_space<vmem>>, vector<1x1x16xf32>,
          %parallel_loop3A_277 = vector.shape_cast %parallel_loop3A_276 : vector<1x1x16xf32> to vector<16xf32>
          %parallel_loop3A_278 = vector.broadcast %parallel_loop3A_226 : f32 to vector<16xf32>
          %parallel_loop3A_279 = arith.mulf %parallel_loop3A_277, %parallel_loop3A_278 : vector<16xf32>
          %parallel_loop3A_280 = arith.constant 0 : i32
          %parallel_loop3A_281 = arith.index_cast %parallel_loop3A_280 : i32 to index
          %parallel_loop3A_282 = arith.index_cast %parallel_loop3A_224 : i32 to index
          %parallel_loop3A_283 = arith.constant 48 : index
          %parallel_loop3A_284 = tpu.vector_load %arg11[%parallel_loop3A_281, %parallel_loop3A_282, %parallel_loop3A_283] {strides = array<i32>} : memref<3x80x64xf32, #tpu.memory_space<vmem>>, vector<1x1x16xf32>,
          %parallel_loop3A_285 = vector.shape_cast %parallel_loop3A_284 : vector<1x1x16xf32> to vector<16xf32>
          %parallel_loop3A_286 = vector.shape_cast %parallel_loop3A_279 : vector<16xf32> to vector<1x1x16xf32>
          tpu.vector_store %arg11[%parallel_loop3A_281, %parallel_loop3A_282, %parallel_loop3A_283], %parallel_loop3A_286 {strides = array<i32>} : memref<3x80x64xf32, #tpu.memory_space<vmem>>, vector<1x1x16xf32>,
          %parallel_loop3A_287 = arith.constant 16 : i32
          %parallel_loop3A_288 = arith.muli %parallel_loop3A_148, %parallel_loop3A_287 : i32
          %parallel_loop3A_289 = arith.constant 2 : i32
          %parallel_loop3A_290 = arith.addi %parallel_loop3A_288, %parallel_loop3A_289 : i32
          %parallel_loop3A_291 = vector.extract_strided_slice %parallel_loop3A_154 {offsets = [2], sizes = [1], strides = [1]} : vector<16xf32> to vector<1xf32>
          %parallel_loop3A_292 = vector.extract %parallel_loop3A_291[0] : f32 from vector<1xf32>
          %parallel_loop3A_293 = arith.constant 0 : i32
          %parallel_loop3A_294 = arith.index_cast %parallel_loop3A_293 : i32 to index
          %parallel_loop3A_295 = arith.index_cast %parallel_loop3A_290 : i32 to index
          %parallel_loop3A_296 = arith.constant 0 : index
          %parallel_loop3A_297 = tpu.vector_load %arg11[%parallel_loop3A_294, %parallel_loop3A_295, %parallel_loop3A_296] {strides = array<i32>} : memref<3x80x64xf32, #tpu.memory_space<vmem>>, vector<1x1x16xf32>,
          %parallel_loop3A_298 = vector.shape_cast %parallel_loop3A_297 : vector<1x1x16xf32> to vector<16xf32>
          %parallel_loop3A_299 = vector.broadcast %parallel_loop3A_292 : f32 to vector<16xf32>
          %parallel_loop3A_300 = arith.mulf %parallel_loop3A_298, %parallel_loop3A_299 : vector<16xf32>
          %parallel_loop3A_301 = arith.constant 0 : i32
          %parallel_loop3A_302 = arith.index_cast %parallel_loop3A_301 : i32 to index
          %parallel_loop3A_303 = arith.index_cast %parallel_loop3A_290 : i32 to index
          %parallel_loop3A_304 = arith.constant 0 : index
          %parallel_loop3A_305 = tpu.vector_load %arg11[%parallel_loop3A_302, %parallel_loop3A_303, %parallel_loop3A_304] {strides = array<i32>} : memref<3x80x64xf32, #tpu.memory_space<vmem>>, vector<1x1x16xf32>,
          %parallel_loop3A_306 = vector.shape_cast %parallel_loop3A_305 : vector<1x1x16xf32> to vector<16xf32>
          %parallel_loop3A_307 = vector.shape_cast %parallel_loop3A_300 : vector<16xf32> to vector<1x1x16xf32>
          tpu.vector_store %arg11[%parallel_loop3A_302, %parallel_loop3A_303, %parallel_loop3A_304], %parallel_loop3A_307 {strides = array<i32>} : memref<3x80x64xf32, #tpu.memory_space<vmem>>, vector<1x1x16xf32>,
          %parallel_loop3A_308 = arith.constant 0 : i32
          %parallel_loop3A_309 = arith.index_cast %parallel_loop3A_308 : i32 to index
          %parallel_loop3A_310 = arith.index_cast %parallel_loop3A_290 : i32 to index
          %parallel_loop3A_311 = arith.constant 16 : index
          %parallel_loop3A_312 = tpu.vector_load %arg11[%parallel_loop3A_309, %parallel_loop3A_310, %parallel_loop3A_311] {strides = array<i32>} : memref<3x80x64xf32, #tpu.memory_space<vmem>>, vector<1x1x16xf32>,
          %parallel_loop3A_313 = vector.shape_cast %parallel_loop3A_312 : vector<1x1x16xf32> to vector<16xf32>
          %parallel_loop3A_314 = vector.broadcast %parallel_loop3A_292 : f32 to vector<16xf32>
          %parallel_loop3A_315 = arith.mulf %parallel_loop3A_313, %parallel_loop3A_314 : vector<16xf32>
          %parallel_loop3A_316 = arith.constant 0 : i32
          %parallel_loop3A_317 = arith.index_cast %parallel_loop3A_316 : i32 to index
          %parallel_loop3A_318 = arith.index_cast %parallel_loop3A_290 : i32 to index
          %parallel_loop3A_319 = arith.constant 16 : index
          %parallel_loop3A_320 = tpu.vector_load %arg11[%parallel_loop3A_317, %parallel_loop3A_318, %parallel_loop3A_319] {strides = array<i32>} : memref<3x80x64xf32, #tpu.memory_space<vmem>>, vector<1x1x16xf32>,
          %parallel_loop3A_321 = vector.shape_cast %parallel_loop3A_320 : vector<1x1x16xf32> to vector<16xf32>
          %parallel_loop3A_322 = vector.shape_cast %parallel_loop3A_315 : vector<16xf32> to vector<1x1x16xf32>
          tpu.vector_store %arg11[%parallel_loop3A_317, %parallel_loop3A_318, %parallel_loop3A_319], %parallel_loop3A_322 {strides = array<i32>} : memref<3x80x64xf32, #tpu.memory_space<vmem>>, vector<1x1x16xf32>,
          %parallel_loop3A_323 = arith.constant 0 : i32
          %parallel_loop3A_324 = arith.index_cast %parallel_loop3A_323 : i32 to index
          %parallel_loop3A_325 = arith.index_cast %parallel_loop3A_290 : i32 to index
          %parallel_loop3A_326 = arith.constant 32 : index
          %parallel_loop3A_327 = tpu.vector_load %arg11[%parallel_loop3A_324, %parallel_loop3A_325, %parallel_loop3A_326] {strides = array<i32>} : memref<3x80x64xf32, #tpu.memory_space<vmem>>, vector<1x1x16xf32>,
          %parallel_loop3A_328 = vector.shape_cast %parallel_loop3A_327 : vector<1x1x16xf32> to vector<16xf32>
          %parallel_loop3A_329 = vector.broadcast %parallel_loop3A_292 : f32 to vector<16xf32>
          %parallel_loop3A_330 = arith.mulf %parallel_loop3A_328, %parallel_loop3A_329 : vector<16xf32>
          %parallel_loop3A_331 = arith.constant 0 : i32
          %parallel_loop3A_332 = arith.index_cast %parallel_loop3A_331 : i32 to index
          %parallel_loop3A_333 = arith.index_cast %parallel_loop3A_290 : i32 to index
          %parallel_loop3A_334 = arith.constant 32 : index
          %parallel_loop3A_335 = tpu.vector_load %arg11[%parallel_loop3A_332, %parallel_loop3A_333, %parallel_loop3A_334] {strides = array<i32>} : memref<3x80x64xf32, #tpu.memory_space<vmem>>, vector<1x1x16xf32>,
          %parallel_loop3A_336 = vector.shape_cast %parallel_loop3A_335 : vector<1x1x16xf32> to vector<16xf32>
          %parallel_loop3A_337 = vector.shape_cast %parallel_loop3A_330 : vector<16xf32> to vector<1x1x16xf32>
          tpu.vector_store %arg11[%parallel_loop3A_332, %parallel_loop3A_333, %parallel_loop3A_334], %parallel_loop3A_337 {strides = array<i32>} : memref<3x80x64xf32, #tpu.memory_space<vmem>>, vector<1x1x16xf32>,
          %parallel_loop3A_338 = arith.constant 0 : i32
          %parallel_loop3A_339 = arith.index_cast %parallel_loop3A_338 : i32 to index
          %parallel_loop3A_340 = arith.index_cast %parallel_loop3A_290 : i32 to index
          %parallel_loop3A_341 = arith.constant 48 : index
          %parallel_loop3A_342 = tpu.vector_load %arg11[%parallel_loop3A_339, %parallel_loop3A_340, %parallel_loop3A_341] {strides = array<i32>} : memref<3x80x64xf32, #tpu.memory_space<vmem>>, vector<1x1x16xf32>,
          %parallel_loop3A_343 = vector.shape_cast %parallel_loop3A_342 : vector<1x1x16xf32> to vector<16xf32>
          %parallel_loop3A_344 = vector.broadcast %parallel_loop3A_292 : f32 to vector<16xf32>
          %parallel_loop3A_345 = arith.mulf %parallel_loop3A_343, %parallel_loop3A_344 : vector<16xf32>
          %parallel_loop3A_346 = arith.constant 0 : i32
          %parallel_loop3A_347 = arith.index_cast %parallel_loop3A_346 : i32 to index
          %parallel_loop3A_348 = arith.index_cast %parallel_loop3A_290 : i32 to index
          %parallel_loop3A_349 = arith.constant 48 : index
          %parallel_loop3A_350 = tpu.vector_load %arg11[%parallel_loop3A_347, %parallel_loop3A_348, %parallel_loop3A_349] {strides = array<i32>} : memref<3x80x64xf32, #tpu.memory_space<vmem>>, vector<1x1x16xf32>,
          %parallel_loop3A_351 = vector.shape_cast %parallel_loop3A_350 : vector<1x1x16xf32> to vector<16xf32>
          %parallel_loop3A_352 = vector.shape_cast %parallel_loop3A_345 : vector<16xf32> to vector<1x1x16xf32>
          tpu.vector_store %arg11[%parallel_loop3A_347, %parallel_loop3A_348, %parallel_loop3A_349], %parallel_loop3A_352 {strides = array<i32>} : memref<3x80x64xf32, #tpu.memory_space<vmem>>, vector<1x1x16xf32>,
          %parallel_loop3A_353 = arith.constant 16 : i32
          %parallel_loop3A_354 = arith.muli %parallel_loop3A_148, %parallel_loop3A_353 : i32
          %parallel_loop3A_355 = arith.constant 3 : i32
          %parallel_loop3A_356 = arith.addi %parallel_loop3A_354, %parallel_loop3A_355 : i32
          %parallel_loop3A_357 = vector.extract_strided_slice %parallel_loop3A_154 {offsets = [3], sizes = [1], strides = [1]} : vector<16xf32> to vector<1xf32>
          %parallel_loop3A_358 = vector.extract %parallel_loop3A_357[0] : f32 from vector<1xf32>
          %parallel_loop3A_359 = arith.constant 0 : i32
          %parallel_loop3A_360 = arith.index_cast %parallel_loop3A_359 : i32 to index
          %parallel_loop3A_361 = arith.index_cast %parallel_loop3A_356 : i32 to index
          %parallel_loop3A_362 = arith.constant 0 : index
          %parallel_loop3A_363 = tpu.vector_load %arg11[%parallel_loop3A_360, %parallel_loop3A_361, %parallel_loop3A_362] {strides = array<i32>} : memref<3x80x64xf32, #tpu.memory_space<vmem>>, vector<1x1x16xf32>,
          %parallel_loop3A_364 = vector.shape_cast %parallel_loop3A_363 : vector<1x1x16xf32> to vector<16xf32>
          %parallel_loop3A_365 = vector.broadcast %parallel_loop3A_358 : f32 to vector<16xf32>
          %parallel_loop3A_366 = arith.mulf %parallel_loop3A_364, %parallel_loop3A_365 : vector<16xf32>
          %parallel_loop3A_367 = arith.constant 0 : i32
          %parallel_loop3A_368 = arith.index_cast %parallel_loop3A_367 : i32 to index
          %parallel_loop3A_369 = arith.index_cast %parallel_loop3A_356 : i32 to index
          %parallel_loop3A_370 = arith.constant 0 : index
          %parallel_loop3A_371 = tpu.vector_load %arg11[%parallel_loop3A_368, %parallel_loop3A_369, %parallel_loop3A_370] {strides = array<i32>} : memref<3x80x64xf32, #tpu.memory_space<vmem>>, vector<1x1x16xf32>,
          %parallel_loop3A_372 = vector.shape_cast %parallel_loop3A_371 : vector<1x1x16xf32> to vector<16xf32>
          %parallel_loop3A_373 = vector.shape_cast %parallel_loop3A_366 : vector<16xf32> to vector<1x1x16xf32>
          tpu.vector_store %arg11[%parallel_loop3A_368, %parallel_loop3A_369, %parallel_loop3A_370], %parallel_loop3A_373 {strides = array<i32>} : memref<3x80x64xf32, #tpu.memory_space<vmem>>, vector<1x1x16xf32>,
          %parallel_loop3A_374 = arith.constant 0 : i32
          %parallel_loop3A_375 = arith.index_cast %parallel_loop3A_374 : i32 to index
          %parallel_loop3A_376 = arith.index_cast %parallel_loop3A_356 : i32 to index
          %parallel_loop3A_377 = arith.constant 16 : index
          %parallel_loop3A_378 = tpu.vector_load %arg11[%parallel_loop3A_375, %parallel_loop3A_376, %parallel_loop3A_377] {strides = array<i32>} : memref<3x80x64xf32, #tpu.memory_space<vmem>>, vector<1x1x16xf32>,
          %parallel_loop3A_379 = vector.shape_cast %parallel_loop3A_378 : vector<1x1x16xf32> to vector<16xf32>
          %parallel_loop3A_380 = vector.broadcast %parallel_loop3A_358 : f32 to vector<16xf32>
          %parallel_loop3A_381 = arith.mulf %parallel_loop3A_379, %parallel_loop3A_380 : vector<16xf32>
          %parallel_loop3A_382 = arith.constant 0 : i32
          %parallel_loop3A_383 = arith.index_cast %parallel_loop3A_382 : i32 to index
          %parallel_loop3A_384 = arith.index_cast %parallel_loop3A_356 : i32 to index
          %parallel_loop3A_385 = arith.constant 16 : index
          %parallel_loop3A_386 = tpu.vector_load %arg11[%parallel_loop3A_383, %parallel_loop3A_384, %parallel_loop3A_385] {strides = array<i32>} : memref<3x80x64xf32, #tpu.memory_space<vmem>>, vector<1x1x16xf32>,
          %parallel_loop3A_387 = vector.shape_cast %parallel_loop3A_386 : vector<1x1x16xf32> to vector<16xf32>
          %parallel_loop3A_388 = vector.shape_cast %parallel_loop3A_381 : vector<16xf32> to vector<1x1x16xf32>
          tpu.vector_store %arg11[%parallel_loop3A_383, %parallel_loop3A_384, %parallel_loop3A_385], %parallel_loop3A_388 {strides = array<i32>} : memref<3x80x64xf32, #tpu.memory_space<vmem>>, vector<1x1x16xf32>,
          %parallel_loop3A_389 = arith.constant 0 : i32
          %parallel_loop3A_390 = arith.index_cast %parallel_loop3A_389 : i32 to index
          %parallel_loop3A_391 = arith.index_cast %parallel_loop3A_356 : i32 to index
          %parallel_loop3A_392 = arith.constant 32 : index
          %parallel_loop3A_393 = tpu.vector_load %arg11[%parallel_loop3A_390, %parallel_loop3A_391, %parallel_loop3A_392] {strides = array<i32>} : memref<3x80x64xf32, #tpu.memory_space<vmem>>, vector<1x1x16xf32>,
          %parallel_loop3A_394 = vector.shape_cast %parallel_loop3A_393 : vector<1x1x16xf32> to vector<16xf32>
          %parallel_loop3A_395 = vector.broadcast %parallel_loop3A_358 : f32 to vector<16xf32>
          %parallel_loop3A_396 = arith.mulf %parallel_loop3A_394, %parallel_loop3A_395 : vector<16xf32>
          %parallel_loop3A_397 = arith.constant 0 : i32
          %parallel_loop3A_398 = arith.index_cast %parallel_loop3A_397 : i32 to index
          %parallel_loop3A_399 = arith.index_cast %parallel_loop3A_356 : i32 to index
          %parallel_loop3A_400 = arith.constant 32 : index
          %parallel_loop3A_401 = tpu.vector_load %arg11[%parallel_loop3A_398, %parallel_loop3A_399, %parallel_loop3A_400] {strides = array<i32>} : memref<3x80x64xf32, #tpu.memory_space<vmem>>, vector<1x1x16xf32>,
          %parallel_loop3A_402 = vector.shape_cast %parallel_loop3A_401 : vector<1x1x16xf32> to vector<16xf32>
          %parallel_loop3A_403 = vector.shape_cast %parallel_loop3A_396 : vector<16xf32> to vector<1x1x16xf32>
          tpu.vector_store %arg11[%parallel_loop3A_398, %parallel_loop3A_399, %parallel_loop3A_400], %parallel_loop3A_403 {strides = array<i32>} : memref<3x80x64xf32, #tpu.memory_space<vmem>>, vector<1x1x16xf32>,
          %parallel_loop3A_404 = arith.constant 0 : i32
          %parallel_loop3A_405 = arith.index_cast %parallel_loop3A_404 : i32 to index
          %parallel_loop3A_406 = arith.index_cast %parallel_loop3A_356 : i32 to index
          %parallel_loop3A_407 = arith.constant 48 : index
          %parallel_loop3A_408 = tpu.vector_load %arg11[%parallel_loop3A_405, %parallel_loop3A_406, %parallel_loop3A_407] {strides = array<i32>} : memref<3x80x64xf32, #tpu.memory_space<vmem>>, vector<1x1x16xf32>,
          %parallel_loop3A_409 = vector.shape_cast %parallel_loop3A_408 : vector<1x1x16xf32> to vector<16xf32>
          %parallel_loop3A_410 = vector.broadcast %parallel_loop3A_358 : f32 to vector<16xf32>
          %parallel_loop3A_411 = arith.mulf %parallel_loop3A_409, %parallel_loop3A_410 : vector<16xf32>
          %parallel_loop3A_412 = arith.constant 0 : i32
          %parallel_loop3A_413 = arith.index_cast %parallel_loop3A_412 : i32 to index
          %parallel_loop3A_414 = arith.index_cast %parallel_loop3A_356 : i32 to index
          %parallel_loop3A_415 = arith.constant 48 : index
          %parallel_loop3A_416 = tpu.vector_load %arg11[%parallel_loop3A_413, %parallel_loop3A_414, %parallel_loop3A_415] {strides = array<i32>} : memref<3x80x64xf32, #tpu.memory_space<vmem>>, vector<1x1x16xf32>,
          %parallel_loop3A_417 = vector.shape_cast %parallel_loop3A_416 : vector<1x1x16xf32> to vector<16xf32>
          %parallel_loop3A_418 = vector.shape_cast %parallel_loop3A_411 : vector<16xf32> to vector<1x1x16xf32>
          tpu.vector_store %arg11[%parallel_loop3A_413, %parallel_loop3A_414, %parallel_loop3A_415], %parallel_loop3A_418 {strides = array<i32>} : memref<3x80x64xf32, #tpu.memory_space<vmem>>, vector<1x1x16xf32>,
          %parallel_loop3A_419 = arith.constant 16 : i32
          %parallel_loop3A_420 = arith.muli %parallel_loop3A_148, %parallel_loop3A_419 : i32
          %parallel_loop3A_421 = arith.constant 4 : i32
          %parallel_loop3A_422 = arith.addi %parallel_loop3A_420, %parallel_loop3A_421 : i32
          %parallel_loop3A_423 = vector.extract_strided_slice %parallel_loop3A_154 {offsets = [4], sizes = [1], strides = [1]} : vector<16xf32> to vector<1xf32>
          %parallel_loop3A_424 = vector.extract %parallel_loop3A_423[0] : f32 from vector<1xf32>
          %parallel_loop3A_425 = arith.constant 0 : i32
          %parallel_loop3A_426 = arith.index_cast %parallel_loop3A_425 : i32 to index
          %parallel_loop3A_427 = arith.index_cast %parallel_loop3A_422 : i32 to index
          %parallel_loop3A_428 = arith.constant 0 : index
          %parallel_loop3A_429 = tpu.vector_load %arg11[%parallel_loop3A_426, %parallel_loop3A_427, %parallel_loop3A_428] {strides = array<i32>} : memref<3x80x64xf32, #tpu.memory_space<vmem>>, vector<1x1x16xf32>,
          %parallel_loop3A_430 = vector.shape_cast %parallel_loop3A_429 : vector<1x1x16xf32> to vector<16xf32>
          %parallel_loop3A_431 = vector.broadcast %parallel_loop3A_424 : f32 to vector<16xf32>
          %parallel_loop3A_432 = arith.mulf %parallel_loop3A_430, %parallel_loop3A_431 : vector<16xf32>
          %parallel_loop3A_433 = arith.constant 0 : i32
          %parallel_loop3A_434 = arith.index_cast %parallel_loop3A_433 : i32 to index
          %parallel_loop3A_435 = arith.index_cast %parallel_loop3A_422 : i32 to index
          %parallel_loop3A_436 = arith.constant 0 : index
          %parallel_loop3A_437 = tpu.vector_load %arg11[%parallel_loop3A_434, %parallel_loop3A_435, %parallel_loop3A_436] {strides = array<i32>} : memref<3x80x64xf32, #tpu.memory_space<vmem>>, vector<1x1x16xf32>,
          %parallel_loop3A_438 = vector.shape_cast %parallel_loop3A_437 : vector<1x1x16xf32> to vector<16xf32>
          %parallel_loop3A_439 = vector.shape_cast %parallel_loop3A_432 : vector<16xf32> to vector<1x1x16xf32>
          tpu.vector_store %arg11[%parallel_loop3A_434, %parallel_loop3A_435, %parallel_loop3A_436], %parallel_loop3A_439 {strides = array<i32>} : memref<3x80x64xf32, #tpu.memory_space<vmem>>, vector<1x1x16xf32>,
          %parallel_loop3A_440 = arith.constant 0 : i32
          %parallel_loop3A_441 = arith.index_cast %parallel_loop3A_440 : i32 to index
          %parallel_loop3A_442 = arith.index_cast %parallel_loop3A_422 : i32 to index
          %parallel_loop3A_443 = arith.constant 16 : index
          %parallel_loop3A_444 = tpu.vector_load %arg11[%parallel_loop3A_441, %parallel_loop3A_442, %parallel_loop3A_443] {strides = array<i32>} : memref<3x80x64xf32, #tpu.memory_space<vmem>>, vector<1x1x16xf32>,
          %parallel_loop3A_445 = vector.shape_cast %parallel_loop3A_444 : vector<1x1x16xf32> to vector<16xf32>
          %parallel_loop3A_446 = vector.broadcast %parallel_loop3A_424 : f32 to vector<16xf32>
          %parallel_loop3A_447 = arith.mulf %parallel_loop3A_445, %parallel_loop3A_446 : vector<16xf32>
          %parallel_loop3A_448 = arith.constant 0 : i32
          %parallel_loop3A_449 = arith.index_cast %parallel_loop3A_448 : i32 to index
          %parallel_loop3A_450 = arith.index_cast %parallel_loop3A_422 : i32 to index
          %parallel_loop3A_451 = arith.constant 16 : index
          %parallel_loop3A_452 = tpu.vector_load %arg11[%parallel_loop3A_449, %parallel_loop3A_450, %parallel_loop3A_451] {strides = array<i32>} : memref<3x80x64xf32, #tpu.memory_space<vmem>>, vector<1x1x16xf32>,
          %parallel_loop3A_453 = vector.shape_cast %parallel_loop3A_452 : vector<1x1x16xf32> to vector<16xf32>
          %parallel_loop3A_454 = vector.shape_cast %parallel_loop3A_447 : vector<16xf32> to vector<1x1x16xf32>
          tpu.vector_store %arg11[%parallel_loop3A_449, %parallel_loop3A_450, %parallel_loop3A_451], %parallel_loop3A_454 {strides = array<i32>} : memref<3x80x64xf32, #tpu.memory_space<vmem>>, vector<1x1x16xf32>,
          %parallel_loop3A_455 = arith.constant 0 : i32
          %parallel_loop3A_456 = arith.index_cast %parallel_loop3A_455 : i32 to index
          %parallel_loop3A_457 = arith.index_cast %parallel_loop3A_422 : i32 to index
          %parallel_loop3A_458 = arith.constant 32 : index
          %parallel_loop3A_459 = tpu.vector_load %arg11[%parallel_loop3A_456, %parallel_loop3A_457, %parallel_loop3A_458] {strides = array<i32>} : memref<3x80x64xf32, #tpu.memory_space<vmem>>, vector<1x1x16xf32>,
          %parallel_loop3A_460 = vector.shape_cast %parallel_loop3A_459 : vector<1x1x16xf32> to vector<16xf32>
          %parallel_loop3A_461 = vector.broadcast %parallel_loop3A_424 : f32 to vector<16xf32>
          %parallel_loop3A_462 = arith.mulf %parallel_loop3A_460, %parallel_loop3A_461 : vector<16xf32>
          %parallel_loop3A_463 = arith.constant 0 : i32
          %parallel_loop3A_464 = arith.index_cast %parallel_loop3A_463 : i32 to index
          %parallel_loop3A_465 = arith.index_cast %parallel_loop3A_422 : i32 to index
          %parallel_loop3A_466 = arith.constant 32 : index
          %parallel_loop3A_467 = tpu.vector_load %arg11[%parallel_loop3A_464, %parallel_loop3A_465, %parallel_loop3A_466] {strides = array<i32>} : memref<3x80x64xf32, #tpu.memory_space<vmem>>, vector<1x1x16xf32>,
          %parallel_loop3A_468 = vector.shape_cast %parallel_loop3A_467 : vector<1x1x16xf32> to vector<16xf32>
          %parallel_loop3A_469 = vector.shape_cast %parallel_loop3A_462 : vector<16xf32> to vector<1x1x16xf32>
          tpu.vector_store %arg11[%parallel_loop3A_464, %parallel_loop3A_465, %parallel_loop3A_466], %parallel_loop3A_469 {strides = array<i32>} : memref<3x80x64xf32, #tpu.memory_space<vmem>>, vector<1x1x16xf32>,
          %parallel_loop3A_470 = arith.constant 0 : i32
          %parallel_loop3A_471 = arith.index_cast %parallel_loop3A_470 : i32 to index
          %parallel_loop3A_472 = arith.index_cast %parallel_loop3A_422 : i32 to index
          %parallel_loop3A_473 = arith.constant 48 : index
          %parallel_loop3A_474 = tpu.vector_load %arg11[%parallel_loop3A_471, %parallel_loop3A_472, %parallel_loop3A_473] {strides = array<i32>} : memref<3x80x64xf32, #tpu.memory_space<vmem>>, vector<1x1x16xf32>,
          %parallel_loop3A_475 = vector.shape_cast %parallel_loop3A_474 : vector<1x1x16xf32> to vector<16xf32>
          %parallel_loop3A_476 = vector.broadcast %parallel_loop3A_424 : f32 to vector<16xf32>
          %parallel_loop3A_477 = arith.mulf %parallel_loop3A_475, %parallel_loop3A_476 : vector<16xf32>
          %parallel_loop3A_478 = arith.constant 0 : i32
          %parallel_loop3A_479 = arith.index_cast %parallel_loop3A_478 : i32 to index
          %parallel_loop3A_480 = arith.index_cast %parallel_loop3A_422 : i32 to index
          %parallel_loop3A_481 = arith.constant 48 : index
          %parallel_loop3A_482 = tpu.vector_load %arg11[%parallel_loop3A_479, %parallel_loop3A_480, %parallel_loop3A_481] {strides = array<i32>} : memref<3x80x64xf32, #tpu.memory_space<vmem>>, vector<1x1x16xf32>,
          %parallel_loop3A_483 = vector.shape_cast %parallel_loop3A_482 : vector<1x1x16xf32> to vector<16xf32>
          %parallel_loop3A_484 = vector.shape_cast %parallel_loop3A_477 : vector<16xf32> to vector<1x1x16xf32>
          tpu.vector_store %arg11[%parallel_loop3A_479, %parallel_loop3A_480, %parallel_loop3A_481], %parallel_loop3A_484 {strides = array<i32>} : memref<3x80x64xf32, #tpu.memory_space<vmem>>, vector<1x1x16xf32>,
          %parallel_loop3A_485 = arith.constant 16 : i32
          %parallel_loop3A_486 = arith.muli %parallel_loop3A_148, %parallel_loop3A_485 : i32
          %parallel_loop3A_487 = arith.constant 5 : i32
          %parallel_loop3A_488 = arith.addi %parallel_loop3A_486, %parallel_loop3A_487 : i32
          %parallel_loop3A_489 = vector.extract_strided_slice %parallel_loop3A_154 {offsets = [5], sizes = [1], strides = [1]} : vector<16xf32> to vector<1xf32>
          %parallel_loop3A_490 = vector.extract %parallel_loop3A_489[0] : f32 from vector<1xf32>
          %parallel_loop3A_491 = arith.constant 0 : i32
          %parallel_loop3A_492 = arith.index_cast %parallel_loop3A_491 : i32 to index
          %parallel_loop3A_493 = arith.index_cast %parallel_loop3A_488 : i32 to index
          %parallel_loop3A_494 = arith.constant 0 : index
          %parallel_loop3A_495 = tpu.vector_load %arg11[%parallel_loop3A_492, %parallel_loop3A_493, %parallel_loop3A_494] {strides = array<i32>} : memref<3x80x64xf32, #tpu.memory_space<vmem>>, vector<1x1x16xf32>,
          %parallel_loop3A_496 = vector.shape_cast %parallel_loop3A_495 : vector<1x1x16xf32> to vector<16xf32>
          %parallel_loop3A_497 = vector.broadcast %parallel_loop3A_490 : f32 to vector<16xf32>
          %parallel_loop3A_498 = arith.mulf %parallel_loop3A_496, %parallel_loop3A_497 : vector<16xf32>
          %parallel_loop3A_499 = arith.constant 0 : i32
          %parallel_loop3A_500 = arith.index_cast %parallel_loop3A_499 : i32 to index
          %parallel_loop3A_501 = arith.index_cast %parallel_loop3A_488 : i32 to index
          %parallel_loop3A_502 = arith.constant 0 : index
          %parallel_loop3A_503 = tpu.vector_load %arg11[%parallel_loop3A_500, %parallel_loop3A_501, %parallel_loop3A_502] {strides = array<i32>} : memref<3x80x64xf32, #tpu.memory_space<vmem>>, vector<1x1x16xf32>,
          %parallel_loop3A_504 = vector.shape_cast %parallel_loop3A_503 : vector<1x1x16xf32> to vector<16xf32>
          %parallel_loop3A_505 = vector.shape_cast %parallel_loop3A_498 : vector<16xf32> to vector<1x1x16xf32>
          tpu.vector_store %arg11[%parallel_loop3A_500, %parallel_loop3A_501, %parallel_loop3A_502], %parallel_loop3A_505 {strides = array<i32>} : memref<3x80x64xf32, #tpu.memory_space<vmem>>, vector<1x1x16xf32>,
          %parallel_loop3A_506 = arith.constant 0 : i32
          %parallel_loop3A_507 = arith.index_cast %parallel_loop3A_506 : i32 to index
          %parallel_loop3A_508 = arith.index_cast %parallel_loop3A_488 : i32 to index
          %parallel_loop3A_509 = arith.constant 16 : index
          %parallel_loop3A_510 = tpu.vector_load %arg11[%parallel_loop3A_507, %parallel_loop3A_508, %parallel_loop3A_509] {strides = array<i32>} : memref<3x80x64xf32, #tpu.memory_space<vmem>>, vector<1x1x16xf32>,
          %parallel_loop3A_511 = vector.shape_cast %parallel_loop3A_510 : vector<1x1x16xf32> to vector<16xf32>
          %parallel_loop3A_512 = vector.broadcast %parallel_loop3A_490 : f32 to vector<16xf32>
          %parallel_loop3A_513 = arith.mulf %parallel_loop3A_511, %parallel_loop3A_512 : vector<16xf32>
          %parallel_loop3A_514 = arith.constant 0 : i32
          %parallel_loop3A_515 = arith.index_cast %parallel_loop3A_514 : i32 to index
          %parallel_loop3A_516 = arith.index_cast %parallel_loop3A_488 : i32 to index
          %parallel_loop3A_517 = arith.constant 16 : index
          %parallel_loop3A_518 = tpu.vector_load %arg11[%parallel_loop3A_515, %parallel_loop3A_516, %parallel_loop3A_517] {strides = array<i32>} : memref<3x80x64xf32, #tpu.memory_space<vmem>>, vector<1x1x16xf32>,
          %parallel_loop3A_519 = vector.shape_cast %parallel_loop3A_518 : vector<1x1x16xf32> to vector<16xf32>
          %parallel_loop3A_520 = vector.shape_cast %parallel_loop3A_513 : vector<16xf32> to vector<1x1x16xf32>
          tpu.vector_store %arg11[%parallel_loop3A_515, %parallel_loop3A_516, %parallel_loop3A_517], %parallel_loop3A_520 {strides = array<i32>} : memref<3x80x64xf32, #tpu.memory_space<vmem>>, vector<1x1x16xf32>,
          %parallel_loop3A_521 = arith.constant 0 : i32
          %parallel_loop3A_522 = arith.index_cast %parallel_loop3A_521 : i32 to index
          %parallel_loop3A_523 = arith.index_cast %parallel_loop3A_488 : i32 to index
          %parallel_loop3A_524 = arith.constant 32 : index
          %parallel_loop3A_525 = tpu.vector_load %arg11[%parallel_loop3A_522, %parallel_loop3A_523, %parallel_loop3A_524] {strides = array<i32>} : memref<3x80x64xf32, #tpu.memory_space<vmem>>, vector<1x1x16xf32>,
          %parallel_loop3A_526 = vector.shape_cast %parallel_loop3A_525 : vector<1x1x16xf32> to vector<16xf32>
          %parallel_loop3A_527 = vector.broadcast %parallel_loop3A_490 : f32 to vector<16xf32>
          %parallel_loop3A_528 = arith.mulf %parallel_loop3A_526, %parallel_loop3A_527 : vector<16xf32>
          %parallel_loop3A_529 = arith.constant 0 : i32
          %parallel_loop3A_530 = arith.index_cast %parallel_loop3A_529 : i32 to index
          %parallel_loop3A_531 = arith.index_cast %parallel_loop3A_488 : i32 to index
          %parallel_loop3A_532 = arith.constant 32 : index
          %parallel_loop3A_533 = tpu.vector_load %arg11[%parallel_loop3A_530, %parallel_loop3A_531, %parallel_loop3A_532] {strides = array<i32>} : memref<3x80x64xf32, #tpu.memory_space<vmem>>, vector<1x1x16xf32>,
          %parallel_loop3A_534 = vector.shape_cast %parallel_loop3A_533 : vector<1x1x16xf32> to vector<16xf32>
          %parallel_loop3A_535 = vector.shape_cast %parallel_loop3A_528 : vector<16xf32> to vector<1x1x16xf32>
          tpu.vector_store %arg11[%parallel_loop3A_530, %parallel_loop3A_531, %parallel_loop3A_532], %parallel_loop3A_535 {strides = array<i32>} : memref<3x80x64xf32, #tpu.memory_space<vmem>>, vector<1x1x16xf32>,
          %parallel_loop3A_536 = arith.constant 0 : i32
          %parallel_loop3A_537 = arith.index_cast %parallel_loop3A_536 : i32 to index
          %parallel_loop3A_538 = arith.index_cast %parallel_loop3A_488 : i32 to index
          %parallel_loop3A_539 = arith.constant 48 : index
          %parallel_loop3A_540 = tpu.vector_load %arg11[%parallel_loop3A_537, %parallel_loop3A_538, %parallel_loop3A_539] {strides = array<i32>} : memref<3x80x64xf32, #tpu.memory_space<vmem>>, vector<1x1x16xf32>,
          %parallel_loop3A_541 = vector.shape_cast %parallel_loop3A_540 : vector<1x1x16xf32> to vector<16xf32>
          %parallel_loop3A_542 = vector.broadcast %parallel_loop3A_490 : f32 to vector<16xf32>
          %parallel_loop3A_543 = arith.mulf %parallel_loop3A_541, %parallel_loop3A_542 : vector<16xf32>
          %parallel_loop3A_544 = arith.constant 0 : i32
          %parallel_loop3A_545 = arith.index_cast %parallel_loop3A_544 : i32 to index
          %parallel_loop3A_546 = arith.index_cast %parallel_loop3A_488 : i32 to index
          %parallel_loop3A_547 = arith.constant 48 : index
          %parallel_loop3A_548 = tpu.vector_load %arg11[%parallel_loop3A_545, %parallel_loop3A_546, %parallel_loop3A_547] {strides = array<i32>} : memref<3x80x64xf32, #tpu.memory_space<vmem>>, vector<1x1x16xf32>,
          %parallel_loop3A_549 = vector.shape_cast %parallel_loop3A_548 : vector<1x1x16xf32> to vector<16xf32>
          %parallel_loop3A_550 = vector.shape_cast %parallel_loop3A_543 : vector<16xf32> to vector<1x1x16xf32>
          tpu.vector_store %arg11[%parallel_loop3A_545, %parallel_loop3A_546, %parallel_loop3A_547], %parallel_loop3A_550 {strides = array<i32>} : memref<3x80x64xf32, #tpu.memory_space<vmem>>, vector<1x1x16xf32>,
          %parallel_loop3A_551 = arith.constant 16 : i32
          %parallel_loop3A_552 = arith.muli %parallel_loop3A_148, %parallel_loop3A_551 : i32
          %parallel_loop3A_553 = arith.constant 6 : i32
          %parallel_loop3A_554 = arith.addi %parallel_loop3A_552, %parallel_loop3A_553 : i32
          %parallel_loop3A_555 = vector.extract_strided_slice %parallel_loop3A_154 {offsets = [6], sizes = [1], strides = [1]} : vector<16xf32> to vector<1xf32>
          %parallel_loop3A_556 = vector.extract %parallel_loop3A_555[0] : f32 from vector<1xf32>
          %parallel_loop3A_557 = arith.constant 0 : i32
          %parallel_loop3A_558 = arith.index_cast %parallel_loop3A_557 : i32 to index
          %parallel_loop3A_559 = arith.index_cast %parallel_loop3A_554 : i32 to index
          %parallel_loop3A_560 = arith.constant 0 : index
          %parallel_loop3A_561 = tpu.vector_load %arg11[%parallel_loop3A_558, %parallel_loop3A_559, %parallel_loop3A_560] {strides = array<i32>} : memref<3x80x64xf32, #tpu.memory_space<vmem>>, vector<1x1x16xf32>,
          %parallel_loop3A_562 = vector.shape_cast %parallel_loop3A_561 : vector<1x1x16xf32> to vector<16xf32>
          %parallel_loop3A_563 = vector.broadcast %parallel_loop3A_556 : f32 to vector<16xf32>
          %parallel_loop3A_564 = arith.mulf %parallel_loop3A_562, %parallel_loop3A_563 : vector<16xf32>
          %parallel_loop3A_565 = arith.constant 0 : i32
          %parallel_loop3A_566 = arith.index_cast %parallel_loop3A_565 : i32 to index
          %parallel_loop3A_567 = arith.index_cast %parallel_loop3A_554 : i32 to index
          %parallel_loop3A_568 = arith.constant 0 : index
          %parallel_loop3A_569 = tpu.vector_load %arg11[%parallel_loop3A_566, %parallel_loop3A_567, %parallel_loop3A_568] {strides = array<i32>} : memref<3x80x64xf32, #tpu.memory_space<vmem>>, vector<1x1x16xf32>,
          %parallel_loop3A_570 = vector.shape_cast %parallel_loop3A_569 : vector<1x1x16xf32> to vector<16xf32>
          %parallel_loop3A_571 = vector.shape_cast %parallel_loop3A_564 : vector<16xf32> to vector<1x1x16xf32>
          tpu.vector_store %arg11[%parallel_loop3A_566, %parallel_loop3A_567, %parallel_loop3A_568], %parallel_loop3A_571 {strides = array<i32>} : memref<3x80x64xf32, #tpu.memory_space<vmem>>, vector<1x1x16xf32>,
          %parallel_loop3A_572 = arith.constant 0 : i32
          %parallel_loop3A_573 = arith.index_cast %parallel_loop3A_572 : i32 to index
          %parallel_loop3A_574 = arith.index_cast %parallel_loop3A_554 : i32 to index
          %parallel_loop3A_575 = arith.constant 16 : index
          %parallel_loop3A_576 = tpu.vector_load %arg11[%parallel_loop3A_573, %parallel_loop3A_574, %parallel_loop3A_575] {strides = array<i32>} : memref<3x80x64xf32, #tpu.memory_space<vmem>>, vector<1x1x16xf32>,
          %parallel_loop3A_577 = vector.shape_cast %parallel_loop3A_576 : vector<1x1x16xf32> to vector<16xf32>
          %parallel_loop3A_578 = vector.broadcast %parallel_loop3A_556 : f32 to vector<16xf32>
          %parallel_loop3A_579 = arith.mulf %parallel_loop3A_577, %parallel_loop3A_578 : vector<16xf32>
          %parallel_loop3A_580 = arith.constant 0 : i32
          %parallel_loop3A_581 = arith.index_cast %parallel_loop3A_580 : i32 to index
          %parallel_loop3A_582 = arith.index_cast %parallel_loop3A_554 : i32 to index
          %parallel_loop3A_583 = arith.constant 16 : index
          %parallel_loop3A_584 = tpu.vector_load %arg11[%parallel_loop3A_581, %parallel_loop3A_582, %parallel_loop3A_583] {strides = array<i32>} : memref<3x80x64xf32, #tpu.memory_space<vmem>>, vector<1x1x16xf32>,
          %parallel_loop3A_585 = vector.shape_cast %parallel_loop3A_584 : vector<1x1x16xf32> to vector<16xf32>
          %parallel_loop3A_586 = vector.shape_cast %parallel_loop3A_579 : vector<16xf32> to vector<1x1x16xf32>
          tpu.vector_store %arg11[%parallel_loop3A_581, %parallel_loop3A_582, %parallel_loop3A_583], %parallel_loop3A_586 {strides = array<i32>} : memref<3x80x64xf32, #tpu.memory_space<vmem>>, vector<1x1x16xf32>,
          %parallel_loop3A_587 = arith.constant 0 : i32
          %parallel_loop3A_588 = arith.index_cast %parallel_loop3A_587 : i32 to index
          %parallel_loop3A_589 = arith.index_cast %parallel_loop3A_554 : i32 to index
          %parallel_loop3A_590 = arith.constant 32 : index
          %parallel_loop3A_591 = tpu.vector_load %arg11[%parallel_loop3A_588, %parallel_loop3A_589, %parallel_loop3A_590] {strides = array<i32>} : memref<3x80x64xf32, #tpu.memory_space<vmem>>, vector<1x1x16xf32>,
          %parallel_loop3A_592 = vector.shape_cast %parallel_loop3A_591 : vector<1x1x16xf32> to vector<16xf32>
          %parallel_loop3A_593 = vector.broadcast %parallel_loop3A_556 : f32 to vector<16xf32>
          %parallel_loop3A_594 = arith.mulf %parallel_loop3A_592, %parallel_loop3A_593 : vector<16xf32>
          %parallel_loop3A_595 = arith.constant 0 : i32
          %parallel_loop3A_596 = arith.index_cast %parallel_loop3A_595 : i32 to index
          %parallel_loop3A_597 = arith.index_cast %parallel_loop3A_554 : i32 to index
          %parallel_loop3A_598 = arith.constant 32 : index
          %parallel_loop3A_599 = tpu.vector_load %arg11[%parallel_loop3A_596, %parallel_loop3A_597, %parallel_loop3A_598] {strides = array<i32>} : memref<3x80x64xf32, #tpu.memory_space<vmem>>, vector<1x1x16xf32>,
          %parallel_loop3A_600 = vector.shape_cast %parallel_loop3A_599 : vector<1x1x16xf32> to vector<16xf32>
          %parallel_loop3A_601 = vector.shape_cast %parallel_loop3A_594 : vector<16xf32> to vector<1x1x16xf32>
          tpu.vector_store %arg11[%parallel_loop3A_596, %parallel_loop3A_597, %parallel_loop3A_598], %parallel_loop3A_601 {strides = array<i32>} : memref<3x80x64xf32, #tpu.memory_space<vmem>>, vector<1x1x16xf32>,
          %parallel_loop3A_602 = arith.constant 0 : i32
          %parallel_loop3A_603 = arith.index_cast %parallel_loop3A_602 : i32 to index
          %parallel_loop3A_604 = arith.index_cast %parallel_loop3A_554 : i32 to index
          %parallel_loop3A_605 = arith.constant 48 : index
          %parallel_loop3A_606 = tpu.vector_load %arg11[%parallel_loop3A_603, %parallel_loop3A_604, %parallel_loop3A_605] {strides = array<i32>} : memref<3x80x64xf32, #tpu.memory_space<vmem>>, vector<1x1x16xf32>,
          %parallel_loop3A_607 = vector.shape_cast %parallel_loop3A_606 : vector<1x1x16xf32> to vector<16xf32>
          %parallel_loop3A_608 = vector.broadcast %parallel_loop3A_556 : f32 to vector<16xf32>
          %parallel_loop3A_609 = arith.mulf %parallel_loop3A_607, %parallel_loop3A_608 : vector<16xf32>
          %parallel_loop3A_610 = arith.constant 0 : i32
          %parallel_loop3A_611 = arith.index_cast %parallel_loop3A_610 : i32 to index
          %parallel_loop3A_612 = arith.index_cast %parallel_loop3A_554 : i32 to index
          %parallel_loop3A_613 = arith.constant 48 : index
          %parallel_loop3A_614 = tpu.vector_load %arg11[%parallel_loop3A_611, %parallel_loop3A_612, %parallel_loop3A_613] {strides = array<i32>} : memref<3x80x64xf32, #tpu.memory_space<vmem>>, vector<1x1x16xf32>,
          %parallel_loop3A_615 = vector.shape_cast %parallel_loop3A_614 : vector<1x1x16xf32> to vector<16xf32>
          %parallel_loop3A_616 = vector.shape_cast %parallel_loop3A_609 : vector<16xf32> to vector<1x1x16xf32>
          tpu.vector_store %arg11[%parallel_loop3A_611, %parallel_loop3A_612, %parallel_loop3A_613], %parallel_loop3A_616 {strides = array<i32>} : memref<3x80x64xf32, #tpu.memory_space<vmem>>, vector<1x1x16xf32>,
          %parallel_loop3A_617 = arith.constant 16 : i32
          %parallel_loop3A_618 = arith.muli %parallel_loop3A_148, %parallel_loop3A_617 : i32
          %parallel_loop3A_619 = arith.constant 7 : i32
          %parallel_loop3A_620 = arith.addi %parallel_loop3A_618, %parallel_loop3A_619 : i32
          %parallel_loop3A_621 = vector.extract_strided_slice %parallel_loop3A_154 {offsets = [7], sizes = [1], strides = [1]} : vector<16xf32> to vector<1xf32>
          %parallel_loop3A_622 = vector.extract %parallel_loop3A_621[0] : f32 from vector<1xf32>
          %parallel_loop3A_623 = arith.constant 0 : i32
          %parallel_loop3A_624 = arith.index_cast %parallel_loop3A_623 : i32 to index
          %parallel_loop3A_625 = arith.index_cast %parallel_loop3A_620 : i32 to index
          %parallel_loop3A_626 = arith.constant 0 : index
          %parallel_loop3A_627 = tpu.vector_load %arg11[%parallel_loop3A_624, %parallel_loop3A_625, %parallel_loop3A_626] {strides = array<i32>} : memref<3x80x64xf32, #tpu.memory_space<vmem>>, vector<1x1x16xf32>,
          %parallel_loop3A_628 = vector.shape_cast %parallel_loop3A_627 : vector<1x1x16xf32> to vector<16xf32>
          %parallel_loop3A_629 = vector.broadcast %parallel_loop3A_622 : f32 to vector<16xf32>
          %parallel_loop3A_630 = arith.mulf %parallel_loop3A_628, %parallel_loop3A_629 : vector<16xf32>
          %parallel_loop3A_631 = arith.constant 0 : i32
          %parallel_loop3A_632 = arith.index_cast %parallel_loop3A_631 : i32 to index
          %parallel_loop3A_633 = arith.index_cast %parallel_loop3A_620 : i32 to index
          %parallel_loop3A_634 = arith.constant 0 : index
          %parallel_loop3A_635 = tpu.vector_load %arg11[%parallel_loop3A_632, %parallel_loop3A_633, %parallel_loop3A_634] {strides = array<i32>} : memref<3x80x64xf32, #tpu.memory_space<vmem>>, vector<1x1x16xf32>,
          %parallel_loop3A_636 = vector.shape_cast %parallel_loop3A_635 : vector<1x1x16xf32> to vector<16xf32>
          %parallel_loop3A_637 = vector.shape_cast %parallel_loop3A_630 : vector<16xf32> to vector<1x1x16xf32>
          tpu.vector_store %arg11[%parallel_loop3A_632, %parallel_loop3A_633, %parallel_loop3A_634], %parallel_loop3A_637 {strides = array<i32>} : memref<3x80x64xf32, #tpu.memory_space<vmem>>, vector<1x1x16xf32>,
          %parallel_loop3A_638 = arith.constant 0 : i32
          %parallel_loop3A_639 = arith.index_cast %parallel_loop3A_638 : i32 to index
          %parallel_loop3A_640 = arith.index_cast %parallel_loop3A_620 : i32 to index
          %parallel_loop3A_641 = arith.constant 16 : index
          %parallel_loop3A_642 = tpu.vector_load %arg11[%parallel_loop3A_639, %parallel_loop3A_640, %parallel_loop3A_641] {strides = array<i32>} : memref<3x80x64xf32, #tpu.memory_space<vmem>>, vector<1x1x16xf32>,
          %parallel_loop3A_643 = vector.shape_cast %parallel_loop3A_642 : vector<1x1x16xf32> to vector<16xf32>
          %parallel_loop3A_644 = vector.broadcast %parallel_loop3A_622 : f32 to vector<16xf32>
          %parallel_loop3A_645 = arith.mulf %parallel_loop3A_643, %parallel_loop3A_644 : vector<16xf32>
          %parallel_loop3A_646 = arith.constant 0 : i32
          %parallel_loop3A_647 = arith.index_cast %parallel_loop3A_646 : i32 to index
          %parallel_loop3A_648 = arith.index_cast %parallel_loop3A_620 : i32 to index
          %parallel_loop3A_649 = arith.constant 16 : index
          %parallel_loop3A_650 = tpu.vector_load %arg11[%parallel_loop3A_647, %parallel_loop3A_648, %parallel_loop3A_649] {strides = array<i32>} : memref<3x80x64xf32, #tpu.memory_space<vmem>>, vector<1x1x16xf32>,
          %parallel_loop3A_651 = vector.shape_cast %parallel_loop3A_650 : vector<1x1x16xf32> to vector<16xf32>
          %parallel_loop3A_652 = vector.shape_cast %parallel_loop3A_645 : vector<16xf32> to vector<1x1x16xf32>
          tpu.vector_store %arg11[%parallel_loop3A_647, %parallel_loop3A_648, %parallel_loop3A_649], %parallel_loop3A_652 {strides = array<i32>} : memref<3x80x64xf32, #tpu.memory_space<vmem>>, vector<1x1x16xf32>,
          %parallel_loop3A_653 = arith.constant 0 : i32
          %parallel_loop3A_654 = arith.index_cast %parallel_loop3A_653 : i32 to index
          %parallel_loop3A_655 = arith.index_cast %parallel_loop3A_620 : i32 to index
          %parallel_loop3A_656 = arith.constant 32 : index
          %parallel_loop3A_657 = tpu.vector_load %arg11[%parallel_loop3A_654, %parallel_loop3A_655, %parallel_loop3A_656] {strides = array<i32>} : memref<3x80x64xf32, #tpu.memory_space<vmem>>, vector<1x1x16xf32>,
          %parallel_loop3A_658 = vector.shape_cast %parallel_loop3A_657 : vector<1x1x16xf32> to vector<16xf32>
          %parallel_loop3A_659 = vector.broadcast %parallel_loop3A_622 : f32 to vector<16xf32>
          %parallel_loop3A_660 = arith.mulf %parallel_loop3A_658, %parallel_loop3A_659 : vector<16xf32>
          %parallel_loop3A_661 = arith.constant 0 : i32
          %parallel_loop3A_662 = arith.index_cast %parallel_loop3A_661 : i32 to index
          %parallel_loop3A_663 = arith.index_cast %parallel_loop3A_620 : i32 to index
          %parallel_loop3A_664 = arith.constant 32 : index
          %parallel_loop3A_665 = tpu.vector_load %arg11[%parallel_loop3A_662, %parallel_loop3A_663, %parallel_loop3A_664] {strides = array<i32>} : memref<3x80x64xf32, #tpu.memory_space<vmem>>, vector<1x1x16xf32>,
          %parallel_loop3A_666 = vector.shape_cast %parallel_loop3A_665 : vector<1x1x16xf32> to vector<16xf32>
          %parallel_loop3A_667 = vector.shape_cast %parallel_loop3A_660 : vector<16xf32> to vector<1x1x16xf32>
          tpu.vector_store %arg11[%parallel_loop3A_662, %parallel_loop3A_663, %parallel_loop3A_664], %parallel_loop3A_667 {strides = array<i32>} : memref<3x80x64xf32, #tpu.memory_space<vmem>>, vector<1x1x16xf32>,
          %parallel_loop3A_668 = arith.constant 0 : i32
          %parallel_loop3A_669 = arith.index_cast %parallel_loop3A_668 : i32 to index
          %parallel_loop3A_670 = arith.index_cast %parallel_loop3A_620 : i32 to index
          %parallel_loop3A_671 = arith.constant 48 : index
          %parallel_loop3A_672 = tpu.vector_load %arg11[%parallel_loop3A_669, %parallel_loop3A_670, %parallel_loop3A_671] {strides = array<i32>} : memref<3x80x64xf32, #tpu.memory_space<vmem>>, vector<1x1x16xf32>,
          %parallel_loop3A_673 = vector.shape_cast %parallel_loop3A_672 : vector<1x1x16xf32> to vector<16xf32>
          %parallel_loop3A_674 = vector.broadcast %parallel_loop3A_622 : f32 to vector<16xf32>
          %parallel_loop3A_675 = arith.mulf %parallel_loop3A_673, %parallel_loop3A_674 : vector<16xf32>
          %parallel_loop3A_676 = arith.constant 0 : i32
          %parallel_loop3A_677 = arith.index_cast %parallel_loop3A_676 : i32 to index
          %parallel_loop3A_678 = arith.index_cast %parallel_loop3A_620 : i32 to index
          %parallel_loop3A_679 = arith.constant 48 : index
          %parallel_loop3A_680 = tpu.vector_load %arg11[%parallel_loop3A_677, %parallel_loop3A_678, %parallel_loop3A_679] {strides = array<i32>} : memref<3x80x64xf32, #tpu.memory_space<vmem>>, vector<1x1x16xf32>,
          %parallel_loop3A_681 = vector.shape_cast %parallel_loop3A_680 : vector<1x1x16xf32> to vector<16xf32>
          %parallel_loop3A_682 = vector.shape_cast %parallel_loop3A_675 : vector<16xf32> to vector<1x1x16xf32>
          tpu.vector_store %arg11[%parallel_loop3A_677, %parallel_loop3A_678, %parallel_loop3A_679], %parallel_loop3A_682 {strides = array<i32>} : memref<3x80x64xf32, #tpu.memory_space<vmem>>, vector<1x1x16xf32>,
          %parallel_loop3A_683 = arith.constant 16 : i32
          %parallel_loop3A_684 = arith.muli %parallel_loop3A_148, %parallel_loop3A_683 : i32
          %parallel_loop3A_685 = arith.constant 8 : i32
          %parallel_loop3A_686 = arith.addi %parallel_loop3A_684, %parallel_loop3A_685 : i32
          %parallel_loop3A_687 = vector.extract_strided_slice %parallel_loop3A_154 {offsets = [8], sizes = [1], strides = [1]} : vector<16xf32> to vector<1xf32>
          %parallel_loop3A_688 = vector.extract %parallel_loop3A_687[0] : f32 from vector<1xf32>
          %parallel_loop3A_689 = arith.constant 0 : i32
          %parallel_loop3A_690 = arith.index_cast %parallel_loop3A_689 : i32 to index
          %parallel_loop3A_691 = arith.index_cast %parallel_loop3A_686 : i32 to index
          %parallel_loop3A_692 = arith.constant 0 : index
          %parallel_loop3A_693 = tpu.vector_load %arg11[%parallel_loop3A_690, %parallel_loop3A_691, %parallel_loop3A_692] {strides = array<i32>} : memref<3x80x64xf32, #tpu.memory_space<vmem>>, vector<1x1x16xf32>,
          %parallel_loop3A_694 = vector.shape_cast %parallel_loop3A_693 : vector<1x1x16xf32> to vector<16xf32>
          %parallel_loop3A_695 = vector.broadcast %parallel_loop3A_688 : f32 to vector<16xf32>
          %parallel_loop3A_696 = arith.mulf %parallel_loop3A_694, %parallel_loop3A_695 : vector<16xf32>
          %parallel_loop3A_697 = arith.constant 0 : i32
          %parallel_loop3A_698 = arith.index_cast %parallel_loop3A_697 : i32 to index
          %parallel_loop3A_699 = arith.index_cast %parallel_loop3A_686 : i32 to index
          %parallel_loop3A_700 = arith.constant 0 : index
          %parallel_loop3A_701 = tpu.vector_load %arg11[%parallel_loop3A_698, %parallel_loop3A_699, %parallel_loop3A_700] {strides = array<i32>} : memref<3x80x64xf32, #tpu.memory_space<vmem>>, vector<1x1x16xf32>,
          %parallel_loop3A_702 = vector.shape_cast %parallel_loop3A_701 : vector<1x1x16xf32> to vector<16xf32>
          %parallel_loop3A_703 = vector.shape_cast %parallel_loop3A_696 : vector<16xf32> to vector<1x1x16xf32>
          tpu.vector_store %arg11[%parallel_loop3A_698, %parallel_loop3A_699, %parallel_loop3A_700], %parallel_loop3A_703 {strides = array<i32>} : memref<3x80x64xf32, #tpu.memory_space<vmem>>, vector<1x1x16xf32>,
          %parallel_loop3A_704 = arith.constant 0 : i32
          %parallel_loop3A_705 = arith.index_cast %parallel_loop3A_704 : i32 to index
          %parallel_loop3A_706 = arith.index_cast %parallel_loop3A_686 : i32 to index
          %parallel_loop3A_707 = arith.constant 16 : index
          %parallel_loop3A_708 = tpu.vector_load %arg11[%parallel_loop3A_705, %parallel_loop3A_706, %parallel_loop3A_707] {strides = array<i32>} : memref<3x80x64xf32, #tpu.memory_space<vmem>>, vector<1x1x16xf32>,
          %parallel_loop3A_709 = vector.shape_cast %parallel_loop3A_708 : vector<1x1x16xf32> to vector<16xf32>
          %parallel_loop3A_710 = vector.broadcast %parallel_loop3A_688 : f32 to vector<16xf32>
          %parallel_loop3A_711 = arith.mulf %parallel_loop3A_709, %parallel_loop3A_710 : vector<16xf32>
          %parallel_loop3A_712 = arith.constant 0 : i32
          %parallel_loop3A_713 = arith.index_cast %parallel_loop3A_712 : i32 to index
          %parallel_loop3A_714 = arith.index_cast %parallel_loop3A_686 : i32 to index
          %parallel_loop3A_715 = arith.constant 16 : index
          %parallel_loop3A_716 = tpu.vector_load %arg11[%parallel_loop3A_713, %parallel_loop3A_714, %parallel_loop3A_715] {strides = array<i32>} : memref<3x80x64xf32, #tpu.memory_space<vmem>>, vector<1x1x16xf32>,
          %parallel_loop3A_717 = vector.shape_cast %parallel_loop3A_716 : vector<1x1x16xf32> to vector<16xf32>
          %parallel_loop3A_718 = vector.shape_cast %parallel_loop3A_711 : vector<16xf32> to vector<1x1x16xf32>
          tpu.vector_store %arg11[%parallel_loop3A_713, %parallel_loop3A_714, %parallel_loop3A_715], %parallel_loop3A_718 {strides = array<i32>} : memref<3x80x64xf32, #tpu.memory_space<vmem>>, vector<1x1x16xf32>,
          %parallel_loop3A_719 = arith.constant 0 : i32
          %parallel_loop3A_720 = arith.index_cast %parallel_loop3A_719 : i32 to index
          %parallel_loop3A_721 = arith.index_cast %parallel_loop3A_686 : i32 to index
          %parallel_loop3A_722 = arith.constant 32 : index
          %parallel_loop3A_723 = tpu.vector_load %arg11[%parallel_loop3A_720, %parallel_loop3A_721, %parallel_loop3A_722] {strides = array<i32>} : memref<3x80x64xf32, #tpu.memory_space<vmem>>, vector<1x1x16xf32>,
          %parallel_loop3A_724 = vector.shape_cast %parallel_loop3A_723 : vector<1x1x16xf32> to vector<16xf32>
          %parallel_loop3A_725 = vector.broadcast %parallel_loop3A_688 : f32 to vector<16xf32>
          %parallel_loop3A_726 = arith.mulf %parallel_loop3A_724, %parallel_loop3A_725 : vector<16xf32>
          %parallel_loop3A_727 = arith.constant 0 : i32
          %parallel_loop3A_728 = arith.index_cast %parallel_loop3A_727 : i32 to index
          %parallel_loop3A_729 = arith.index_cast %parallel_loop3A_686 : i32 to index
          %parallel_loop3A_730 = arith.constant 32 : index
          %parallel_loop3A_731 = tpu.vector_load %arg11[%parallel_loop3A_728, %parallel_loop3A_729, %parallel_loop3A_730] {strides = array<i32>} : memref<3x80x64xf32, #tpu.memory_space<vmem>>, vector<1x1x16xf32>,
          %parallel_loop3A_732 = vector.shape_cast %parallel_loop3A_731 : vector<1x1x16xf32> to vector<16xf32>
          %parallel_loop3A_733 = vector.shape_cast %parallel_loop3A_726 : vector<16xf32> to vector<1x1x16xf32>
          tpu.vector_store %arg11[%parallel_loop3A_728, %parallel_loop3A_729, %parallel_loop3A_730], %parallel_loop3A_733 {strides = array<i32>} : memref<3x80x64xf32, #tpu.memory_space<vmem>>, vector<1x1x16xf32>,
          %parallel_loop3A_734 = arith.constant 0 : i32
          %parallel_loop3A_735 = arith.index_cast %parallel_loop3A_734 : i32 to index
          %parallel_loop3A_736 = arith.index_cast %parallel_loop3A_686 : i32 to index
          %parallel_loop3A_737 = arith.constant 48 : index
          %parallel_loop3A_738 = tpu.vector_load %arg11[%parallel_loop3A_735, %parallel_loop3A_736, %parallel_loop3A_737] {strides = array<i32>} : memref<3x80x64xf32, #tpu.memory_space<vmem>>, vector<1x1x16xf32>,
          %parallel_loop3A_739 = vector.shape_cast %parallel_loop3A_738 : vector<1x1x16xf32> to vector<16xf32>
          %parallel_loop3A_740 = vector.broadcast %parallel_loop3A_688 : f32 to vector<16xf32>
          %parallel_loop3A_741 = arith.mulf %parallel_loop3A_739, %parallel_loop3A_740 : vector<16xf32>
          %parallel_loop3A_742 = arith.constant 0 : i32
          %parallel_loop3A_743 = arith.index_cast %parallel_loop3A_742 : i32 to index
          %parallel_loop3A_744 = arith.index_cast %parallel_loop3A_686 : i32 to index
          %parallel_loop3A_745 = arith.constant 48 : index
          %parallel_loop3A_746 = tpu.vector_load %arg11[%parallel_loop3A_743, %parallel_loop3A_744, %parallel_loop3A_745] {strides = array<i32>} : memref<3x80x64xf32, #tpu.memory_space<vmem>>, vector<1x1x16xf32>,
          %parallel_loop3A_747 = vector.shape_cast %parallel_loop3A_746 : vector<1x1x16xf32> to vector<16xf32>
          %parallel_loop3A_748 = vector.shape_cast %parallel_loop3A_741 : vector<16xf32> to vector<1x1x16xf32>
          tpu.vector_store %arg11[%parallel_loop3A_743, %parallel_loop3A_744, %parallel_loop3A_745], %parallel_loop3A_748 {strides = array<i32>} : memref<3x80x64xf32, #tpu.memory_space<vmem>>, vector<1x1x16xf32>,
          %parallel_loop3A_749 = arith.constant 16 : i32
          %parallel_loop3A_750 = arith.muli %parallel_loop3A_148, %parallel_loop3A_749 : i32
          %parallel_loop3A_751 = arith.constant 9 : i32
          %parallel_loop3A_752 = arith.addi %parallel_loop3A_750, %parallel_loop3A_751 : i32
          %parallel_loop3A_753 = vector.extract_strided_slice %parallel_loop3A_154 {offsets = [9], sizes = [1], strides = [1]} : vector<16xf32> to vector<1xf32>
          %parallel_loop3A_754 = vector.extract %parallel_loop3A_753[0] : f32 from vector<1xf32>
          %parallel_loop3A_755 = arith.constant 0 : i32
          %parallel_loop3A_756 = arith.index_cast %parallel_loop3A_755 : i32 to index
          %parallel_loop3A_757 = arith.index_cast %parallel_loop3A_752 : i32 to index
          %parallel_loop3A_758 = arith.constant 0 : index
          %parallel_loop3A_759 = tpu.vector_load %arg11[%parallel_loop3A_756, %parallel_loop3A_757, %parallel_loop3A_758] {strides = array<i32>} : memref<3x80x64xf32, #tpu.memory_space<vmem>>, vector<1x1x16xf32>,
          %parallel_loop3A_760 = vector.shape_cast %parallel_loop3A_759 : vector<1x1x16xf32> to vector<16xf32>
          %parallel_loop3A_761 = vector.broadcast %parallel_loop3A_754 : f32 to vector<16xf32>
          %parallel_loop3A_762 = arith.mulf %parallel_loop3A_760, %parallel_loop3A_761 : vector<16xf32>
          %parallel_loop3A_763 = arith.constant 0 : i32
          %parallel_loop3A_764 = arith.index_cast %parallel_loop3A_763 : i32 to index
          %parallel_loop3A_765 = arith.index_cast %parallel_loop3A_752 : i32 to index
          %parallel_loop3A_766 = arith.constant 0 : index
          %parallel_loop3A_767 = tpu.vector_load %arg11[%parallel_loop3A_764, %parallel_loop3A_765, %parallel_loop3A_766] {strides = array<i32>} : memref<3x80x64xf32, #tpu.memory_space<vmem>>, vector<1x1x16xf32>,
          %parallel_loop3A_768 = vector.shape_cast %parallel_loop3A_767 : vector<1x1x16xf32> to vector<16xf32>
          %parallel_loop3A_769 = vector.shape_cast %parallel_loop3A_762 : vector<16xf32> to vector<1x1x16xf32>
          tpu.vector_store %arg11[%parallel_loop3A_764, %parallel_loop3A_765, %parallel_loop3A_766], %parallel_loop3A_769 {strides = array<i32>} : memref<3x80x64xf32, #tpu.memory_space<vmem>>, vector<1x1x16xf32>,
          %parallel_loop3A_770 = arith.constant 0 : i32
          %parallel_loop3A_771 = arith.index_cast %parallel_loop3A_770 : i32 to index
          %parallel_loop3A_772 = arith.index_cast %parallel_loop3A_752 : i32 to index
          %parallel_loop3A_773 = arith.constant 16 : index
          %parallel_loop3A_774 = tpu.vector_load %arg11[%parallel_loop3A_771, %parallel_loop3A_772, %parallel_loop3A_773] {strides = array<i32>} : memref<3x80x64xf32, #tpu.memory_space<vmem>>, vector<1x1x16xf32>,
          %parallel_loop3A_775 = vector.shape_cast %parallel_loop3A_774 : vector<1x1x16xf32> to vector<16xf32>
          %parallel_loop3A_776 = vector.broadcast %parallel_loop3A_754 : f32 to vector<16xf32>
          %parallel_loop3A_777 = arith.mulf %parallel_loop3A_775, %parallel_loop3A_776 : vector<16xf32>
          %parallel_loop3A_778 = arith.constant 0 : i32
          %parallel_loop3A_779 = arith.index_cast %parallel_loop3A_778 : i32 to index
          %parallel_loop3A_780 = arith.index_cast %parallel_loop3A_752 : i32 to index
          %parallel_loop3A_781 = arith.constant 16 : index
          %parallel_loop3A_782 = tpu.vector_load %arg11[%parallel_loop3A_779, %parallel_loop3A_780, %parallel_loop3A_781] {strides = array<i32>} : memref<3x80x64xf32, #tpu.memory_space<vmem>>, vector<1x1x16xf32>,
          %parallel_loop3A_783 = vector.shape_cast %parallel_loop3A_782 : vector<1x1x16xf32> to vector<16xf32>
          %parallel_loop3A_784 = vector.shape_cast %parallel_loop3A_777 : vector<16xf32> to vector<1x1x16xf32>
          tpu.vector_store %arg11[%parallel_loop3A_779, %parallel_loop3A_780, %parallel_loop3A_781], %parallel_loop3A_784 {strides = array<i32>} : memref<3x80x64xf32, #tpu.memory_space<vmem>>, vector<1x1x16xf32>,
          %parallel_loop3A_785 = arith.constant 0 : i32
          %parallel_loop3A_786 = arith.index_cast %parallel_loop3A_785 : i32 to index
          %parallel_loop3A_787 = arith.index_cast %parallel_loop3A_752 : i32 to index
          %parallel_loop3A_788 = arith.constant 32 : index
          %parallel_loop3A_789 = tpu.vector_load %arg11[%parallel_loop3A_786, %parallel_loop3A_787, %parallel_loop3A_788] {strides = array<i32>} : memref<3x80x64xf32, #tpu.memory_space<vmem>>, vector<1x1x16xf32>,
          %parallel_loop3A_790 = vector.shape_cast %parallel_loop3A_789 : vector<1x1x16xf32> to vector<16xf32>
          %parallel_loop3A_791 = vector.broadcast %parallel_loop3A_754 : f32 to vector<16xf32>
          %parallel_loop3A_792 = arith.mulf %parallel_loop3A_790, %parallel_loop3A_791 : vector<16xf32>
          %parallel_loop3A_793 = arith.constant 0 : i32
          %parallel_loop3A_794 = arith.index_cast %parallel_loop3A_793 : i32 to index
          %parallel_loop3A_795 = arith.index_cast %parallel_loop3A_752 : i32 to index
          %parallel_loop3A_796 = arith.constant 32 : index
          %parallel_loop3A_797 = tpu.vector_load %arg11[%parallel_loop3A_794, %parallel_loop3A_795, %parallel_loop3A_796] {strides = array<i32>} : memref<3x80x64xf32, #tpu.memory_space<vmem>>, vector<1x1x16xf32>,
          %parallel_loop3A_798 = vector.shape_cast %parallel_loop3A_797 : vector<1x1x16xf32> to vector<16xf32>
          %parallel_loop3A_799 = vector.shape_cast %parallel_loop3A_792 : vector<16xf32> to vector<1x1x16xf32>
          tpu.vector_store %arg11[%parallel_loop3A_794, %parallel_loop3A_795, %parallel_loop3A_796], %parallel_loop3A_799 {strides = array<i32>} : memref<3x80x64xf32, #tpu.memory_space<vmem>>, vector<1x1x16xf32>,
          %parallel_loop3A_800 = arith.constant 0 : i32
          %parallel_loop3A_801 = arith.index_cast %parallel_loop3A_800 : i32 to index
          %parallel_loop3A_802 = arith.index_cast %parallel_loop3A_752 : i32 to index
          %parallel_loop3A_803 = arith.constant 48 : index
          %parallel_loop3A_804 = tpu.vector_load %arg11[%parallel_loop3A_801, %parallel_loop3A_802, %parallel_loop3A_803] {strides = array<i32>} : memref<3x80x64xf32, #tpu.memory_space<vmem>>, vector<1x1x16xf32>,
          %parallel_loop3A_805 = vector.shape_cast %parallel_loop3A_804 : vector<1x1x16xf32> to vector<16xf32>
          %parallel_loop3A_806 = vector.broadcast %parallel_loop3A_754 : f32 to vector<16xf32>
          %parallel_loop3A_807 = arith.mulf %parallel_loop3A_805, %parallel_loop3A_806 : vector<16xf32>
          %parallel_loop3A_808 = arith.constant 0 : i32
          %parallel_loop3A_809 = arith.index_cast %parallel_loop3A_808 : i32 to index
          %parallel_loop3A_810 = arith.index_cast %parallel_loop3A_752 : i32 to index
          %parallel_loop3A_811 = arith.constant 48 : index
          %parallel_loop3A_812 = tpu.vector_load %arg11[%parallel_loop3A_809, %parallel_loop3A_810, %parallel_loop3A_811] {strides = array<i32>} : memref<3x80x64xf32, #tpu.memory_space<vmem>>, vector<1x1x16xf32>,
          %parallel_loop3A_813 = vector.shape_cast %parallel_loop3A_812 : vector<1x1x16xf32> to vector<16xf32>
          %parallel_loop3A_814 = vector.shape_cast %parallel_loop3A_807 : vector<16xf32> to vector<1x1x16xf32>
          tpu.vector_store %arg11[%parallel_loop3A_809, %parallel_loop3A_810, %parallel_loop3A_811], %parallel_loop3A_814 {strides = array<i32>} : memref<3x80x64xf32, #tpu.memory_space<vmem>>, vector<1x1x16xf32>,
          %parallel_loop3A_815 = arith.constant 16 : i32
          %parallel_loop3A_816 = arith.muli %parallel_loop3A_148, %parallel_loop3A_815 : i32
          %parallel_loop3A_817 = arith.constant 10 : i32
          %parallel_loop3A_818 = arith.addi %parallel_loop3A_816, %parallel_loop3A_817 : i32
          %parallel_loop3A_819 = vector.extract_strided_slice %parallel_loop3A_154 {offsets = [10], sizes = [1], strides = [1]} : vector<16xf32> to vector<1xf32>
          %parallel_loop3A_820 = vector.extract %parallel_loop3A_819[0] : f32 from vector<1xf32>
          %parallel_loop3A_821 = arith.constant 0 : i32
          %parallel_loop3A_822 = arith.index_cast %parallel_loop3A_821 : i32 to index
          %parallel_loop3A_823 = arith.index_cast %parallel_loop3A_818 : i32 to index
          %parallel_loop3A_824 = arith.constant 0 : index
          %parallel_loop3A_825 = tpu.vector_load %arg11[%parallel_loop3A_822, %parallel_loop3A_823, %parallel_loop3A_824] {strides = array<i32>} : memref<3x80x64xf32, #tpu.memory_space<vmem>>, vector<1x1x16xf32>,
          %parallel_loop3A_826 = vector.shape_cast %parallel_loop3A_825 : vector<1x1x16xf32> to vector<16xf32>
          %parallel_loop3A_827 = vector.broadcast %parallel_loop3A_820 : f32 to vector<16xf32>
          %parallel_loop3A_828 = arith.mulf %parallel_loop3A_826, %parallel_loop3A_827 : vector<16xf32>
          %parallel_loop3A_829 = arith.constant 0 : i32
          %parallel_loop3A_830 = arith.index_cast %parallel_loop3A_829 : i32 to index
          %parallel_loop3A_831 = arith.index_cast %parallel_loop3A_818 : i32 to index
          %parallel_loop3A_832 = arith.constant 0 : index
          %parallel_loop3A_833 = tpu.vector_load %arg11[%parallel_loop3A_830, %parallel_loop3A_831, %parallel_loop3A_832] {strides = array<i32>} : memref<3x80x64xf32, #tpu.memory_space<vmem>>, vector<1x1x16xf32>,
          %parallel_loop3A_834 = vector.shape_cast %parallel_loop3A_833 : vector<1x1x16xf32> to vector<16xf32>
          %parallel_loop3A_835 = vector.shape_cast %parallel_loop3A_828 : vector<16xf32> to vector<1x1x16xf32>
          tpu.vector_store %arg11[%parallel_loop3A_830, %parallel_loop3A_831, %parallel_loop3A_832], %parallel_loop3A_835 {strides = array<i32>} : memref<3x80x64xf32, #tpu.memory_space<vmem>>, vector<1x1x16xf32>,
          %parallel_loop3A_836 = arith.constant 0 : i32
          %parallel_loop3A_837 = arith.index_cast %parallel_loop3A_836 : i32 to index
          %parallel_loop3A_838 = arith.index_cast %parallel_loop3A_818 : i32 to index
          %parallel_loop3A_839 = arith.constant 16 : index
          %parallel_loop3A_840 = tpu.vector_load %arg11[%parallel_loop3A_837, %parallel_loop3A_838, %parallel_loop3A_839] {strides = array<i32>} : memref<3x80x64xf32, #tpu.memory_space<vmem>>, vector<1x1x16xf32>,
          %parallel_loop3A_841 = vector.shape_cast %parallel_loop3A_840 : vector<1x1x16xf32> to vector<16xf32>
          %parallel_loop3A_842 = vector.broadcast %parallel_loop3A_820 : f32 to vector<16xf32>
          %parallel_loop3A_843 = arith.mulf %parallel_loop3A_841, %parallel_loop3A_842 : vector<16xf32>
          %parallel_loop3A_844 = arith.constant 0 : i32
          %parallel_loop3A_845 = arith.index_cast %parallel_loop3A_844 : i32 to index
          %parallel_loop3A_846 = arith.index_cast %parallel_loop3A_818 : i32 to index
          %parallel_loop3A_847 = arith.constant 16 : index
          %parallel_loop3A_848 = tpu.vector_load %arg11[%parallel_loop3A_845, %parallel_loop3A_846, %parallel_loop3A_847] {strides = array<i32>} : memref<3x80x64xf32, #tpu.memory_space<vmem>>, vector<1x1x16xf32>,
          %parallel_loop3A_849 = vector.shape_cast %parallel_loop3A_848 : vector<1x1x16xf32> to vector<16xf32>
          %parallel_loop3A_850 = vector.shape_cast %parallel_loop3A_843 : vector<16xf32> to vector<1x1x16xf32>
          tpu.vector_store %arg11[%parallel_loop3A_845, %parallel_loop3A_846, %parallel_loop3A_847], %parallel_loop3A_850 {strides = array<i32>} : memref<3x80x64xf32, #tpu.memory_space<vmem>>, vector<1x1x16xf32>,
          %parallel_loop3A_851 = arith.constant 0 : i32
          %parallel_loop3A_852 = arith.index_cast %parallel_loop3A_851 : i32 to index
          %parallel_loop3A_853 = arith.index_cast %parallel_loop3A_818 : i32 to index
          %parallel_loop3A_854 = arith.constant 32 : index
          %parallel_loop3A_855 = tpu.vector_load %arg11[%parallel_loop3A_852, %parallel_loop3A_853, %parallel_loop3A_854] {strides = array<i32>} : memref<3x80x64xf32, #tpu.memory_space<vmem>>, vector<1x1x16xf32>,
          %parallel_loop3A_856 = vector.shape_cast %parallel_loop3A_855 : vector<1x1x16xf32> to vector<16xf32>
          %parallel_loop3A_857 = vector.broadcast %parallel_loop3A_820 : f32 to vector<16xf32>
          %parallel_loop3A_858 = arith.mulf %parallel_loop3A_856, %parallel_loop3A_857 : vector<16xf32>
          %parallel_loop3A_859 = arith.constant 0 : i32
          %parallel_loop3A_860 = arith.index_cast %parallel_loop3A_859 : i32 to index
          %parallel_loop3A_861 = arith.index_cast %parallel_loop3A_818 : i32 to index
          %parallel_loop3A_862 = arith.constant 32 : index
          %parallel_loop3A_863 = tpu.vector_load %arg11[%parallel_loop3A_860, %parallel_loop3A_861, %parallel_loop3A_862] {strides = array<i32>} : memref<3x80x64xf32, #tpu.memory_space<vmem>>, vector<1x1x16xf32>,
          %parallel_loop3A_864 = vector.shape_cast %parallel_loop3A_863 : vector<1x1x16xf32> to vector<16xf32>
          %parallel_loop3A_865 = vector.shape_cast %parallel_loop3A_858 : vector<16xf32> to vector<1x1x16xf32>
          tpu.vector_store %arg11[%parallel_loop3A_860, %parallel_loop3A_861, %parallel_loop3A_862], %parallel_loop3A_865 {strides = array<i32>} : memref<3x80x64xf32, #tpu.memory_space<vmem>>, vector<1x1x16xf32>,
          %parallel_loop3A_866 = arith.constant 0 : i32
          %parallel_loop3A_867 = arith.index_cast %parallel_loop3A_866 : i32 to index
          %parallel_loop3A_868 = arith.index_cast %parallel_loop3A_818 : i32 to index
          %parallel_loop3A_869 = arith.constant 48 : index
          %parallel_loop3A_870 = tpu.vector_load %arg11[%parallel_loop3A_867, %parallel_loop3A_868, %parallel_loop3A_869] {strides = array<i32>} : memref<3x80x64xf32, #tpu.memory_space<vmem>>, vector<1x1x16xf32>,
          %parallel_loop3A_871 = vector.shape_cast %parallel_loop3A_870 : vector<1x1x16xf32> to vector<16xf32>
          %parallel_loop3A_872 = vector.broadcast %parallel_loop3A_820 : f32 to vector<16xf32>
          %parallel_loop3A_873 = arith.mulf %parallel_loop3A_871, %parallel_loop3A_872 : vector<16xf32>
          %parallel_loop3A_874 = arith.constant 0 : i32
          %parallel_loop3A_875 = arith.index_cast %parallel_loop3A_874 : i32 to index
          %parallel_loop3A_876 = arith.index_cast %parallel_loop3A_818 : i32 to index
          %parallel_loop3A_877 = arith.constant 48 : index
          %parallel_loop3A_878 = tpu.vector_load %arg11[%parallel_loop3A_875, %parallel_loop3A_876, %parallel_loop3A_877] {strides = array<i32>} : memref<3x80x64xf32, #tpu.memory_space<vmem>>, vector<1x1x16xf32>,
          %parallel_loop3A_879 = vector.shape_cast %parallel_loop3A_878 : vector<1x1x16xf32> to vector<16xf32>
          %parallel_loop3A_880 = vector.shape_cast %parallel_loop3A_873 : vector<16xf32> to vector<1x1x16xf32>
          tpu.vector_store %arg11[%parallel_loop3A_875, %parallel_loop3A_876, %parallel_loop3A_877], %parallel_loop3A_880 {strides = array<i32>} : memref<3x80x64xf32, #tpu.memory_space<vmem>>, vector<1x1x16xf32>,
          %parallel_loop3A_881 = arith.constant 16 : i32
          %parallel_loop3A_882 = arith.muli %parallel_loop3A_148, %parallel_loop3A_881 : i32
          %parallel_loop3A_883 = arith.constant 11 : i32
          %parallel_loop3A_884 = arith.addi %parallel_loop3A_882, %parallel_loop3A_883 : i32
          %parallel_loop3A_885 = vector.extract_strided_slice %parallel_loop3A_154 {offsets = [11], sizes = [1], strides = [1]} : vector<16xf32> to vector<1xf32>
          %parallel_loop3A_886 = vector.extract %parallel_loop3A_885[0] : f32 from vector<1xf32>
          %parallel_loop3A_887 = arith.constant 0 : i32
          %parallel_loop3A_888 = arith.index_cast %parallel_loop3A_887 : i32 to index
          %parallel_loop3A_889 = arith.index_cast %parallel_loop3A_884 : i32 to index
          %parallel_loop3A_890 = arith.constant 0 : index
          %parallel_loop3A_891 = tpu.vector_load %arg11[%parallel_loop3A_888, %parallel_loop3A_889, %parallel_loop3A_890] {strides = array<i32>} : memref<3x80x64xf32, #tpu.memory_space<vmem>>, vector<1x1x16xf32>,
          %parallel_loop3A_892 = vector.shape_cast %parallel_loop3A_891 : vector<1x1x16xf32> to vector<16xf32>
          %parallel_loop3A_893 = vector.broadcast %parallel_loop3A_886 : f32 to vector<16xf32>
          %parallel_loop3A_894 = arith.mulf %parallel_loop3A_892, %parallel_loop3A_893 : vector<16xf32>
          %parallel_loop3A_895 = arith.constant 0 : i32
          %parallel_loop3A_896 = arith.index_cast %parallel_loop3A_895 : i32 to index
          %parallel_loop3A_897 = arith.index_cast %parallel_loop3A_884 : i32 to index
          %parallel_loop3A_898 = arith.constant 0 : index
          %parallel_loop3A_899 = tpu.vector_load %arg11[%parallel_loop3A_896, %parallel_loop3A_897, %parallel_loop3A_898] {strides = array<i32>} : memref<3x80x64xf32, #tpu.memory_space<vmem>>, vector<1x1x16xf32>,
          %parallel_loop3A_900 = vector.shape_cast %parallel_loop3A_899 : vector<1x1x16xf32> to vector<16xf32>
          %parallel_loop3A_901 = vector.shape_cast %parallel_loop3A_894 : vector<16xf32> to vector<1x1x16xf32>
          tpu.vector_store %arg11[%parallel_loop3A_896, %parallel_loop3A_897, %parallel_loop3A_898], %parallel_loop3A_901 {strides = array<i32>} : memref<3x80x64xf32, #tpu.memory_space<vmem>>, vector<1x1x16xf32>,
          %parallel_loop3A_902 = arith.constant 0 : i32
          %parallel_loop3A_903 = arith.index_cast %parallel_loop3A_902 : i32 to index
          %parallel_loop3A_904 = arith.index_cast %parallel_loop3A_884 : i32 to index
          %parallel_loop3A_905 = arith.constant 16 : index
          %parallel_loop3A_906 = tpu.vector_load %arg11[%parallel_loop3A_903, %parallel_loop3A_904, %parallel_loop3A_905] {strides = array<i32>} : memref<3x80x64xf32, #tpu.memory_space<vmem>>, vector<1x1x16xf32>,
          %parallel_loop3A_907 = vector.shape_cast %parallel_loop3A_906 : vector<1x1x16xf32> to vector<16xf32>
          %parallel_loop3A_908 = vector.broadcast %parallel_loop3A_886 : f32 to vector<16xf32>
          %parallel_loop3A_909 = arith.mulf %parallel_loop3A_907, %parallel_loop3A_908 : vector<16xf32>
          %parallel_loop3A_910 = arith.constant 0 : i32
          %parallel_loop3A_911 = arith.index_cast %parallel_loop3A_910 : i32 to index
          %parallel_loop3A_912 = arith.index_cast %parallel_loop3A_884 : i32 to index
          %parallel_loop3A_913 = arith.constant 16 : index
          %parallel_loop3A_914 = tpu.vector_load %arg11[%parallel_loop3A_911, %parallel_loop3A_912, %parallel_loop3A_913] {strides = array<i32>} : memref<3x80x64xf32, #tpu.memory_space<vmem>>, vector<1x1x16xf32>,
          %parallel_loop3A_915 = vector.shape_cast %parallel_loop3A_914 : vector<1x1x16xf32> to vector<16xf32>
          %parallel_loop3A_916 = vector.shape_cast %parallel_loop3A_909 : vector<16xf32> to vector<1x1x16xf32>
          tpu.vector_store %arg11[%parallel_loop3A_911, %parallel_loop3A_912, %parallel_loop3A_913], %parallel_loop3A_916 {strides = array<i32>} : memref<3x80x64xf32, #tpu.memory_space<vmem>>, vector<1x1x16xf32>,
          %parallel_loop3A_917 = arith.constant 0 : i32
          %parallel_loop3A_918 = arith.index_cast %parallel_loop3A_917 : i32 to index
          %parallel_loop3A_919 = arith.index_cast %parallel_loop3A_884 : i32 to index
          %parallel_loop3A_920 = arith.constant 32 : index
          %parallel_loop3A_921 = tpu.vector_load %arg11[%parallel_loop3A_918, %parallel_loop3A_919, %parallel_loop3A_920] {strides = array<i32>} : memref<3x80x64xf32, #tpu.memory_space<vmem>>, vector<1x1x16xf32>,
          %parallel_loop3A_922 = vector.shape_cast %parallel_loop3A_921 : vector<1x1x16xf32> to vector<16xf32>
          %parallel_loop3A_923 = vector.broadcast %parallel_loop3A_886 : f32 to vector<16xf32>
          %parallel_loop3A_924 = arith.mulf %parallel_loop3A_922, %parallel_loop3A_923 : vector<16xf32>
          %parallel_loop3A_925 = arith.constant 0 : i32
          %parallel_loop3A_926 = arith.index_cast %parallel_loop3A_925 : i32 to index
          %parallel_loop3A_927 = arith.index_cast %parallel_loop3A_884 : i32 to index
          %parallel_loop3A_928 = arith.constant 32 : index
          %parallel_loop3A_929 = tpu.vector_load %arg11[%parallel_loop3A_926, %parallel_loop3A_927, %parallel_loop3A_928] {strides = array<i32>} : memref<3x80x64xf32, #tpu.memory_space<vmem>>, vector<1x1x16xf32>,
          %parallel_loop3A_930 = vector.shape_cast %parallel_loop3A_929 : vector<1x1x16xf32> to vector<16xf32>
          %parallel_loop3A_931 = vector.shape_cast %parallel_loop3A_924 : vector<16xf32> to vector<1x1x16xf32>
          tpu.vector_store %arg11[%parallel_loop3A_926, %parallel_loop3A_927, %parallel_loop3A_928], %parallel_loop3A_931 {strides = array<i32>} : memref<3x80x64xf32, #tpu.memory_space<vmem>>, vector<1x1x16xf32>,
          %parallel_loop3A_932 = arith.constant 0 : i32
          %parallel_loop3A_933 = arith.index_cast %parallel_loop3A_932 : i32 to index
          %parallel_loop3A_934 = arith.index_cast %parallel_loop3A_884 : i32 to index
          %parallel_loop3A_935 = arith.constant 48 : index
          %parallel_loop3A_936 = tpu.vector_load %arg11[%parallel_loop3A_933, %parallel_loop3A_934, %parallel_loop3A_935] {strides = array<i32>} : memref<3x80x64xf32, #tpu.memory_space<vmem>>, vector<1x1x16xf32>,
          %parallel_loop3A_937 = vector.shape_cast %parallel_loop3A_936 : vector<1x1x16xf32> to vector<16xf32>
          %parallel_loop3A_938 = vector.broadcast %parallel_loop3A_886 : f32 to vector<16xf32>
          %parallel_loop3A_939 = arith.mulf %parallel_loop3A_937, %parallel_loop3A_938 : vector<16xf32>
          %parallel_loop3A_940 = arith.constant 0 : i32
          %parallel_loop3A_941 = arith.index_cast %parallel_loop3A_940 : i32 to index
          %parallel_loop3A_942 = arith.index_cast %parallel_loop3A_884 : i32 to index
          %parallel_loop3A_943 = arith.constant 48 : index
          %parallel_loop3A_944 = tpu.vector_load %arg11[%parallel_loop3A_941, %parallel_loop3A_942, %parallel_loop3A_943] {strides = array<i32>} : memref<3x80x64xf32, #tpu.memory_space<vmem>>, vector<1x1x16xf32>,
          %parallel_loop3A_945 = vector.shape_cast %parallel_loop3A_944 : vector<1x1x16xf32> to vector<16xf32>
          %parallel_loop3A_946 = vector.shape_cast %parallel_loop3A_939 : vector<16xf32> to vector<1x1x16xf32>
          tpu.vector_store %arg11[%parallel_loop3A_941, %parallel_loop3A_942, %parallel_loop3A_943], %parallel_loop3A_946 {strides = array<i32>} : memref<3x80x64xf32, #tpu.memory_space<vmem>>, vector<1x1x16xf32>,
          %parallel_loop3A_947 = arith.constant 16 : i32
          %parallel_loop3A_948 = arith.muli %parallel_loop3A_148, %parallel_loop3A_947 : i32
          %parallel_loop3A_949 = arith.constant 12 : i32
          %parallel_loop3A_950 = arith.addi %parallel_loop3A_948, %parallel_loop3A_949 : i32
          %parallel_loop3A_951 = vector.extract_strided_slice %parallel_loop3A_154 {offsets = [12], sizes = [1], strides = [1]} : vector<16xf32> to vector<1xf32>
          %parallel_loop3A_952 = vector.extract %parallel_loop3A_951[0] : f32 from vector<1xf32>
          %parallel_loop3A_953 = arith.constant 0 : i32
          %parallel_loop3A_954 = arith.index_cast %parallel_loop3A_953 : i32 to index
          %parallel_loop3A_955 = arith.index_cast %parallel_loop3A_950 : i32 to index
          %parallel_loop3A_956 = arith.constant 0 : index
          %parallel_loop3A_957 = tpu.vector_load %arg11[%parallel_loop3A_954, %parallel_loop3A_955, %parallel_loop3A_956] {strides = array<i32>} : memref<3x80x64xf32, #tpu.memory_space<vmem>>, vector<1x1x16xf32>,
          %parallel_loop3A_958 = vector.shape_cast %parallel_loop3A_957 : vector<1x1x16xf32> to vector<16xf32>
          %parallel_loop3A_959 = vector.broadcast %parallel_loop3A_952 : f32 to vector<16xf32>
          %parallel_loop3A_960 = arith.mulf %parallel_loop3A_958, %parallel_loop3A_959 : vector<16xf32>
          %parallel_loop3A_961 = arith.constant 0 : i32
          %parallel_loop3A_962 = arith.index_cast %parallel_loop3A_961 : i32 to index
          %parallel_loop3A_963 = arith.index_cast %parallel_loop3A_950 : i32 to index
          %parallel_loop3A_964 = arith.constant 0 : index
          %parallel_loop3A_965 = tpu.vector_load %arg11[%parallel_loop3A_962, %parallel_loop3A_963, %parallel_loop3A_964] {strides = array<i32>} : memref<3x80x64xf32, #tpu.memory_space<vmem>>, vector<1x1x16xf32>,
          %parallel_loop3A_966 = vector.shape_cast %parallel_loop3A_965 : vector<1x1x16xf32> to vector<16xf32>
          %parallel_loop3A_967 = vector.shape_cast %parallel_loop3A_960 : vector<16xf32> to vector<1x1x16xf32>
          tpu.vector_store %arg11[%parallel_loop3A_962, %parallel_loop3A_963, %parallel_loop3A_964], %parallel_loop3A_967 {strides = array<i32>} : memref<3x80x64xf32, #tpu.memory_space<vmem>>, vector<1x1x16xf32>,
          %parallel_loop3A_968 = arith.constant 0 : i32
          %parallel_loop3A_969 = arith.index_cast %parallel_loop3A_968 : i32 to index
          %parallel_loop3A_970 = arith.index_cast %parallel_loop3A_950 : i32 to index
          %parallel_loop3A_971 = arith.constant 16 : index
          %parallel_loop3A_972 = tpu.vector_load %arg11[%parallel_loop3A_969, %parallel_loop3A_970, %parallel_loop3A_971] {strides = array<i32>} : memref<3x80x64xf32, #tpu.memory_space<vmem>>, vector<1x1x16xf32>,
          %parallel_loop3A_973 = vector.shape_cast %parallel_loop3A_972 : vector<1x1x16xf32> to vector<16xf32>
          %parallel_loop3A_974 = vector.broadcast %parallel_loop3A_952 : f32 to vector<16xf32>
          %parallel_loop3A_975 = arith.mulf %parallel_loop3A_973, %parallel_loop3A_974 : vector<16xf32>
          %parallel_loop3A_976 = arith.constant 0 : i32
          %parallel_loop3A_977 = arith.index_cast %parallel_loop3A_976 : i32 to index
          %parallel_loop3A_978 = arith.index_cast %parallel_loop3A_950 : i32 to index
          %parallel_loop3A_979 = arith.constant 16 : index
          %parallel_loop3A_980 = tpu.vector_load %arg11[%parallel_loop3A_977, %parallel_loop3A_978, %parallel_loop3A_979] {strides = array<i32>} : memref<3x80x64xf32, #tpu.memory_space<vmem>>, vector<1x1x16xf32>,
          %parallel_loop3A_981 = vector.shape_cast %parallel_loop3A_980 : vector<1x1x16xf32> to vector<16xf32>
          %parallel_loop3A_982 = vector.shape_cast %parallel_loop3A_975 : vector<16xf32> to vector<1x1x16xf32>
          tpu.vector_store %arg11[%parallel_loop3A_977, %parallel_loop3A_978, %parallel_loop3A_979], %parallel_loop3A_982 {strides = array<i32>} : memref<3x80x64xf32, #tpu.memory_space<vmem>>, vector<1x1x16xf32>,
          %parallel_loop3A_983 = arith.constant 0 : i32
          %parallel_loop3A_984 = arith.index_cast %parallel_loop3A_983 : i32 to index
          %parallel_loop3A_985 = arith.index_cast %parallel_loop3A_950 : i32 to index
          %parallel_loop3A_986 = arith.constant 32 : index
          %parallel_loop3A_987 = tpu.vector_load %arg11[%parallel_loop3A_984, %parallel_loop3A_985, %parallel_loop3A_986] {strides = array<i32>} : memref<3x80x64xf32, #tpu.memory_space<vmem>>, vector<1x1x16xf32>,
          %parallel_loop3A_988 = vector.shape_cast %parallel_loop3A_987 : vector<1x1x16xf32> to vector<16xf32>
          %parallel_loop3A_989 = vector.broadcast %parallel_loop3A_952 : f32 to vector<16xf32>
          %parallel_loop3A_990 = arith.mulf %parallel_loop3A_988, %parallel_loop3A_989 : vector<16xf32>
          %parallel_loop3A_991 = arith.constant 0 : i32
          %parallel_loop3A_992 = arith.index_cast %parallel_loop3A_991 : i32 to index
          %parallel_loop3A_993 = arith.index_cast %parallel_loop3A_950 : i32 to index
          %parallel_loop3A_994 = arith.constant 32 : index
          %parallel_loop3A_995 = tpu.vector_load %arg11[%parallel_loop3A_992, %parallel_loop3A_993, %parallel_loop3A_994] {strides = array<i32>} : memref<3x80x64xf32, #tpu.memory_space<vmem>>, vector<1x1x16xf32>,
          %parallel_loop3A_996 = vector.shape_cast %parallel_loop3A_995 : vector<1x1x16xf32> to vector<16xf32>
          %parallel_loop3A_997 = vector.shape_cast %parallel_loop3A_990 : vector<16xf32> to vector<1x1x16xf32>
          tpu.vector_store %arg11[%parallel_loop3A_992, %parallel_loop3A_993, %parallel_loop3A_994], %parallel_loop3A_997 {strides = array<i32>} : memref<3x80x64xf32, #tpu.memory_space<vmem>>, vector<1x1x16xf32>,
          %parallel_loop3A_998 = arith.constant 0 : i32
          %parallel_loop3A_999 = arith.index_cast %parallel_loop3A_998 : i32 to index
          %parallel_loop3A_1000 = arith.index_cast %parallel_loop3A_950 : i32 to index
          %parallel_loop3A_1001 = arith.constant 48 : index
          %parallel_loop3A_1002 = tpu.vector_load %arg11[%parallel_loop3A_999, %parallel_loop3A_1000, %parallel_loop3A_1001] {strides = array<i32>} : memref<3x80x64xf32, #tpu.memory_space<vmem>>, vector<1x1x16xf32>,
          %parallel_loop3A_1003 = vector.shape_cast %parallel_loop3A_1002 : vector<1x1x16xf32> to vector<16xf32>
          %parallel_loop3A_1004 = vector.broadcast %parallel_loop3A_952 : f32 to vector<16xf32>
          %parallel_loop3A_1005 = arith.mulf %parallel_loop3A_1003, %parallel_loop3A_1004 : vector<16xf32>
          %parallel_loop3A_1006 = arith.constant 0 : i32
          %parallel_loop3A_1007 = arith.index_cast %parallel_loop3A_1006 : i32 to index
          %parallel_loop3A_1008 = arith.index_cast %parallel_loop3A_950 : i32 to index
          %parallel_loop3A_1009 = arith.constant 48 : index
          %parallel_loop3A_1010 = tpu.vector_load %arg11[%parallel_loop3A_1007, %parallel_loop3A_1008, %parallel_loop3A_1009] {strides = array<i32>} : memref<3x80x64xf32, #tpu.memory_space<vmem>>, vector<1x1x16xf32>,
          %parallel_loop3A_1011 = vector.shape_cast %parallel_loop3A_1010 : vector<1x1x16xf32> to vector<16xf32>
          %parallel_loop3A_1012 = vector.shape_cast %parallel_loop3A_1005 : vector<16xf32> to vector<1x1x16xf32>
          tpu.vector_store %arg11[%parallel_loop3A_1007, %parallel_loop3A_1008, %parallel_loop3A_1009], %parallel_loop3A_1012 {strides = array<i32>} : memref<3x80x64xf32, #tpu.memory_space<vmem>>, vector<1x1x16xf32>,
          %parallel_loop3A_1013 = arith.constant 16 : i32
          %parallel_loop3A_1014 = arith.muli %parallel_loop3A_148, %parallel_loop3A_1013 : i32
          %parallel_loop3A_1015 = arith.constant 13 : i32
          %parallel_loop3A_1016 = arith.addi %parallel_loop3A_1014, %parallel_loop3A_1015 : i32
          %parallel_loop3A_1017 = vector.extract_strided_slice %parallel_loop3A_154 {offsets = [13], sizes = [1], strides = [1]} : vector<16xf32> to vector<1xf32>
          %parallel_loop3A_1018 = vector.extract %parallel_loop3A_1017[0] : f32 from vector<1xf32>
          %parallel_loop3A_1019 = arith.constant 0 : i32
          %parallel_loop3A_1020 = arith.index_cast %parallel_loop3A_1019 : i32 to index
          %parallel_loop3A_1021 = arith.index_cast %parallel_loop3A_1016 : i32 to index
          %parallel_loop3A_1022 = arith.constant 0 : index
          %parallel_loop3A_1023 = tpu.vector_load %arg11[%parallel_loop3A_1020, %parallel_loop3A_1021, %parallel_loop3A_1022] {strides = array<i32>} : memref<3x80x64xf32, #tpu.memory_space<vmem>>, vector<1x1x16xf32>,
          %parallel_loop3A_1024 = vector.shape_cast %parallel_loop3A_1023 : vector<1x1x16xf32> to vector<16xf32>
          %parallel_loop3A_1025 = vector.broadcast %parallel_loop3A_1018 : f32 to vector<16xf32>
          %parallel_loop3A_1026 = arith.mulf %parallel_loop3A_1024, %parallel_loop3A_1025 : vector<16xf32>
          %parallel_loop3A_1027 = arith.constant 0 : i32
          %parallel_loop3A_1028 = arith.index_cast %parallel_loop3A_1027 : i32 to index
          %parallel_loop3A_1029 = arith.index_cast %parallel_loop3A_1016 : i32 to index
          %parallel_loop3A_1030 = arith.constant 0 : index
          %parallel_loop3A_1031 = tpu.vector_load %arg11[%parallel_loop3A_1028, %parallel_loop3A_1029, %parallel_loop3A_1030] {strides = array<i32>} : memref<3x80x64xf32, #tpu.memory_space<vmem>>, vector<1x1x16xf32>,
          %parallel_loop3A_1032 = vector.shape_cast %parallel_loop3A_1031 : vector<1x1x16xf32> to vector<16xf32>
          %parallel_loop3A_1033 = vector.shape_cast %parallel_loop3A_1026 : vector<16xf32> to vector<1x1x16xf32>
          tpu.vector_store %arg11[%parallel_loop3A_1028, %parallel_loop3A_1029, %parallel_loop3A_1030], %parallel_loop3A_1033 {strides = array<i32>} : memref<3x80x64xf32, #tpu.memory_space<vmem>>, vector<1x1x16xf32>,
          %parallel_loop3A_1034 = arith.constant 0 : i32
          %parallel_loop3A_1035 = arith.index_cast %parallel_loop3A_1034 : i32 to index
          %parallel_loop3A_1036 = arith.index_cast %parallel_loop3A_1016 : i32 to index
          %parallel_loop3A_1037 = arith.constant 16 : index
          %parallel_loop3A_1038 = tpu.vector_load %arg11[%parallel_loop3A_1035, %parallel_loop3A_1036, %parallel_loop3A_1037] {strides = array<i32>} : memref<3x80x64xf32, #tpu.memory_space<vmem>>, vector<1x1x16xf32>,
          %parallel_loop3A_1039 = vector.shape_cast %parallel_loop3A_1038 : vector<1x1x16xf32> to vector<16xf32>
          %parallel_loop3A_1040 = vector.broadcast %parallel_loop3A_1018 : f32 to vector<16xf32>
          %parallel_loop3A_1041 = arith.mulf %parallel_loop3A_1039, %parallel_loop3A_1040 : vector<16xf32>
          %parallel_loop3A_1042 = arith.constant 0 : i32
          %parallel_loop3A_1043 = arith.index_cast %parallel_loop3A_1042 : i32 to index
          %parallel_loop3A_1044 = arith.index_cast %parallel_loop3A_1016 : i32 to index
          %parallel_loop3A_1045 = arith.constant 16 : index
          %parallel_loop3A_1046 = tpu.vector_load %arg11[%parallel_loop3A_1043, %parallel_loop3A_1044, %parallel_loop3A_1045] {strides = array<i32>} : memref<3x80x64xf32, #tpu.memory_space<vmem>>, vector<1x1x16xf32>,
          %parallel_loop3A_1047 = vector.shape_cast %parallel_loop3A_1046 : vector<1x1x16xf32> to vector<16xf32>
          %parallel_loop3A_1048 = vector.shape_cast %parallel_loop3A_1041 : vector<16xf32> to vector<1x1x16xf32>
          tpu.vector_store %arg11[%parallel_loop3A_1043, %parallel_loop3A_1044, %parallel_loop3A_1045], %parallel_loop3A_1048 {strides = array<i32>} : memref<3x80x64xf32, #tpu.memory_space<vmem>>, vector<1x1x16xf32>,
          %parallel_loop3A_1049 = arith.constant 0 : i32
          %parallel_loop3A_1050 = arith.index_cast %parallel_loop3A_1049 : i32 to index
          %parallel_loop3A_1051 = arith.index_cast %parallel_loop3A_1016 : i32 to index
          %parallel_loop3A_1052 = arith.constant 32 : index
          %parallel_loop3A_1053 = tpu.vector_load %arg11[%parallel_loop3A_1050, %parallel_loop3A_1051, %parallel_loop3A_1052] {strides = array<i32>} : memref<3x80x64xf32, #tpu.memory_space<vmem>>, vector<1x1x16xf32>,
          %parallel_loop3A_1054 = vector.shape_cast %parallel_loop3A_1053 : vector<1x1x16xf32> to vector<16xf32>
          %parallel_loop3A_1055 = vector.broadcast %parallel_loop3A_1018 : f32 to vector<16xf32>
          %parallel_loop3A_1056 = arith.mulf %parallel_loop3A_1054, %parallel_loop3A_1055 : vector<16xf32>
          %parallel_loop3A_1057 = arith.constant 0 : i32
          %parallel_loop3A_1058 = arith.index_cast %parallel_loop3A_1057 : i32 to index
          %parallel_loop3A_1059 = arith.index_cast %parallel_loop3A_1016 : i32 to index
          %parallel_loop3A_1060 = arith.constant 32 : index
          %parallel_loop3A_1061 = tpu.vector_load %arg11[%parallel_loop3A_1058, %parallel_loop3A_1059, %parallel_loop3A_1060] {strides = array<i32>} : memref<3x80x64xf32, #tpu.memory_space<vmem>>, vector<1x1x16xf32>,
          %parallel_loop3A_1062 = vector.shape_cast %parallel_loop3A_1061 : vector<1x1x16xf32> to vector<16xf32>
          %parallel_loop3A_1063 = vector.shape_cast %parallel_loop3A_1056 : vector<16xf32> to vector<1x1x16xf32>
          tpu.vector_store %arg11[%parallel_loop3A_1058, %parallel_loop3A_1059, %parallel_loop3A_1060], %parallel_loop3A_1063 {strides = array<i32>} : memref<3x80x64xf32, #tpu.memory_space<vmem>>, vector<1x1x16xf32>,
          %parallel_loop3A_1064 = arith.constant 0 : i32
          %parallel_loop3A_1065 = arith.index_cast %parallel_loop3A_1064 : i32 to index
          %parallel_loop3A_1066 = arith.index_cast %parallel_loop3A_1016 : i32 to index
          %parallel_loop3A_1067 = arith.constant 48 : index
          %parallel_loop3A_1068 = tpu.vector_load %arg11[%parallel_loop3A_1065, %parallel_loop3A_1066, %parallel_loop3A_1067] {strides = array<i32>} : memref<3x80x64xf32, #tpu.memory_space<vmem>>, vector<1x1x16xf32>,
          %parallel_loop3A_1069 = vector.shape_cast %parallel_loop3A_1068 : vector<1x1x16xf32> to vector<16xf32>
          %parallel_loop3A_1070 = vector.broadcast %parallel_loop3A_1018 : f32 to vector<16xf32>
          %parallel_loop3A_1071 = arith.mulf %parallel_loop3A_1069, %parallel_loop3A_1070 : vector<16xf32>
          %parallel_loop3A_1072 = arith.constant 0 : i32
          %parallel_loop3A_1073 = arith.index_cast %parallel_loop3A_1072 : i32 to index
          %parallel_loop3A_1074 = arith.index_cast %parallel_loop3A_1016 : i32 to index
          %parallel_loop3A_1075 = arith.constant 48 : index
          %parallel_loop3A_1076 = tpu.vector_load %arg11[%parallel_loop3A_1073, %parallel_loop3A_1074, %parallel_loop3A_1075] {strides = array<i32>} : memref<3x80x64xf32, #tpu.memory_space<vmem>>, vector<1x1x16xf32>,
          %parallel_loop3A_1077 = vector.shape_cast %parallel_loop3A_1076 : vector<1x1x16xf32> to vector<16xf32>
          %parallel_loop3A_1078 = vector.shape_cast %parallel_loop3A_1071 : vector<16xf32> to vector<1x1x16xf32>
          tpu.vector_store %arg11[%parallel_loop3A_1073, %parallel_loop3A_1074, %parallel_loop3A_1075], %parallel_loop3A_1078 {strides = array<i32>} : memref<3x80x64xf32, #tpu.memory_space<vmem>>, vector<1x1x16xf32>,
          %parallel_loop3A_1079 = arith.constant 16 : i32
          %parallel_loop3A_1080 = arith.muli %parallel_loop3A_148, %parallel_loop3A_1079 : i32
          %parallel_loop3A_1081 = arith.constant 14 : i32
          %parallel_loop3A_1082 = arith.addi %parallel_loop3A_1080, %parallel_loop3A_1081 : i32
          %parallel_loop3A_1083 = vector.extract_strided_slice %parallel_loop3A_154 {offsets = [14], sizes = [1], strides = [1]} : vector<16xf32> to vector<1xf32>
          %parallel_loop3A_1084 = vector.extract %parallel_loop3A_1083[0] : f32 from vector<1xf32>
          %parallel_loop3A_1085 = arith.constant 0 : i32
          %parallel_loop3A_1086 = arith.index_cast %parallel_loop3A_1085 : i32 to index
          %parallel_loop3A_1087 = arith.index_cast %parallel_loop3A_1082 : i32 to index
          %parallel_loop3A_1088 = arith.constant 0 : index
          %parallel_loop3A_1089 = tpu.vector_load %arg11[%parallel_loop3A_1086, %parallel_loop3A_1087, %parallel_loop3A_1088] {strides = array<i32>} : memref<3x80x64xf32, #tpu.memory_space<vmem>>, vector<1x1x16xf32>,
          %parallel_loop3A_1090 = vector.shape_cast %parallel_loop3A_1089 : vector<1x1x16xf32> to vector<16xf32>
          %parallel_loop3A_1091 = vector.broadcast %parallel_loop3A_1084 : f32 to vector<16xf32>
          %parallel_loop3A_1092 = arith.mulf %parallel_loop3A_1090, %parallel_loop3A_1091 : vector<16xf32>
          %parallel_loop3A_1093 = arith.constant 0 : i32
          %parallel_loop3A_1094 = arith.index_cast %parallel_loop3A_1093 : i32 to index
          %parallel_loop3A_1095 = arith.index_cast %parallel_loop3A_1082 : i32 to index
          %parallel_loop3A_1096 = arith.constant 0 : index
          %parallel_loop3A_1097 = tpu.vector_load %arg11[%parallel_loop3A_1094, %parallel_loop3A_1095, %parallel_loop3A_1096] {strides = array<i32>} : memref<3x80x64xf32, #tpu.memory_space<vmem>>, vector<1x1x16xf32>,
          %parallel_loop3A_1098 = vector.shape_cast %parallel_loop3A_1097 : vector<1x1x16xf32> to vector<16xf32>
          %parallel_loop3A_1099 = vector.shape_cast %parallel_loop3A_1092 : vector<16xf32> to vector<1x1x16xf32>
          tpu.vector_store %arg11[%parallel_loop3A_1094, %parallel_loop3A_1095, %parallel_loop3A_1096], %parallel_loop3A_1099 {strides = array<i32>} : memref<3x80x64xf32, #tpu.memory_space<vmem>>, vector<1x1x16xf32>,
          %parallel_loop3A_1100 = arith.constant 0 : i32
          %parallel_loop3A_1101 = arith.index_cast %parallel_loop3A_1100 : i32 to index
          %parallel_loop3A_1102 = arith.index_cast %parallel_loop3A_1082 : i32 to index
          %parallel_loop3A_1103 = arith.constant 16 : index
          %parallel_loop3A_1104 = tpu.vector_load %arg11[%parallel_loop3A_1101, %parallel_loop3A_1102, %parallel_loop3A_1103] {strides = array<i32>} : memref<3x80x64xf32, #tpu.memory_space<vmem>>, vector<1x1x16xf32>,
          %parallel_loop3A_1105 = vector.shape_cast %parallel_loop3A_1104 : vector<1x1x16xf32> to vector<16xf32>
          %parallel_loop3A_1106 = vector.broadcast %parallel_loop3A_1084 : f32 to vector<16xf32>
          %parallel_loop3A_1107 = arith.mulf %parallel_loop3A_1105, %parallel_loop3A_1106 : vector<16xf32>
          %parallel_loop3A_1108 = arith.constant 0 : i32
          %parallel_loop3A_1109 = arith.index_cast %parallel_loop3A_1108 : i32 to index
          %parallel_loop3A_1110 = arith.index_cast %parallel_loop3A_1082 : i32 to index
          %parallel_loop3A_1111 = arith.constant 16 : index
          %parallel_loop3A_1112 = tpu.vector_load %arg11[%parallel_loop3A_1109, %parallel_loop3A_1110, %parallel_loop3A_1111] {strides = array<i32>} : memref<3x80x64xf32, #tpu.memory_space<vmem>>, vector<1x1x16xf32>,
          %parallel_loop3A_1113 = vector.shape_cast %parallel_loop3A_1112 : vector<1x1x16xf32> to vector<16xf32>
          %parallel_loop3A_1114 = vector.shape_cast %parallel_loop3A_1107 : vector<16xf32> to vector<1x1x16xf32>
          tpu.vector_store %arg11[%parallel_loop3A_1109, %parallel_loop3A_1110, %parallel_loop3A_1111], %parallel_loop3A_1114 {strides = array<i32>} : memref<3x80x64xf32, #tpu.memory_space<vmem>>, vector<1x1x16xf32>,
          %parallel_loop3A_1115 = arith.constant 0 : i32
          %parallel_loop3A_1116 = arith.index_cast %parallel_loop3A_1115 : i32 to index
          %parallel_loop3A_1117 = arith.index_cast %parallel_loop3A_1082 : i32 to index
          %parallel_loop3A_1118 = arith.constant 32 : index
          %parallel_loop3A_1119 = tpu.vector_load %arg11[%parallel_loop3A_1116, %parallel_loop3A_1117, %parallel_loop3A_1118] {strides = array<i32>} : memref<3x80x64xf32, #tpu.memory_space<vmem>>, vector<1x1x16xf32>,
          %parallel_loop3A_1120 = vector.shape_cast %parallel_loop3A_1119 : vector<1x1x16xf32> to vector<16xf32>
          %parallel_loop3A_1121 = vector.broadcast %parallel_loop3A_1084 : f32 to vector<16xf32>
          %parallel_loop3A_1122 = arith.mulf %parallel_loop3A_1120, %parallel_loop3A_1121 : vector<16xf32>
          %parallel_loop3A_1123 = arith.constant 0 : i32
          %parallel_loop3A_1124 = arith.index_cast %parallel_loop3A_1123 : i32 to index
          %parallel_loop3A_1125 = arith.index_cast %parallel_loop3A_1082 : i32 to index
          %parallel_loop3A_1126 = arith.constant 32 : index
          %parallel_loop3A_1127 = tpu.vector_load %arg11[%parallel_loop3A_1124, %parallel_loop3A_1125, %parallel_loop3A_1126] {strides = array<i32>} : memref<3x80x64xf32, #tpu.memory_space<vmem>>, vector<1x1x16xf32>,
          %parallel_loop3A_1128 = vector.shape_cast %parallel_loop3A_1127 : vector<1x1x16xf32> to vector<16xf32>
          %parallel_loop3A_1129 = vector.shape_cast %parallel_loop3A_1122 : vector<16xf32> to vector<1x1x16xf32>
          tpu.vector_store %arg11[%parallel_loop3A_1124, %parallel_loop3A_1125, %parallel_loop3A_1126], %parallel_loop3A_1129 {strides = array<i32>} : memref<3x80x64xf32, #tpu.memory_space<vmem>>, vector<1x1x16xf32>,
          %parallel_loop3A_1130 = arith.constant 0 : i32
          %parallel_loop3A_1131 = arith.index_cast %parallel_loop3A_1130 : i32 to index
          %parallel_loop3A_1132 = arith.index_cast %parallel_loop3A_1082 : i32 to index
          %parallel_loop3A_1133 = arith.constant 48 : index
          %parallel_loop3A_1134 = tpu.vector_load %arg11[%parallel_loop3A_1131, %parallel_loop3A_1132, %parallel_loop3A_1133] {strides = array<i32>} : memref<3x80x64xf32, #tpu.memory_space<vmem>>, vector<1x1x16xf32>,
          %parallel_loop3A_1135 = vector.shape_cast %parallel_loop3A_1134 : vector<1x1x16xf32> to vector<16xf32>
          %parallel_loop3A_1136 = vector.broadcast %parallel_loop3A_1084 : f32 to vector<16xf32>
          %parallel_loop3A_1137 = arith.mulf %parallel_loop3A_1135, %parallel_loop3A_1136 : vector<16xf32>
          %parallel_loop3A_1138 = arith.constant 0 : i32
          %parallel_loop3A_1139 = arith.index_cast %parallel_loop3A_1138 : i32 to index
          %parallel_loop3A_1140 = arith.index_cast %parallel_loop3A_1082 : i32 to index
          %parallel_loop3A_1141 = arith.constant 48 : index
          %parallel_loop3A_1142 = tpu.vector_load %arg11[%parallel_loop3A_1139, %parallel_loop3A_1140, %parallel_loop3A_1141] {strides = array<i32>} : memref<3x80x64xf32, #tpu.memory_space<vmem>>, vector<1x1x16xf32>,
          %parallel_loop3A_1143 = vector.shape_cast %parallel_loop3A_1142 : vector<1x1x16xf32> to vector<16xf32>
          %parallel_loop3A_1144 = vector.shape_cast %parallel_loop3A_1137 : vector<16xf32> to vector<1x1x16xf32>
          tpu.vector_store %arg11[%parallel_loop3A_1139, %parallel_loop3A_1140, %parallel_loop3A_1141], %parallel_loop3A_1144 {strides = array<i32>} : memref<3x80x64xf32, #tpu.memory_space<vmem>>, vector<1x1x16xf32>,
          %parallel_loop3A_1145 = arith.constant 16 : i32
          %parallel_loop3A_1146 = arith.muli %parallel_loop3A_148, %parallel_loop3A_1145 : i32
          %parallel_loop3A_1147 = arith.constant 15 : i32
          %parallel_loop3A_1148 = arith.addi %parallel_loop3A_1146, %parallel_loop3A_1147 : i32
          %parallel_loop3A_1149 = vector.extract_strided_slice %parallel_loop3A_154 {offsets = [15], sizes = [1], strides = [1]} : vector<16xf32> to vector<1xf32>
          %parallel_loop3A_1150 = vector.extract %parallel_loop3A_1149[0] : f32 from vector<1xf32>
          %parallel_loop3A_1151 = arith.constant 0 : i32
          %parallel_loop3A_1152 = arith.index_cast %parallel_loop3A_1151 : i32 to index
          %parallel_loop3A_1153 = arith.index_cast %parallel_loop3A_1148 : i32 to index
          %parallel_loop3A_1154 = arith.constant 0 : index
          %parallel_loop3A_1155 = tpu.vector_load %arg11[%parallel_loop3A_1152, %parallel_loop3A_1153, %parallel_loop3A_1154] {strides = array<i32>} : memref<3x80x64xf32, #tpu.memory_space<vmem>>, vector<1x1x16xf32>,
          %parallel_loop3A_1156 = vector.shape_cast %parallel_loop3A_1155 : vector<1x1x16xf32> to vector<16xf32>
          %parallel_loop3A_1157 = vector.broadcast %parallel_loop3A_1150 : f32 to vector<16xf32>
          %parallel_loop3A_1158 = arith.mulf %parallel_loop3A_1156, %parallel_loop3A_1157 : vector<16xf32>
          %parallel_loop3A_1159 = arith.constant 0 : i32
          %parallel_loop3A_1160 = arith.index_cast %parallel_loop3A_1159 : i32 to index
          %parallel_loop3A_1161 = arith.index_cast %parallel_loop3A_1148 : i32 to index
          %parallel_loop3A_1162 = arith.constant 0 : index
          %parallel_loop3A_1163 = tpu.vector_load %arg11[%parallel_loop3A_1160, %parallel_loop3A_1161, %parallel_loop3A_1162] {strides = array<i32>} : memref<3x80x64xf32, #tpu.memory_space<vmem>>, vector<1x1x16xf32>,
          %parallel_loop3A_1164 = vector.shape_cast %parallel_loop3A_1163 : vector<1x1x16xf32> to vector<16xf32>
          %parallel_loop3A_1165 = vector.shape_cast %parallel_loop3A_1158 : vector<16xf32> to vector<1x1x16xf32>
          tpu.vector_store %arg11[%parallel_loop3A_1160, %parallel_loop3A_1161, %parallel_loop3A_1162], %parallel_loop3A_1165 {strides = array<i32>} : memref<3x80x64xf32, #tpu.memory_space<vmem>>, vector<1x1x16xf32>,
          %parallel_loop3A_1166 = arith.constant 0 : i32
          %parallel_loop3A_1167 = arith.index_cast %parallel_loop3A_1166 : i32 to index
          %parallel_loop3A_1168 = arith.index_cast %parallel_loop3A_1148 : i32 to index
          %parallel_loop3A_1169 = arith.constant 16 : index
          %parallel_loop3A_1170 = tpu.vector_load %arg11[%parallel_loop3A_1167, %parallel_loop3A_1168, %parallel_loop3A_1169] {strides = array<i32>} : memref<3x80x64xf32, #tpu.memory_space<vmem>>, vector<1x1x16xf32>,
          %parallel_loop3A_1171 = vector.shape_cast %parallel_loop3A_1170 : vector<1x1x16xf32> to vector<16xf32>
          %parallel_loop3A_1172 = vector.broadcast %parallel_loop3A_1150 : f32 to vector<16xf32>
          %parallel_loop3A_1173 = arith.mulf %parallel_loop3A_1171, %parallel_loop3A_1172 : vector<16xf32>
          %parallel_loop3A_1174 = arith.constant 0 : i32
          %parallel_loop3A_1175 = arith.index_cast %parallel_loop3A_1174 : i32 to index
          %parallel_loop3A_1176 = arith.index_cast %parallel_loop3A_1148 : i32 to index
          %parallel_loop3A_1177 = arith.constant 16 : index
          %parallel_loop3A_1178 = tpu.vector_load %arg11[%parallel_loop3A_1175, %parallel_loop3A_1176, %parallel_loop3A_1177] {strides = array<i32>} : memref<3x80x64xf32, #tpu.memory_space<vmem>>, vector<1x1x16xf32>,
          %parallel_loop3A_1179 = vector.shape_cast %parallel_loop3A_1178 : vector<1x1x16xf32> to vector<16xf32>
          %parallel_loop3A_1180 = vector.shape_cast %parallel_loop3A_1173 : vector<16xf32> to vector<1x1x16xf32>
          tpu.vector_store %arg11[%parallel_loop3A_1175, %parallel_loop3A_1176, %parallel_loop3A_1177], %parallel_loop3A_1180 {strides = array<i32>} : memref<3x80x64xf32, #tpu.memory_space<vmem>>, vector<1x1x16xf32>,
          %parallel_loop3A_1181 = arith.constant 0 : i32
          %parallel_loop3A_1182 = arith.index_cast %parallel_loop3A_1181 : i32 to index
          %parallel_loop3A_1183 = arith.index_cast %parallel_loop3A_1148 : i32 to index
          %parallel_loop3A_1184 = arith.constant 32 : index
          %parallel_loop3A_1185 = tpu.vector_load %arg11[%parallel_loop3A_1182, %parallel_loop3A_1183, %parallel_loop3A_1184] {strides = array<i32>} : memref<3x80x64xf32, #tpu.memory_space<vmem>>, vector<1x1x16xf32>,
          %parallel_loop3A_1186 = vector.shape_cast %parallel_loop3A_1185 : vector<1x1x16xf32> to vector<16xf32>
          %parallel_loop3A_1187 = vector.broadcast %parallel_loop3A_1150 : f32 to vector<16xf32>
          %parallel_loop3A_1188 = arith.mulf %parallel_loop3A_1186, %parallel_loop3A_1187 : vector<16xf32>
          %parallel_loop3A_1189 = arith.constant 0 : i32
          %parallel_loop3A_1190 = arith.index_cast %parallel_loop3A_1189 : i32 to index
          %parallel_loop3A_1191 = arith.index_cast %parallel_loop3A_1148 : i32 to index
          %parallel_loop3A_1192 = arith.constant 32 : index
          %parallel_loop3A_1193 = tpu.vector_load %arg11[%parallel_loop3A_1190, %parallel_loop3A_1191, %parallel_loop3A_1192] {strides = array<i32>} : memref<3x80x64xf32, #tpu.memory_space<vmem>>, vector<1x1x16xf32>,
          %parallel_loop3A_1194 = vector.shape_cast %parallel_loop3A_1193 : vector<1x1x16xf32> to vector<16xf32>
          %parallel_loop3A_1195 = vector.shape_cast %parallel_loop3A_1188 : vector<16xf32> to vector<1x1x16xf32>
          tpu.vector_store %arg11[%parallel_loop3A_1190, %parallel_loop3A_1191, %parallel_loop3A_1192], %parallel_loop3A_1195 {strides = array<i32>} : memref<3x80x64xf32, #tpu.memory_space<vmem>>, vector<1x1x16xf32>,
          %parallel_loop3A_1196 = arith.constant 0 : i32
          %parallel_loop3A_1197 = arith.index_cast %parallel_loop3A_1196 : i32 to index
          %parallel_loop3A_1198 = arith.index_cast %parallel_loop3A_1148 : i32 to index
          %parallel_loop3A_1199 = arith.constant 48 : index
          %parallel_loop3A_1200 = tpu.vector_load %arg11[%parallel_loop3A_1197, %parallel_loop3A_1198, %parallel_loop3A_1199] {strides = array<i32>} : memref<3x80x64xf32, #tpu.memory_space<vmem>>, vector<1x1x16xf32>,
          %parallel_loop3A_1201 = vector.shape_cast %parallel_loop3A_1200 : vector<1x1x16xf32> to vector<16xf32>
          %parallel_loop3A_1202 = vector.broadcast %parallel_loop3A_1150 : f32 to vector<16xf32>
          %parallel_loop3A_1203 = arith.mulf %parallel_loop3A_1201, %parallel_loop3A_1202 : vector<16xf32>
          %parallel_loop3A_1204 = arith.constant 0 : i32
          %parallel_loop3A_1205 = arith.index_cast %parallel_loop3A_1204 : i32 to index
          %parallel_loop3A_1206 = arith.index_cast %parallel_loop3A_1148 : i32 to index
          %parallel_loop3A_1207 = arith.constant 48 : index
          %parallel_loop3A_1208 = tpu.vector_load %arg11[%parallel_loop3A_1205, %parallel_loop3A_1206, %parallel_loop3A_1207] {strides = array<i32>} : memref<3x80x64xf32, #tpu.memory_space<vmem>>, vector<1x1x16xf32>,
          %parallel_loop3A_1209 = vector.shape_cast %parallel_loop3A_1208 : vector<1x1x16xf32> to vector<16xf32>
          %parallel_loop3A_1210 = vector.shape_cast %parallel_loop3A_1203 : vector<16xf32> to vector<1x1x16xf32>
          tpu.vector_store %arg11[%parallel_loop3A_1205, %parallel_loop3A_1206, %parallel_loop3A_1207], %parallel_loop3A_1210 {strides = array<i32>} : memref<3x80x64xf32, #tpu.memory_space<vmem>>, vector<1x1x16xf32>,
        } {sc.loop_unroll_factor = 1 : i64, sc.parallel_access}
        %dma_start3A_134 = arith.constant 0 : i32
        %dma_start3A_135 = arith.constant 0 : i32
        %dma_start3A_136 = arith.constant 0 : i32
        %dma_start3A_137 = arith.constant 0 : i32
        %dma_start3A_138 = tpu.memref_slice %arg11[%dma_start3A_134, %dma_start3A_136, %dma_start3A_137] : memref<3x80x64xf32, #tpu.memory_space<vmem>> -> memref<1x80x64xf32, #tpu.memory_space<vmem>>
        %dma_start3A_139 = tpu.memref_squeeze %dma_start3A_138 : memref<1x80x64xf32, #tpu.memory_space<vmem>> -> memref<80x64xf32, #tpu.memory_space<vmem>>
        %dma_start3A_140 = arith.constant 0 : i32
        %dma_start3A_141 = tpu.memref_slice %arg9[%add3A_83, %dma_start3A_140] : memref<250x80xi32, #tpu.memory_space<vmem>> -> memref<1x80xi32, #tpu.memory_space<vmem>>
        %dma_start3A_142 = tpu.memref_squeeze %dma_start3A_141 : memref<1x80xi32, #tpu.memory_space<vmem>> -> memref<80xi32, #tpu.memory_space<vmem>>
        %dma_start3A_143 = arith.constant 0 : i32
        %dma_start3A_144 = arith.constant 0 : i32
        %dma_start3A_145 = tpu.memref_slice %arg14[%dma_start3A_143, %dma_start3A_144] : memref<10000x64xf32, #tpu.memory_space<vmem_shared>> -> memref<10000x64xf32, #tpu.memory_space<vmem_shared>>
        %dma_start3A_146 = tpu.memref_slice %arg16[%dma_start3A_135] : memref<3x!tpu.dma_semaphore, #tpu.memory_space<semaphore_mem>> -> memref<1x!tpu.dma_semaphore, #tpu.memory_space<semaphore_mem>>
        %dma_start3A_147 = tpu.memref_squeeze %dma_start3A_146 : memref<1x!tpu.dma_semaphore, #tpu.memory_space<semaphore_mem>> -> memref<!tpu.dma_semaphore, #tpu.memory_space<semaphore_mem>>
        tpu.enqueue_indirect_dma source(%dma_start3A_139 : memref<80x64xf32, #tpu.memory_space<vmem>>) target(%dma_start3A_145 : memref<10000x64xf32, #tpu.memory_space<vmem_shared>>) offsets(%dma_start3A_142 : memref<80xi32, #tpu.memory_space<vmem>>) semaphore(%dma_start3A_147 : memref<!tpu.dma_semaphore, #tpu.memory_space<semaphore_mem>>) {add = true}
      } else {
      }
      %add3A_88 = arith.constant 1 : i32
      %add3A_89 = arith.addi %add3A_81, %add3A_88 : i32
      %lt3A_90 = arith.constant 250 : i32
      %lt3A_91 = arith.cmpi slt, %add3A_89, %lt3A_90 : i32
      %convert_element_type3A_92 = arith.extui %lt3A_91 : i1 to i32
      %cond3A_93 = arith.constant 0 : i32
      %cond3A_94 = arith.cmpi ne, %convert_element_type3A_92, %cond3A_93 : i32
      scf.if %cond3A_94 {
        %dma_wait3A_102 = arith.constant 1 : i32
        %dma_wait3A_103 = arith.constant 1 : i32
        %dma_wait3A_104 = arith.constant 0 : i32
        %dma_wait3A_105 = arith.constant 0 : i32
        %dma_wait3A_106 = tpu.memref_slice %arg11[%dma_wait3A_102, %dma_wait3A_104, %dma_wait3A_105] : memref<3x80x64xf32, #tpu.memory_space<vmem>> -> memref<1x80x64xf32, #tpu.memory_space<vmem>>
        %dma_wait3A_107 = tpu.memref_squeeze %dma_wait3A_106 : memref<1x80x64xf32, #tpu.memory_space<vmem>> -> memref<80x64xf32, #tpu.memory_space<vmem>>
        %dma_wait3A_108 = arith.constant 0 : i32
        %dma_wait3A_109 = tpu.memref_slice %arg8[%add3A_89, %dma_wait3A_108] : memref<250x80xi32, #tpu.memory_space<vmem>> -> memref<1x80xi32, #tpu.memory_space<vmem>>
        %dma_wait3A_110 = tpu.memref_squeeze %dma_wait3A_109 : memref<1x80xi32, #tpu.memory_space<vmem>> -> memref<80xi32, #tpu.memory_space<vmem>>
        %dma_wait3A_111 = arith.constant 0 : i32
        %dma_wait3A_112 = arith.constant 0 : i32
        %dma_wait3A_113 = tpu.memref_slice %arg2[%arg0, %dma_wait3A_111, %dma_wait3A_112] : memref<2x10000x64xf32, #tpu.memory_space<hbm>> -> memref<1x10000x64xf32, #tpu.memory_space<hbm>>
        %dma_wait3A_114 = tpu.memref_squeeze %dma_wait3A_113 : memref<1x10000x64xf32, #tpu.memory_space<hbm>> -> memref<10000x64xf32, #tpu.memory_space<hbm>>
        %dma_wait3A_115 = arith.constant 0 : i32
        %dma_wait3A_116 = arith.constant 0 : i32
        %dma_wait3A_117 = tpu.memref_slice %dma_wait3A_114[%dma_wait3A_115, %dma_wait3A_116] : memref<10000x64xf32, #tpu.memory_space<hbm>> -> memref<10000x64xf32, #tpu.memory_space<hbm>>
        %dma_wait3A_118 = tpu.memref_slice %arg15[%dma_wait3A_103] : memref<3x!tpu.dma_semaphore, #tpu.memory_space<semaphore_mem>> -> memref<1x!tpu.dma_semaphore, #tpu.memory_space<semaphore_mem>>
        %dma_wait3A_119 = tpu.memref_squeeze %dma_wait3A_118 : memref<1x!tpu.dma_semaphore, #tpu.memory_space<semaphore_mem>> -> memref<!tpu.dma_semaphore, #tpu.memory_space<semaphore_mem>>
        tpu.wait_indirect_dma semaphore(%dma_wait3A_119 : memref<!tpu.dma_semaphore, #tpu.memory_space<semaphore_mem>>) src(%dma_wait3A_117 : memref<10000x64xf32, #tpu.memory_space<hbm>>) dst(%dma_wait3A_107 : memref<80x64xf32, #tpu.memory_space<vmem>>)
        %ge3A = arith.constant 1 : i32
        %ge3A_120 = arith.cmpi sge, %add3A_89, %ge3A : i32
        %convert_element_type3A_121 = arith.extui %ge3A_120 : i1 to i32
        %cond3A_122 = arith.constant 0 : i32
        %cond3A_123 = arith.cmpi ne, %convert_element_type3A_121, %cond3A_122 : i32
        scf.if %cond3A_123 {
          %dma_wait3A_148 = arith.constant 0 : i32
          %dma_wait3A_149 = arith.constant 0 : i32
          %dma_wait3A_150 = arith.constant 0 : i32
          %dma_wait3A_151 = arith.constant 0 : i32
          %dma_wait3A_152 = tpu.memref_slice %arg11[%dma_wait3A_148, %dma_wait3A_150, %dma_wait3A_151] : memref<3x80x64xf32, #tpu.memory_space<vmem>> -> memref<1x80x64xf32, #tpu.memory_space<vmem>>
          %dma_wait3A_153 = tpu.memref_squeeze %dma_wait3A_152 : memref<1x80x64xf32, #tpu.memory_space<vmem>> -> memref<80x64xf32, #tpu.memory_space<vmem>>
          %dma_wait3A_154 = arith.constant 0 : i32
          %dma_wait3A_155 = tpu.memref_slice %arg9[%add3A_89, %dma_wait3A_154] : memref<250x80xi32, #tpu.memory_space<vmem>> -> memref<1x80xi32, #tpu.memory_space<vmem>>
          %dma_wait3A_156 = tpu.memref_squeeze %dma_wait3A_155 : memref<1x80xi32, #tpu.memory_space<vmem>> -> memref<80xi32, #tpu.memory_space<vmem>>
          %dma_wait3A_157 = arith.constant 0 : i32
          %dma_wait3A_158 = arith.constant 0 : i32
          %dma_wait3A_159 = tpu.memref_slice %arg14[%dma_wait3A_157, %dma_wait3A_158] : memref<10000x64xf32, #tpu.memory_space<vmem_shared>> -> memref<10000x64xf32, #tpu.memory_space<vmem_shared>>
          %dma_wait3A_160 = tpu.memref_slice %arg16[%dma_wait3A_149] : memref<3x!tpu.dma_semaphore, #tpu.memory_space<semaphore_mem>> -> memref<1x!tpu.dma_semaphore, #tpu.memory_space<semaphore_mem>>
          %dma_wait3A_161 = tpu.memref_squeeze %dma_wait3A_160 : memref<1x!tpu.dma_semaphore, #tpu.memory_space<semaphore_mem>> -> memref<!tpu.dma_semaphore, #tpu.memory_space<semaphore_mem>>
          tpu.wait_indirect_dma semaphore(%dma_wait3A_161 : memref<!tpu.dma_semaphore, #tpu.memory_space<semaphore_mem>>) src(%dma_wait3A_153 : memref<80x64xf32, #tpu.memory_space<vmem>>) dst(%dma_wait3A_159 : memref<10000x64xf32, #tpu.memory_space<vmem_shared>>)
        } else {
        }
        %add3A_124 = arith.constant 3 : i32
        %add3A_125 = arith.addi %add3A_89, %add3A_124 : i32
        %sub3A = arith.constant 1 : i32
        %sub3A_126 = arith.subi %add3A_125, %sub3A : i32
        %lt3A_127 = arith.constant 250 : i32
        %lt3A_128 = arith.cmpi slt, %sub3A_126, %lt3A_127 : i32
        %convert_element_type3A_129 = arith.extui %lt3A_128 : i1 to i32
        %cond3A_130 = arith.constant 0 : i32
        %cond3A_131 = arith.cmpi ne, %convert_element_type3A_129, %cond3A_130 : i32
        scf.if %cond3A_131 {
          %add3A_148 = arith.constant 3 : i32
          %add3A_149 = arith.addi %add3A_89, %add3A_148 : i32
          %sub3A_150 = arith.constant 1 : i32
          %sub3A_151 = arith.subi %add3A_149, %sub3A_150 : i32
          %dma_start3A_152 = arith.constant 0 : i32
          %dma_start3A_153 = arith.constant 0 : i32
          %dma_start3A_154 = arith.constant 0 : i32
          %dma_start3A_155 = arith.constant 0 : i32
          %dma_start3A_156 = tpu.memref_slice %arg11[%dma_start3A_152, %dma_start3A_154, %dma_start3A_155] : memref<3x80x64xf32, #tpu.memory_space<vmem>> -> memref<1x80x64xf32, #tpu.memory_space<vmem>>
          %dma_start3A_157 = tpu.memref_squeeze %dma_start3A_156 : memref<1x80x64xf32, #tpu.memory_space<vmem>> -> memref<80x64xf32, #tpu.memory_space<vmem>>
          %dma_start3A_158 = arith.constant 0 : i32
          %dma_start3A_159 = tpu.memref_slice %arg8[%sub3A_151, %dma_start3A_158] : memref<250x80xi32, #tpu.memory_space<vmem>> -> memref<1x80xi32, #tpu.memory_space<vmem>>
          %dma_start3A_160 = tpu.memref_squeeze %dma_start3A_159 : memref<1x80xi32, #tpu.memory_space<vmem>> -> memref<80xi32, #tpu.memory_space<vmem>>
          %dma_start3A_161 = arith.constant 0 : i32
          %dma_start3A_162 = arith.constant 0 : i32
          %dma_start3A_163 = tpu.memref_slice %arg2[%arg0, %dma_start3A_161, %dma_start3A_162] : memref<2x10000x64xf32, #tpu.memory_space<hbm>> -> memref<1x10000x64xf32, #tpu.memory_space<hbm>>
          %dma_start3A_164 = tpu.memref_squeeze %dma_start3A_163 : memref<1x10000x64xf32, #tpu.memory_space<hbm>> -> memref<10000x64xf32, #tpu.memory_space<hbm>>
          %dma_start3A_165 = arith.constant 0 : i32
          %dma_start3A_166 = arith.constant 0 : i32
          %dma_start3A_167 = tpu.memref_slice %dma_start3A_164[%dma_start3A_165, %dma_start3A_166] : memref<10000x64xf32, #tpu.memory_space<hbm>> -> memref<10000x64xf32, #tpu.memory_space<hbm>>
          %dma_start3A_168 = tpu.memref_slice %arg15[%dma_start3A_153] : memref<3x!tpu.dma_semaphore, #tpu.memory_space<semaphore_mem>> -> memref<1x!tpu.dma_semaphore, #tpu.memory_space<semaphore_mem>>
          %dma_start3A_169 = tpu.memref_squeeze %dma_start3A_168 : memref<1x!tpu.dma_semaphore, #tpu.memory_space<semaphore_mem>> -> memref<!tpu.dma_semaphore, #tpu.memory_space<semaphore_mem>>
          tpu.enqueue_indirect_dma source(%dma_start3A_167 : memref<10000x64xf32, #tpu.memory_space<hbm>>) target(%dma_start3A_157 : memref<80x64xf32, #tpu.memory_space<vmem>>) offsets(%dma_start3A_160 : memref<80xi32, #tpu.memory_space<vmem>>) semaphore(%dma_start3A_169 : memref<!tpu.dma_semaphore, #tpu.memory_space<semaphore_mem>>)
        } else {
        }
        %parallel_loop3A = arith.constant 0 : i32
        %parallel_loop3A_132 = arith.constant 5 : i32
        %parallel_loop3A_133 = arith.constant 1 : i32
        scf.for %parallel_loop3A_148 = %parallel_loop3A to %parallel_loop3A_132 step %parallel_loop3A_133  : i32 {
          %parallel_loop3A_149 = arith.constant 16 : i32
          %parallel_loop3A_150 = arith.muli %parallel_loop3A_148, %parallel_loop3A_149 : i32
          %parallel_loop3A_151 = arith.index_cast %add3A_89 : i32 to index
          %parallel_loop3A_152 = arith.index_cast %parallel_loop3A_150 : i32 to index
          %parallel_loop3A_153 = tpu.vector_load %arg10[%parallel_loop3A_151, %parallel_loop3A_152] {strides = array<i32>} : memref<250x80xf32, #tpu.memory_space<vmem>>, vector<1x16xf32>,
          %parallel_loop3A_154 = vector.shape_cast %parallel_loop3A_153 : vector<1x16xf32> to vector<16xf32>
          %parallel_loop3A_155 = arith.constant 16 : i32
          %parallel_loop3A_156 = arith.muli %parallel_loop3A_148, %parallel_loop3A_155 : i32
          %parallel_loop3A_157 = arith.constant 0 : i32
          %parallel_loop3A_158 = arith.addi %parallel_loop3A_156, %parallel_loop3A_157 : i32
          %parallel_loop3A_159 = vector.extract_strided_slice %parallel_loop3A_154 {offsets = [0], sizes = [1], strides = [1]} : vector<16xf32> to vector<1xf32>
          %parallel_loop3A_160 = vector.extract %parallel_loop3A_159[0] : f32 from vector<1xf32>
          %parallel_loop3A_161 = arith.constant 1 : i32
          %parallel_loop3A_162 = arith.index_cast %parallel_loop3A_161 : i32 to index
          %parallel_loop3A_163 = arith.index_cast %parallel_loop3A_158 : i32 to index
          %parallel_loop3A_164 = arith.constant 0 : index
          %parallel_loop3A_165 = tpu.vector_load %arg11[%parallel_loop3A_162, %parallel_loop3A_163, %parallel_loop3A_164] {strides = array<i32>} : memref<3x80x64xf32, #tpu.memory_space<vmem>>, vector<1x1x16xf32>,
          %parallel_loop3A_166 = vector.shape_cast %parallel_loop3A_165 : vector<1x1x16xf32> to vector<16xf32>
          %parallel_loop3A_167 = vector.broadcast %parallel_loop3A_160 : f32 to vector<16xf32>
          %parallel_loop3A_168 = arith.mulf %parallel_loop3A_166, %parallel_loop3A_167 : vector<16xf32>
          %parallel_loop3A_169 = arith.constant 1 : i32
          %parallel_loop3A_170 = arith.index_cast %parallel_loop3A_169 : i32 to index
          %parallel_loop3A_171 = arith.index_cast %parallel_loop3A_158 : i32 to index
          %parallel_loop3A_172 = arith.constant 0 : index
          %parallel_loop3A_173 = tpu.vector_load %arg11[%parallel_loop3A_170, %parallel_loop3A_171, %parallel_loop3A_172] {strides = array<i32>} : memref<3x80x64xf32, #tpu.memory_space<vmem>>, vector<1x1x16xf32>,
          %parallel_loop3A_174 = vector.shape_cast %parallel_loop3A_173 : vector<1x1x16xf32> to vector<16xf32>
          %parallel_loop3A_175 = vector.shape_cast %parallel_loop3A_168 : vector<16xf32> to vector<1x1x16xf32>
          tpu.vector_store %arg11[%parallel_loop3A_170, %parallel_loop3A_171, %parallel_loop3A_172], %parallel_loop3A_175 {strides = array<i32>} : memref<3x80x64xf32, #tpu.memory_space<vmem>>, vector<1x1x16xf32>,
          %parallel_loop3A_176 = arith.constant 1 : i32
          %parallel_loop3A_177 = arith.index_cast %parallel_loop3A_176 : i32 to index
          %parallel_loop3A_178 = arith.index_cast %parallel_loop3A_158 : i32 to index
          %parallel_loop3A_179 = arith.constant 16 : index
          %parallel_loop3A_180 = tpu.vector_load %arg11[%parallel_loop3A_177, %parallel_loop3A_178, %parallel_loop3A_179] {strides = array<i32>} : memref<3x80x64xf32, #tpu.memory_space<vmem>>, vector<1x1x16xf32>,
          %parallel_loop3A_181 = vector.shape_cast %parallel_loop3A_180 : vector<1x1x16xf32> to vector<16xf32>
          %parallel_loop3A_182 = vector.broadcast %parallel_loop3A_160 : f32 to vector<16xf32>
          %parallel_loop3A_183 = arith.mulf %parallel_loop3A_181, %parallel_loop3A_182 : vector<16xf32>
          %parallel_loop3A_184 = arith.constant 1 : i32
          %parallel_loop3A_185 = arith.index_cast %parallel_loop3A_184 : i32 to index
          %parallel_loop3A_186 = arith.index_cast %parallel_loop3A_158 : i32 to index
          %parallel_loop3A_187 = arith.constant 16 : index
          %parallel_loop3A_188 = tpu.vector_load %arg11[%parallel_loop3A_185, %parallel_loop3A_186, %parallel_loop3A_187] {strides = array<i32>} : memref<3x80x64xf32, #tpu.memory_space<vmem>>, vector<1x1x16xf32>,
          %parallel_loop3A_189 = vector.shape_cast %parallel_loop3A_188 : vector<1x1x16xf32> to vector<16xf32>
          %parallel_loop3A_190 = vector.shape_cast %parallel_loop3A_183 : vector<16xf32> to vector<1x1x16xf32>
          tpu.vector_store %arg11[%parallel_loop3A_185, %parallel_loop3A_186, %parallel_loop3A_187], %parallel_loop3A_190 {strides = array<i32>} : memref<3x80x64xf32, #tpu.memory_space<vmem>>, vector<1x1x16xf32>,
          %parallel_loop3A_191 = arith.constant 1 : i32
          %parallel_loop3A_192 = arith.index_cast %parallel_loop3A_191 : i32 to index
          %parallel_loop3A_193 = arith.index_cast %parallel_loop3A_158 : i32 to index
          %parallel_loop3A_194 = arith.constant 32 : index
          %parallel_loop3A_195 = tpu.vector_load %arg11[%parallel_loop3A_192, %parallel_loop3A_193, %parallel_loop3A_194] {strides = array<i32>} : memref<3x80x64xf32, #tpu.memory_space<vmem>>, vector<1x1x16xf32>,
          %parallel_loop3A_196 = vector.shape_cast %parallel_loop3A_195 : vector<1x1x16xf32> to vector<16xf32>
          %parallel_loop3A_197 = vector.broadcast %parallel_loop3A_160 : f32 to vector<16xf32>
          %parallel_loop3A_198 = arith.mulf %parallel_loop3A_196, %parallel_loop3A_197 : vector<16xf32>
          %parallel_loop3A_199 = arith.constant 1 : i32
          %parallel_loop3A_200 = arith.index_cast %parallel_loop3A_199 : i32 to index
          %parallel_loop3A_201 = arith.index_cast %parallel_loop3A_158 : i32 to index
          %parallel_loop3A_202 = arith.constant 32 : index
          %parallel_loop3A_203 = tpu.vector_load %arg11[%parallel_loop3A_200, %parallel_loop3A_201, %parallel_loop3A_202] {strides = array<i32>} : memref<3x80x64xf32, #tpu.memory_space<vmem>>, vector<1x1x16xf32>,
          %parallel_loop3A_204 = vector.shape_cast %parallel_loop3A_203 : vector<1x1x16xf32> to vector<16xf32>
          %parallel_loop3A_205 = vector.shape_cast %parallel_loop3A_198 : vector<16xf32> to vector<1x1x16xf32>
          tpu.vector_store %arg11[%parallel_loop3A_200, %parallel_loop3A_201, %parallel_loop3A_202], %parallel_loop3A_205 {strides = array<i32>} : memref<3x80x64xf32, #tpu.memory_space<vmem>>, vector<1x1x16xf32>,
          %parallel_loop3A_206 = arith.constant 1 : i32
          %parallel_loop3A_207 = arith.index_cast %parallel_loop3A_206 : i32 to index
          %parallel_loop3A_208 = arith.index_cast %parallel_loop3A_158 : i32 to index
          %parallel_loop3A_209 = arith.constant 48 : index
          %parallel_loop3A_210 = tpu.vector_load %arg11[%parallel_loop3A_207, %parallel_loop3A_208, %parallel_loop3A_209] {strides = array<i32>} : memref<3x80x64xf32, #tpu.memory_space<vmem>>, vector<1x1x16xf32>,
          %parallel_loop3A_211 = vector.shape_cast %parallel_loop3A_210 : vector<1x1x16xf32> to vector<16xf32>
          %parallel_loop3A_212 = vector.broadcast %parallel_loop3A_160 : f32 to vector<16xf32>
          %parallel_loop3A_213 = arith.mulf %parallel_loop3A_211, %parallel_loop3A_212 : vector<16xf32>
          %parallel_loop3A_214 = arith.constant 1 : i32
          %parallel_loop3A_215 = arith.index_cast %parallel_loop3A_214 : i32 to index
          %parallel_loop3A_216 = arith.index_cast %parallel_loop3A_158 : i32 to index
          %parallel_loop3A_217 = arith.constant 48 : index
          %parallel_loop3A_218 = tpu.vector_load %arg11[%parallel_loop3A_215, %parallel_loop3A_216, %parallel_loop3A_217] {strides = array<i32>} : memref<3x80x64xf32, #tpu.memory_space<vmem>>, vector<1x1x16xf32>,
          %parallel_loop3A_219 = vector.shape_cast %parallel_loop3A_218 : vector<1x1x16xf32> to vector<16xf32>
          %parallel_loop3A_220 = vector.shape_cast %parallel_loop3A_213 : vector<16xf32> to vector<1x1x16xf32>
          tpu.vector_store %arg11[%parallel_loop3A_215, %parallel_loop3A_216, %parallel_loop3A_217], %parallel_loop3A_220 {strides = array<i32>} : memref<3x80x64xf32, #tpu.memory_space<vmem>>, vector<1x1x16xf32>,
          %parallel_loop3A_221 = arith.constant 16 : i32
          %parallel_loop3A_222 = arith.muli %parallel_loop3A_148, %parallel_loop3A_221 : i32
          %parallel_loop3A_223 = arith.constant 1 : i32
          %parallel_loop3A_224 = arith.addi %parallel_loop3A_222, %parallel_loop3A_223 : i32
          %parallel_loop3A_225 = vector.extract_strided_slice %parallel_loop3A_154 {offsets = [1], sizes = [1], strides = [1]} : vector<16xf32> to vector<1xf32>
          %parallel_loop3A_226 = vector.extract %parallel_loop3A_225[0] : f32 from vector<1xf32>
          %parallel_loop3A_227 = arith.constant 1 : i32
          %parallel_loop3A_228 = arith.index_cast %parallel_loop3A_227 : i32 to index
          %parallel_loop3A_229 = arith.index_cast %parallel_loop3A_224 : i32 to index
          %parallel_loop3A_230 = arith.constant 0 : index
          %parallel_loop3A_231 = tpu.vector_load %arg11[%parallel_loop3A_228, %parallel_loop3A_229, %parallel_loop3A_230] {strides = array<i32>} : memref<3x80x64xf32, #tpu.memory_space<vmem>>, vector<1x1x16xf32>,
          %parallel_loop3A_232 = vector.shape_cast %parallel_loop3A_231 : vector<1x1x16xf32> to vector<16xf32>
          %parallel_loop3A_233 = vector.broadcast %parallel_loop3A_226 : f32 to vector<16xf32>
          %parallel_loop3A_234 = arith.mulf %parallel_loop3A_232, %parallel_loop3A_233 : vector<16xf32>
          %parallel_loop3A_235 = arith.constant 1 : i32
          %parallel_loop3A_236 = arith.index_cast %parallel_loop3A_235 : i32 to index
          %parallel_loop3A_237 = arith.index_cast %parallel_loop3A_224 : i32 to index
          %parallel_loop3A_238 = arith.constant 0 : index
          %parallel_loop3A_239 = tpu.vector_load %arg11[%parallel_loop3A_236, %parallel_loop3A_237, %parallel_loop3A_238] {strides = array<i32>} : memref<3x80x64xf32, #tpu.memory_space<vmem>>, vector<1x1x16xf32>,
          %parallel_loop3A_240 = vector.shape_cast %parallel_loop3A_239 : vector<1x1x16xf32> to vector<16xf32>
          %parallel_loop3A_241 = vector.shape_cast %parallel_loop3A_234 : vector<16xf32> to vector<1x1x16xf32>
          tpu.vector_store %arg11[%parallel_loop3A_236, %parallel_loop3A_237, %parallel_loop3A_238], %parallel_loop3A_241 {strides = array<i32>} : memref<3x80x64xf32, #tpu.memory_space<vmem>>, vector<1x1x16xf32>,
          %parallel_loop3A_242 = arith.constant 1 : i32
          %parallel_loop3A_243 = arith.index_cast %parallel_loop3A_242 : i32 to index
          %parallel_loop3A_244 = arith.index_cast %parallel_loop3A_224 : i32 to index
          %parallel_loop3A_245 = arith.constant 16 : index
          %parallel_loop3A_246 = tpu.vector_load %arg11[%parallel_loop3A_243, %parallel_loop3A_244, %parallel_loop3A_245] {strides = array<i32>} : memref<3x80x64xf32, #tpu.memory_space<vmem>>, vector<1x1x16xf32>,
          %parallel_loop3A_247 = vector.shape_cast %parallel_loop3A_246 : vector<1x1x16xf32> to vector<16xf32>
          %parallel_loop3A_248 = vector.broadcast %parallel_loop3A_226 : f32 to vector<16xf32>
          %parallel_loop3A_249 = arith.mulf %parallel_loop3A_247, %parallel_loop3A_248 : vector<16xf32>
          %parallel_loop3A_250 = arith.constant 1 : i32
          %parallel_loop3A_251 = arith.index_cast %parallel_loop3A_250 : i32 to index
          %parallel_loop3A_252 = arith.index_cast %parallel_loop3A_224 : i32 to index
          %parallel_loop3A_253 = arith.constant 16 : index
          %parallel_loop3A_254 = tpu.vector_load %arg11[%parallel_loop3A_251, %parallel_loop3A_252, %parallel_loop3A_253] {strides = array<i32>} : memref<3x80x64xf32, #tpu.memory_space<vmem>>, vector<1x1x16xf32>,
          %parallel_loop3A_255 = vector.shape_cast %parallel_loop3A_254 : vector<1x1x16xf32> to vector<16xf32>
          %parallel_loop3A_256 = vector.shape_cast %parallel_loop3A_249 : vector<16xf32> to vector<1x1x16xf32>
          tpu.vector_store %arg11[%parallel_loop3A_251, %parallel_loop3A_252, %parallel_loop3A_253], %parallel_loop3A_256 {strides = array<i32>} : memref<3x80x64xf32, #tpu.memory_space<vmem>>, vector<1x1x16xf32>,
          %parallel_loop3A_257 = arith.constant 1 : i32
          %parallel_loop3A_258 = arith.index_cast %parallel_loop3A_257 : i32 to index
          %parallel_loop3A_259 = arith.index_cast %parallel_loop3A_224 : i32 to index
          %parallel_loop3A_260 = arith.constant 32 : index
          %parallel_loop3A_261 = tpu.vector_load %arg11[%parallel_loop3A_258, %parallel_loop3A_259, %parallel_loop3A_260] {strides = array<i32>} : memref<3x80x64xf32, #tpu.memory_space<vmem>>, vector<1x1x16xf32>,
          %parallel_loop3A_262 = vector.shape_cast %parallel_loop3A_261 : vector<1x1x16xf32> to vector<16xf32>
          %parallel_loop3A_263 = vector.broadcast %parallel_loop3A_226 : f32 to vector<16xf32>
          %parallel_loop3A_264 = arith.mulf %parallel_loop3A_262, %parallel_loop3A_263 : vector<16xf32>
          %parallel_loop3A_265 = arith.constant 1 : i32
          %parallel_loop3A_266 = arith.index_cast %parallel_loop3A_265 : i32 to index
          %parallel_loop3A_267 = arith.index_cast %parallel_loop3A_224 : i32 to index
          %parallel_loop3A_268 = arith.constant 32 : index
          %parallel_loop3A_269 = tpu.vector_load %arg11[%parallel_loop3A_266, %parallel_loop3A_267, %parallel_loop3A_268] {strides = array<i32>} : memref<3x80x64xf32, #tpu.memory_space<vmem>>, vector<1x1x16xf32>,
          %parallel_loop3A_270 = vector.shape_cast %parallel_loop3A_269 : vector<1x1x16xf32> to vector<16xf32>
          %parallel_loop3A_271 = vector.shape_cast %parallel_loop3A_264 : vector<16xf32> to vector<1x1x16xf32>
          tpu.vector_store %arg11[%parallel_loop3A_266, %parallel_loop3A_267, %parallel_loop3A_268], %parallel_loop3A_271 {strides = array<i32>} : memref<3x80x64xf32, #tpu.memory_space<vmem>>, vector<1x1x16xf32>,
          %parallel_loop3A_272 = arith.constant 1 : i32
          %parallel_loop3A_273 = arith.index_cast %parallel_loop3A_272 : i32 to index
          %parallel_loop3A_274 = arith.index_cast %parallel_loop3A_224 : i32 to index
          %parallel_loop3A_275 = arith.constant 48 : index
          %parallel_loop3A_276 = tpu.vector_load %arg11[%parallel_loop3A_273, %parallel_loop3A_274, %parallel_loop3A_275] {strides = array<i32>} : memref<3x80x64xf32, #tpu.memory_space<vmem>>, vector<1x1x16xf32>,
          %parallel_loop3A_277 = vector.shape_cast %parallel_loop3A_276 : vector<1x1x16xf32> to vector<16xf32>
          %parallel_loop3A_278 = vector.broadcast %parallel_loop3A_226 : f32 to vector<16xf32>
          %parallel_loop3A_279 = arith.mulf %parallel_loop3A_277, %parallel_loop3A_278 : vector<16xf32>
          %parallel_loop3A_280 = arith.constant 1 : i32
          %parallel_loop3A_281 = arith.index_cast %parallel_loop3A_280 : i32 to index
          %parallel_loop3A_282 = arith.index_cast %parallel_loop3A_224 : i32 to index
          %parallel_loop3A_283 = arith.constant 48 : index
          %parallel_loop3A_284 = tpu.vector_load %arg11[%parallel_loop3A_281, %parallel_loop3A_282, %parallel_loop3A_283] {strides = array<i32>} : memref<3x80x64xf32, #tpu.memory_space<vmem>>, vector<1x1x16xf32>,
          %parallel_loop3A_285 = vector.shape_cast %parallel_loop3A_284 : vector<1x1x16xf32> to vector<16xf32>
          %parallel_loop3A_286 = vector.shape_cast %parallel_loop3A_279 : vector<16xf32> to vector<1x1x16xf32>
          tpu.vector_store %arg11[%parallel_loop3A_281, %parallel_loop3A_282, %parallel_loop3A_283], %parallel_loop3A_286 {strides = array<i32>} : memref<3x80x64xf32, #tpu.memory_space<vmem>>, vector<1x1x16xf32>,
          %parallel_loop3A_287 = arith.constant 16 : i32
          %parallel_loop3A_288 = arith.muli %parallel_loop3A_148, %parallel_loop3A_287 : i32
          %parallel_loop3A_289 = arith.constant 2 : i32
          %parallel_loop3A_290 = arith.addi %parallel_loop3A_288, %parallel_loop3A_289 : i32
          %parallel_loop3A_291 = vector.extract_strided_slice %parallel_loop3A_154 {offsets = [2], sizes = [1], strides = [1]} : vector<16xf32> to vector<1xf32>
          %parallel_loop3A_292 = vector.extract %parallel_loop3A_291[0] : f32 from vector<1xf32>
          %parallel_loop3A_293 = arith.constant 1 : i32
          %parallel_loop3A_294 = arith.index_cast %parallel_loop3A_293 : i32 to index
          %parallel_loop3A_295 = arith.index_cast %parallel_loop3A_290 : i32 to index
          %parallel_loop3A_296 = arith.constant 0 : index
          %parallel_loop3A_297 = tpu.vector_load %arg11[%parallel_loop3A_294, %parallel_loop3A_295, %parallel_loop3A_296] {strides = array<i32>} : memref<3x80x64xf32, #tpu.memory_space<vmem>>, vector<1x1x16xf32>,
          %parallel_loop3A_298 = vector.shape_cast %parallel_loop3A_297 : vector<1x1x16xf32> to vector<16xf32>
          %parallel_loop3A_299 = vector.broadcast %parallel_loop3A_292 : f32 to vector<16xf32>
          %parallel_loop3A_300 = arith.mulf %parallel_loop3A_298, %parallel_loop3A_299 : vector<16xf32>
          %parallel_loop3A_301 = arith.constant 1 : i32
          %parallel_loop3A_302 = arith.index_cast %parallel_loop3A_301 : i32 to index
          %parallel_loop3A_303 = arith.index_cast %parallel_loop3A_290 : i32 to index
          %parallel_loop3A_304 = arith.constant 0 : index
          %parallel_loop3A_305 = tpu.vector_load %arg11[%parallel_loop3A_302, %parallel_loop3A_303, %parallel_loop3A_304] {strides = array<i32>} : memref<3x80x64xf32, #tpu.memory_space<vmem>>, vector<1x1x16xf32>,
          %parallel_loop3A_306 = vector.shape_cast %parallel_loop3A_305 : vector<1x1x16xf32> to vector<16xf32>
          %parallel_loop3A_307 = vector.shape_cast %parallel_loop3A_300 : vector<16xf32> to vector<1x1x16xf32>
          tpu.vector_store %arg11[%parallel_loop3A_302, %parallel_loop3A_303, %parallel_loop3A_304], %parallel_loop3A_307 {strides = array<i32>} : memref<3x80x64xf32, #tpu.memory_space<vmem>>, vector<1x1x16xf32>,
          %parallel_loop3A_308 = arith.constant 1 : i32
          %parallel_loop3A_309 = arith.index_cast %parallel_loop3A_308 : i32 to index
          %parallel_loop3A_310 = arith.index_cast %parallel_loop3A_290 : i32 to index
          %parallel_loop3A_311 = arith.constant 16 : index
          %parallel_loop3A_312 = tpu.vector_load %arg11[%parallel_loop3A_309, %parallel_loop3A_310, %parallel_loop3A_311] {strides = array<i32>} : memref<3x80x64xf32, #tpu.memory_space<vmem>>, vector<1x1x16xf32>,
          %parallel_loop3A_313 = vector.shape_cast %parallel_loop3A_312 : vector<1x1x16xf32> to vector<16xf32>
          %parallel_loop3A_314 = vector.broadcast %parallel_loop3A_292 : f32 to vector<16xf32>
          %parallel_loop3A_315 = arith.mulf %parallel_loop3A_313, %parallel_loop3A_314 : vector<16xf32>
          %parallel_loop3A_316 = arith.constant 1 : i32
          %parallel_loop3A_317 = arith.index_cast %parallel_loop3A_316 : i32 to index
          %parallel_loop3A_318 = arith.index_cast %parallel_loop3A_290 : i32 to index
          %parallel_loop3A_319 = arith.constant 16 : index
          %parallel_loop3A_320 = tpu.vector_load %arg11[%parallel_loop3A_317, %parallel_loop3A_318, %parallel_loop3A_319] {strides = array<i32>} : memref<3x80x64xf32, #tpu.memory_space<vmem>>, vector<1x1x16xf32>,
          %parallel_loop3A_321 = vector.shape_cast %parallel_loop3A_320 : vector<1x1x16xf32> to vector<16xf32>
          %parallel_loop3A_322 = vector.shape_cast %parallel_loop3A_315 : vector<16xf32> to vector<1x1x16xf32>
          tpu.vector_store %arg11[%parallel_loop3A_317, %parallel_loop3A_318, %parallel_loop3A_319], %parallel_loop3A_322 {strides = array<i32>} : memref<3x80x64xf32, #tpu.memory_space<vmem>>, vector<1x1x16xf32>,
          %parallel_loop3A_323 = arith.constant 1 : i32
          %parallel_loop3A_324 = arith.index_cast %parallel_loop3A_323 : i32 to index
          %parallel_loop3A_325 = arith.index_cast %parallel_loop3A_290 : i32 to index
          %parallel_loop3A_326 = arith.constant 32 : index
          %parallel_loop3A_327 = tpu.vector_load %arg11[%parallel_loop3A_324, %parallel_loop3A_325, %parallel_loop3A_326] {strides = array<i32>} : memref<3x80x64xf32, #tpu.memory_space<vmem>>, vector<1x1x16xf32>,
          %parallel_loop3A_328 = vector.shape_cast %parallel_loop3A_327 : vector<1x1x16xf32> to vector<16xf32>
          %parallel_loop3A_329 = vector.broadcast %parallel_loop3A_292 : f32 to vector<16xf32>
          %parallel_loop3A_330 = arith.mulf %parallel_loop3A_328, %parallel_loop3A_329 : vector<16xf32>
          %parallel_loop3A_331 = arith.constant 1 : i32
          %parallel_loop3A_332 = arith.index_cast %parallel_loop3A_331 : i32 to index
          %parallel_loop3A_333 = arith.index_cast %parallel_loop3A_290 : i32 to index
          %parallel_loop3A_334 = arith.constant 32 : index
          %parallel_loop3A_335 = tpu.vector_load %arg11[%parallel_loop3A_332, %parallel_loop3A_333, %parallel_loop3A_334] {strides = array<i32>} : memref<3x80x64xf32, #tpu.memory_space<vmem>>, vector<1x1x16xf32>,
          %parallel_loop3A_336 = vector.shape_cast %parallel_loop3A_335 : vector<1x1x16xf32> to vector<16xf32>
          %parallel_loop3A_337 = vector.shape_cast %parallel_loop3A_330 : vector<16xf32> to vector<1x1x16xf32>
          tpu.vector_store %arg11[%parallel_loop3A_332, %parallel_loop3A_333, %parallel_loop3A_334], %parallel_loop3A_337 {strides = array<i32>} : memref<3x80x64xf32, #tpu.memory_space<vmem>>, vector<1x1x16xf32>,
          %parallel_loop3A_338 = arith.constant 1 : i32
          %parallel_loop3A_339 = arith.index_cast %parallel_loop3A_338 : i32 to index
          %parallel_loop3A_340 = arith.index_cast %parallel_loop3A_290 : i32 to index
          %parallel_loop3A_341 = arith.constant 48 : index
          %parallel_loop3A_342 = tpu.vector_load %arg11[%parallel_loop3A_339, %parallel_loop3A_340, %parallel_loop3A_341] {strides = array<i32>} : memref<3x80x64xf32, #tpu.memory_space<vmem>>, vector<1x1x16xf32>,
          %parallel_loop3A_343 = vector.shape_cast %parallel_loop3A_342 : vector<1x1x16xf32> to vector<16xf32>
          %parallel_loop3A_344 = vector.broadcast %parallel_loop3A_292 : f32 to vector<16xf32>
          %parallel_loop3A_345 = arith.mulf %parallel_loop3A_343, %parallel_loop3A_344 : vector<16xf32>
          %parallel_loop3A_346 = arith.constant 1 : i32
          %parallel_loop3A_347 = arith.index_cast %parallel_loop3A_346 : i32 to index
          %parallel_loop3A_348 = arith.index_cast %parallel_loop3A_290 : i32 to index
          %parallel_loop3A_349 = arith.constant 48 : index
          %parallel_loop3A_350 = tpu.vector_load %arg11[%parallel_loop3A_347, %parallel_loop3A_348, %parallel_loop3A_349] {strides = array<i32>} : memref<3x80x64xf32, #tpu.memory_space<vmem>>, vector<1x1x16xf32>,
          %parallel_loop3A_351 = vector.shape_cast %parallel_loop3A_350 : vector<1x1x16xf32> to vector<16xf32>
          %parallel_loop3A_352 = vector.shape_cast %parallel_loop3A_345 : vector<16xf32> to vector<1x1x16xf32>
          tpu.vector_store %arg11[%parallel_loop3A_347, %parallel_loop3A_348, %parallel_loop3A_349], %parallel_loop3A_352 {strides = array<i32>} : memref<3x80x64xf32, #tpu.memory_space<vmem>>, vector<1x1x16xf32>,
          %parallel_loop3A_353 = arith.constant 16 : i32
          %parallel_loop3A_354 = arith.muli %parallel_loop3A_148, %parallel_loop3A_353 : i32
          %parallel_loop3A_355 = arith.constant 3 : i32
          %parallel_loop3A_356 = arith.addi %parallel_loop3A_354, %parallel_loop3A_355 : i32
          %parallel_loop3A_357 = vector.extract_strided_slice %parallel_loop3A_154 {offsets = [3], sizes = [1], strides = [1]} : vector<16xf32> to vector<1xf32>
          %parallel_loop3A_358 = vector.extract %parallel_loop3A_357[0] : f32 from vector<1xf32>
          %parallel_loop3A_359 = arith.constant 1 : i32
          %parallel_loop3A_360 = arith.index_cast %parallel_loop3A_359 : i32 to index
          %parallel_loop3A_361 = arith.index_cast %parallel_loop3A_356 : i32 to index
          %parallel_loop3A_362 = arith.constant 0 : index
          %parallel_loop3A_363 = tpu.vector_load %arg11[%parallel_loop3A_360, %parallel_loop3A_361, %parallel_loop3A_362] {strides = array<i32>} : memref<3x80x64xf32, #tpu.memory_space<vmem>>, vector<1x1x16xf32>,
          %parallel_loop3A_364 = vector.shape_cast %parallel_loop3A_363 : vector<1x1x16xf32> to vector<16xf32>
          %parallel_loop3A_365 = vector.broadcast %parallel_loop3A_358 : f32 to vector<16xf32>
          %parallel_loop3A_366 = arith.mulf %parallel_loop3A_364, %parallel_loop3A_365 : vector<16xf32>
          %parallel_loop3A_367 = arith.constant 1 : i32
          %parallel_loop3A_368 = arith.index_cast %parallel_loop3A_367 : i32 to index
          %parallel_loop3A_369 = arith.index_cast %parallel_loop3A_356 : i32 to index
          %parallel_loop3A_370 = arith.constant 0 : index
          %parallel_loop3A_371 = tpu.vector_load %arg11[%parallel_loop3A_368, %parallel_loop3A_369, %parallel_loop3A_370] {strides = array<i32>} : memref<3x80x64xf32, #tpu.memory_space<vmem>>, vector<1x1x16xf32>,
          %parallel_loop3A_372 = vector.shape_cast %parallel_loop3A_371 : vector<1x1x16xf32> to vector<16xf32>
          %parallel_loop3A_373 = vector.shape_cast %parallel_loop3A_366 : vector<16xf32> to vector<1x1x16xf32>
          tpu.vector_store %arg11[%parallel_loop3A_368, %parallel_loop3A_369, %parallel_loop3A_370], %parallel_loop3A_373 {strides = array<i32>} : memref<3x80x64xf32, #tpu.memory_space<vmem>>, vector<1x1x16xf32>,
          %parallel_loop3A_374 = arith.constant 1 : i32
          %parallel_loop3A_375 = arith.index_cast %parallel_loop3A_374 : i32 to index
          %parallel_loop3A_376 = arith.index_cast %parallel_loop3A_356 : i32 to index
          %parallel_loop3A_377 = arith.constant 16 : index
          %parallel_loop3A_378 = tpu.vector_load %arg11[%parallel_loop3A_375, %parallel_loop3A_376, %parallel_loop3A_377] {strides = array<i32>} : memref<3x80x64xf32, #tpu.memory_space<vmem>>, vector<1x1x16xf32>,
          %parallel_loop3A_379 = vector.shape_cast %parallel_loop3A_378 : vector<1x1x16xf32> to vector<16xf32>
          %parallel_loop3A_380 = vector.broadcast %parallel_loop3A_358 : f32 to vector<16xf32>
          %parallel_loop3A_381 = arith.mulf %parallel_loop3A_379, %parallel_loop3A_380 : vector<16xf32>
          %parallel_loop3A_382 = arith.constant 1 : i32
          %parallel_loop3A_383 = arith.index_cast %parallel_loop3A_382 : i32 to index
          %parallel_loop3A_384 = arith.index_cast %parallel_loop3A_356 : i32 to index
          %parallel_loop3A_385 = arith.constant 16 : index
          %parallel_loop3A_386 = tpu.vector_load %arg11[%parallel_loop3A_383, %parallel_loop3A_384, %parallel_loop3A_385] {strides = array<i32>} : memref<3x80x64xf32, #tpu.memory_space<vmem>>, vector<1x1x16xf32>,
          %parallel_loop3A_387 = vector.shape_cast %parallel_loop3A_386 : vector<1x1x16xf32> to vector<16xf32>
          %parallel_loop3A_388 = vector.shape_cast %parallel_loop3A_381 : vector<16xf32> to vector<1x1x16xf32>
          tpu.vector_store %arg11[%parallel_loop3A_383, %parallel_loop3A_384, %parallel_loop3A_385], %parallel_loop3A_388 {strides = array<i32>} : memref<3x80x64xf32, #tpu.memory_space<vmem>>, vector<1x1x16xf32>,
          %parallel_loop3A_389 = arith.constant 1 : i32
          %parallel_loop3A_390 = arith.index_cast %parallel_loop3A_389 : i32 to index
          %parallel_loop3A_391 = arith.index_cast %parallel_loop3A_356 : i32 to index
          %parallel_loop3A_392 = arith.constant 32 : index
          %parallel_loop3A_393 = tpu.vector_load %arg11[%parallel_loop3A_390, %parallel_loop3A_391, %parallel_loop3A_392] {strides = array<i32>} : memref<3x80x64xf32, #tpu.memory_space<vmem>>, vector<1x1x16xf32>,
          %parallel_loop3A_394 = vector.shape_cast %parallel_loop3A_393 : vector<1x1x16xf32> to vector<16xf32>
          %parallel_loop3A_395 = vector.broadcast %parallel_loop3A_358 : f32 to vector<16xf32>
          %parallel_loop3A_396 = arith.mulf %parallel_loop3A_394, %parallel_loop3A_395 : vector<16xf32>
          %parallel_loop3A_397 = arith.constant 1 : i32
          %parallel_loop3A_398 = arith.index_cast %parallel_loop3A_397 : i32 to index
          %parallel_loop3A_399 = arith.index_cast %parallel_loop3A_356 : i32 to index
          %parallel_loop3A_400 = arith.constant 32 : index
          %parallel_loop3A_401 = tpu.vector_load %arg11[%parallel_loop3A_398, %parallel_loop3A_399, %parallel_loop3A_400] {strides = array<i32>} : memref<3x80x64xf32, #tpu.memory_space<vmem>>, vector<1x1x16xf32>,
          %parallel_loop3A_402 = vector.shape_cast %parallel_loop3A_401 : vector<1x1x16xf32> to vector<16xf32>
          %parallel_loop3A_403 = vector.shape_cast %parallel_loop3A_396 : vector<16xf32> to vector<1x1x16xf32>
          tpu.vector_store %arg11[%parallel_loop3A_398, %parallel_loop3A_399, %parallel_loop3A_400], %parallel_loop3A_403 {strides = array<i32>} : memref<3x80x64xf32, #tpu.memory_space<vmem>>, vector<1x1x16xf32>,
          %parallel_loop3A_404 = arith.constant 1 : i32
          %parallel_loop3A_405 = arith.index_cast %parallel_loop3A_404 : i32 to index
          %parallel_loop3A_406 = arith.index_cast %parallel_loop3A_356 : i32 to index
          %parallel_loop3A_407 = arith.constant 48 : index
          %parallel_loop3A_408 = tpu.vector_load %arg11[%parallel_loop3A_405, %parallel_loop3A_406, %parallel_loop3A_407] {strides = array<i32>} : memref<3x80x64xf32, #tpu.memory_space<vmem>>, vector<1x1x16xf32>,
          %parallel_loop3A_409 = vector.shape_cast %parallel_loop3A_408 : vector<1x1x16xf32> to vector<16xf32>
          %parallel_loop3A_410 = vector.broadcast %parallel_loop3A_358 : f32 to vector<16xf32>
          %parallel_loop3A_411 = arith.mulf %parallel_loop3A_409, %parallel_loop3A_410 : vector<16xf32>
          %parallel_loop3A_412 = arith.constant 1 : i32
          %parallel_loop3A_413 = arith.index_cast %parallel_loop3A_412 : i32 to index
          %parallel_loop3A_414 = arith.index_cast %parallel_loop3A_356 : i32 to index
          %parallel_loop3A_415 = arith.constant 48 : index
          %parallel_loop3A_416 = tpu.vector_load %arg11[%parallel_loop3A_413, %parallel_loop3A_414, %parallel_loop3A_415] {strides = array<i32>} : memref<3x80x64xf32, #tpu.memory_space<vmem>>, vector<1x1x16xf32>,
          %parallel_loop3A_417 = vector.shape_cast %parallel_loop3A_416 : vector<1x1x16xf32> to vector<16xf32>
          %parallel_loop3A_418 = vector.shape_cast %parallel_loop3A_411 : vector<16xf32> to vector<1x1x16xf32>
          tpu.vector_store %arg11[%parallel_loop3A_413, %parallel_loop3A_414, %parallel_loop3A_415], %parallel_loop3A_418 {strides = array<i32>} : memref<3x80x64xf32, #tpu.memory_space<vmem>>, vector<1x1x16xf32>,
          %parallel_loop3A_419 = arith.constant 16 : i32
          %parallel_loop3A_420 = arith.muli %parallel_loop3A_148, %parallel_loop3A_419 : i32
          %parallel_loop3A_421 = arith.constant 4 : i32
          %parallel_loop3A_422 = arith.addi %parallel_loop3A_420, %parallel_loop3A_421 : i32
          %parallel_loop3A_423 = vector.extract_strided_slice %parallel_loop3A_154 {offsets = [4], sizes = [1], strides = [1]} : vector<16xf32> to vector<1xf32>
          %parallel_loop3A_424 = vector.extract %parallel_loop3A_423[0] : f32 from vector<1xf32>
          %parallel_loop3A_425 = arith.constant 1 : i32
          %parallel_loop3A_426 = arith.index_cast %parallel_loop3A_425 : i32 to index
          %parallel_loop3A_427 = arith.index_cast %parallel_loop3A_422 : i32 to index
          %parallel_loop3A_428 = arith.constant 0 : index
          %parallel_loop3A_429 = tpu.vector_load %arg11[%parallel_loop3A_426, %parallel_loop3A_427, %parallel_loop3A_428] {strides = array<i32>} : memref<3x80x64xf32, #tpu.memory_space<vmem>>, vector<1x1x16xf32>,
          %parallel_loop3A_430 = vector.shape_cast %parallel_loop3A_429 : vector<1x1x16xf32> to vector<16xf32>
          %parallel_loop3A_431 = vector.broadcast %parallel_loop3A_424 : f32 to vector<16xf32>
          %parallel_loop3A_432 = arith.mulf %parallel_loop3A_430, %parallel_loop3A_431 : vector<16xf32>
          %parallel_loop3A_433 = arith.constant 1 : i32
          %parallel_loop3A_434 = arith.index_cast %parallel_loop3A_433 : i32 to index
          %parallel_loop3A_435 = arith.index_cast %parallel_loop3A_422 : i32 to index
          %parallel_loop3A_436 = arith.constant 0 : index
          %parallel_loop3A_437 = tpu.vector_load %arg11[%parallel_loop3A_434, %parallel_loop3A_435, %parallel_loop3A_436] {strides = array<i32>} : memref<3x80x64xf32, #tpu.memory_space<vmem>>, vector<1x1x16xf32>,
          %parallel_loop3A_438 = vector.shape_cast %parallel_loop3A_437 : vector<1x1x16xf32> to vector<16xf32>
          %parallel_loop3A_439 = vector.shape_cast %parallel_loop3A_432 : vector<16xf32> to vector<1x1x16xf32>
          tpu.vector_store %arg11[%parallel_loop3A_434, %parallel_loop3A_435, %parallel_loop3A_436], %parallel_loop3A_439 {strides = array<i32>} : memref<3x80x64xf32, #tpu.memory_space<vmem>>, vector<1x1x16xf32>,
          %parallel_loop3A_440 = arith.constant 1 : i32
          %parallel_loop3A_441 = arith.index_cast %parallel_loop3A_440 : i32 to index
          %parallel_loop3A_442 = arith.index_cast %parallel_loop3A_422 : i32 to index
          %parallel_loop3A_443 = arith.constant 16 : index
          %parallel_loop3A_444 = tpu.vector_load %arg11[%parallel_loop3A_441, %parallel_loop3A_442, %parallel_loop3A_443] {strides = array<i32>} : memref<3x80x64xf32, #tpu.memory_space<vmem>>, vector<1x1x16xf32>,
          %parallel_loop3A_445 = vector.shape_cast %parallel_loop3A_444 : vector<1x1x16xf32> to vector<16xf32>
          %parallel_loop3A_446 = vector.broadcast %parallel_loop3A_424 : f32 to vector<16xf32>
          %parallel_loop3A_447 = arith.mulf %parallel_loop3A_445, %parallel_loop3A_446 : vector<16xf32>
          %parallel_loop3A_448 = arith.constant 1 : i32
          %parallel_loop3A_449 = arith.index_cast %parallel_loop3A_448 : i32 to index
          %parallel_loop3A_450 = arith.index_cast %parallel_loop3A_422 : i32 to index
          %parallel_loop3A_451 = arith.constant 16 : index
          %parallel_loop3A_452 = tpu.vector_load %arg11[%parallel_loop3A_449, %parallel_loop3A_450, %parallel_loop3A_451] {strides = array<i32>} : memref<3x80x64xf32, #tpu.memory_space<vmem>>, vector<1x1x16xf32>,
          %parallel_loop3A_453 = vector.shape_cast %parallel_loop3A_452 : vector<1x1x16xf32> to vector<16xf32>
          %parallel_loop3A_454 = vector.shape_cast %parallel_loop3A_447 : vector<16xf32> to vector<1x1x16xf32>
          tpu.vector_store %arg11[%parallel_loop3A_449, %parallel_loop3A_450, %parallel_loop3A_451], %parallel_loop3A_454 {strides = array<i32>} : memref<3x80x64xf32, #tpu.memory_space<vmem>>, vector<1x1x16xf32>,
          %parallel_loop3A_455 = arith.constant 1 : i32
          %parallel_loop3A_456 = arith.index_cast %parallel_loop3A_455 : i32 to index
          %parallel_loop3A_457 = arith.index_cast %parallel_loop3A_422 : i32 to index
          %parallel_loop3A_458 = arith.constant 32 : index
          %parallel_loop3A_459 = tpu.vector_load %arg11[%parallel_loop3A_456, %parallel_loop3A_457, %parallel_loop3A_458] {strides = array<i32>} : memref<3x80x64xf32, #tpu.memory_space<vmem>>, vector<1x1x16xf32>,
          %parallel_loop3A_460 = vector.shape_cast %parallel_loop3A_459 : vector<1x1x16xf32> to vector<16xf32>
          %parallel_loop3A_461 = vector.broadcast %parallel_loop3A_424 : f32 to vector<16xf32>
          %parallel_loop3A_462 = arith.mulf %parallel_loop3A_460, %parallel_loop3A_461 : vector<16xf32>
          %parallel_loop3A_463 = arith.constant 1 : i32
          %parallel_loop3A_464 = arith.index_cast %parallel_loop3A_463 : i32 to index
          %parallel_loop3A_465 = arith.index_cast %parallel_loop3A_422 : i32 to index
          %parallel_loop3A_466 = arith.constant 32 : index
          %parallel_loop3A_467 = tpu.vector_load %arg11[%parallel_loop3A_464, %parallel_loop3A_465, %parallel_loop3A_466] {strides = array<i32>} : memref<3x80x64xf32, #tpu.memory_space<vmem>>, vector<1x1x16xf32>,
          %parallel_loop3A_468 = vector.shape_cast %parallel_loop3A_467 : vector<1x1x16xf32> to vector<16xf32>
          %parallel_loop3A_469 = vector.shape_cast %parallel_loop3A_462 : vector<16xf32> to vector<1x1x16xf32>
          tpu.vector_store %arg11[%parallel_loop3A_464, %parallel_loop3A_465, %parallel_loop3A_466], %parallel_loop3A_469 {strides = array<i32>} : memref<3x80x64xf32, #tpu.memory_space<vmem>>, vector<1x1x16xf32>,
          %parallel_loop3A_470 = arith.constant 1 : i32
          %parallel_loop3A_471 = arith.index_cast %parallel_loop3A_470 : i32 to index
          %parallel_loop3A_472 = arith.index_cast %parallel_loop3A_422 : i32 to index
          %parallel_loop3A_473 = arith.constant 48 : index
          %parallel_loop3A_474 = tpu.vector_load %arg11[%parallel_loop3A_471, %parallel_loop3A_472, %parallel_loop3A_473] {strides = array<i32>} : memref<3x80x64xf32, #tpu.memory_space<vmem>>, vector<1x1x16xf32>,
          %parallel_loop3A_475 = vector.shape_cast %parallel_loop3A_474 : vector<1x1x16xf32> to vector<16xf32>
          %parallel_loop3A_476 = vector.broadcast %parallel_loop3A_424 : f32 to vector<16xf32>
          %parallel_loop3A_477 = arith.mulf %parallel_loop3A_475, %parallel_loop3A_476 : vector<16xf32>
          %parallel_loop3A_478 = arith.constant 1 : i32
          %parallel_loop3A_479 = arith.index_cast %parallel_loop3A_478 : i32 to index
          %parallel_loop3A_480 = arith.index_cast %parallel_loop3A_422 : i32 to index
          %parallel_loop3A_481 = arith.constant 48 : index
          %parallel_loop3A_482 = tpu.vector_load %arg11[%parallel_loop3A_479, %parallel_loop3A_480, %parallel_loop3A_481] {strides = array<i32>} : memref<3x80x64xf32, #tpu.memory_space<vmem>>, vector<1x1x16xf32>,
          %parallel_loop3A_483 = vector.shape_cast %parallel_loop3A_482 : vector<1x1x16xf32> to vector<16xf32>
          %parallel_loop3A_484 = vector.shape_cast %parallel_loop3A_477 : vector<16xf32> to vector<1x1x16xf32>
          tpu.vector_store %arg11[%parallel_loop3A_479, %parallel_loop3A_480, %parallel_loop3A_481], %parallel_loop3A_484 {strides = array<i32>} : memref<3x80x64xf32, #tpu.memory_space<vmem>>, vector<1x1x16xf32>,
          %parallel_loop3A_485 = arith.constant 16 : i32
          %parallel_loop3A_486 = arith.muli %parallel_loop3A_148, %parallel_loop3A_485 : i32
          %parallel_loop3A_487 = arith.constant 5 : i32
          %parallel_loop3A_488 = arith.addi %parallel_loop3A_486, %parallel_loop3A_487 : i32
          %parallel_loop3A_489 = vector.extract_strided_slice %parallel_loop3A_154 {offsets = [5], sizes = [1], strides = [1]} : vector<16xf32> to vector<1xf32>
          %parallel_loop3A_490 = vector.extract %parallel_loop3A_489[0] : f32 from vector<1xf32>
          %parallel_loop3A_491 = arith.constant 1 : i32
          %parallel_loop3A_492 = arith.index_cast %parallel_loop3A_491 : i32 to index
          %parallel_loop3A_493 = arith.index_cast %parallel_loop3A_488 : i32 to index
          %parallel_loop3A_494 = arith.constant 0 : index
          %parallel_loop3A_495 = tpu.vector_load %arg11[%parallel_loop3A_492, %parallel_loop3A_493, %parallel_loop3A_494] {strides = array<i32>} : memref<3x80x64xf32, #tpu.memory_space<vmem>>, vector<1x1x16xf32>,
          %parallel_loop3A_496 = vector.shape_cast %parallel_loop3A_495 : vector<1x1x16xf32> to vector<16xf32>
          %parallel_loop3A_497 = vector.broadcast %parallel_loop3A_490 : f32 to vector<16xf32>
          %parallel_loop3A_498 = arith.mulf %parallel_loop3A_496, %parallel_loop3A_497 : vector<16xf32>
          %parallel_loop3A_499 = arith.constant 1 : i32
          %parallel_loop3A_500 = arith.index_cast %parallel_loop3A_499 : i32 to index
          %parallel_loop3A_501 = arith.index_cast %parallel_loop3A_488 : i32 to index
          %parallel_loop3A_502 = arith.constant 0 : index
          %parallel_loop3A_503 = tpu.vector_load %arg11[%parallel_loop3A_500, %parallel_loop3A_501, %parallel_loop3A_502] {strides = array<i32>} : memref<3x80x64xf32, #tpu.memory_space<vmem>>, vector<1x1x16xf32>,
          %parallel_loop3A_504 = vector.shape_cast %parallel_loop3A_503 : vector<1x1x16xf32> to vector<16xf32>
          %parallel_loop3A_505 = vector.shape_cast %parallel_loop3A_498 : vector<16xf32> to vector<1x1x16xf32>
          tpu.vector_store %arg11[%parallel_loop3A_500, %parallel_loop3A_501, %parallel_loop3A_502], %parallel_loop3A_505 {strides = array<i32>} : memref<3x80x64xf32, #tpu.memory_space<vmem>>, vector<1x1x16xf32>,
          %parallel_loop3A_506 = arith.constant 1 : i32
          %parallel_loop3A_507 = arith.index_cast %parallel_loop3A_506 : i32 to index
          %parallel_loop3A_508 = arith.index_cast %parallel_loop3A_488 : i32 to index
          %parallel_loop3A_509 = arith.constant 16 : index
          %parallel_loop3A_510 = tpu.vector_load %arg11[%parallel_loop3A_507, %parallel_loop3A_508, %parallel_loop3A_509] {strides = array<i32>} : memref<3x80x64xf32, #tpu.memory_space<vmem>>, vector<1x1x16xf32>,
          %parallel_loop3A_511 = vector.shape_cast %parallel_loop3A_510 : vector<1x1x16xf32> to vector<16xf32>
          %parallel_loop3A_512 = vector.broadcast %parallel_loop3A_490 : f32 to vector<16xf32>
          %parallel_loop3A_513 = arith.mulf %parallel_loop3A_511, %parallel_loop3A_512 : vector<16xf32>
          %parallel_loop3A_514 = arith.constant 1 : i32
          %parallel_loop3A_515 = arith.index_cast %parallel_loop3A_514 : i32 to index
          %parallel_loop3A_516 = arith.index_cast %parallel_loop3A_488 : i32 to index
          %parallel_loop3A_517 = arith.constant 16 : index
          %parallel_loop3A_518 = tpu.vector_load %arg11[%parallel_loop3A_515, %parallel_loop3A_516, %parallel_loop3A_517] {strides = array<i32>} : memref<3x80x64xf32, #tpu.memory_space<vmem>>, vector<1x1x16xf32>,
          %parallel_loop3A_519 = vector.shape_cast %parallel_loop3A_518 : vector<1x1x16xf32> to vector<16xf32>
          %parallel_loop3A_520 = vector.shape_cast %parallel_loop3A_513 : vector<16xf32> to vector<1x1x16xf32>
          tpu.vector_store %arg11[%parallel_loop3A_515, %parallel_loop3A_516, %parallel_loop3A_517], %parallel_loop3A_520 {strides = array<i32>} : memref<3x80x64xf32, #tpu.memory_space<vmem>>, vector<1x1x16xf32>,
          %parallel_loop3A_521 = arith.constant 1 : i32
          %parallel_loop3A_522 = arith.index_cast %parallel_loop3A_521 : i32 to index
          %parallel_loop3A_523 = arith.index_cast %parallel_loop3A_488 : i32 to index
          %parallel_loop3A_524 = arith.constant 32 : index
          %parallel_loop3A_525 = tpu.vector_load %arg11[%parallel_loop3A_522, %parallel_loop3A_523, %parallel_loop3A_524] {strides = array<i32>} : memref<3x80x64xf32, #tpu.memory_space<vmem>>, vector<1x1x16xf32>,
          %parallel_loop3A_526 = vector.shape_cast %parallel_loop3A_525 : vector<1x1x16xf32> to vector<16xf32>
          %parallel_loop3A_527 = vector.broadcast %parallel_loop3A_490 : f32 to vector<16xf32>
          %parallel_loop3A_528 = arith.mulf %parallel_loop3A_526, %parallel_loop3A_527 : vector<16xf32>
          %parallel_loop3A_529 = arith.constant 1 : i32
          %parallel_loop3A_530 = arith.index_cast %parallel_loop3A_529 : i32 to index
          %parallel_loop3A_531 = arith.index_cast %parallel_loop3A_488 : i32 to index
          %parallel_loop3A_532 = arith.constant 32 : index
          %parallel_loop3A_533 = tpu.vector_load %arg11[%parallel_loop3A_530, %parallel_loop3A_531, %parallel_loop3A_532] {strides = array<i32>} : memref<3x80x64xf32, #tpu.memory_space<vmem>>, vector<1x1x16xf32>,
          %parallel_loop3A_534 = vector.shape_cast %parallel_loop3A_533 : vector<1x1x16xf32> to vector<16xf32>
          %parallel_loop3A_535 = vector.shape_cast %parallel_loop3A_528 : vector<16xf32> to vector<1x1x16xf32>
          tpu.vector_store %arg11[%parallel_loop3A_530, %parallel_loop3A_531, %parallel_loop3A_532], %parallel_loop3A_535 {strides = array<i32>} : memref<3x80x64xf32, #tpu.memory_space<vmem>>, vector<1x1x16xf32>,
          %parallel_loop3A_536 = arith.constant 1 : i32
          %parallel_loop3A_537 = arith.index_cast %parallel_loop3A_536 : i32 to index
          %parallel_loop3A_538 = arith.index_cast %parallel_loop3A_488 : i32 to index
          %parallel_loop3A_539 = arith.constant 48 : index
          %parallel_loop3A_540 = tpu.vector_load %arg11[%parallel_loop3A_537, %parallel_loop3A_538, %parallel_loop3A_539] {strides = array<i32>} : memref<3x80x64xf32, #tpu.memory_space<vmem>>, vector<1x1x16xf32>,
          %parallel_loop3A_541 = vector.shape_cast %parallel_loop3A_540 : vector<1x1x16xf32> to vector<16xf32>
          %parallel_loop3A_542 = vector.broadcast %parallel_loop3A_490 : f32 to vector<16xf32>
          %parallel_loop3A_543 = arith.mulf %parallel_loop3A_541, %parallel_loop3A_542 : vector<16xf32>
          %parallel_loop3A_544 = arith.constant 1 : i32
          %parallel_loop3A_545 = arith.index_cast %parallel_loop3A_544 : i32 to index
          %parallel_loop3A_546 = arith.index_cast %parallel_loop3A_488 : i32 to index
          %parallel_loop3A_547 = arith.constant 48 : index
          %parallel_loop3A_548 = tpu.vector_load %arg11[%parallel_loop3A_545, %parallel_loop3A_546, %parallel_loop3A_547] {strides = array<i32>} : memref<3x80x64xf32, #tpu.memory_space<vmem>>, vector<1x1x16xf32>,
          %parallel_loop3A_549 = vector.shape_cast %parallel_loop3A_548 : vector<1x1x16xf32> to vector<16xf32>
          %parallel_loop3A_550 = vector.shape_cast %parallel_loop3A_543 : vector<16xf32> to vector<1x1x16xf32>
          tpu.vector_store %arg11[%parallel_loop3A_545, %parallel_loop3A_546, %parallel_loop3A_547], %parallel_loop3A_550 {strides = array<i32>} : memref<3x80x64xf32, #tpu.memory_space<vmem>>, vector<1x1x16xf32>,
          %parallel_loop3A_551 = arith.constant 16 : i32
          %parallel_loop3A_552 = arith.muli %parallel_loop3A_148, %parallel_loop3A_551 : i32
          %parallel_loop3A_553 = arith.constant 6 : i32
          %parallel_loop3A_554 = arith.addi %parallel_loop3A_552, %parallel_loop3A_553 : i32
          %parallel_loop3A_555 = vector.extract_strided_slice %parallel_loop3A_154 {offsets = [6], sizes = [1], strides = [1]} : vector<16xf32> to vector<1xf32>
          %parallel_loop3A_556 = vector.extract %parallel_loop3A_555[0] : f32 from vector<1xf32>
          %parallel_loop3A_557 = arith.constant 1 : i32
          %parallel_loop3A_558 = arith.index_cast %parallel_loop3A_557 : i32 to index
          %parallel_loop3A_559 = arith.index_cast %parallel_loop3A_554 : i32 to index
          %parallel_loop3A_560 = arith.constant 0 : index
          %parallel_loop3A_561 = tpu.vector_load %arg11[%parallel_loop3A_558, %parallel_loop3A_559, %parallel_loop3A_560] {strides = array<i32>} : memref<3x80x64xf32, #tpu.memory_space<vmem>>, vector<1x1x16xf32>,
          %parallel_loop3A_562 = vector.shape_cast %parallel_loop3A_561 : vector<1x1x16xf32> to vector<16xf32>
          %parallel_loop3A_563 = vector.broadcast %parallel_loop3A_556 : f32 to vector<16xf32>
          %parallel_loop3A_564 = arith.mulf %parallel_loop3A_562, %parallel_loop3A_563 : vector<16xf32>
          %parallel_loop3A_565 = arith.constant 1 : i32
          %parallel_loop3A_566 = arith.index_cast %parallel_loop3A_565 : i32 to index
          %parallel_loop3A_567 = arith.index_cast %parallel_loop3A_554 : i32 to index
          %parallel_loop3A_568 = arith.constant 0 : index
          %parallel_loop3A_569 = tpu.vector_load %arg11[%parallel_loop3A_566, %parallel_loop3A_567, %parallel_loop3A_568] {strides = array<i32>} : memref<3x80x64xf32, #tpu.memory_space<vmem>>, vector<1x1x16xf32>,
          %parallel_loop3A_570 = vector.shape_cast %parallel_loop3A_569 : vector<1x1x16xf32> to vector<16xf32>
          %parallel_loop3A_571 = vector.shape_cast %parallel_loop3A_564 : vector<16xf32> to vector<1x1x16xf32>
          tpu.vector_store %arg11[%parallel_loop3A_566, %parallel_loop3A_567, %parallel_loop3A_568], %parallel_loop3A_571 {strides = array<i32>} : memref<3x80x64xf32, #tpu.memory_space<vmem>>, vector<1x1x16xf32>,
          %parallel_loop3A_572 = arith.constant 1 : i32
          %parallel_loop3A_573 = arith.index_cast %parallel_loop3A_572 : i32 to index
          %parallel_loop3A_574 = arith.index_cast %parallel_loop3A_554 : i32 to index
          %parallel_loop3A_575 = arith.constant 16 : index
          %parallel_loop3A_576 = tpu.vector_load %arg11[%parallel_loop3A_573, %parallel_loop3A_574, %parallel_loop3A_575] {strides = array<i32>} : memref<3x80x64xf32, #tpu.memory_space<vmem>>, vector<1x1x16xf32>,
          %parallel_loop3A_577 = vector.shape_cast %parallel_loop3A_576 : vector<1x1x16xf32> to vector<16xf32>
          %parallel_loop3A_578 = vector.broadcast %parallel_loop3A_556 : f32 to vector<16xf32>
          %parallel_loop3A_579 = arith.mulf %parallel_loop3A_577, %parallel_loop3A_578 : vector<16xf32>
          %parallel_loop3A_580 = arith.constant 1 : i32
          %parallel_loop3A_581 = arith.index_cast %parallel_loop3A_580 : i32 to index
          %parallel_loop3A_582 = arith.index_cast %parallel_loop3A_554 : i32 to index
          %parallel_loop3A_583 = arith.constant 16 : index
          %parallel_loop3A_584 = tpu.vector_load %arg11[%parallel_loop3A_581, %parallel_loop3A_582, %parallel_loop3A_583] {strides = array<i32>} : memref<3x80x64xf32, #tpu.memory_space<vmem>>, vector<1x1x16xf32>,
          %parallel_loop3A_585 = vector.shape_cast %parallel_loop3A_584 : vector<1x1x16xf32> to vector<16xf32>
          %parallel_loop3A_586 = vector.shape_cast %parallel_loop3A_579 : vector<16xf32> to vector<1x1x16xf32>
          tpu.vector_store %arg11[%parallel_loop3A_581, %parallel_loop3A_582, %parallel_loop3A_583], %parallel_loop3A_586 {strides = array<i32>} : memref<3x80x64xf32, #tpu.memory_space<vmem>>, vector<1x1x16xf32>,
          %parallel_loop3A_587 = arith.constant 1 : i32
          %parallel_loop3A_588 = arith.index_cast %parallel_loop3A_587 : i32 to index
          %parallel_loop3A_589 = arith.index_cast %parallel_loop3A_554 : i32 to index
          %parallel_loop3A_590 = arith.constant 32 : index
          %parallel_loop3A_591 = tpu.vector_load %arg11[%parallel_loop3A_588, %parallel_loop3A_589, %parallel_loop3A_590] {strides = array<i32>} : memref<3x80x64xf32, #tpu.memory_space<vmem>>, vector<1x1x16xf32>,
          %parallel_loop3A_592 = vector.shape_cast %parallel_loop3A_591 : vector<1x1x16xf32> to vector<16xf32>
          %parallel_loop3A_593 = vector.broadcast %parallel_loop3A_556 : f32 to vector<16xf32>
          %parallel_loop3A_594 = arith.mulf %parallel_loop3A_592, %parallel_loop3A_593 : vector<16xf32>
          %parallel_loop3A_595 = arith.constant 1 : i32
          %parallel_loop3A_596 = arith.index_cast %parallel_loop3A_595 : i32 to index
          %parallel_loop3A_597 = arith.index_cast %parallel_loop3A_554 : i32 to index
          %parallel_loop3A_598 = arith.constant 32 : index
          %parallel_loop3A_599 = tpu.vector_load %arg11[%parallel_loop3A_596, %parallel_loop3A_597, %parallel_loop3A_598] {strides = array<i32>} : memref<3x80x64xf32, #tpu.memory_space<vmem>>, vector<1x1x16xf32>,
          %parallel_loop3A_600 = vector.shape_cast %parallel_loop3A_599 : vector<1x1x16xf32> to vector<16xf32>
          %parallel_loop3A_601 = vector.shape_cast %parallel_loop3A_594 : vector<16xf32> to vector<1x1x16xf32>
          tpu.vector_store %arg11[%parallel_loop3A_596, %parallel_loop3A_597, %parallel_loop3A_598], %parallel_loop3A_601 {strides = array<i32>} : memref<3x80x64xf32, #tpu.memory_space<vmem>>, vector<1x1x16xf32>,
          %parallel_loop3A_602 = arith.constant 1 : i32
          %parallel_loop3A_603 = arith.index_cast %parallel_loop3A_602 : i32 to index
          %parallel_loop3A_604 = arith.index_cast %parallel_loop3A_554 : i32 to index
          %parallel_loop3A_605 = arith.constant 48 : index
          %parallel_loop3A_606 = tpu.vector_load %arg11[%parallel_loop3A_603, %parallel_loop3A_604, %parallel_loop3A_605] {strides = array<i32>} : memref<3x80x64xf32, #tpu.memory_space<vmem>>, vector<1x1x16xf32>,
          %parallel_loop3A_607 = vector.shape_cast %parallel_loop3A_606 : vector<1x1x16xf32> to vector<16xf32>
          %parallel_loop3A_608 = vector.broadcast %parallel_loop3A_556 : f32 to vector<16xf32>
          %parallel_loop3A_609 = arith.mulf %parallel_loop3A_607, %parallel_loop3A_608 : vector<16xf32>
          %parallel_loop3A_610 = arith.constant 1 : i32
          %parallel_loop3A_611 = arith.index_cast %parallel_loop3A_610 : i32 to index
          %parallel_loop3A_612 = arith.index_cast %parallel_loop3A_554 : i32 to index
          %parallel_loop3A_613 = arith.constant 48 : index
          %parallel_loop3A_614 = tpu.vector_load %arg11[%parallel_loop3A_611, %parallel_loop3A_612, %parallel_loop3A_613] {strides = array<i32>} : memref<3x80x64xf32, #tpu.memory_space<vmem>>, vector<1x1x16xf32>,
          %parallel_loop3A_615 = vector.shape_cast %parallel_loop3A_614 : vector<1x1x16xf32> to vector<16xf32>
          %parallel_loop3A_616 = vector.shape_cast %parallel_loop3A_609 : vector<16xf32> to vector<1x1x16xf32>
          tpu.vector_store %arg11[%parallel_loop3A_611, %parallel_loop3A_612, %parallel_loop3A_613], %parallel_loop3A_616 {strides = array<i32>} : memref<3x80x64xf32, #tpu.memory_space<vmem>>, vector<1x1x16xf32>,
          %parallel_loop3A_617 = arith.constant 16 : i32
          %parallel_loop3A_618 = arith.muli %parallel_loop3A_148, %parallel_loop3A_617 : i32
          %parallel_loop3A_619 = arith.constant 7 : i32
          %parallel_loop3A_620 = arith.addi %parallel_loop3A_618, %parallel_loop3A_619 : i32
          %parallel_loop3A_621 = vector.extract_strided_slice %parallel_loop3A_154 {offsets = [7], sizes = [1], strides = [1]} : vector<16xf32> to vector<1xf32>
          %parallel_loop3A_622 = vector.extract %parallel_loop3A_621[0] : f32 from vector<1xf32>
          %parallel_loop3A_623 = arith.constant 1 : i32
          %parallel_loop3A_624 = arith.index_cast %parallel_loop3A_623 : i32 to index
          %parallel_loop3A_625 = arith.index_cast %parallel_loop3A_620 : i32 to index
          %parallel_loop3A_626 = arith.constant 0 : index
          %parallel_loop3A_627 = tpu.vector_load %arg11[%parallel_loop3A_624, %parallel_loop3A_625, %parallel_loop3A_626] {strides = array<i32>} : memref<3x80x64xf32, #tpu.memory_space<vmem>>, vector<1x1x16xf32>,
          %parallel_loop3A_628 = vector.shape_cast %parallel_loop3A_627 : vector<1x1x16xf32> to vector<16xf32>
          %parallel_loop3A_629 = vector.broadcast %parallel_loop3A_622 : f32 to vector<16xf32>
          %parallel_loop3A_630 = arith.mulf %parallel_loop3A_628, %parallel_loop3A_629 : vector<16xf32>
          %parallel_loop3A_631 = arith.constant 1 : i32
          %parallel_loop3A_632 = arith.index_cast %parallel_loop3A_631 : i32 to index
          %parallel_loop3A_633 = arith.index_cast %parallel_loop3A_620 : i32 to index
          %parallel_loop3A_634 = arith.constant 0 : index
          %parallel_loop3A_635 = tpu.vector_load %arg11[%parallel_loop3A_632, %parallel_loop3A_633, %parallel_loop3A_634] {strides = array<i32>} : memref<3x80x64xf32, #tpu.memory_space<vmem>>, vector<1x1x16xf32>,
          %parallel_loop3A_636 = vector.shape_cast %parallel_loop3A_635 : vector<1x1x16xf32> to vector<16xf32>
          %parallel_loop3A_637 = vector.shape_cast %parallel_loop3A_630 : vector<16xf32> to vector<1x1x16xf32>
          tpu.vector_store %arg11[%parallel_loop3A_632, %parallel_loop3A_633, %parallel_loop3A_634], %parallel_loop3A_637 {strides = array<i32>} : memref<3x80x64xf32, #tpu.memory_space<vmem>>, vector<1x1x16xf32>,
          %parallel_loop3A_638 = arith.constant 1 : i32
          %parallel_loop3A_639 = arith.index_cast %parallel_loop3A_638 : i32 to index
          %parallel_loop3A_640 = arith.index_cast %parallel_loop3A_620 : i32 to index
          %parallel_loop3A_641 = arith.constant 16 : index
          %parallel_loop3A_642 = tpu.vector_load %arg11[%parallel_loop3A_639, %parallel_loop3A_640, %parallel_loop3A_641] {strides = array<i32>} : memref<3x80x64xf32, #tpu.memory_space<vmem>>, vector<1x1x16xf32>,
          %parallel_loop3A_643 = vector.shape_cast %parallel_loop3A_642 : vector<1x1x16xf32> to vector<16xf32>
          %parallel_loop3A_644 = vector.broadcast %parallel_loop3A_622 : f32 to vector<16xf32>
          %parallel_loop3A_645 = arith.mulf %parallel_loop3A_643, %parallel_loop3A_644 : vector<16xf32>
          %parallel_loop3A_646 = arith.constant 1 : i32
          %parallel_loop3A_647 = arith.index_cast %parallel_loop3A_646 : i32 to index
          %parallel_loop3A_648 = arith.index_cast %parallel_loop3A_620 : i32 to index
          %parallel_loop3A_649 = arith.constant 16 : index
          %parallel_loop3A_650 = tpu.vector_load %arg11[%parallel_loop3A_647, %parallel_loop3A_648, %parallel_loop3A_649] {strides = array<i32>} : memref<3x80x64xf32, #tpu.memory_space<vmem>>, vector<1x1x16xf32>,
          %parallel_loop3A_651 = vector.shape_cast %parallel_loop3A_650 : vector<1x1x16xf32> to vector<16xf32>
          %parallel_loop3A_652 = vector.shape_cast %parallel_loop3A_645 : vector<16xf32> to vector<1x1x16xf32>
          tpu.vector_store %arg11[%parallel_loop3A_647, %parallel_loop3A_648, %parallel_loop3A_649], %parallel_loop3A_652 {strides = array<i32>} : memref<3x80x64xf32, #tpu.memory_space<vmem>>, vector<1x1x16xf32>,
          %parallel_loop3A_653 = arith.constant 1 : i32
          %parallel_loop3A_654 = arith.index_cast %parallel_loop3A_653 : i32 to index
          %parallel_loop3A_655 = arith.index_cast %parallel_loop3A_620 : i32 to index
          %parallel_loop3A_656 = arith.constant 32 : index
          %parallel_loop3A_657 = tpu.vector_load %arg11[%parallel_loop3A_654, %parallel_loop3A_655, %parallel_loop3A_656] {strides = array<i32>} : memref<3x80x64xf32, #tpu.memory_space<vmem>>, vector<1x1x16xf32>,
          %parallel_loop3A_658 = vector.shape_cast %parallel_loop3A_657 : vector<1x1x16xf32> to vector<16xf32>
          %parallel_loop3A_659 = vector.broadcast %parallel_loop3A_622 : f32 to vector<16xf32>
          %parallel_loop3A_660 = arith.mulf %parallel_loop3A_658, %parallel_loop3A_659 : vector<16xf32>
          %parallel_loop3A_661 = arith.constant 1 : i32
          %parallel_loop3A_662 = arith.index_cast %parallel_loop3A_661 : i32 to index
          %parallel_loop3A_663 = arith.index_cast %parallel_loop3A_620 : i32 to index
          %parallel_loop3A_664 = arith.constant 32 : index
          %parallel_loop3A_665 = tpu.vector_load %arg11[%parallel_loop3A_662, %parallel_loop3A_663, %parallel_loop3A_664] {strides = array<i32>} : memref<3x80x64xf32, #tpu.memory_space<vmem>>, vector<1x1x16xf32>,
          %parallel_loop3A_666 = vector.shape_cast %parallel_loop3A_665 : vector<1x1x16xf32> to vector<16xf32>
          %parallel_loop3A_667 = vector.shape_cast %parallel_loop3A_660 : vector<16xf32> to vector<1x1x16xf32>
          tpu.vector_store %arg11[%parallel_loop3A_662, %parallel_loop3A_663, %parallel_loop3A_664], %parallel_loop3A_667 {strides = array<i32>} : memref<3x80x64xf32, #tpu.memory_space<vmem>>, vector<1x1x16xf32>,
          %parallel_loop3A_668 = arith.constant 1 : i32
          %parallel_loop3A_669 = arith.index_cast %parallel_loop3A_668 : i32 to index
          %parallel_loop3A_670 = arith.index_cast %parallel_loop3A_620 : i32 to index
          %parallel_loop3A_671 = arith.constant 48 : index
          %parallel_loop3A_672 = tpu.vector_load %arg11[%parallel_loop3A_669, %parallel_loop3A_670, %parallel_loop3A_671] {strides = array<i32>} : memref<3x80x64xf32, #tpu.memory_space<vmem>>, vector<1x1x16xf32>,
          %parallel_loop3A_673 = vector.shape_cast %parallel_loop3A_672 : vector<1x1x16xf32> to vector<16xf32>
          %parallel_loop3A_674 = vector.broadcast %parallel_loop3A_622 : f32 to vector<16xf32>
          %parallel_loop3A_675 = arith.mulf %parallel_loop3A_673, %parallel_loop3A_674 : vector<16xf32>
          %parallel_loop3A_676 = arith.constant 1 : i32
          %parallel_loop3A_677 = arith.index_cast %parallel_loop3A_676 : i32 to index
          %parallel_loop3A_678 = arith.index_cast %parallel_loop3A_620 : i32 to index
          %parallel_loop3A_679 = arith.constant 48 : index
          %parallel_loop3A_680 = tpu.vector_load %arg11[%parallel_loop3A_677, %parallel_loop3A_678, %parallel_loop3A_679] {strides = array<i32>} : memref<3x80x64xf32, #tpu.memory_space<vmem>>, vector<1x1x16xf32>,
          %parallel_loop3A_681 = vector.shape_cast %parallel_loop3A_680 : vector<1x1x16xf32> to vector<16xf32>
          %parallel_loop3A_682 = vector.shape_cast %parallel_loop3A_675 : vector<16xf32> to vector<1x1x16xf32>
          tpu.vector_store %arg11[%parallel_loop3A_677, %parallel_loop3A_678, %parallel_loop3A_679], %parallel_loop3A_682 {strides = array<i32>} : memref<3x80x64xf32, #tpu.memory_space<vmem>>, vector<1x1x16xf32>,
          %parallel_loop3A_683 = arith.constant 16 : i32
          %parallel_loop3A_684 = arith.muli %parallel_loop3A_148, %parallel_loop3A_683 : i32
          %parallel_loop3A_685 = arith.constant 8 : i32
          %parallel_loop3A_686 = arith.addi %parallel_loop3A_684, %parallel_loop3A_685 : i32
          %parallel_loop3A_687 = vector.extract_strided_slice %parallel_loop3A_154 {offsets = [8], sizes = [1], strides = [1]} : vector<16xf32> to vector<1xf32>
          %parallel_loop3A_688 = vector.extract %parallel_loop3A_687[0] : f32 from vector<1xf32>
          %parallel_loop3A_689 = arith.constant 1 : i32
          %parallel_loop3A_690 = arith.index_cast %parallel_loop3A_689 : i32 to index
          %parallel_loop3A_691 = arith.index_cast %parallel_loop3A_686 : i32 to index
          %parallel_loop3A_692 = arith.constant 0 : index
          %parallel_loop3A_693 = tpu.vector_load %arg11[%parallel_loop3A_690, %parallel_loop3A_691, %parallel_loop3A_692] {strides = array<i32>} : memref<3x80x64xf32, #tpu.memory_space<vmem>>, vector<1x1x16xf32>,
          %parallel_loop3A_694 = vector.shape_cast %parallel_loop3A_693 : vector<1x1x16xf32> to vector<16xf32>
          %parallel_loop3A_695 = vector.broadcast %parallel_loop3A_688 : f32 to vector<16xf32>
          %parallel_loop3A_696 = arith.mulf %parallel_loop3A_694, %parallel_loop3A_695 : vector<16xf32>
          %parallel_loop3A_697 = arith.constant 1 : i32
          %parallel_loop3A_698 = arith.index_cast %parallel_loop3A_697 : i32 to index
          %parallel_loop3A_699 = arith.index_cast %parallel_loop3A_686 : i32 to index
          %parallel_loop3A_700 = arith.constant 0 : index
          %parallel_loop3A_701 = tpu.vector_load %arg11[%parallel_loop3A_698, %parallel_loop3A_699, %parallel_loop3A_700] {strides = array<i32>} : memref<3x80x64xf32, #tpu.memory_space<vmem>>, vector<1x1x16xf32>,
          %parallel_loop3A_702 = vector.shape_cast %parallel_loop3A_701 : vector<1x1x16xf32> to vector<16xf32>
          %parallel_loop3A_703 = vector.shape_cast %parallel_loop3A_696 : vector<16xf32> to vector<1x1x16xf32>
          tpu.vector_store %arg11[%parallel_loop3A_698, %parallel_loop3A_699, %parallel_loop3A_700], %parallel_loop3A_703 {strides = array<i32>} : memref<3x80x64xf32, #tpu.memory_space<vmem>>, vector<1x1x16xf32>,
          %parallel_loop3A_704 = arith.constant 1 : i32
          %parallel_loop3A_705 = arith.index_cast %parallel_loop3A_704 : i32 to index
          %parallel_loop3A_706 = arith.index_cast %parallel_loop3A_686 : i32 to index
          %parallel_loop3A_707 = arith.constant 16 : index
          %parallel_loop3A_708 = tpu.vector_load %arg11[%parallel_loop3A_705, %parallel_loop3A_706, %parallel_loop3A_707] {strides = array<i32>} : memref<3x80x64xf32, #tpu.memory_space<vmem>>, vector<1x1x16xf32>,
          %parallel_loop3A_709 = vector.shape_cast %parallel_loop3A_708 : vector<1x1x16xf32> to vector<16xf32>
          %parallel_loop3A_710 = vector.broadcast %parallel_loop3A_688 : f32 to vector<16xf32>
          %parallel_loop3A_711 = arith.mulf %parallel_loop3A_709, %parallel_loop3A_710 : vector<16xf32>
          %parallel_loop3A_712 = arith.constant 1 : i32
          %parallel_loop3A_713 = arith.index_cast %parallel_loop3A_712 : i32 to index
          %parallel_loop3A_714 = arith.index_cast %parallel_loop3A_686 : i32 to index
          %parallel_loop3A_715 = arith.constant 16 : index
          %parallel_loop3A_716 = tpu.vector_load %arg11[%parallel_loop3A_713, %parallel_loop3A_714, %parallel_loop3A_715] {strides = array<i32>} : memref<3x80x64xf32, #tpu.memory_space<vmem>>, vector<1x1x16xf32>,
          %parallel_loop3A_717 = vector.shape_cast %parallel_loop3A_716 : vector<1x1x16xf32> to vector<16xf32>
          %parallel_loop3A_718 = vector.shape_cast %parallel_loop3A_711 : vector<16xf32> to vector<1x1x16xf32>
          tpu.vector_store %arg11[%parallel_loop3A_713, %parallel_loop3A_714, %parallel_loop3A_715], %parallel_loop3A_718 {strides = array<i32>} : memref<3x80x64xf32, #tpu.memory_space<vmem>>, vector<1x1x16xf32>,
          %parallel_loop3A_719 = arith.constant 1 : i32
          %parallel_loop3A_720 = arith.index_cast %parallel_loop3A_719 : i32 to index
          %parallel_loop3A_721 = arith.index_cast %parallel_loop3A_686 : i32 to index
          %parallel_loop3A_722 = arith.constant 32 : index
          %parallel_loop3A_723 = tpu.vector_load %arg11[%parallel_loop3A_720, %parallel_loop3A_721, %parallel_loop3A_722] {strides = array<i32>} : memref<3x80x64xf32, #tpu.memory_space<vmem>>, vector<1x1x16xf32>,
          %parallel_loop3A_724 = vector.shape_cast %parallel_loop3A_723 : vector<1x1x16xf32> to vector<16xf32>
          %parallel_loop3A_725 = vector.broadcast %parallel_loop3A_688 : f32 to vector<16xf32>
          %parallel_loop3A_726 = arith.mulf %parallel_loop3A_724, %parallel_loop3A_725 : vector<16xf32>
          %parallel_loop3A_727 = arith.constant 1 : i32
          %parallel_loop3A_728 = arith.index_cast %parallel_loop3A_727 : i32 to index
          %parallel_loop3A_729 = arith.index_cast %parallel_loop3A_686 : i32 to index
          %parallel_loop3A_730 = arith.constant 32 : index
          %parallel_loop3A_731 = tpu.vector_load %arg11[%parallel_loop3A_728, %parallel_loop3A_729, %parallel_loop3A_730] {strides = array<i32>} : memref<3x80x64xf32, #tpu.memory_space<vmem>>, vector<1x1x16xf32>,
          %parallel_loop3A_732 = vector.shape_cast %parallel_loop3A_731 : vector<1x1x16xf32> to vector<16xf32>
          %parallel_loop3A_733 = vector.shape_cast %parallel_loop3A_726 : vector<16xf32> to vector<1x1x16xf32>
          tpu.vector_store %arg11[%parallel_loop3A_728, %parallel_loop3A_729, %parallel_loop3A_730], %parallel_loop3A_733 {strides = array<i32>} : memref<3x80x64xf32, #tpu.memory_space<vmem>>, vector<1x1x16xf32>,
          %parallel_loop3A_734 = arith.constant 1 : i32
          %parallel_loop3A_735 = arith.index_cast %parallel_loop3A_734 : i32 to index
          %parallel_loop3A_736 = arith.index_cast %parallel_loop3A_686 : i32 to index
          %parallel_loop3A_737 = arith.constant 48 : index
          %parallel_loop3A_738 = tpu.vector_load %arg11[%parallel_loop3A_735, %parallel_loop3A_736, %parallel_loop3A_737] {strides = array<i32>} : memref<3x80x64xf32, #tpu.memory_space<vmem>>, vector<1x1x16xf32>,
          %parallel_loop3A_739 = vector.shape_cast %parallel_loop3A_738 : vector<1x1x16xf32> to vector<16xf32>
          %parallel_loop3A_740 = vector.broadcast %parallel_loop3A_688 : f32 to vector<16xf32>
          %parallel_loop3A_741 = arith.mulf %parallel_loop3A_739, %parallel_loop3A_740 : vector<16xf32>
          %parallel_loop3A_742 = arith.constant 1 : i32
          %parallel_loop3A_743 = arith.index_cast %parallel_loop3A_742 : i32 to index
          %parallel_loop3A_744 = arith.index_cast %parallel_loop3A_686 : i32 to index
          %parallel_loop3A_745 = arith.constant 48 : index
          %parallel_loop3A_746 = tpu.vector_load %arg11[%parallel_loop3A_743, %parallel_loop3A_744, %parallel_loop3A_745] {strides = array<i32>} : memref<3x80x64xf32, #tpu.memory_space<vmem>>, vector<1x1x16xf32>,
          %parallel_loop3A_747 = vector.shape_cast %parallel_loop3A_746 : vector<1x1x16xf32> to vector<16xf32>
          %parallel_loop3A_748 = vector.shape_cast %parallel_loop3A_741 : vector<16xf32> to vector<1x1x16xf32>
          tpu.vector_store %arg11[%parallel_loop3A_743, %parallel_loop3A_744, %parallel_loop3A_745], %parallel_loop3A_748 {strides = array<i32>} : memref<3x80x64xf32, #tpu.memory_space<vmem>>, vector<1x1x16xf32>,
          %parallel_loop3A_749 = arith.constant 16 : i32
          %parallel_loop3A_750 = arith.muli %parallel_loop3A_148, %parallel_loop3A_749 : i32
          %parallel_loop3A_751 = arith.constant 9 : i32
          %parallel_loop3A_752 = arith.addi %parallel_loop3A_750, %parallel_loop3A_751 : i32
          %parallel_loop3A_753 = vector.extract_strided_slice %parallel_loop3A_154 {offsets = [9], sizes = [1], strides = [1]} : vector<16xf32> to vector<1xf32>
          %parallel_loop3A_754 = vector.extract %parallel_loop3A_753[0] : f32 from vector<1xf32>
          %parallel_loop3A_755 = arith.constant 1 : i32
          %parallel_loop3A_756 = arith.index_cast %parallel_loop3A_755 : i32 to index
          %parallel_loop3A_757 = arith.index_cast %parallel_loop3A_752 : i32 to index
          %parallel_loop3A_758 = arith.constant 0 : index
          %parallel_loop3A_759 = tpu.vector_load %arg11[%parallel_loop3A_756, %parallel_loop3A_757, %parallel_loop3A_758] {strides = array<i32>} : memref<3x80x64xf32, #tpu.memory_space<vmem>>, vector<1x1x16xf32>,
          %parallel_loop3A_760 = vector.shape_cast %parallel_loop3A_759 : vector<1x1x16xf32> to vector<16xf32>
          %parallel_loop3A_761 = vector.broadcast %parallel_loop3A_754 : f32 to vector<16xf32>
          %parallel_loop3A_762 = arith.mulf %parallel_loop3A_760, %parallel_loop3A_761 : vector<16xf32>
          %parallel_loop3A_763 = arith.constant 1 : i32
          %parallel_loop3A_764 = arith.index_cast %parallel_loop3A_763 : i32 to index
          %parallel_loop3A_765 = arith.index_cast %parallel_loop3A_752 : i32 to index
          %parallel_loop3A_766 = arith.constant 0 : index
          %parallel_loop3A_767 = tpu.vector_load %arg11[%parallel_loop3A_764, %parallel_loop3A_765, %parallel_loop3A_766] {strides = array<i32>} : memref<3x80x64xf32, #tpu.memory_space<vmem>>, vector<1x1x16xf32>,
          %parallel_loop3A_768 = vector.shape_cast %parallel_loop3A_767 : vector<1x1x16xf32> to vector<16xf32>
          %parallel_loop3A_769 = vector.shape_cast %parallel_loop3A_762 : vector<16xf32> to vector<1x1x16xf32>
          tpu.vector_store %arg11[%parallel_loop3A_764, %parallel_loop3A_765, %parallel_loop3A_766], %parallel_loop3A_769 {strides = array<i32>} : memref<3x80x64xf32, #tpu.memory_space<vmem>>, vector<1x1x16xf32>,
          %parallel_loop3A_770 = arith.constant 1 : i32
          %parallel_loop3A_771 = arith.index_cast %parallel_loop3A_770 : i32 to index
          %parallel_loop3A_772 = arith.index_cast %parallel_loop3A_752 : i32 to index
          %parallel_loop3A_773 = arith.constant 16 : index
          %parallel_loop3A_774 = tpu.vector_load %arg11[%parallel_loop3A_771, %parallel_loop3A_772, %parallel_loop3A_773] {strides = array<i32>} : memref<3x80x64xf32, #tpu.memory_space<vmem>>, vector<1x1x16xf32>,
          %parallel_loop3A_775 = vector.shape_cast %parallel_loop3A_774 : vector<1x1x16xf32> to vector<16xf32>
          %parallel_loop3A_776 = vector.broadcast %parallel_loop3A_754 : f32 to vector<16xf32>
          %parallel_loop3A_777 = arith.mulf %parallel_loop3A_775, %parallel_loop3A_776 : vector<16xf32>
          %parallel_loop3A_778 = arith.constant 1 : i32
          %parallel_loop3A_779 = arith.index_cast %parallel_loop3A_778 : i32 to index
          %parallel_loop3A_780 = arith.index_cast %parallel_loop3A_752 : i32 to index
          %parallel_loop3A_781 = arith.constant 16 : index
          %parallel_loop3A_782 = tpu.vector_load %arg11[%parallel_loop3A_779, %parallel_loop3A_780, %parallel_loop3A_781] {strides = array<i32>} : memref<3x80x64xf32, #tpu.memory_space<vmem>>, vector<1x1x16xf32>,
          %parallel_loop3A_783 = vector.shape_cast %parallel_loop3A_782 : vector<1x1x16xf32> to vector<16xf32>
          %parallel_loop3A_784 = vector.shape_cast %parallel_loop3A_777 : vector<16xf32> to vector<1x1x16xf32>
          tpu.vector_store %arg11[%parallel_loop3A_779, %parallel_loop3A_780, %parallel_loop3A_781], %parallel_loop3A_784 {strides = array<i32>} : memref<3x80x64xf32, #tpu.memory_space<vmem>>, vector<1x1x16xf32>,
          %parallel_loop3A_785 = arith.constant 1 : i32
          %parallel_loop3A_786 = arith.index_cast %parallel_loop3A_785 : i32 to index
          %parallel_loop3A_787 = arith.index_cast %parallel_loop3A_752 : i32 to index
          %parallel_loop3A_788 = arith.constant 32 : index
          %parallel_loop3A_789 = tpu.vector_load %arg11[%parallel_loop3A_786, %parallel_loop3A_787, %parallel_loop3A_788] {strides = array<i32>} : memref<3x80x64xf32, #tpu.memory_space<vmem>>, vector<1x1x16xf32>,
          %parallel_loop3A_790 = vector.shape_cast %parallel_loop3A_789 : vector<1x1x16xf32> to vector<16xf32>
          %parallel_loop3A_791 = vector.broadcast %parallel_loop3A_754 : f32 to vector<16xf32>
          %parallel_loop3A_792 = arith.mulf %parallel_loop3A_790, %parallel_loop3A_791 : vector<16xf32>
          %parallel_loop3A_793 = arith.constant 1 : i32
          %parallel_loop3A_794 = arith.index_cast %parallel_loop3A_793 : i32 to index
          %parallel_loop3A_795 = arith.index_cast %parallel_loop3A_752 : i32 to index
          %parallel_loop3A_796 = arith.constant 32 : index
          %parallel_loop3A_797 = tpu.vector_load %arg11[%parallel_loop3A_794, %parallel_loop3A_795, %parallel_loop3A_796] {strides = array<i32>} : memref<3x80x64xf32, #tpu.memory_space<vmem>>, vector<1x1x16xf32>,
          %parallel_loop3A_798 = vector.shape_cast %parallel_loop3A_797 : vector<1x1x16xf32> to vector<16xf32>
          %parallel_loop3A_799 = vector.shape_cast %parallel_loop3A_792 : vector<16xf32> to vector<1x1x16xf32>
          tpu.vector_store %arg11[%parallel_loop3A_794, %parallel_loop3A_795, %parallel_loop3A_796], %parallel_loop3A_799 {strides = array<i32>} : memref<3x80x64xf32, #tpu.memory_space<vmem>>, vector<1x1x16xf32>,
          %parallel_loop3A_800 = arith.constant 1 : i32
          %parallel_loop3A_801 = arith.index_cast %parallel_loop3A_800 : i32 to index
          %parallel_loop3A_802 = arith.index_cast %parallel_loop3A_752 : i32 to index
          %parallel_loop3A_803 = arith.constant 48 : index
          %parallel_loop3A_804 = tpu.vector_load %arg11[%parallel_loop3A_801, %parallel_loop3A_802, %parallel_loop3A_803] {strides = array<i32>} : memref<3x80x64xf32, #tpu.memory_space<vmem>>, vector<1x1x16xf32>,
          %parallel_loop3A_805 = vector.shape_cast %parallel_loop3A_804 : vector<1x1x16xf32> to vector<16xf32>
          %parallel_loop3A_806 = vector.broadcast %parallel_loop3A_754 : f32 to vector<16xf32>
          %parallel_loop3A_807 = arith.mulf %parallel_loop3A_805, %parallel_loop3A_806 : vector<16xf32>
          %parallel_loop3A_808 = arith.constant 1 : i32
          %parallel_loop3A_809 = arith.index_cast %parallel_loop3A_808 : i32 to index
          %parallel_loop3A_810 = arith.index_cast %parallel_loop3A_752 : i32 to index
          %parallel_loop3A_811 = arith.constant 48 : index
          %parallel_loop3A_812 = tpu.vector_load %arg11[%parallel_loop3A_809, %parallel_loop3A_810, %parallel_loop3A_811] {strides = array<i32>} : memref<3x80x64xf32, #tpu.memory_space<vmem>>, vector<1x1x16xf32>,
          %parallel_loop3A_813 = vector.shape_cast %parallel_loop3A_812 : vector<1x1x16xf32> to vector<16xf32>
          %parallel_loop3A_814 = vector.shape_cast %parallel_loop3A_807 : vector<16xf32> to vector<1x1x16xf32>
          tpu.vector_store %arg11[%parallel_loop3A_809, %parallel_loop3A_810, %parallel_loop3A_811], %parallel_loop3A_814 {strides = array<i32>} : memref<3x80x64xf32, #tpu.memory_space<vmem>>, vector<1x1x16xf32>,
          %parallel_loop3A_815 = arith.constant 16 : i32
          %parallel_loop3A_816 = arith.muli %parallel_loop3A_148, %parallel_loop3A_815 : i32
          %parallel_loop3A_817 = arith.constant 10 : i32
          %parallel_loop3A_818 = arith.addi %parallel_loop3A_816, %parallel_loop3A_817 : i32
          %parallel_loop3A_819 = vector.extract_strided_slice %parallel_loop3A_154 {offsets = [10], sizes = [1], strides = [1]} : vector<16xf32> to vector<1xf32>
          %parallel_loop3A_820 = vector.extract %parallel_loop3A_819[0] : f32 from vector<1xf32>
          %parallel_loop3A_821 = arith.constant 1 : i32
          %parallel_loop3A_822 = arith.index_cast %parallel_loop3A_821 : i32 to index
          %parallel_loop3A_823 = arith.index_cast %parallel_loop3A_818 : i32 to index
          %parallel_loop3A_824 = arith.constant 0 : index
          %parallel_loop3A_825 = tpu.vector_load %arg11[%parallel_loop3A_822, %parallel_loop3A_823, %parallel_loop3A_824] {strides = array<i32>} : memref<3x80x64xf32, #tpu.memory_space<vmem>>, vector<1x1x16xf32>,
          %parallel_loop3A_826 = vector.shape_cast %parallel_loop3A_825 : vector<1x1x16xf32> to vector<16xf32>
          %parallel_loop3A_827 = vector.broadcast %parallel_loop3A_820 : f32 to vector<16xf32>
          %parallel_loop3A_828 = arith.mulf %parallel_loop3A_826, %parallel_loop3A_827 : vector<16xf32>
          %parallel_loop3A_829 = arith.constant 1 : i32
          %parallel_loop3A_830 = arith.index_cast %parallel_loop3A_829 : i32 to index
          %parallel_loop3A_831 = arith.index_cast %parallel_loop3A_818 : i32 to index
          %parallel_loop3A_832 = arith.constant 0 : index
          %parallel_loop3A_833 = tpu.vector_load %arg11[%parallel_loop3A_830, %parallel_loop3A_831, %parallel_loop3A_832] {strides = array<i32>} : memref<3x80x64xf32, #tpu.memory_space<vmem>>, vector<1x1x16xf32>,
          %parallel_loop3A_834 = vector.shape_cast %parallel_loop3A_833 : vector<1x1x16xf32> to vector<16xf32>
          %parallel_loop3A_835 = vector.shape_cast %parallel_loop3A_828 : vector<16xf32> to vector<1x1x16xf32>
          tpu.vector_store %arg11[%parallel_loop3A_830, %parallel_loop3A_831, %parallel_loop3A_832], %parallel_loop3A_835 {strides = array<i32>} : memref<3x80x64xf32, #tpu.memory_space<vmem>>, vector<1x1x16xf32>,
          %parallel_loop3A_836 = arith.constant 1 : i32
          %parallel_loop3A_837 = arith.index_cast %parallel_loop3A_836 : i32 to index
          %parallel_loop3A_838 = arith.index_cast %parallel_loop3A_818 : i32 to index
          %parallel_loop3A_839 = arith.constant 16 : index
          %parallel_loop3A_840 = tpu.vector_load %arg11[%parallel_loop3A_837, %parallel_loop3A_838, %parallel_loop3A_839] {strides = array<i32>} : memref<3x80x64xf32, #tpu.memory_space<vmem>>, vector<1x1x16xf32>,
          %parallel_loop3A_841 = vector.shape_cast %parallel_loop3A_840 : vector<1x1x16xf32> to vector<16xf32>
          %parallel_loop3A_842 = vector.broadcast %parallel_loop3A_820 : f32 to vector<16xf32>
          %parallel_loop3A_843 = arith.mulf %parallel_loop3A_841, %parallel_loop3A_842 : vector<16xf32>
          %parallel_loop3A_844 = arith.constant 1 : i32
          %parallel_loop3A_845 = arith.index_cast %parallel_loop3A_844 : i32 to index
          %parallel_loop3A_846 = arith.index_cast %parallel_loop3A_818 : i32 to index
          %parallel_loop3A_847 = arith.constant 16 : index
          %parallel_loop3A_848 = tpu.vector_load %arg11[%parallel_loop3A_845, %parallel_loop3A_846, %parallel_loop3A_847] {strides = array<i32>} : memref<3x80x64xf32, #tpu.memory_space<vmem>>, vector<1x1x16xf32>,
          %parallel_loop3A_849 = vector.shape_cast %parallel_loop3A_848 : vector<1x1x16xf32> to vector<16xf32>
          %parallel_loop3A_850 = vector.shape_cast %parallel_loop3A_843 : vector<16xf32> to vector<1x1x16xf32>
          tpu.vector_store %arg11[%parallel_loop3A_845, %parallel_loop3A_846, %parallel_loop3A_847], %parallel_loop3A_850 {strides = array<i32>} : memref<3x80x64xf32, #tpu.memory_space<vmem>>, vector<1x1x16xf32>,
          %parallel_loop3A_851 = arith.constant 1 : i32
          %parallel_loop3A_852 = arith.index_cast %parallel_loop3A_851 : i32 to index
          %parallel_loop3A_853 = arith.index_cast %parallel_loop3A_818 : i32 to index
          %parallel_loop3A_854 = arith.constant 32 : index
          %parallel_loop3A_855 = tpu.vector_load %arg11[%parallel_loop3A_852, %parallel_loop3A_853, %parallel_loop3A_854] {strides = array<i32>} : memref<3x80x64xf32, #tpu.memory_space<vmem>>, vector<1x1x16xf32>,
          %parallel_loop3A_856 = vector.shape_cast %parallel_loop3A_855 : vector<1x1x16xf32> to vector<16xf32>
          %parallel_loop3A_857 = vector.broadcast %parallel_loop3A_820 : f32 to vector<16xf32>
          %parallel_loop3A_858 = arith.mulf %parallel_loop3A_856, %parallel_loop3A_857 : vector<16xf32>
          %parallel_loop3A_859 = arith.constant 1 : i32
          %parallel_loop3A_860 = arith.index_cast %parallel_loop3A_859 : i32 to index
          %parallel_loop3A_861 = arith.index_cast %parallel_loop3A_818 : i32 to index
          %parallel_loop3A_862 = arith.constant 32 : index
          %parallel_loop3A_863 = tpu.vector_load %arg11[%parallel_loop3A_860, %parallel_loop3A_861, %parallel_loop3A_862] {strides = array<i32>} : memref<3x80x64xf32, #tpu.memory_space<vmem>>, vector<1x1x16xf32>,
          %parallel_loop3A_864 = vector.shape_cast %parallel_loop3A_863 : vector<1x1x16xf32> to vector<16xf32>
          %parallel_loop3A_865 = vector.shape_cast %parallel_loop3A_858 : vector<16xf32> to vector<1x1x16xf32>
          tpu.vector_store %arg11[%parallel_loop3A_860, %parallel_loop3A_861, %parallel_loop3A_862], %parallel_loop3A_865 {strides = array<i32>} : memref<3x80x64xf32, #tpu.memory_space<vmem>>, vector<1x1x16xf32>,
          %parallel_loop3A_866 = arith.constant 1 : i32
          %parallel_loop3A_867 = arith.index_cast %parallel_loop3A_866 : i32 to index
          %parallel_loop3A_868 = arith.index_cast %parallel_loop3A_818 : i32 to index
          %parallel_loop3A_869 = arith.constant 48 : index
          %parallel_loop3A_870 = tpu.vector_load %arg11[%parallel_loop3A_867, %parallel_loop3A_868, %parallel_loop3A_869] {strides = array<i32>} : memref<3x80x64xf32, #tpu.memory_space<vmem>>, vector<1x1x16xf32>,
          %parallel_loop3A_871 = vector.shape_cast %parallel_loop3A_870 : vector<1x1x16xf32> to vector<16xf32>
          %parallel_loop3A_872 = vector.broadcast %parallel_loop3A_820 : f32 to vector<16xf32>
          %parallel_loop3A_873 = arith.mulf %parallel_loop3A_871, %parallel_loop3A_872 : vector<16xf32>
          %parallel_loop3A_874 = arith.constant 1 : i32
          %parallel_loop3A_875 = arith.index_cast %parallel_loop3A_874 : i32 to index
          %parallel_loop3A_876 = arith.index_cast %parallel_loop3A_818 : i32 to index
          %parallel_loop3A_877 = arith.constant 48 : index
          %parallel_loop3A_878 = tpu.vector_load %arg11[%parallel_loop3A_875, %parallel_loop3A_876, %parallel_loop3A_877] {strides = array<i32>} : memref<3x80x64xf32, #tpu.memory_space<vmem>>, vector<1x1x16xf32>,
          %parallel_loop3A_879 = vector.shape_cast %parallel_loop3A_878 : vector<1x1x16xf32> to vector<16xf32>
          %parallel_loop3A_880 = vector.shape_cast %parallel_loop3A_873 : vector<16xf32> to vector<1x1x16xf32>
          tpu.vector_store %arg11[%parallel_loop3A_875, %parallel_loop3A_876, %parallel_loop3A_877], %parallel_loop3A_880 {strides = array<i32>} : memref<3x80x64xf32, #tpu.memory_space<vmem>>, vector<1x1x16xf32>,
          %parallel_loop3A_881 = arith.constant 16 : i32
          %parallel_loop3A_882 = arith.muli %parallel_loop3A_148, %parallel_loop3A_881 : i32
          %parallel_loop3A_883 = arith.constant 11 : i32
          %parallel_loop3A_884 = arith.addi %parallel_loop3A_882, %parallel_loop3A_883 : i32
          %parallel_loop3A_885 = vector.extract_strided_slice %parallel_loop3A_154 {offsets = [11], sizes = [1], strides = [1]} : vector<16xf32> to vector<1xf32>
          %parallel_loop3A_886 = vector.extract %parallel_loop3A_885[0] : f32 from vector<1xf32>
          %parallel_loop3A_887 = arith.constant 1 : i32
          %parallel_loop3A_888 = arith.index_cast %parallel_loop3A_887 : i32 to index
          %parallel_loop3A_889 = arith.index_cast %parallel_loop3A_884 : i32 to index
          %parallel_loop3A_890 = arith.constant 0 : index
          %parallel_loop3A_891 = tpu.vector_load %arg11[%parallel_loop3A_888, %parallel_loop3A_889, %parallel_loop3A_890] {strides = array<i32>} : memref<3x80x64xf32, #tpu.memory_space<vmem>>, vector<1x1x16xf32>,
          %parallel_loop3A_892 = vector.shape_cast %parallel_loop3A_891 : vector<1x1x16xf32> to vector<16xf32>
          %parallel_loop3A_893 = vector.broadcast %parallel_loop3A_886 : f32 to vector<16xf32>
          %parallel_loop3A_894 = arith.mulf %parallel_loop3A_892, %parallel_loop3A_893 : vector<16xf32>
          %parallel_loop3A_895 = arith.constant 1 : i32
          %parallel_loop3A_896 = arith.index_cast %parallel_loop3A_895 : i32 to index
          %parallel_loop3A_897 = arith.index_cast %parallel_loop3A_884 : i32 to index
          %parallel_loop3A_898 = arith.constant 0 : index
          %parallel_loop3A_899 = tpu.vector_load %arg11[%parallel_loop3A_896, %parallel_loop3A_897, %parallel_loop3A_898] {strides = array<i32>} : memref<3x80x64xf32, #tpu.memory_space<vmem>>, vector<1x1x16xf32>,
          %parallel_loop3A_900 = vector.shape_cast %parallel_loop3A_899 : vector<1x1x16xf32> to vector<16xf32>
          %parallel_loop3A_901 = vector.shape_cast %parallel_loop3A_894 : vector<16xf32> to vector<1x1x16xf32>
          tpu.vector_store %arg11[%parallel_loop3A_896, %parallel_loop3A_897, %parallel_loop3A_898], %parallel_loop3A_901 {strides = array<i32>} : memref<3x80x64xf32, #tpu.memory_space<vmem>>, vector<1x1x16xf32>,
          %parallel_loop3A_902 = arith.constant 1 : i32
          %parallel_loop3A_903 = arith.index_cast %parallel_loop3A_902 : i32 to index
          %parallel_loop3A_904 = arith.index_cast %parallel_loop3A_884 : i32 to index
          %parallel_loop3A_905 = arith.constant 16 : index
          %parallel_loop3A_906 = tpu.vector_load %arg11[%parallel_loop3A_903, %parallel_loop3A_904, %parallel_loop3A_905] {strides = array<i32>} : memref<3x80x64xf32, #tpu.memory_space<vmem>>, vector<1x1x16xf32>,
          %parallel_loop3A_907 = vector.shape_cast %parallel_loop3A_906 : vector<1x1x16xf32> to vector<16xf32>
          %parallel_loop3A_908 = vector.broadcast %parallel_loop3A_886 : f32 to vector<16xf32>
          %parallel_loop3A_909 = arith.mulf %parallel_loop3A_907, %parallel_loop3A_908 : vector<16xf32>
          %parallel_loop3A_910 = arith.constant 1 : i32
          %parallel_loop3A_911 = arith.index_cast %parallel_loop3A_910 : i32 to index
          %parallel_loop3A_912 = arith.index_cast %parallel_loop3A_884 : i32 to index
          %parallel_loop3A_913 = arith.constant 16 : index
          %parallel_loop3A_914 = tpu.vector_load %arg11[%parallel_loop3A_911, %parallel_loop3A_912, %parallel_loop3A_913] {strides = array<i32>} : memref<3x80x64xf32, #tpu.memory_space<vmem>>, vector<1x1x16xf32>,
          %parallel_loop3A_915 = vector.shape_cast %parallel_loop3A_914 : vector<1x1x16xf32> to vector<16xf32>
          %parallel_loop3A_916 = vector.shape_cast %parallel_loop3A_909 : vector<16xf32> to vector<1x1x16xf32>
          tpu.vector_store %arg11[%parallel_loop3A_911, %parallel_loop3A_912, %parallel_loop3A_913], %parallel_loop3A_916 {strides = array<i32>} : memref<3x80x64xf32, #tpu.memory_space<vmem>>, vector<1x1x16xf32>,
          %parallel_loop3A_917 = arith.constant 1 : i32
          %parallel_loop3A_918 = arith.index_cast %parallel_loop3A_917 : i32 to index
          %parallel_loop3A_919 = arith.index_cast %parallel_loop3A_884 : i32 to index
          %parallel_loop3A_920 = arith.constant 32 : index
          %parallel_loop3A_921 = tpu.vector_load %arg11[%parallel_loop3A_918, %parallel_loop3A_919, %parallel_loop3A_920] {strides = array<i32>} : memref<3x80x64xf32, #tpu.memory_space<vmem>>, vector<1x1x16xf32>,
          %parallel_loop3A_922 = vector.shape_cast %parallel_loop3A_921 : vector<1x1x16xf32> to vector<16xf32>
          %parallel_loop3A_923 = vector.broadcast %parallel_loop3A_886 : f32 to vector<16xf32>
          %parallel_loop3A_924 = arith.mulf %parallel_loop3A_922, %parallel_loop3A_923 : vector<16xf32>
          %parallel_loop3A_925 = arith.constant 1 : i32
          %parallel_loop3A_926 = arith.index_cast %parallel_loop3A_925 : i32 to index
          %parallel_loop3A_927 = arith.index_cast %parallel_loop3A_884 : i32 to index
          %parallel_loop3A_928 = arith.constant 32 : index
          %parallel_loop3A_929 = tpu.vector_load %arg11[%parallel_loop3A_926, %parallel_loop3A_927, %parallel_loop3A_928] {strides = array<i32>} : memref<3x80x64xf32, #tpu.memory_space<vmem>>, vector<1x1x16xf32>,
          %parallel_loop3A_930 = vector.shape_cast %parallel_loop3A_929 : vector<1x1x16xf32> to vector<16xf32>
          %parallel_loop3A_931 = vector.shape_cast %parallel_loop3A_924 : vector<16xf32> to vector<1x1x16xf32>
          tpu.vector_store %arg11[%parallel_loop3A_926, %parallel_loop3A_927, %parallel_loop3A_928], %parallel_loop3A_931 {strides = array<i32>} : memref<3x80x64xf32, #tpu.memory_space<vmem>>, vector<1x1x16xf32>,
          %parallel_loop3A_932 = arith.constant 1 : i32
          %parallel_loop3A_933 = arith.index_cast %parallel_loop3A_932 : i32 to index
          %parallel_loop3A_934 = arith.index_cast %parallel_loop3A_884 : i32 to index
          %parallel_loop3A_935 = arith.constant 48 : index
          %parallel_loop3A_936 = tpu.vector_load %arg11[%parallel_loop3A_933, %parallel_loop3A_934, %parallel_loop3A_935] {strides = array<i32>} : memref<3x80x64xf32, #tpu.memory_space<vmem>>, vector<1x1x16xf32>,
          %parallel_loop3A_937 = vector.shape_cast %parallel_loop3A_936 : vector<1x1x16xf32> to vector<16xf32>
          %parallel_loop3A_938 = vector.broadcast %parallel_loop3A_886 : f32 to vector<16xf32>
          %parallel_loop3A_939 = arith.mulf %parallel_loop3A_937, %parallel_loop3A_938 : vector<16xf32>
          %parallel_loop3A_940 = arith.constant 1 : i32
          %parallel_loop3A_941 = arith.index_cast %parallel_loop3A_940 : i32 to index
          %parallel_loop3A_942 = arith.index_cast %parallel_loop3A_884 : i32 to index
          %parallel_loop3A_943 = arith.constant 48 : index
          %parallel_loop3A_944 = tpu.vector_load %arg11[%parallel_loop3A_941, %parallel_loop3A_942, %parallel_loop3A_943] {strides = array<i32>} : memref<3x80x64xf32, #tpu.memory_space<vmem>>, vector<1x1x16xf32>,
          %parallel_loop3A_945 = vector.shape_cast %parallel_loop3A_944 : vector<1x1x16xf32> to vector<16xf32>
          %parallel_loop3A_946 = vector.shape_cast %parallel_loop3A_939 : vector<16xf32> to vector<1x1x16xf32>
          tpu.vector_store %arg11[%parallel_loop3A_941, %parallel_loop3A_942, %parallel_loop3A_943], %parallel_loop3A_946 {strides = array<i32>} : memref<3x80x64xf32, #tpu.memory_space<vmem>>, vector<1x1x16xf32>,
          %parallel_loop3A_947 = arith.constant 16 : i32
          %parallel_loop3A_948 = arith.muli %parallel_loop3A_148, %parallel_loop3A_947 : i32
          %parallel_loop3A_949 = arith.constant 12 : i32
          %parallel_loop3A_950 = arith.addi %parallel_loop3A_948, %parallel_loop3A_949 : i32
          %parallel_loop3A_951 = vector.extract_strided_slice %parallel_loop3A_154 {offsets = [12], sizes = [1], strides = [1]} : vector<16xf32> to vector<1xf32>
          %parallel_loop3A_952 = vector.extract %parallel_loop3A_951[0] : f32 from vector<1xf32>
          %parallel_loop3A_953 = arith.constant 1 : i32
          %parallel_loop3A_954 = arith.index_cast %parallel_loop3A_953 : i32 to index
          %parallel_loop3A_955 = arith.index_cast %parallel_loop3A_950 : i32 to index
          %parallel_loop3A_956 = arith.constant 0 : index
          %parallel_loop3A_957 = tpu.vector_load %arg11[%parallel_loop3A_954, %parallel_loop3A_955, %parallel_loop3A_956] {strides = array<i32>} : memref<3x80x64xf32, #tpu.memory_space<vmem>>, vector<1x1x16xf32>,
          %parallel_loop3A_958 = vector.shape_cast %parallel_loop3A_957 : vector<1x1x16xf32> to vector<16xf32>
          %parallel_loop3A_959 = vector.broadcast %parallel_loop3A_952 : f32 to vector<16xf32>
          %parallel_loop3A_960 = arith.mulf %parallel_loop3A_958, %parallel_loop3A_959 : vector<16xf32>
          %parallel_loop3A_961 = arith.constant 1 : i32
          %parallel_loop3A_962 = arith.index_cast %parallel_loop3A_961 : i32 to index
          %parallel_loop3A_963 = arith.index_cast %parallel_loop3A_950 : i32 to index
          %parallel_loop3A_964 = arith.constant 0 : index
          %parallel_loop3A_965 = tpu.vector_load %arg11[%parallel_loop3A_962, %parallel_loop3A_963, %parallel_loop3A_964] {strides = array<i32>} : memref<3x80x64xf32, #tpu.memory_space<vmem>>, vector<1x1x16xf32>,
          %parallel_loop3A_966 = vector.shape_cast %parallel_loop3A_965 : vector<1x1x16xf32> to vector<16xf32>
          %parallel_loop3A_967 = vector.shape_cast %parallel_loop3A_960 : vector<16xf32> to vector<1x1x16xf32>
          tpu.vector_store %arg11[%parallel_loop3A_962, %parallel_loop3A_963, %parallel_loop3A_964], %parallel_loop3A_967 {strides = array<i32>} : memref<3x80x64xf32, #tpu.memory_space<vmem>>, vector<1x1x16xf32>,
          %parallel_loop3A_968 = arith.constant 1 : i32
          %parallel_loop3A_969 = arith.index_cast %parallel_loop3A_968 : i32 to index
          %parallel_loop3A_970 = arith.index_cast %parallel_loop3A_950 : i32 to index
          %parallel_loop3A_971 = arith.constant 16 : index
          %parallel_loop3A_972 = tpu.vector_load %arg11[%parallel_loop3A_969, %parallel_loop3A_970, %parallel_loop3A_971] {strides = array<i32>} : memref<3x80x64xf32, #tpu.memory_space<vmem>>, vector<1x1x16xf32>,
          %parallel_loop3A_973 = vector.shape_cast %parallel_loop3A_972 : vector<1x1x16xf32> to vector<16xf32>
          %parallel_loop3A_974 = vector.broadcast %parallel_loop3A_952 : f32 to vector<16xf32>
          %parallel_loop3A_975 = arith.mulf %parallel_loop3A_973, %parallel_loop3A_974 : vector<16xf32>
          %parallel_loop3A_976 = arith.constant 1 : i32
          %parallel_loop3A_977 = arith.index_cast %parallel_loop3A_976 : i32 to index
          %parallel_loop3A_978 = arith.index_cast %parallel_loop3A_950 : i32 to index
          %parallel_loop3A_979 = arith.constant 16 : index
          %parallel_loop3A_980 = tpu.vector_load %arg11[%parallel_loop3A_977, %parallel_loop3A_978, %parallel_loop3A_979] {strides = array<i32>} : memref<3x80x64xf32, #tpu.memory_space<vmem>>, vector<1x1x16xf32>,
          %parallel_loop3A_981 = vector.shape_cast %parallel_loop3A_980 : vector<1x1x16xf32> to vector<16xf32>
          %parallel_loop3A_982 = vector.shape_cast %parallel_loop3A_975 : vector<16xf32> to vector<1x1x16xf32>
          tpu.vector_store %arg11[%parallel_loop3A_977, %parallel_loop3A_978, %parallel_loop3A_979], %parallel_loop3A_982 {strides = array<i32>} : memref<3x80x64xf32, #tpu.memory_space<vmem>>, vector<1x1x16xf32>,
          %parallel_loop3A_983 = arith.constant 1 : i32
          %parallel_loop3A_984 = arith.index_cast %parallel_loop3A_983 : i32 to index
          %parallel_loop3A_985 = arith.index_cast %parallel_loop3A_950 : i32 to index
          %parallel_loop3A_986 = arith.constant 32 : index
          %parallel_loop3A_987 = tpu.vector_load %arg11[%parallel_loop3A_984, %parallel_loop3A_985, %parallel_loop3A_986] {strides = array<i32>} : memref<3x80x64xf32, #tpu.memory_space<vmem>>, vector<1x1x16xf32>,
          %parallel_loop3A_988 = vector.shape_cast %parallel_loop3A_987 : vector<1x1x16xf32> to vector<16xf32>
          %parallel_loop3A_989 = vector.broadcast %parallel_loop3A_952 : f32 to vector<16xf32>
          %parallel_loop3A_990 = arith.mulf %parallel_loop3A_988, %parallel_loop3A_989 : vector<16xf32>
          %parallel_loop3A_991 = arith.constant 1 : i32
          %parallel_loop3A_992 = arith.index_cast %parallel_loop3A_991 : i32 to index
          %parallel_loop3A_993 = arith.index_cast %parallel_loop3A_950 : i32 to index
          %parallel_loop3A_994 = arith.constant 32 : index
          %parallel_loop3A_995 = tpu.vector_load %arg11[%parallel_loop3A_992, %parallel_loop3A_993, %parallel_loop3A_994] {strides = array<i32>} : memref<3x80x64xf32, #tpu.memory_space<vmem>>, vector<1x1x16xf32>,
          %parallel_loop3A_996 = vector.shape_cast %parallel_loop3A_995 : vector<1x1x16xf32> to vector<16xf32>
          %parallel_loop3A_997 = vector.shape_cast %parallel_loop3A_990 : vector<16xf32> to vector<1x1x16xf32>
          tpu.vector_store %arg11[%parallel_loop3A_992, %parallel_loop3A_993, %parallel_loop3A_994], %parallel_loop3A_997 {strides = array<i32>} : memref<3x80x64xf32, #tpu.memory_space<vmem>>, vector<1x1x16xf32>,
          %parallel_loop3A_998 = arith.constant 1 : i32
          %parallel_loop3A_999 = arith.index_cast %parallel_loop3A_998 : i32 to index
          %parallel_loop3A_1000 = arith.index_cast %parallel_loop3A_950 : i32 to index
          %parallel_loop3A_1001 = arith.constant 48 : index
          %parallel_loop3A_1002 = tpu.vector_load %arg11[%parallel_loop3A_999, %parallel_loop3A_1000, %parallel_loop3A_1001] {strides = array<i32>} : memref<3x80x64xf32, #tpu.memory_space<vmem>>, vector<1x1x16xf32>,
          %parallel_loop3A_1003 = vector.shape_cast %parallel_loop3A_1002 : vector<1x1x16xf32> to vector<16xf32>
          %parallel_loop3A_1004 = vector.broadcast %parallel_loop3A_952 : f32 to vector<16xf32>
          %parallel_loop3A_1005 = arith.mulf %parallel_loop3A_1003, %parallel_loop3A_1004 : vector<16xf32>
          %parallel_loop3A_1006 = arith.constant 1 : i32
          %parallel_loop3A_1007 = arith.index_cast %parallel_loop3A_1006 : i32 to index
          %parallel_loop3A_1008 = arith.index_cast %parallel_loop3A_950 : i32 to index
          %parallel_loop3A_1009 = arith.constant 48 : index
          %parallel_loop3A_1010 = tpu.vector_load %arg11[%parallel_loop3A_1007, %parallel_loop3A_1008, %parallel_loop3A_1009] {strides = array<i32>} : memref<3x80x64xf32, #tpu.memory_space<vmem>>, vector<1x1x16xf32>,
          %parallel_loop3A_1011 = vector.shape_cast %parallel_loop3A_1010 : vector<1x1x16xf32> to vector<16xf32>
          %parallel_loop3A_1012 = vector.shape_cast %parallel_loop3A_1005 : vector<16xf32> to vector<1x1x16xf32>
          tpu.vector_store %arg11[%parallel_loop3A_1007, %parallel_loop3A_1008, %parallel_loop3A_1009], %parallel_loop3A_1012 {strides = array<i32>} : memref<3x80x64xf32, #tpu.memory_space<vmem>>, vector<1x1x16xf32>,
          %parallel_loop3A_1013 = arith.constant 16 : i32
          %parallel_loop3A_1014 = arith.muli %parallel_loop3A_148, %parallel_loop3A_1013 : i32
          %parallel_loop3A_1015 = arith.constant 13 : i32
          %parallel_loop3A_1016 = arith.addi %parallel_loop3A_1014, %parallel_loop3A_1015 : i32
          %parallel_loop3A_1017 = vector.extract_strided_slice %parallel_loop3A_154 {offsets = [13], sizes = [1], strides = [1]} : vector<16xf32> to vector<1xf32>
          %parallel_loop3A_1018 = vector.extract %parallel_loop3A_1017[0] : f32 from vector<1xf32>
          %parallel_loop3A_1019 = arith.constant 1 : i32
          %parallel_loop3A_1020 = arith.index_cast %parallel_loop3A_1019 : i32 to index
          %parallel_loop3A_1021 = arith.index_cast %parallel_loop3A_1016 : i32 to index
          %parallel_loop3A_1022 = arith.constant 0 : index
          %parallel_loop3A_1023 = tpu.vector_load %arg11[%parallel_loop3A_1020, %parallel_loop3A_1021, %parallel_loop3A_1022] {strides = array<i32>} : memref<3x80x64xf32, #tpu.memory_space<vmem>>, vector<1x1x16xf32>,
          %parallel_loop3A_1024 = vector.shape_cast %parallel_loop3A_1023 : vector<1x1x16xf32> to vector<16xf32>
          %parallel_loop3A_1025 = vector.broadcast %parallel_loop3A_1018 : f32 to vector<16xf32>
          %parallel_loop3A_1026 = arith.mulf %parallel_loop3A_1024, %parallel_loop3A_1025 : vector<16xf32>
          %parallel_loop3A_1027 = arith.constant 1 : i32
          %parallel_loop3A_1028 = arith.index_cast %parallel_loop3A_1027 : i32 to index
          %parallel_loop3A_1029 = arith.index_cast %parallel_loop3A_1016 : i32 to index
          %parallel_loop3A_1030 = arith.constant 0 : index
          %parallel_loop3A_1031 = tpu.vector_load %arg11[%parallel_loop3A_1028, %parallel_loop3A_1029, %parallel_loop3A_1030] {strides = array<i32>} : memref<3x80x64xf32, #tpu.memory_space<vmem>>, vector<1x1x16xf32>,
          %parallel_loop3A_1032 = vector.shape_cast %parallel_loop3A_1031 : vector<1x1x16xf32> to vector<16xf32>
          %parallel_loop3A_1033 = vector.shape_cast %parallel_loop3A_1026 : vector<16xf32> to vector<1x1x16xf32>
          tpu.vector_store %arg11[%parallel_loop3A_1028, %parallel_loop3A_1029, %parallel_loop3A_1030], %parallel_loop3A_1033 {strides = array<i32>} : memref<3x80x64xf32, #tpu.memory_space<vmem>>, vector<1x1x16xf32>,
          %parallel_loop3A_1034 = arith.constant 1 : i32
          %parallel_loop3A_1035 = arith.index_cast %parallel_loop3A_1034 : i32 to index
          %parallel_loop3A_1036 = arith.index_cast %parallel_loop3A_1016 : i32 to index
          %parallel_loop3A_1037 = arith.constant 16 : index
          %parallel_loop3A_1038 = tpu.vector_load %arg11[%parallel_loop3A_1035, %parallel_loop3A_1036, %parallel_loop3A_1037] {strides = array<i32>} : memref<3x80x64xf32, #tpu.memory_space<vmem>>, vector<1x1x16xf32>,
          %parallel_loop3A_1039 = vector.shape_cast %parallel_loop3A_1038 : vector<1x1x16xf32> to vector<16xf32>
          %parallel_loop3A_1040 = vector.broadcast %parallel_loop3A_1018 : f32 to vector<16xf32>
          %parallel_loop3A_1041 = arith.mulf %parallel_loop3A_1039, %parallel_loop3A_1040 : vector<16xf32>
          %parallel_loop3A_1042 = arith.constant 1 : i32
          %parallel_loop3A_1043 = arith.index_cast %parallel_loop3A_1042 : i32 to index
          %parallel_loop3A_1044 = arith.index_cast %parallel_loop3A_1016 : i32 to index
          %parallel_loop3A_1045 = arith.constant 16 : index
          %parallel_loop3A_1046 = tpu.vector_load %arg11[%parallel_loop3A_1043, %parallel_loop3A_1044, %parallel_loop3A_1045] {strides = array<i32>} : memref<3x80x64xf32, #tpu.memory_space<vmem>>, vector<1x1x16xf32>,
          %parallel_loop3A_1047 = vector.shape_cast %parallel_loop3A_1046 : vector<1x1x16xf32> to vector<16xf32>
          %parallel_loop3A_1048 = vector.shape_cast %parallel_loop3A_1041 : vector<16xf32> to vector<1x1x16xf32>
          tpu.vector_store %arg11[%parallel_loop3A_1043, %parallel_loop3A_1044, %parallel_loop3A_1045], %parallel_loop3A_1048 {strides = array<i32>} : memref<3x80x64xf32, #tpu.memory_space<vmem>>, vector<1x1x16xf32>,
          %parallel_loop3A_1049 = arith.constant 1 : i32
          %parallel_loop3A_1050 = arith.index_cast %parallel_loop3A_1049 : i32 to index
          %parallel_loop3A_1051 = arith.index_cast %parallel_loop3A_1016 : i32 to index
          %parallel_loop3A_1052 = arith.constant 32 : index
          %parallel_loop3A_1053 = tpu.vector_load %arg11[%parallel_loop3A_1050, %parallel_loop3A_1051, %parallel_loop3A_1052] {strides = array<i32>} : memref<3x80x64xf32, #tpu.memory_space<vmem>>, vector<1x1x16xf32>,
          %parallel_loop3A_1054 = vector.shape_cast %parallel_loop3A_1053 : vector<1x1x16xf32> to vector<16xf32>
          %parallel_loop3A_1055 = vector.broadcast %parallel_loop3A_1018 : f32 to vector<16xf32>
          %parallel_loop3A_1056 = arith.mulf %parallel_loop3A_1054, %parallel_loop3A_1055 : vector<16xf32>
          %parallel_loop3A_1057 = arith.constant 1 : i32
          %parallel_loop3A_1058 = arith.index_cast %parallel_loop3A_1057 : i32 to index
          %parallel_loop3A_1059 = arith.index_cast %parallel_loop3A_1016 : i32 to index
          %parallel_loop3A_1060 = arith.constant 32 : index
          %parallel_loop3A_1061 = tpu.vector_load %arg11[%parallel_loop3A_1058, %parallel_loop3A_1059, %parallel_loop3A_1060] {strides = array<i32>} : memref<3x80x64xf32, #tpu.memory_space<vmem>>, vector<1x1x16xf32>,
          %parallel_loop3A_1062 = vector.shape_cast %parallel_loop3A_1061 : vector<1x1x16xf32> to vector<16xf32>
          %parallel_loop3A_1063 = vector.shape_cast %parallel_loop3A_1056 : vector<16xf32> to vector<1x1x16xf32>
          tpu.vector_store %arg11[%parallel_loop3A_1058, %parallel_loop3A_1059, %parallel_loop3A_1060], %parallel_loop3A_1063 {strides = array<i32>} : memref<3x80x64xf32, #tpu.memory_space<vmem>>, vector<1x1x16xf32>,
          %parallel_loop3A_1064 = arith.constant 1 : i32
          %parallel_loop3A_1065 = arith.index_cast %parallel_loop3A_1064 : i32 to index
          %parallel_loop3A_1066 = arith.index_cast %parallel_loop3A_1016 : i32 to index
          %parallel_loop3A_1067 = arith.constant 48 : index
          %parallel_loop3A_1068 = tpu.vector_load %arg11[%parallel_loop3A_1065, %parallel_loop3A_1066, %parallel_loop3A_1067] {strides = array<i32>} : memref<3x80x64xf32, #tpu.memory_space<vmem>>, vector<1x1x16xf32>,
          %parallel_loop3A_1069 = vector.shape_cast %parallel_loop3A_1068 : vector<1x1x16xf32> to vector<16xf32>
          %parallel_loop3A_1070 = vector.broadcast %parallel_loop3A_1018 : f32 to vector<16xf32>
          %parallel_loop3A_1071 = arith.mulf %parallel_loop3A_1069, %parallel_loop3A_1070 : vector<16xf32>
          %parallel_loop3A_1072 = arith.constant 1 : i32
          %parallel_loop3A_1073 = arith.index_cast %parallel_loop3A_1072 : i32 to index
          %parallel_loop3A_1074 = arith.index_cast %parallel_loop3A_1016 : i32 to index
          %parallel_loop3A_1075 = arith.constant 48 : index
          %parallel_loop3A_1076 = tpu.vector_load %arg11[%parallel_loop3A_1073, %parallel_loop3A_1074, %parallel_loop3A_1075] {strides = array<i32>} : memref<3x80x64xf32, #tpu.memory_space<vmem>>, vector<1x1x16xf32>,
          %parallel_loop3A_1077 = vector.shape_cast %parallel_loop3A_1076 : vector<1x1x16xf32> to vector<16xf32>
          %parallel_loop3A_1078 = vector.shape_cast %parallel_loop3A_1071 : vector<16xf32> to vector<1x1x16xf32>
          tpu.vector_store %arg11[%parallel_loop3A_1073, %parallel_loop3A_1074, %parallel_loop3A_1075], %parallel_loop3A_1078 {strides = array<i32>} : memref<3x80x64xf32, #tpu.memory_space<vmem>>, vector<1x1x16xf32>,
          %parallel_loop3A_1079 = arith.constant 16 : i32
          %parallel_loop3A_1080 = arith.muli %parallel_loop3A_148, %parallel_loop3A_1079 : i32
          %parallel_loop3A_1081 = arith.constant 14 : i32
          %parallel_loop3A_1082 = arith.addi %parallel_loop3A_1080, %parallel_loop3A_1081 : i32
          %parallel_loop3A_1083 = vector.extract_strided_slice %parallel_loop3A_154 {offsets = [14], sizes = [1], strides = [1]} : vector<16xf32> to vector<1xf32>
          %parallel_loop3A_1084 = vector.extract %parallel_loop3A_1083[0] : f32 from vector<1xf32>
          %parallel_loop3A_1085 = arith.constant 1 : i32
          %parallel_loop3A_1086 = arith.index_cast %parallel_loop3A_1085 : i32 to index
          %parallel_loop3A_1087 = arith.index_cast %parallel_loop3A_1082 : i32 to index
          %parallel_loop3A_1088 = arith.constant 0 : index
          %parallel_loop3A_1089 = tpu.vector_load %arg11[%parallel_loop3A_1086, %parallel_loop3A_1087, %parallel_loop3A_1088] {strides = array<i32>} : memref<3x80x64xf32, #tpu.memory_space<vmem>>, vector<1x1x16xf32>,
          %parallel_loop3A_1090 = vector.shape_cast %parallel_loop3A_1089 : vector<1x1x16xf32> to vector<16xf32>
          %parallel_loop3A_1091 = vector.broadcast %parallel_loop3A_1084 : f32 to vector<16xf32>
          %parallel_loop3A_1092 = arith.mulf %parallel_loop3A_1090, %parallel_loop3A_1091 : vector<16xf32>
          %parallel_loop3A_1093 = arith.constant 1 : i32
          %parallel_loop3A_1094 = arith.index_cast %parallel_loop3A_1093 : i32 to index
          %parallel_loop3A_1095 = arith.index_cast %parallel_loop3A_1082 : i32 to index
          %parallel_loop3A_1096 = arith.constant 0 : index
          %parallel_loop3A_1097 = tpu.vector_load %arg11[%parallel_loop3A_1094, %parallel_loop3A_1095, %parallel_loop3A_1096] {strides = array<i32>} : memref<3x80x64xf32, #tpu.memory_space<vmem>>, vector<1x1x16xf32>,
          %parallel_loop3A_1098 = vector.shape_cast %parallel_loop3A_1097 : vector<1x1x16xf32> to vector<16xf32>
          %parallel_loop3A_1099 = vector.shape_cast %parallel_loop3A_1092 : vector<16xf32> to vector<1x1x16xf32>
          tpu.vector_store %arg11[%parallel_loop3A_1094, %parallel_loop3A_1095, %parallel_loop3A_1096], %parallel_loop3A_1099 {strides = array<i32>} : memref<3x80x64xf32, #tpu.memory_space<vmem>>, vector<1x1x16xf32>,
          %parallel_loop3A_1100 = arith.constant 1 : i32
          %parallel_loop3A_1101 = arith.index_cast %parallel_loop3A_1100 : i32 to index
          %parallel_loop3A_1102 = arith.index_cast %parallel_loop3A_1082 : i32 to index
          %parallel_loop3A_1103 = arith.constant 16 : index
          %parallel_loop3A_1104 = tpu.vector_load %arg11[%parallel_loop3A_1101, %parallel_loop3A_1102, %parallel_loop3A_1103] {strides = array<i32>} : memref<3x80x64xf32, #tpu.memory_space<vmem>>, vector<1x1x16xf32>,
          %parallel_loop3A_1105 = vector.shape_cast %parallel_loop3A_1104 : vector<1x1x16xf32> to vector<16xf32>
          %parallel_loop3A_1106 = vector.broadcast %parallel_loop3A_1084 : f32 to vector<16xf32>
          %parallel_loop3A_1107 = arith.mulf %parallel_loop3A_1105, %parallel_loop3A_1106 : vector<16xf32>
          %parallel_loop3A_1108 = arith.constant 1 : i32
          %parallel_loop3A_1109 = arith.index_cast %parallel_loop3A_1108 : i32 to index
          %parallel_loop3A_1110 = arith.index_cast %parallel_loop3A_1082 : i32 to index
          %parallel_loop3A_1111 = arith.constant 16 : index
          %parallel_loop3A_1112 = tpu.vector_load %arg11[%parallel_loop3A_1109, %parallel_loop3A_1110, %parallel_loop3A_1111] {strides = array<i32>} : memref<3x80x64xf32, #tpu.memory_space<vmem>>, vector<1x1x16xf32>,
          %parallel_loop3A_1113 = vector.shape_cast %parallel_loop3A_1112 : vector<1x1x16xf32> to vector<16xf32>
          %parallel_loop3A_1114 = vector.shape_cast %parallel_loop3A_1107 : vector<16xf32> to vector<1x1x16xf32>
          tpu.vector_store %arg11[%parallel_loop3A_1109, %parallel_loop3A_1110, %parallel_loop3A_1111], %parallel_loop3A_1114 {strides = array<i32>} : memref<3x80x64xf32, #tpu.memory_space<vmem>>, vector<1x1x16xf32>,
          %parallel_loop3A_1115 = arith.constant 1 : i32
          %parallel_loop3A_1116 = arith.index_cast %parallel_loop3A_1115 : i32 to index
          %parallel_loop3A_1117 = arith.index_cast %parallel_loop3A_1082 : i32 to index
          %parallel_loop3A_1118 = arith.constant 32 : index
          %parallel_loop3A_1119 = tpu.vector_load %arg11[%parallel_loop3A_1116, %parallel_loop3A_1117, %parallel_loop3A_1118] {strides = array<i32>} : memref<3x80x64xf32, #tpu.memory_space<vmem>>, vector<1x1x16xf32>,
          %parallel_loop3A_1120 = vector.shape_cast %parallel_loop3A_1119 : vector<1x1x16xf32> to vector<16xf32>
          %parallel_loop3A_1121 = vector.broadcast %parallel_loop3A_1084 : f32 to vector<16xf32>
          %parallel_loop3A_1122 = arith.mulf %parallel_loop3A_1120, %parallel_loop3A_1121 : vector<16xf32>
          %parallel_loop3A_1123 = arith.constant 1 : i32
          %parallel_loop3A_1124 = arith.index_cast %parallel_loop3A_1123 : i32 to index
          %parallel_loop3A_1125 = arith.index_cast %parallel_loop3A_1082 : i32 to index
          %parallel_loop3A_1126 = arith.constant 32 : index
          %parallel_loop3A_1127 = tpu.vector_load %arg11[%parallel_loop3A_1124, %parallel_loop3A_1125, %parallel_loop3A_1126] {strides = array<i32>} : memref<3x80x64xf32, #tpu.memory_space<vmem>>, vector<1x1x16xf32>,
          %parallel_loop3A_1128 = vector.shape_cast %parallel_loop3A_1127 : vector<1x1x16xf32> to vector<16xf32>
          %parallel_loop3A_1129 = vector.shape_cast %parallel_loop3A_1122 : vector<16xf32> to vector<1x1x16xf32>
          tpu.vector_store %arg11[%parallel_loop3A_1124, %parallel_loop3A_1125, %parallel_loop3A_1126], %parallel_loop3A_1129 {strides = array<i32>} : memref<3x80x64xf32, #tpu.memory_space<vmem>>, vector<1x1x16xf32>,
          %parallel_loop3A_1130 = arith.constant 1 : i32
          %parallel_loop3A_1131 = arith.index_cast %parallel_loop3A_1130 : i32 to index
          %parallel_loop3A_1132 = arith.index_cast %parallel_loop3A_1082 : i32 to index
          %parallel_loop3A_1133 = arith.constant 48 : index
          %parallel_loop3A_1134 = tpu.vector_load %arg11[%parallel_loop3A_1131, %parallel_loop3A_1132, %parallel_loop3A_1133] {strides = array<i32>} : memref<3x80x64xf32, #tpu.memory_space<vmem>>, vector<1x1x16xf32>,
          %parallel_loop3A_1135 = vector.shape_cast %parallel_loop3A_1134 : vector<1x1x16xf32> to vector<16xf32>
          %parallel_loop3A_1136 = vector.broadcast %parallel_loop3A_1084 : f32 to vector<16xf32>
          %parallel_loop3A_1137 = arith.mulf %parallel_loop3A_1135, %parallel_loop3A_1136 : vector<16xf32>
          %parallel_loop3A_1138 = arith.constant 1 : i32
          %parallel_loop3A_1139 = arith.index_cast %parallel_loop3A_1138 : i32 to index
          %parallel_loop3A_1140 = arith.index_cast %parallel_loop3A_1082 : i32 to index
          %parallel_loop3A_1141 = arith.constant 48 : index
          %parallel_loop3A_1142 = tpu.vector_load %arg11[%parallel_loop3A_1139, %parallel_loop3A_1140, %parallel_loop3A_1141] {strides = array<i32>} : memref<3x80x64xf32, #tpu.memory_space<vmem>>, vector<1x1x16xf32>,
          %parallel_loop3A_1143 = vector.shape_cast %parallel_loop3A_1142 : vector<1x1x16xf32> to vector<16xf32>
          %parallel_loop3A_1144 = vector.shape_cast %parallel_loop3A_1137 : vector<16xf32> to vector<1x1x16xf32>
          tpu.vector_store %arg11[%parallel_loop3A_1139, %parallel_loop3A_1140, %parallel_loop3A_1141], %parallel_loop3A_1144 {strides = array<i32>} : memref<3x80x64xf32, #tpu.memory_space<vmem>>, vector<1x1x16xf32>,
          %parallel_loop3A_1145 = arith.constant 16 : i32
          %parallel_loop3A_1146 = arith.muli %parallel_loop3A_148, %parallel_loop3A_1145 : i32
          %parallel_loop3A_1147 = arith.constant 15 : i32
          %parallel_loop3A_1148 = arith.addi %parallel_loop3A_1146, %parallel_loop3A_1147 : i32
          %parallel_loop3A_1149 = vector.extract_strided_slice %parallel_loop3A_154 {offsets = [15], sizes = [1], strides = [1]} : vector<16xf32> to vector<1xf32>
          %parallel_loop3A_1150 = vector.extract %parallel_loop3A_1149[0] : f32 from vector<1xf32>
          %parallel_loop3A_1151 = arith.constant 1 : i32
          %parallel_loop3A_1152 = arith.index_cast %parallel_loop3A_1151 : i32 to index
          %parallel_loop3A_1153 = arith.index_cast %parallel_loop3A_1148 : i32 to index
          %parallel_loop3A_1154 = arith.constant 0 : index
          %parallel_loop3A_1155 = tpu.vector_load %arg11[%parallel_loop3A_1152, %parallel_loop3A_1153, %parallel_loop3A_1154] {strides = array<i32>} : memref<3x80x64xf32, #tpu.memory_space<vmem>>, vector<1x1x16xf32>,
          %parallel_loop3A_1156 = vector.shape_cast %parallel_loop3A_1155 : vector<1x1x16xf32> to vector<16xf32>
          %parallel_loop3A_1157 = vector.broadcast %parallel_loop3A_1150 : f32 to vector<16xf32>
          %parallel_loop3A_1158 = arith.mulf %parallel_loop3A_1156, %parallel_loop3A_1157 : vector<16xf32>
          %parallel_loop3A_1159 = arith.constant 1 : i32
          %parallel_loop3A_1160 = arith.index_cast %parallel_loop3A_1159 : i32 to index
          %parallel_loop3A_1161 = arith.index_cast %parallel_loop3A_1148 : i32 to index
          %parallel_loop3A_1162 = arith.constant 0 : index
          %parallel_loop3A_1163 = tpu.vector_load %arg11[%parallel_loop3A_1160, %parallel_loop3A_1161, %parallel_loop3A_1162] {strides = array<i32>} : memref<3x80x64xf32, #tpu.memory_space<vmem>>, vector<1x1x16xf32>,
          %parallel_loop3A_1164 = vector.shape_cast %parallel_loop3A_1163 : vector<1x1x16xf32> to vector<16xf32>
          %parallel_loop3A_1165 = vector.shape_cast %parallel_loop3A_1158 : vector<16xf32> to vector<1x1x16xf32>
          tpu.vector_store %arg11[%parallel_loop3A_1160, %parallel_loop3A_1161, %parallel_loop3A_1162], %parallel_loop3A_1165 {strides = array<i32>} : memref<3x80x64xf32, #tpu.memory_space<vmem>>, vector<1x1x16xf32>,
          %parallel_loop3A_1166 = arith.constant 1 : i32
          %parallel_loop3A_1167 = arith.index_cast %parallel_loop3A_1166 : i32 to index
          %parallel_loop3A_1168 = arith.index_cast %parallel_loop3A_1148 : i32 to index
          %parallel_loop3A_1169 = arith.constant 16 : index
          %parallel_loop3A_1170 = tpu.vector_load %arg11[%parallel_loop3A_1167, %parallel_loop3A_1168, %parallel_loop3A_1169] {strides = array<i32>} : memref<3x80x64xf32, #tpu.memory_space<vmem>>, vector<1x1x16xf32>,
          %parallel_loop3A_1171 = vector.shape_cast %parallel_loop3A_1170 : vector<1x1x16xf32> to vector<16xf32>
          %parallel_loop3A_1172 = vector.broadcast %parallel_loop3A_1150 : f32 to vector<16xf32>
          %parallel_loop3A_1173 = arith.mulf %parallel_loop3A_1171, %parallel_loop3A_1172 : vector<16xf32>
          %parallel_loop3A_1174 = arith.constant 1 : i32
          %parallel_loop3A_1175 = arith.index_cast %parallel_loop3A_1174 : i32 to index
          %parallel_loop3A_1176 = arith.index_cast %parallel_loop3A_1148 : i32 to index
          %parallel_loop3A_1177 = arith.constant 16 : index
          %parallel_loop3A_1178 = tpu.vector_load %arg11[%parallel_loop3A_1175, %parallel_loop3A_1176, %parallel_loop3A_1177] {strides = array<i32>} : memref<3x80x64xf32, #tpu.memory_space<vmem>>, vector<1x1x16xf32>,
          %parallel_loop3A_1179 = vector.shape_cast %parallel_loop3A_1178 : vector<1x1x16xf32> to vector<16xf32>
          %parallel_loop3A_1180 = vector.shape_cast %parallel_loop3A_1173 : vector<16xf32> to vector<1x1x16xf32>
          tpu.vector_store %arg11[%parallel_loop3A_1175, %parallel_loop3A_1176, %parallel_loop3A_1177], %parallel_loop3A_1180 {strides = array<i32>} : memref<3x80x64xf32, #tpu.memory_space<vmem>>, vector<1x1x16xf32>,
          %parallel_loop3A_1181 = arith.constant 1 : i32
          %parallel_loop3A_1182 = arith.index_cast %parallel_loop3A_1181 : i32 to index
          %parallel_loop3A_1183 = arith.index_cast %parallel_loop3A_1148 : i32 to index
          %parallel_loop3A_1184 = arith.constant 32 : index
          %parallel_loop3A_1185 = tpu.vector_load %arg11[%parallel_loop3A_1182, %parallel_loop3A_1183, %parallel_loop3A_1184] {strides = array<i32>} : memref<3x80x64xf32, #tpu.memory_space<vmem>>, vector<1x1x16xf32>,
          %parallel_loop3A_1186 = vector.shape_cast %parallel_loop3A_1185 : vector<1x1x16xf32> to vector<16xf32>
          %parallel_loop3A_1187 = vector.broadcast %parallel_loop3A_1150 : f32 to vector<16xf32>
          %parallel_loop3A_1188 = arith.mulf %parallel_loop3A_1186, %parallel_loop3A_1187 : vector<16xf32>
          %parallel_loop3A_1189 = arith.constant 1 : i32
          %parallel_loop3A_1190 = arith.index_cast %parallel_loop3A_1189 : i32 to index
          %parallel_loop3A_1191 = arith.index_cast %parallel_loop3A_1148 : i32 to index
          %parallel_loop3A_1192 = arith.constant 32 : index
          %parallel_loop3A_1193 = tpu.vector_load %arg11[%parallel_loop3A_1190, %parallel_loop3A_1191, %parallel_loop3A_1192] {strides = array<i32>} : memref<3x80x64xf32, #tpu.memory_space<vmem>>, vector<1x1x16xf32>,
          %parallel_loop3A_1194 = vector.shape_cast %parallel_loop3A_1193 : vector<1x1x16xf32> to vector<16xf32>
          %parallel_loop3A_1195 = vector.shape_cast %parallel_loop3A_1188 : vector<16xf32> to vector<1x1x16xf32>
          tpu.vector_store %arg11[%parallel_loop3A_1190, %parallel_loop3A_1191, %parallel_loop3A_1192], %parallel_loop3A_1195 {strides = array<i32>} : memref<3x80x64xf32, #tpu.memory_space<vmem>>, vector<1x1x16xf32>,
          %parallel_loop3A_1196 = arith.constant 1 : i32
          %parallel_loop3A_1197 = arith.index_cast %parallel_loop3A_1196 : i32 to index
          %parallel_loop3A_1198 = arith.index_cast %parallel_loop3A_1148 : i32 to index
          %parallel_loop3A_1199 = arith.constant 48 : index
          %parallel_loop3A_1200 = tpu.vector_load %arg11[%parallel_loop3A_1197, %parallel_loop3A_1198, %parallel_loop3A_1199] {strides = array<i32>} : memref<3x80x64xf32, #tpu.memory_space<vmem>>, vector<1x1x16xf32>,
          %parallel_loop3A_1201 = vector.shape_cast %parallel_loop3A_1200 : vector<1x1x16xf32> to vector<16xf32>
          %parallel_loop3A_1202 = vector.broadcast %parallel_loop3A_1150 : f32 to vector<16xf32>
          %parallel_loop3A_1203 = arith.mulf %parallel_loop3A_1201, %parallel_loop3A_1202 : vector<16xf32>
          %parallel_loop3A_1204 = arith.constant 1 : i32
          %parallel_loop3A_1205 = arith.index_cast %parallel_loop3A_1204 : i32 to index
          %parallel_loop3A_1206 = arith.index_cast %parallel_loop3A_1148 : i32 to index
          %parallel_loop3A_1207 = arith.constant 48 : index
          %parallel_loop3A_1208 = tpu.vector_load %arg11[%parallel_loop3A_1205, %parallel_loop3A_1206, %parallel_loop3A_1207] {strides = array<i32>} : memref<3x80x64xf32, #tpu.memory_space<vmem>>, vector<1x1x16xf32>,
          %parallel_loop3A_1209 = vector.shape_cast %parallel_loop3A_1208 : vector<1x1x16xf32> to vector<16xf32>
          %parallel_loop3A_1210 = vector.shape_cast %parallel_loop3A_1203 : vector<16xf32> to vector<1x1x16xf32>
          tpu.vector_store %arg11[%parallel_loop3A_1205, %parallel_loop3A_1206, %parallel_loop3A_1207], %parallel_loop3A_1210 {strides = array<i32>} : memref<3x80x64xf32, #tpu.memory_space<vmem>>, vector<1x1x16xf32>,
        } {sc.loop_unroll_factor = 1 : i64, sc.parallel_access}
        %dma_start3A_134 = arith.constant 1 : i32
        %dma_start3A_135 = arith.constant 1 : i32
        %dma_start3A_136 = arith.constant 0 : i32
        %dma_start3A_137 = arith.constant 0 : i32
        %dma_start3A_138 = tpu.memref_slice %arg11[%dma_start3A_134, %dma_start3A_136, %dma_start3A_137] : memref<3x80x64xf32, #tpu.memory_space<vmem>> -> memref<1x80x64xf32, #tpu.memory_space<vmem>>
        %dma_start3A_139 = tpu.memref_squeeze %dma_start3A_138 : memref<1x80x64xf32, #tpu.memory_space<vmem>> -> memref<80x64xf32, #tpu.memory_space<vmem>>
        %dma_start3A_140 = arith.constant 0 : i32
        %dma_start3A_141 = tpu.memref_slice %arg9[%add3A_89, %dma_start3A_140] : memref<250x80xi32, #tpu.memory_space<vmem>> -> memref<1x80xi32, #tpu.memory_space<vmem>>
        %dma_start3A_142 = tpu.memref_squeeze %dma_start3A_141 : memref<1x80xi32, #tpu.memory_space<vmem>> -> memref<80xi32, #tpu.memory_space<vmem>>
        %dma_start3A_143 = arith.constant 0 : i32
        %dma_start3A_144 = arith.constant 0 : i32
        %dma_start3A_145 = tpu.memref_slice %arg14[%dma_start3A_143, %dma_start3A_144] : memref<10000x64xf32, #tpu.memory_space<vmem_shared>> -> memref<10000x64xf32, #tpu.memory_space<vmem_shared>>
        %dma_start3A_146 = tpu.memref_slice %arg16[%dma_start3A_135] : memref<3x!tpu.dma_semaphore, #tpu.memory_space<semaphore_mem>> -> memref<1x!tpu.dma_semaphore, #tpu.memory_space<semaphore_mem>>
        %dma_start3A_147 = tpu.memref_squeeze %dma_start3A_146 : memref<1x!tpu.dma_semaphore, #tpu.memory_space<semaphore_mem>> -> memref<!tpu.dma_semaphore, #tpu.memory_space<semaphore_mem>>
        tpu.enqueue_indirect_dma source(%dma_start3A_139 : memref<80x64xf32, #tpu.memory_space<vmem>>) target(%dma_start3A_145 : memref<10000x64xf32, #tpu.memory_space<vmem_shared>>) offsets(%dma_start3A_142 : memref<80xi32, #tpu.memory_space<vmem>>) semaphore(%dma_start3A_147 : memref<!tpu.dma_semaphore, #tpu.memory_space<semaphore_mem>>) {add = true}
      } else {
      }
      %add3A_95 = arith.constant 2 : i32
      %add3A_96 = arith.addi %add3A_81, %add3A_95 : i32
      %lt3A_97 = arith.constant 250 : i32
      %lt3A_98 = arith.cmpi slt, %add3A_96, %lt3A_97 : i32
      %convert_element_type3A_99 = arith.extui %lt3A_98 : i1 to i32
      %cond3A_100 = arith.constant 0 : i32
      %cond3A_101 = arith.cmpi ne, %convert_element_type3A_99, %cond3A_100 : i32
      scf.if %cond3A_101 {
        %dma_wait3A_102 = arith.constant 2 : i32
        %dma_wait3A_103 = arith.constant 2 : i32
        %dma_wait3A_104 = arith.constant 0 : i32
        %dma_wait3A_105 = arith.constant 0 : i32
        %dma_wait3A_106 = tpu.memref_slice %arg11[%dma_wait3A_102, %dma_wait3A_104, %dma_wait3A_105] : memref<3x80x64xf32, #tpu.memory_space<vmem>> -> memref<1x80x64xf32, #tpu.memory_space<vmem>>
        %dma_wait3A_107 = tpu.memref_squeeze %dma_wait3A_106 : memref<1x80x64xf32, #tpu.memory_space<vmem>> -> memref<80x64xf32, #tpu.memory_space<vmem>>
        %dma_wait3A_108 = arith.constant 0 : i32
        %dma_wait3A_109 = tpu.memref_slice %arg8[%add3A_96, %dma_wait3A_108] : memref<250x80xi32, #tpu.memory_space<vmem>> -> memref<1x80xi32, #tpu.memory_space<vmem>>
        %dma_wait3A_110 = tpu.memref_squeeze %dma_wait3A_109 : memref<1x80xi32, #tpu.memory_space<vmem>> -> memref<80xi32, #tpu.memory_space<vmem>>
        %dma_wait3A_111 = arith.constant 0 : i32
        %dma_wait3A_112 = arith.constant 0 : i32
        %dma_wait3A_113 = tpu.memref_slice %arg2[%arg0, %dma_wait3A_111, %dma_wait3A_112] : memref<2x10000x64xf32, #tpu.memory_space<hbm>> -> memref<1x10000x64xf32, #tpu.memory_space<hbm>>
        %dma_wait3A_114 = tpu.memref_squeeze %dma_wait3A_113 : memref<1x10000x64xf32, #tpu.memory_space<hbm>> -> memref<10000x64xf32, #tpu.memory_space<hbm>>
        %dma_wait3A_115 = arith.constant 0 : i32
        %dma_wait3A_116 = arith.constant 0 : i32
        %dma_wait3A_117 = tpu.memref_slice %dma_wait3A_114[%dma_wait3A_115, %dma_wait3A_116] : memref<10000x64xf32, #tpu.memory_space<hbm>> -> memref<10000x64xf32, #tpu.memory_space<hbm>>
        %dma_wait3A_118 = tpu.memref_slice %arg15[%dma_wait3A_103] : memref<3x!tpu.dma_semaphore, #tpu.memory_space<semaphore_mem>> -> memref<1x!tpu.dma_semaphore, #tpu.memory_space<semaphore_mem>>
        %dma_wait3A_119 = tpu.memref_squeeze %dma_wait3A_118 : memref<1x!tpu.dma_semaphore, #tpu.memory_space<semaphore_mem>> -> memref<!tpu.dma_semaphore, #tpu.memory_space<semaphore_mem>>
        tpu.wait_indirect_dma semaphore(%dma_wait3A_119 : memref<!tpu.dma_semaphore, #tpu.memory_space<semaphore_mem>>) src(%dma_wait3A_117 : memref<10000x64xf32, #tpu.memory_space<hbm>>) dst(%dma_wait3A_107 : memref<80x64xf32, #tpu.memory_space<vmem>>)
        %ge3A = arith.constant 1 : i32
        %ge3A_120 = arith.cmpi sge, %add3A_96, %ge3A : i32
        %convert_element_type3A_121 = arith.extui %ge3A_120 : i1 to i32
        %cond3A_122 = arith.constant 0 : i32
        %cond3A_123 = arith.cmpi ne, %convert_element_type3A_121, %cond3A_122 : i32
        scf.if %cond3A_123 {
          %dma_wait3A_148 = arith.constant 1 : i32
          %dma_wait3A_149 = arith.constant 1 : i32
          %dma_wait3A_150 = arith.constant 0 : i32
          %dma_wait3A_151 = arith.constant 0 : i32
          %dma_wait3A_152 = tpu.memref_slice %arg11[%dma_wait3A_148, %dma_wait3A_150, %dma_wait3A_151] : memref<3x80x64xf32, #tpu.memory_space<vmem>> -> memref<1x80x64xf32, #tpu.memory_space<vmem>>
          %dma_wait3A_153 = tpu.memref_squeeze %dma_wait3A_152 : memref<1x80x64xf32, #tpu.memory_space<vmem>> -> memref<80x64xf32, #tpu.memory_space<vmem>>
          %dma_wait3A_154 = arith.constant 0 : i32
          %dma_wait3A_155 = tpu.memref_slice %arg9[%add3A_96, %dma_wait3A_154] : memref<250x80xi32, #tpu.memory_space<vmem>> -> memref<1x80xi32, #tpu.memory_space<vmem>>
          %dma_wait3A_156 = tpu.memref_squeeze %dma_wait3A_155 : memref<1x80xi32, #tpu.memory_space<vmem>> -> memref<80xi32, #tpu.memory_space<vmem>>
          %dma_wait3A_157 = arith.constant 0 : i32
          %dma_wait3A_158 = arith.constant 0 : i32
          %dma_wait3A_159 = tpu.memref_slice %arg14[%dma_wait3A_157, %dma_wait3A_158] : memref<10000x64xf32, #tpu.memory_space<vmem_shared>> -> memref<10000x64xf32, #tpu.memory_space<vmem_shared>>
          %dma_wait3A_160 = tpu.memref_slice %arg16[%dma_wait3A_149] : memref<3x!tpu.dma_semaphore, #tpu.memory_space<semaphore_mem>> -> memref<1x!tpu.dma_semaphore, #tpu.memory_space<semaphore_mem>>
          %dma_wait3A_161 = tpu.memref_squeeze %dma_wait3A_160 : memref<1x!tpu.dma_semaphore, #tpu.memory_space<semaphore_mem>> -> memref<!tpu.dma_semaphore, #tpu.memory_space<semaphore_mem>>
          tpu.wait_indirect_dma semaphore(%dma_wait3A_161 : memref<!tpu.dma_semaphore, #tpu.memory_space<semaphore_mem>>) src(%dma_wait3A_153 : memref<80x64xf32, #tpu.memory_space<vmem>>) dst(%dma_wait3A_159 : memref<10000x64xf32, #tpu.memory_space<vmem_shared>>)
        } else {
        }
        %add3A_124 = arith.constant 3 : i32
        %add3A_125 = arith.addi %add3A_96, %add3A_124 : i32
        %sub3A = arith.constant 1 : i32
        %sub3A_126 = arith.subi %add3A_125, %sub3A : i32
        %lt3A_127 = arith.constant 250 : i32
        %lt3A_128 = arith.cmpi slt, %sub3A_126, %lt3A_127 : i32
        %convert_element_type3A_129 = arith.extui %lt3A_128 : i1 to i32
        %cond3A_130 = arith.constant 0 : i32
        %cond3A_131 = arith.cmpi ne, %convert_element_type3A_129, %cond3A_130 : i32
        scf.if %cond3A_131 {
          %add3A_148 = arith.constant 3 : i32
          %add3A_149 = arith.addi %add3A_96, %add3A_148 : i32
          %sub3A_150 = arith.constant 1 : i32
          %sub3A_151 = arith.subi %add3A_149, %sub3A_150 : i32
          %dma_start3A_152 = arith.constant 1 : i32
          %dma_start3A_153 = arith.constant 1 : i32
          %dma_start3A_154 = arith.constant 0 : i32
          %dma_start3A_155 = arith.constant 0 : i32
          %dma_start3A_156 = tpu.memref_slice %arg11[%dma_start3A_152, %dma_start3A_154, %dma_start3A_155] : memref<3x80x64xf32, #tpu.memory_space<vmem>> -> memref<1x80x64xf32, #tpu.memory_space<vmem>>
          %dma_start3A_157 = tpu.memref_squeeze %dma_start3A_156 : memref<1x80x64xf32, #tpu.memory_space<vmem>> -> memref<80x64xf32, #tpu.memory_space<vmem>>
          %dma_start3A_158 = arith.constant 0 : i32
          %dma_start3A_159 = tpu.memref_slice %arg8[%sub3A_151, %dma_start3A_158] : memref<250x80xi32, #tpu.memory_space<vmem>> -> memref<1x80xi32, #tpu.memory_space<vmem>>
          %dma_start3A_160 = tpu.memref_squeeze %dma_start3A_159 : memref<1x80xi32, #tpu.memory_space<vmem>> -> memref<80xi32, #tpu.memory_space<vmem>>
          %dma_start3A_161 = arith.constant 0 : i32
          %dma_start3A_162 = arith.constant 0 : i32
          %dma_start3A_163 = tpu.memref_slice %arg2[%arg0, %dma_start3A_161, %dma_start3A_162] : memref<2x10000x64xf32, #tpu.memory_space<hbm>> -> memref<1x10000x64xf32, #tpu.memory_space<hbm>>
          %dma_start3A_164 = tpu.memref_squeeze %dma_start3A_163 : memref<1x10000x64xf32, #tpu.memory_space<hbm>> -> memref<10000x64xf32, #tpu.memory_space<hbm>>
          %dma_start3A_165 = arith.constant 0 : i32
          %dma_start3A_166 = arith.constant 0 : i32
          %dma_start3A_167 = tpu.memref_slice %dma_start3A_164[%dma_start3A_165, %dma_start3A_166] : memref<10000x64xf32, #tpu.memory_space<hbm>> -> memref<10000x64xf32, #tpu.memory_space<hbm>>
          %dma_start3A_168 = tpu.memref_slice %arg15[%dma_start3A_153] : memref<3x!tpu.dma_semaphore, #tpu.memory_space<semaphore_mem>> -> memref<1x!tpu.dma_semaphore, #tpu.memory_space<semaphore_mem>>
          %dma_start3A_169 = tpu.memref_squeeze %dma_start3A_168 : memref<1x!tpu.dma_semaphore, #tpu.memory_space<semaphore_mem>> -> memref<!tpu.dma_semaphore, #tpu.memory_space<semaphore_mem>>
          tpu.enqueue_indirect_dma source(%dma_start3A_167 : memref<10000x64xf32, #tpu.memory_space<hbm>>) target(%dma_start3A_157 : memref<80x64xf32, #tpu.memory_space<vmem>>) offsets(%dma_start3A_160 : memref<80xi32, #tpu.memory_space<vmem>>) semaphore(%dma_start3A_169 : memref<!tpu.dma_semaphore, #tpu.memory_space<semaphore_mem>>)
        } else {
        }
        %parallel_loop3A = arith.constant 0 : i32
        %parallel_loop3A_132 = arith.constant 5 : i32
        %parallel_loop3A_133 = arith.constant 1 : i32
        scf.for %parallel_loop3A_148 = %parallel_loop3A to %parallel_loop3A_132 step %parallel_loop3A_133  : i32 {
          %parallel_loop3A_149 = arith.constant 16 : i32
          %parallel_loop3A_150 = arith.muli %parallel_loop3A_148, %parallel_loop3A_149 : i32
          %parallel_loop3A_151 = arith.index_cast %add3A_96 : i32 to index
          %parallel_loop3A_152 = arith.index_cast %parallel_loop3A_150 : i32 to index
          %parallel_loop3A_153 = tpu.vector_load %arg10[%parallel_loop3A_151, %parallel_loop3A_152] {strides = array<i32>} : memref<250x80xf32, #tpu.memory_space<vmem>>, vector<1x16xf32>,
          %parallel_loop3A_154 = vector.shape_cast %parallel_loop3A_153 : vector<1x16xf32> to vector<16xf32>
          %parallel_loop3A_155 = arith.constant 16 : i32
          %parallel_loop3A_156 = arith.muli %parallel_loop3A_148, %parallel_loop3A_155 : i32
          %parallel_loop3A_157 = arith.constant 0 : i32
          %parallel_loop3A_158 = arith.addi %parallel_loop3A_156, %parallel_loop3A_157 : i32
          %parallel_loop3A_159 = vector.extract_strided_slice %parallel_loop3A_154 {offsets = [0], sizes = [1], strides = [1]} : vector<16xf32> to vector<1xf32>
          %parallel_loop3A_160 = vector.extract %parallel_loop3A_159[0] : f32 from vector<1xf32>
          %parallel_loop3A_161 = arith.constant 2 : i32
          %parallel_loop3A_162 = arith.index_cast %parallel_loop3A_161 : i32 to index
          %parallel_loop3A_163 = arith.index_cast %parallel_loop3A_158 : i32 to index
          %parallel_loop3A_164 = arith.constant 0 : index
          %parallel_loop3A_165 = tpu.vector_load %arg11[%parallel_loop3A_162, %parallel_loop3A_163, %parallel_loop3A_164] {strides = array<i32>} : memref<3x80x64xf32, #tpu.memory_space<vmem>>, vector<1x1x16xf32>,
          %parallel_loop3A_166 = vector.shape_cast %parallel_loop3A_165 : vector<1x1x16xf32> to vector<16xf32>
          %parallel_loop3A_167 = vector.broadcast %parallel_loop3A_160 : f32 to vector<16xf32>
          %parallel_loop3A_168 = arith.mulf %parallel_loop3A_166, %parallel_loop3A_167 : vector<16xf32>
          %parallel_loop3A_169 = arith.constant 2 : i32
          %parallel_loop3A_170 = arith.index_cast %parallel_loop3A_169 : i32 to index
          %parallel_loop3A_171 = arith.index_cast %parallel_loop3A_158 : i32 to index
          %parallel_loop3A_172 = arith.constant 0 : index
          %parallel_loop3A_173 = tpu.vector_load %arg11[%parallel_loop3A_170, %parallel_loop3A_171, %parallel_loop3A_172] {strides = array<i32>} : memref<3x80x64xf32, #tpu.memory_space<vmem>>, vector<1x1x16xf32>,
          %parallel_loop3A_174 = vector.shape_cast %parallel_loop3A_173 : vector<1x1x16xf32> to vector<16xf32>
          %parallel_loop3A_175 = vector.shape_cast %parallel_loop3A_168 : vector<16xf32> to vector<1x1x16xf32>
          tpu.vector_store %arg11[%parallel_loop3A_170, %parallel_loop3A_171, %parallel_loop3A_172], %parallel_loop3A_175 {strides = array<i32>} : memref<3x80x64xf32, #tpu.memory_space<vmem>>, vector<1x1x16xf32>,
          %parallel_loop3A_176 = arith.constant 2 : i32
          %parallel_loop3A_177 = arith.index_cast %parallel_loop3A_176 : i32 to index
          %parallel_loop3A_178 = arith.index_cast %parallel_loop3A_158 : i32 to index
          %parallel_loop3A_179 = arith.constant 16 : index
          %parallel_loop3A_180 = tpu.vector_load %arg11[%parallel_loop3A_177, %parallel_loop3A_178, %parallel_loop3A_179] {strides = array<i32>} : memref<3x80x64xf32, #tpu.memory_space<vmem>>, vector<1x1x16xf32>,
          %parallel_loop3A_181 = vector.shape_cast %parallel_loop3A_180 : vector<1x1x16xf32> to vector<16xf32>
          %parallel_loop3A_182 = vector.broadcast %parallel_loop3A_160 : f32 to vector<16xf32>
          %parallel_loop3A_183 = arith.mulf %parallel_loop3A_181, %parallel_loop3A_182 : vector<16xf32>
          %parallel_loop3A_184 = arith.constant 2 : i32
          %parallel_loop3A_185 = arith.index_cast %parallel_loop3A_184 : i32 to index
          %parallel_loop3A_186 = arith.index_cast %parallel_loop3A_158 : i32 to index
          %parallel_loop3A_187 = arith.constant 16 : index
          %parallel_loop3A_188 = tpu.vector_load %arg11[%parallel_loop3A_185, %parallel_loop3A_186, %parallel_loop3A_187] {strides = array<i32>} : memref<3x80x64xf32, #tpu.memory_space<vmem>>, vector<1x1x16xf32>,
          %parallel_loop3A_189 = vector.shape_cast %parallel_loop3A_188 : vector<1x1x16xf32> to vector<16xf32>
          %parallel_loop3A_190 = vector.shape_cast %parallel_loop3A_183 : vector<16xf32> to vector<1x1x16xf32>
          tpu.vector_store %arg11[%parallel_loop3A_185, %parallel_loop3A_186, %parallel_loop3A_187], %parallel_loop3A_190 {strides = array<i32>} : memref<3x80x64xf32, #tpu.memory_space<vmem>>, vector<1x1x16xf32>,
          %parallel_loop3A_191 = arith.constant 2 : i32
          %parallel_loop3A_192 = arith.index_cast %parallel_loop3A_191 : i32 to index
          %parallel_loop3A_193 = arith.index_cast %parallel_loop3A_158 : i32 to index
          %parallel_loop3A_194 = arith.constant 32 : index
          %parallel_loop3A_195 = tpu.vector_load %arg11[%parallel_loop3A_192, %parallel_loop3A_193, %parallel_loop3A_194] {strides = array<i32>} : memref<3x80x64xf32, #tpu.memory_space<vmem>>, vector<1x1x16xf32>,
          %parallel_loop3A_196 = vector.shape_cast %parallel_loop3A_195 : vector<1x1x16xf32> to vector<16xf32>
          %parallel_loop3A_197 = vector.broadcast %parallel_loop3A_160 : f32 to vector<16xf32>
          %parallel_loop3A_198 = arith.mulf %parallel_loop3A_196, %parallel_loop3A_197 : vector<16xf32>
          %parallel_loop3A_199 = arith.constant 2 : i32
          %parallel_loop3A_200 = arith.index_cast %parallel_loop3A_199 : i32 to index
          %parallel_loop3A_201 = arith.index_cast %parallel_loop3A_158 : i32 to index
          %parallel_loop3A_202 = arith.constant 32 : index
          %parallel_loop3A_203 = tpu.vector_load %arg11[%parallel_loop3A_200, %parallel_loop3A_201, %parallel_loop3A_202] {strides = array<i32>} : memref<3x80x64xf32, #tpu.memory_space<vmem>>, vector<1x1x16xf32>,
          %parallel_loop3A_204 = vector.shape_cast %parallel_loop3A_203 : vector<1x1x16xf32> to vector<16xf32>
          %parallel_loop3A_205 = vector.shape_cast %parallel_loop3A_198 : vector<16xf32> to vector<1x1x16xf32>
          tpu.vector_store %arg11[%parallel_loop3A_200, %parallel_loop3A_201, %parallel_loop3A_202], %parallel_loop3A_205 {strides = array<i32>} : memref<3x80x64xf32, #tpu.memory_space<vmem>>, vector<1x1x16xf32>,
          %parallel_loop3A_206 = arith.constant 2 : i32
          %parallel_loop3A_207 = arith.index_cast %parallel_loop3A_206 : i32 to index
          %parallel_loop3A_208 = arith.index_cast %parallel_loop3A_158 : i32 to index
          %parallel_loop3A_209 = arith.constant 48 : index
          %parallel_loop3A_210 = tpu.vector_load %arg11[%parallel_loop3A_207, %parallel_loop3A_208, %parallel_loop3A_209] {strides = array<i32>} : memref<3x80x64xf32, #tpu.memory_space<vmem>>, vector<1x1x16xf32>,
          %parallel_loop3A_211 = vector.shape_cast %parallel_loop3A_210 : vector<1x1x16xf32> to vector<16xf32>
          %parallel_loop3A_212 = vector.broadcast %parallel_loop3A_160 : f32 to vector<16xf32>
          %parallel_loop3A_213 = arith.mulf %parallel_loop3A_211, %parallel_loop3A_212 : vector<16xf32>
          %parallel_loop3A_214 = arith.constant 2 : i32
          %parallel_loop3A_215 = arith.index_cast %parallel_loop3A_214 : i32 to index
          %parallel_loop3A_216 = arith.index_cast %parallel_loop3A_158 : i32 to index
          %parallel_loop3A_217 = arith.constant 48 : index
          %parallel_loop3A_218 = tpu.vector_load %arg11[%parallel_loop3A_215, %parallel_loop3A_216, %parallel_loop3A_217] {strides = array<i32>} : memref<3x80x64xf32, #tpu.memory_space<vmem>>, vector<1x1x16xf32>,
          %parallel_loop3A_219 = vector.shape_cast %parallel_loop3A_218 : vector<1x1x16xf32> to vector<16xf32>
          %parallel_loop3A_220 = vector.shape_cast %parallel_loop3A_213 : vector<16xf32> to vector<1x1x16xf32>
          tpu.vector_store %arg11[%parallel_loop3A_215, %parallel_loop3A_216, %parallel_loop3A_217], %parallel_loop3A_220 {strides = array<i32>} : memref<3x80x64xf32, #tpu.memory_space<vmem>>, vector<1x1x16xf32>,
          %parallel_loop3A_221 = arith.constant 16 : i32
          %parallel_loop3A_222 = arith.muli %parallel_loop3A_148, %parallel_loop3A_221 : i32
          %parallel_loop3A_223 = arith.constant 1 : i32
          %parallel_loop3A_224 = arith.addi %parallel_loop3A_222, %parallel_loop3A_223 : i32
          %parallel_loop3A_225 = vector.extract_strided_slice %parallel_loop3A_154 {offsets = [1], sizes = [1], strides = [1]} : vector<16xf32> to vector<1xf32>
          %parallel_loop3A_226 = vector.extract %parallel_loop3A_225[0] : f32 from vector<1xf32>
          %parallel_loop3A_227 = arith.constant 2 : i32
          %parallel_loop3A_228 = arith.index_cast %parallel_loop3A_227 : i32 to index
          %parallel_loop3A_229 = arith.index_cast %parallel_loop3A_224 : i32 to index
          %parallel_loop3A_230 = arith.constant 0 : index
          %parallel_loop3A_231 = tpu.vector_load %arg11[%parallel_loop3A_228, %parallel_loop3A_229, %parallel_loop3A_230] {strides = array<i32>} : memref<3x80x64xf32, #tpu.memory_space<vmem>>, vector<1x1x16xf32>,
          %parallel_loop3A_232 = vector.shape_cast %parallel_loop3A_231 : vector<1x1x16xf32> to vector<16xf32>
          %parallel_loop3A_233 = vector.broadcast %parallel_loop3A_226 : f32 to vector<16xf32>
          %parallel_loop3A_234 = arith.mulf %parallel_loop3A_232, %parallel_loop3A_233 : vector<16xf32>
          %parallel_loop3A_235 = arith.constant 2 : i32
          %parallel_loop3A_236 = arith.index_cast %parallel_loop3A_235 : i32 to index
          %parallel_loop3A_237 = arith.index_cast %parallel_loop3A_224 : i32 to index
          %parallel_loop3A_238 = arith.constant 0 : index
          %parallel_loop3A_239 = tpu.vector_load %arg11[%parallel_loop3A_236, %parallel_loop3A_237, %parallel_loop3A_238] {strides = array<i32>} : memref<3x80x64xf32, #tpu.memory_space<vmem>>, vector<1x1x16xf32>,
          %parallel_loop3A_240 = vector.shape_cast %parallel_loop3A_239 : vector<1x1x16xf32> to vector<16xf32>
          %parallel_loop3A_241 = vector.shape_cast %parallel_loop3A_234 : vector<16xf32> to vector<1x1x16xf32>
          tpu.vector_store %arg11[%parallel_loop3A_236, %parallel_loop3A_237, %parallel_loop3A_238], %parallel_loop3A_241 {strides = array<i32>} : memref<3x80x64xf32, #tpu.memory_space<vmem>>, vector<1x1x16xf32>,
          %parallel_loop3A_242 = arith.constant 2 : i32
          %parallel_loop3A_243 = arith.index_cast %parallel_loop3A_242 : i32 to index
          %parallel_loop3A_244 = arith.index_cast %parallel_loop3A_224 : i32 to index
          %parallel_loop3A_245 = arith.constant 16 : index
          %parallel_loop3A_246 = tpu.vector_load %arg11[%parallel_loop3A_243, %parallel_loop3A_244, %parallel_loop3A_245] {strides = array<i32>} : memref<3x80x64xf32, #tpu.memory_space<vmem>>, vector<1x1x16xf32>,
          %parallel_loop3A_247 = vector.shape_cast %parallel_loop3A_246 : vector<1x1x16xf32> to vector<16xf32>
          %parallel_loop3A_248 = vector.broadcast %parallel_loop3A_226 : f32 to vector<16xf32>
          %parallel_loop3A_249 = arith.mulf %parallel_loop3A_247, %parallel_loop3A_248 : vector<16xf32>
          %parallel_loop3A_250 = arith.constant 2 : i32
          %parallel_loop3A_251 = arith.index_cast %parallel_loop3A_250 : i32 to index
          %parallel_loop3A_252 = arith.index_cast %parallel_loop3A_224 : i32 to index
          %parallel_loop3A_253 = arith.constant 16 : index
          %parallel_loop3A_254 = tpu.vector_load %arg11[%parallel_loop3A_251, %parallel_loop3A_252, %parallel_loop3A_253] {strides = array<i32>} : memref<3x80x64xf32, #tpu.memory_space<vmem>>, vector<1x1x16xf32>,
          %parallel_loop3A_255 = vector.shape_cast %parallel_loop3A_254 : vector<1x1x16xf32> to vector<16xf32>
          %parallel_loop3A_256 = vector.shape_cast %parallel_loop3A_249 : vector<16xf32> to vector<1x1x16xf32>
          tpu.vector_store %arg11[%parallel_loop3A_251, %parallel_loop3A_252, %parallel_loop3A_253], %parallel_loop3A_256 {strides = array<i32>} : memref<3x80x64xf32, #tpu.memory_space<vmem>>, vector<1x1x16xf32>,
          %parallel_loop3A_257 = arith.constant 2 : i32
          %parallel_loop3A_258 = arith.index_cast %parallel_loop3A_257 : i32 to index
          %parallel_loop3A_259 = arith.index_cast %parallel_loop3A_224 : i32 to index
          %parallel_loop3A_260 = arith.constant 32 : index
          %parallel_loop3A_261 = tpu.vector_load %arg11[%parallel_loop3A_258, %parallel_loop3A_259, %parallel_loop3A_260] {strides = array<i32>} : memref<3x80x64xf32, #tpu.memory_space<vmem>>, vector<1x1x16xf32>,
          %parallel_loop3A_262 = vector.shape_cast %parallel_loop3A_261 : vector<1x1x16xf32> to vector<16xf32>
          %parallel_loop3A_263 = vector.broadcast %parallel_loop3A_226 : f32 to vector<16xf32>
          %parallel_loop3A_264 = arith.mulf %parallel_loop3A_262, %parallel_loop3A_263 : vector<16xf32>
          %parallel_loop3A_265 = arith.constant 2 : i32
          %parallel_loop3A_266 = arith.index_cast %parallel_loop3A_265 : i32 to index
          %parallel_loop3A_267 = arith.index_cast %parallel_loop3A_224 : i32 to index
          %parallel_loop3A_268 = arith.constant 32 : index
          %parallel_loop3A_269 = tpu.vector_load %arg11[%parallel_loop3A_266, %parallel_loop3A_267, %parallel_loop3A_268] {strides = array<i32>} : memref<3x80x64xf32, #tpu.memory_space<vmem>>, vector<1x1x16xf32>,
          %parallel_loop3A_270 = vector.shape_cast %parallel_loop3A_269 : vector<1x1x16xf32> to vector<16xf32>
          %parallel_loop3A_271 = vector.shape_cast %parallel_loop3A_264 : vector<16xf32> to vector<1x1x16xf32>
          tpu.vector_store %arg11[%parallel_loop3A_266, %parallel_loop3A_267, %parallel_loop3A_268], %parallel_loop3A_271 {strides = array<i32>} : memref<3x80x64xf32, #tpu.memory_space<vmem>>, vector<1x1x16xf32>,
          %parallel_loop3A_272 = arith.constant 2 : i32
          %parallel_loop3A_273 = arith.index_cast %parallel_loop3A_272 : i32 to index
          %parallel_loop3A_274 = arith.index_cast %parallel_loop3A_224 : i32 to index
          %parallel_loop3A_275 = arith.constant 48 : index
          %parallel_loop3A_276 = tpu.vector_load %arg11[%parallel_loop3A_273, %parallel_loop3A_274, %parallel_loop3A_275] {strides = array<i32>} : memref<3x80x64xf32, #tpu.memory_space<vmem>>, vector<1x1x16xf32>,
          %parallel_loop3A_277 = vector.shape_cast %parallel_loop3A_276 : vector<1x1x16xf32> to vector<16xf32>
          %parallel_loop3A_278 = vector.broadcast %parallel_loop3A_226 : f32 to vector<16xf32>
          %parallel_loop3A_279 = arith.mulf %parallel_loop3A_277, %parallel_loop3A_278 : vector<16xf32>
          %parallel_loop3A_280 = arith.constant 2 : i32
          %parallel_loop3A_281 = arith.index_cast %parallel_loop3A_280 : i32 to index
          %parallel_loop3A_282 = arith.index_cast %parallel_loop3A_224 : i32 to index
          %parallel_loop3A_283 = arith.constant 48 : index
          %parallel_loop3A_284 = tpu.vector_load %arg11[%parallel_loop3A_281, %parallel_loop3A_282, %parallel_loop3A_283] {strides = array<i32>} : memref<3x80x64xf32, #tpu.memory_space<vmem>>, vector<1x1x16xf32>,
          %parallel_loop3A_285 = vector.shape_cast %parallel_loop3A_284 : vector<1x1x16xf32> to vector<16xf32>
          %parallel_loop3A_286 = vector.shape_cast %parallel_loop3A_279 : vector<16xf32> to vector<1x1x16xf32>
          tpu.vector_store %arg11[%parallel_loop3A_281, %parallel_loop3A_282, %parallel_loop3A_283], %parallel_loop3A_286 {strides = array<i32>} : memref<3x80x64xf32, #tpu.memory_space<vmem>>, vector<1x1x16xf32>,
          %parallel_loop3A_287 = arith.constant 16 : i32
          %parallel_loop3A_288 = arith.muli %parallel_loop3A_148, %parallel_loop3A_287 : i32
          %parallel_loop3A_289 = arith.constant 2 : i32
          %parallel_loop3A_290 = arith.addi %parallel_loop3A_288, %parallel_loop3A_289 : i32
          %parallel_loop3A_291 = vector.extract_strided_slice %parallel_loop3A_154 {offsets = [2], sizes = [1], strides = [1]} : vector<16xf32> to vector<1xf32>
          %parallel_loop3A_292 = vector.extract %parallel_loop3A_291[0] : f32 from vector<1xf32>
          %parallel_loop3A_293 = arith.constant 2 : i32
          %parallel_loop3A_294 = arith.index_cast %parallel_loop3A_293 : i32 to index
          %parallel_loop3A_295 = arith.index_cast %parallel_loop3A_290 : i32 to index
          %parallel_loop3A_296 = arith.constant 0 : index
          %parallel_loop3A_297 = tpu.vector_load %arg11[%parallel_loop3A_294, %parallel_loop3A_295, %parallel_loop3A_296] {strides = array<i32>} : memref<3x80x64xf32, #tpu.memory_space<vmem>>, vector<1x1x16xf32>,
          %parallel_loop3A_298 = vector.shape_cast %parallel_loop3A_297 : vector<1x1x16xf32> to vector<16xf32>
          %parallel_loop3A_299 = vector.broadcast %parallel_loop3A_292 : f32 to vector<16xf32>
          %parallel_loop3A_300 = arith.mulf %parallel_loop3A_298, %parallel_loop3A_299 : vector<16xf32>
          %parallel_loop3A_301 = arith.constant 2 : i32
          %parallel_loop3A_302 = arith.index_cast %parallel_loop3A_301 : i32 to index
          %parallel_loop3A_303 = arith.index_cast %parallel_loop3A_290 : i32 to index
          %parallel_loop3A_304 = arith.constant 0 : index
          %parallel_loop3A_305 = tpu.vector_load %arg11[%parallel_loop3A_302, %parallel_loop3A_303, %parallel_loop3A_304] {strides = array<i32>} : memref<3x80x64xf32, #tpu.memory_space<vmem>>, vector<1x1x16xf32>,
          %parallel_loop3A_306 = vector.shape_cast %parallel_loop3A_305 : vector<1x1x16xf32> to vector<16xf32>
          %parallel_loop3A_307 = vector.shape_cast %parallel_loop3A_300 : vector<16xf32> to vector<1x1x16xf32>
          tpu.vector_store %arg11[%parallel_loop3A_302, %parallel_loop3A_303, %parallel_loop3A_304], %parallel_loop3A_307 {strides = array<i32>} : memref<3x80x64xf32, #tpu.memory_space<vmem>>, vector<1x1x16xf32>,
          %parallel_loop3A_308 = arith.constant 2 : i32
          %parallel_loop3A_309 = arith.index_cast %parallel_loop3A_308 : i32 to index
          %parallel_loop3A_310 = arith.index_cast %parallel_loop3A_290 : i32 to index
          %parallel_loop3A_311 = arith.constant 16 : index
          %parallel_loop3A_312 = tpu.vector_load %arg11[%parallel_loop3A_309, %parallel_loop3A_310, %parallel_loop3A_311] {strides = array<i32>} : memref<3x80x64xf32, #tpu.memory_space<vmem>>, vector<1x1x16xf32>,
          %parallel_loop3A_313 = vector.shape_cast %parallel_loop3A_312 : vector<1x1x16xf32> to vector<16xf32>
          %parallel_loop3A_314 = vector.broadcast %parallel_loop3A_292 : f32 to vector<16xf32>
          %parallel_loop3A_315 = arith.mulf %parallel_loop3A_313, %parallel_loop3A_314 : vector<16xf32>
          %parallel_loop3A_316 = arith.constant 2 : i32
          %parallel_loop3A_317 = arith.index_cast %parallel_loop3A_316 : i32 to index
          %parallel_loop3A_318 = arith.index_cast %parallel_loop3A_290 : i32 to index
          %parallel_loop3A_319 = arith.constant 16 : index
          %parallel_loop3A_320 = tpu.vector_load %arg11[%parallel_loop3A_317, %parallel_loop3A_318, %parallel_loop3A_319] {strides = array<i32>} : memref<3x80x64xf32, #tpu.memory_space<vmem>>, vector<1x1x16xf32>,
          %parallel_loop3A_321 = vector.shape_cast %parallel_loop3A_320 : vector<1x1x16xf32> to vector<16xf32>
          %parallel_loop3A_322 = vector.shape_cast %parallel_loop3A_315 : vector<16xf32> to vector<1x1x16xf32>
          tpu.vector_store %arg11[%parallel_loop3A_317, %parallel_loop3A_318, %parallel_loop3A_319], %parallel_loop3A_322 {strides = array<i32>} : memref<3x80x64xf32, #tpu.memory_space<vmem>>, vector<1x1x16xf32>,
          %parallel_loop3A_323 = arith.constant 2 : i32
          %parallel_loop3A_324 = arith.index_cast %parallel_loop3A_323 : i32 to index
          %parallel_loop3A_325 = arith.index_cast %parallel_loop3A_290 : i32 to index
          %parallel_loop3A_326 = arith.constant 32 : index
          %parallel_loop3A_327 = tpu.vector_load %arg11[%parallel_loop3A_324, %parallel_loop3A_325, %parallel_loop3A_326] {strides = array<i32>} : memref<3x80x64xf32, #tpu.memory_space<vmem>>, vector<1x1x16xf32>,
          %parallel_loop3A_328 = vector.shape_cast %parallel_loop3A_327 : vector<1x1x16xf32> to vector<16xf32>
          %parallel_loop3A_329 = vector.broadcast %parallel_loop3A_292 : f32 to vector<16xf32>
          %parallel_loop3A_330 = arith.mulf %parallel_loop3A_328, %parallel_loop3A_329 : vector<16xf32>
          %parallel_loop3A_331 = arith.constant 2 : i32
          %parallel_loop3A_332 = arith.index_cast %parallel_loop3A_331 : i32 to index
          %parallel_loop3A_333 = arith.index_cast %parallel_loop3A_290 : i32 to index
          %parallel_loop3A_334 = arith.constant 32 : index
          %parallel_loop3A_335 = tpu.vector_load %arg11[%parallel_loop3A_332, %parallel_loop3A_333, %parallel_loop3A_334] {strides = array<i32>} : memref<3x80x64xf32, #tpu.memory_space<vmem>>, vector<1x1x16xf32>,
          %parallel_loop3A_336 = vector.shape_cast %parallel_loop3A_335 : vector<1x1x16xf32> to vector<16xf32>
          %parallel_loop3A_337 = vector.shape_cast %parallel_loop3A_330 : vector<16xf32> to vector<1x1x16xf32>
          tpu.vector_store %arg11[%parallel_loop3A_332, %parallel_loop3A_333, %parallel_loop3A_334], %parallel_loop3A_337 {strides = array<i32>} : memref<3x80x64xf32, #tpu.memory_space<vmem>>, vector<1x1x16xf32>,
          %parallel_loop3A_338 = arith.constant 2 : i32
          %parallel_loop3A_339 = arith.index_cast %parallel_loop3A_338 : i32 to index
          %parallel_loop3A_340 = arith.index_cast %parallel_loop3A_290 : i32 to index
          %parallel_loop3A_341 = arith.constant 48 : index
          %parallel_loop3A_342 = tpu.vector_load %arg11[%parallel_loop3A_339, %parallel_loop3A_340, %parallel_loop3A_341] {strides = array<i32>} : memref<3x80x64xf32, #tpu.memory_space<vmem>>, vector<1x1x16xf32>,
          %parallel_loop3A_343 = vector.shape_cast %parallel_loop3A_342 : vector<1x1x16xf32> to vector<16xf32>
          %parallel_loop3A_344 = vector.broadcast %parallel_loop3A_292 : f32 to vector<16xf32>
          %parallel_loop3A_345 = arith.mulf %parallel_loop3A_343, %parallel_loop3A_344 : vector<16xf32>
          %parallel_loop3A_346 = arith.constant 2 : i32
          %parallel_loop3A_347 = arith.index_cast %parallel_loop3A_346 : i32 to index
          %parallel_loop3A_348 = arith.index_cast %parallel_loop3A_290 : i32 to index
          %parallel_loop3A_349 = arith.constant 48 : index
          %parallel_loop3A_350 = tpu.vector_load %arg11[%parallel_loop3A_347, %parallel_loop3A_348, %parallel_loop3A_349] {strides = array<i32>} : memref<3x80x64xf32, #tpu.memory_space<vmem>>, vector<1x1x16xf32>,
          %parallel_loop3A_351 = vector.shape_cast %parallel_loop3A_350 : vector<1x1x16xf32> to vector<16xf32>
          %parallel_loop3A_352 = vector.shape_cast %parallel_loop3A_345 : vector<16xf32> to vector<1x1x16xf32>
          tpu.vector_store %arg11[%parallel_loop3A_347, %parallel_loop3A_348, %parallel_loop3A_349], %parallel_loop3A_352 {strides = array<i32>} : memref<3x80x64xf32, #tpu.memory_space<vmem>>, vector<1x1x16xf32>,
          %parallel_loop3A_353 = arith.constant 16 : i32
          %parallel_loop3A_354 = arith.muli %parallel_loop3A_148, %parallel_loop3A_353 : i32
          %parallel_loop3A_355 = arith.constant 3 : i32
          %parallel_loop3A_356 = arith.addi %parallel_loop3A_354, %parallel_loop3A_355 : i32
          %parallel_loop3A_357 = vector.extract_strided_slice %parallel_loop3A_154 {offsets = [3], sizes = [1], strides = [1]} : vector<16xf32> to vector<1xf32>
          %parallel_loop3A_358 = vector.extract %parallel_loop3A_357[0] : f32 from vector<1xf32>
          %parallel_loop3A_359 = arith.constant 2 : i32
          %parallel_loop3A_360 = arith.index_cast %parallel_loop3A_359 : i32 to index
          %parallel_loop3A_361 = arith.index_cast %parallel_loop3A_356 : i32 to index
          %parallel_loop3A_362 = arith.constant 0 : index
          %parallel_loop3A_363 = tpu.vector_load %arg11[%parallel_loop3A_360, %parallel_loop3A_361, %parallel_loop3A_362] {strides = array<i32>} : memref<3x80x64xf32, #tpu.memory_space<vmem>>, vector<1x1x16xf32>,
          %parallel_loop3A_364 = vector.shape_cast %parallel_loop3A_363 : vector<1x1x16xf32> to vector<16xf32>
          %parallel_loop3A_365 = vector.broadcast %parallel_loop3A_358 : f32 to vector<16xf32>
          %parallel_loop3A_366 = arith.mulf %parallel_loop3A_364, %parallel_loop3A_365 : vector<16xf32>
          %parallel_loop3A_367 = arith.constant 2 : i32
          %parallel_loop3A_368 = arith.index_cast %parallel_loop3A_367 : i32 to index
          %parallel_loop3A_369 = arith.index_cast %parallel_loop3A_356 : i32 to index
          %parallel_loop3A_370 = arith.constant 0 : index
          %parallel_loop3A_371 = tpu.vector_load %arg11[%parallel_loop3A_368, %parallel_loop3A_369, %parallel_loop3A_370] {strides = array<i32>} : memref<3x80x64xf32, #tpu.memory_space<vmem>>, vector<1x1x16xf32>,
          %parallel_loop3A_372 = vector.shape_cast %parallel_loop3A_371 : vector<1x1x16xf32> to vector<16xf32>
          %parallel_loop3A_373 = vector.shape_cast %parallel_loop3A_366 : vector<16xf32> to vector<1x1x16xf32>
          tpu.vector_store %arg11[%parallel_loop3A_368, %parallel_loop3A_369, %parallel_loop3A_370], %parallel_loop3A_373 {strides = array<i32>} : memref<3x80x64xf32, #tpu.memory_space<vmem>>, vector<1x1x16xf32>,
          %parallel_loop3A_374 = arith.constant 2 : i32
          %parallel_loop3A_375 = arith.index_cast %parallel_loop3A_374 : i32 to index
          %parallel_loop3A_376 = arith.index_cast %parallel_loop3A_356 : i32 to index
          %parallel_loop3A_377 = arith.constant 16 : index
          %parallel_loop3A_378 = tpu.vector_load %arg11[%parallel_loop3A_375, %parallel_loop3A_376, %parallel_loop3A_377] {strides = array<i32>} : memref<3x80x64xf32, #tpu.memory_space<vmem>>, vector<1x1x16xf32>,
          %parallel_loop3A_379 = vector.shape_cast %parallel_loop3A_378 : vector<1x1x16xf32> to vector<16xf32>
          %parallel_loop3A_380 = vector.broadcast %parallel_loop3A_358 : f32 to vector<16xf32>
          %parallel_loop3A_381 = arith.mulf %parallel_loop3A_379, %parallel_loop3A_380 : vector<16xf32>
          %parallel_loop3A_382 = arith.constant 2 : i32
          %parallel_loop3A_383 = arith.index_cast %parallel_loop3A_382 : i32 to index
          %parallel_loop3A_384 = arith.index_cast %parallel_loop3A_356 : i32 to index
          %parallel_loop3A_385 = arith.constant 16 : index
          %parallel_loop3A_386 = tpu.vector_load %arg11[%parallel_loop3A_383, %parallel_loop3A_384, %parallel_loop3A_385] {strides = array<i32>} : memref<3x80x64xf32, #tpu.memory_space<vmem>>, vector<1x1x16xf32>,
          %parallel_loop3A_387 = vector.shape_cast %parallel_loop3A_386 : vector<1x1x16xf32> to vector<16xf32>
          %parallel_loop3A_388 = vector.shape_cast %parallel_loop3A_381 : vector<16xf32> to vector<1x1x16xf32>
          tpu.vector_store %arg11[%parallel_loop3A_383, %parallel_loop3A_384, %parallel_loop3A_385], %parallel_loop3A_388 {strides = array<i32>} : memref<3x80x64xf32, #tpu.memory_space<vmem>>, vector<1x1x16xf32>,
          %parallel_loop3A_389 = arith.constant 2 : i32
          %parallel_loop3A_390 = arith.index_cast %parallel_loop3A_389 : i32 to index
          %parallel_loop3A_391 = arith.index_cast %parallel_loop3A_356 : i32 to index
          %parallel_loop3A_392 = arith.constant 32 : index
          %parallel_loop3A_393 = tpu.vector_load %arg11[%parallel_loop3A_390, %parallel_loop3A_391, %parallel_loop3A_392] {strides = array<i32>} : memref<3x80x64xf32, #tpu.memory_space<vmem>>, vector<1x1x16xf32>,
          %parallel_loop3A_394 = vector.shape_cast %parallel_loop3A_393 : vector<1x1x16xf32> to vector<16xf32>
          %parallel_loop3A_395 = vector.broadcast %parallel_loop3A_358 : f32 to vector<16xf32>
          %parallel_loop3A_396 = arith.mulf %parallel_loop3A_394, %parallel_loop3A_395 : vector<16xf32>
          %parallel_loop3A_397 = arith.constant 2 : i32
          %parallel_loop3A_398 = arith.index_cast %parallel_loop3A_397 : i32 to index
          %parallel_loop3A_399 = arith.index_cast %parallel_loop3A_356 : i32 to index
          %parallel_loop3A_400 = arith.constant 32 : index
          %parallel_loop3A_401 = tpu.vector_load %arg11[%parallel_loop3A_398, %parallel_loop3A_399, %parallel_loop3A_400] {strides = array<i32>} : memref<3x80x64xf32, #tpu.memory_space<vmem>>, vector<1x1x16xf32>,
          %parallel_loop3A_402 = vector.shape_cast %parallel_loop3A_401 : vector<1x1x16xf32> to vector<16xf32>
          %parallel_loop3A_403 = vector.shape_cast %parallel_loop3A_396 : vector<16xf32> to vector<1x1x16xf32>
          tpu.vector_store %arg11[%parallel_loop3A_398, %parallel_loop3A_399, %parallel_loop3A_400], %parallel_loop3A_403 {strides = array<i32>} : memref<3x80x64xf32, #tpu.memory_space<vmem>>, vector<1x1x16xf32>,
          %parallel_loop3A_404 = arith.constant 2 : i32
          %parallel_loop3A_405 = arith.index_cast %parallel_loop3A_404 : i32 to index
          %parallel_loop3A_406 = arith.index_cast %parallel_loop3A_356 : i32 to index
          %parallel_loop3A_407 = arith.constant 48 : index
          %parallel_loop3A_408 = tpu.vector_load %arg11[%parallel_loop3A_405, %parallel_loop3A_406, %parallel_loop3A_407] {strides = array<i32>} : memref<3x80x64xf32, #tpu.memory_space<vmem>>, vector<1x1x16xf32>,
          %parallel_loop3A_409 = vector.shape_cast %parallel_loop3A_408 : vector<1x1x16xf32> to vector<16xf32>
          %parallel_loop3A_410 = vector.broadcast %parallel_loop3A_358 : f32 to vector<16xf32>
          %parallel_loop3A_411 = arith.mulf %parallel_loop3A_409, %parallel_loop3A_410 : vector<16xf32>
          %parallel_loop3A_412 = arith.constant 2 : i32
          %parallel_loop3A_413 = arith.index_cast %parallel_loop3A_412 : i32 to index
          %parallel_loop3A_414 = arith.index_cast %parallel_loop3A_356 : i32 to index
          %parallel_loop3A_415 = arith.constant 48 : index
          %parallel_loop3A_416 = tpu.vector_load %arg11[%parallel_loop3A_413, %parallel_loop3A_414, %parallel_loop3A_415] {strides = array<i32>} : memref<3x80x64xf32, #tpu.memory_space<vmem>>, vector<1x1x16xf32>,
          %parallel_loop3A_417 = vector.shape_cast %parallel_loop3A_416 : vector<1x1x16xf32> to vector<16xf32>
          %parallel_loop3A_418 = vector.shape_cast %parallel_loop3A_411 : vector<16xf32> to vector<1x1x16xf32>
          tpu.vector_store %arg11[%parallel_loop3A_413, %parallel_loop3A_414, %parallel_loop3A_415], %parallel_loop3A_418 {strides = array<i32>} : memref<3x80x64xf32, #tpu.memory_space<vmem>>, vector<1x1x16xf32>,
          %parallel_loop3A_419 = arith.constant 16 : i32
          %parallel_loop3A_420 = arith.muli %parallel_loop3A_148, %parallel_loop3A_419 : i32
          %parallel_loop3A_421 = arith.constant 4 : i32
          %parallel_loop3A_422 = arith.addi %parallel_loop3A_420, %parallel_loop3A_421 : i32
          %parallel_loop3A_423 = vector.extract_strided_slice %parallel_loop3A_154 {offsets = [4], sizes = [1], strides = [1]} : vector<16xf32> to vector<1xf32>
          %parallel_loop3A_424 = vector.extract %parallel_loop3A_423[0] : f32 from vector<1xf32>
          %parallel_loop3A_425 = arith.constant 2 : i32
          %parallel_loop3A_426 = arith.index_cast %parallel_loop3A_425 : i32 to index
          %parallel_loop3A_427 = arith.index_cast %parallel_loop3A_422 : i32 to index
          %parallel_loop3A_428 = arith.constant 0 : index
          %parallel_loop3A_429 = tpu.vector_load %arg11[%parallel_loop3A_426, %parallel_loop3A_427, %parallel_loop3A_428] {strides = array<i32>} : memref<3x80x64xf32, #tpu.memory_space<vmem>>, vector<1x1x16xf32>,
          %parallel_loop3A_430 = vector.shape_cast %parallel_loop3A_429 : vector<1x1x16xf32> to vector<16xf32>
          %parallel_loop3A_431 = vector.broadcast %parallel_loop3A_424 : f32 to vector<16xf32>
          %parallel_loop3A_432 = arith.mulf %parallel_loop3A_430, %parallel_loop3A_431 : vector<16xf32>
          %parallel_loop3A_433 = arith.constant 2 : i32
          %parallel_loop3A_434 = arith.index_cast %parallel_loop3A_433 : i32 to index
          %parallel_loop3A_435 = arith.index_cast %parallel_loop3A_422 : i32 to index
          %parallel_loop3A_436 = arith.constant 0 : index
          %parallel_loop3A_437 = tpu.vector_load %arg11[%parallel_loop3A_434, %parallel_loop3A_435, %parallel_loop3A_436] {strides = array<i32>} : memref<3x80x64xf32, #tpu.memory_space<vmem>>, vector<1x1x16xf32>,
          %parallel_loop3A_438 = vector.shape_cast %parallel_loop3A_437 : vector<1x1x16xf32> to vector<16xf32>
          %parallel_loop3A_439 = vector.shape_cast %parallel_loop3A_432 : vector<16xf32> to vector<1x1x16xf32>
          tpu.vector_store %arg11[%parallel_loop3A_434, %parallel_loop3A_435, %parallel_loop3A_436], %parallel_loop3A_439 {strides = array<i32>} : memref<3x80x64xf32, #tpu.memory_space<vmem>>, vector<1x1x16xf32>,
          %parallel_loop3A_440 = arith.constant 2 : i32
          %parallel_loop3A_441 = arith.index_cast %parallel_loop3A_440 : i32 to index
          %parallel_loop3A_442 = arith.index_cast %parallel_loop3A_422 : i32 to index
          %parallel_loop3A_443 = arith.constant 16 : index
          %parallel_loop3A_444 = tpu.vector_load %arg11[%parallel_loop3A_441, %parallel_loop3A_442, %parallel_loop3A_443] {strides = array<i32>} : memref<3x80x64xf32, #tpu.memory_space<vmem>>, vector<1x1x16xf32>,
          %parallel_loop3A_445 = vector.shape_cast %parallel_loop3A_444 : vector<1x1x16xf32> to vector<16xf32>
          %parallel_loop3A_446 = vector.broadcast %parallel_loop3A_424 : f32 to vector<16xf32>
          %parallel_loop3A_447 = arith.mulf %parallel_loop3A_445, %parallel_loop3A_446 : vector<16xf32>
          %parallel_loop3A_448 = arith.constant 2 : i32
          %parallel_loop3A_449 = arith.index_cast %parallel_loop3A_448 : i32 to index
          %parallel_loop3A_450 = arith.index_cast %parallel_loop3A_422 : i32 to index
          %parallel_loop3A_451 = arith.constant 16 : index
          %parallel_loop3A_452 = tpu.vector_load %arg11[%parallel_loop3A_449, %parallel_loop3A_450, %parallel_loop3A_451] {strides = array<i32>} : memref<3x80x64xf32, #tpu.memory_space<vmem>>, vector<1x1x16xf32>,
          %parallel_loop3A_453 = vector.shape_cast %parallel_loop3A_452 : vector<1x1x16xf32> to vector<16xf32>
          %parallel_loop3A_454 = vector.shape_cast %parallel_loop3A_447 : vector<16xf32> to vector<1x1x16xf32>
          tpu.vector_store %arg11[%parallel_loop3A_449, %parallel_loop3A_450, %parallel_loop3A_451], %parallel_loop3A_454 {strides = array<i32>} : memref<3x80x64xf32, #tpu.memory_space<vmem>>, vector<1x1x16xf32>,
          %parallel_loop3A_455 = arith.constant 2 : i32
          %parallel_loop3A_456 = arith.index_cast %parallel_loop3A_455 : i32 to index
          %parallel_loop3A_457 = arith.index_cast %parallel_loop3A_422 : i32 to index
          %parallel_loop3A_458 = arith.constant 32 : index
          %parallel_loop3A_459 = tpu.vector_load %arg11[%parallel_loop3A_456, %parallel_loop3A_457, %parallel_loop3A_458] {strides = array<i32>} : memref<3x80x64xf32, #tpu.memory_space<vmem>>, vector<1x1x16xf32>,
          %parallel_loop3A_460 = vector.shape_cast %parallel_loop3A_459 : vector<1x1x16xf32> to vector<16xf32>
          %parallel_loop3A_461 = vector.broadcast %parallel_loop3A_424 : f32 to vector<16xf32>
          %parallel_loop3A_462 = arith.mulf %parallel_loop3A_460, %parallel_loop3A_461 : vector<16xf32>
          %parallel_loop3A_463 = arith.constant 2 : i32
          %parallel_loop3A_464 = arith.index_cast %parallel_loop3A_463 : i32 to index
          %parallel_loop3A_465 = arith.index_cast %parallel_loop3A_422 : i32 to index
          %parallel_loop3A_466 = arith.constant 32 : index
          %parallel_loop3A_467 = tpu.vector_load %arg11[%parallel_loop3A_464, %parallel_loop3A_465, %parallel_loop3A_466] {strides = array<i32>} : memref<3x80x64xf32, #tpu.memory_space<vmem>>, vector<1x1x16xf32>,
          %parallel_loop3A_468 = vector.shape_cast %parallel_loop3A_467 : vector<1x1x16xf32> to vector<16xf32>
          %parallel_loop3A_469 = vector.shape_cast %parallel_loop3A_462 : vector<16xf32> to vector<1x1x16xf32>
          tpu.vector_store %arg11[%parallel_loop3A_464, %parallel_loop3A_465, %parallel_loop3A_466], %parallel_loop3A_469 {strides = array<i32>} : memref<3x80x64xf32, #tpu.memory_space<vmem>>, vector<1x1x16xf32>,
          %parallel_loop3A_470 = arith.constant 2 : i32
          %parallel_loop3A_471 = arith.index_cast %parallel_loop3A_470 : i32 to index
          %parallel_loop3A_472 = arith.index_cast %parallel_loop3A_422 : i32 to index
          %parallel_loop3A_473 = arith.constant 48 : index
          %parallel_loop3A_474 = tpu.vector_load %arg11[%parallel_loop3A_471, %parallel_loop3A_472, %parallel_loop3A_473] {strides = array<i32>} : memref<3x80x64xf32, #tpu.memory_space<vmem>>, vector<1x1x16xf32>,
          %parallel_loop3A_475 = vector.shape_cast %parallel_loop3A_474 : vector<1x1x16xf32> to vector<16xf32>
          %parallel_loop3A_476 = vector.broadcast %parallel_loop3A_424 : f32 to vector<16xf32>
          %parallel_loop3A_477 = arith.mulf %parallel_loop3A_475, %parallel_loop3A_476 : vector<16xf32>
          %parallel_loop3A_478 = arith.constant 2 : i32
          %parallel_loop3A_479 = arith.index_cast %parallel_loop3A_478 : i32 to index
          %parallel_loop3A_480 = arith.index_cast %parallel_loop3A_422 : i32 to index
          %parallel_loop3A_481 = arith.constant 48 : index
          %parallel_loop3A_482 = tpu.vector_load %arg11[%parallel_loop3A_479, %parallel_loop3A_480, %parallel_loop3A_481] {strides = array<i32>} : memref<3x80x64xf32, #tpu.memory_space<vmem>>, vector<1x1x16xf32>,
          %parallel_loop3A_483 = vector.shape_cast %parallel_loop3A_482 : vector<1x1x16xf32> to vector<16xf32>
          %parallel_loop3A_484 = vector.shape_cast %parallel_loop3A_477 : vector<16xf32> to vector<1x1x16xf32>
          tpu.vector_store %arg11[%parallel_loop3A_479, %parallel_loop3A_480, %parallel_loop3A_481], %parallel_loop3A_484 {strides = array<i32>} : memref<3x80x64xf32, #tpu.memory_space<vmem>>, vector<1x1x16xf32>,
          %parallel_loop3A_485 = arith.constant 16 : i32
          %parallel_loop3A_486 = arith.muli %parallel_loop3A_148, %parallel_loop3A_485 : i32
          %parallel_loop3A_487 = arith.constant 5 : i32
          %parallel_loop3A_488 = arith.addi %parallel_loop3A_486, %parallel_loop3A_487 : i32
          %parallel_loop3A_489 = vector.extract_strided_slice %parallel_loop3A_154 {offsets = [5], sizes = [1], strides = [1]} : vector<16xf32> to vector<1xf32>
          %parallel_loop3A_490 = vector.extract %parallel_loop3A_489[0] : f32 from vector<1xf32>
          %parallel_loop3A_491 = arith.constant 2 : i32
          %parallel_loop3A_492 = arith.index_cast %parallel_loop3A_491 : i32 to index
          %parallel_loop3A_493 = arith.index_cast %parallel_loop3A_488 : i32 to index
          %parallel_loop3A_494 = arith.constant 0 : index
          %parallel_loop3A_495 = tpu.vector_load %arg11[%parallel_loop3A_492, %parallel_loop3A_493, %parallel_loop3A_494] {strides = array<i32>} : memref<3x80x64xf32, #tpu.memory_space<vmem>>, vector<1x1x16xf32>,
          %parallel_loop3A_496 = vector.shape_cast %parallel_loop3A_495 : vector<1x1x16xf32> to vector<16xf32>
          %parallel_loop3A_497 = vector.broadcast %parallel_loop3A_490 : f32 to vector<16xf32>
          %parallel_loop3A_498 = arith.mulf %parallel_loop3A_496, %parallel_loop3A_497 : vector<16xf32>
          %parallel_loop3A_499 = arith.constant 2 : i32
          %parallel_loop3A_500 = arith.index_cast %parallel_loop3A_499 : i32 to index
          %parallel_loop3A_501 = arith.index_cast %parallel_loop3A_488 : i32 to index
          %parallel_loop3A_502 = arith.constant 0 : index
          %parallel_loop3A_503 = tpu.vector_load %arg11[%parallel_loop3A_500, %parallel_loop3A_501, %parallel_loop3A_502] {strides = array<i32>} : memref<3x80x64xf32, #tpu.memory_space<vmem>>, vector<1x1x16xf32>,
          %parallel_loop3A_504 = vector.shape_cast %parallel_loop3A_503 : vector<1x1x16xf32> to vector<16xf32>
          %parallel_loop3A_505 = vector.shape_cast %parallel_loop3A_498 : vector<16xf32> to vector<1x1x16xf32>
          tpu.vector_store %arg11[%parallel_loop3A_500, %parallel_loop3A_501, %parallel_loop3A_502], %parallel_loop3A_505 {strides = array<i32>} : memref<3x80x64xf32, #tpu.memory_space<vmem>>, vector<1x1x16xf32>,
          %parallel_loop3A_506 = arith.constant 2 : i32
          %parallel_loop3A_507 = arith.index_cast %parallel_loop3A_506 : i32 to index
          %parallel_loop3A_508 = arith.index_cast %parallel_loop3A_488 : i32 to index
          %parallel_loop3A_509 = arith.constant 16 : index
          %parallel_loop3A_510 = tpu.vector_load %arg11[%parallel_loop3A_507, %parallel_loop3A_508, %parallel_loop3A_509] {strides = array<i32>} : memref<3x80x64xf32, #tpu.memory_space<vmem>>, vector<1x1x16xf32>,
          %parallel_loop3A_511 = vector.shape_cast %parallel_loop3A_510 : vector<1x1x16xf32> to vector<16xf32>
          %parallel_loop3A_512 = vector.broadcast %parallel_loop3A_490 : f32 to vector<16xf32>
          %parallel_loop3A_513 = arith.mulf %parallel_loop3A_511, %parallel_loop3A_512 : vector<16xf32>
          %parallel_loop3A_514 = arith.constant 2 : i32
          %parallel_loop3A_515 = arith.index_cast %parallel_loop3A_514 : i32 to index
          %parallel_loop3A_516 = arith.index_cast %parallel_loop3A_488 : i32 to index
          %parallel_loop3A_517 = arith.constant 16 : index
          %parallel_loop3A_518 = tpu.vector_load %arg11[%parallel_loop3A_515, %parallel_loop3A_516, %parallel_loop3A_517] {strides = array<i32>} : memref<3x80x64xf32, #tpu.memory_space<vmem>>, vector<1x1x16xf32>,
          %parallel_loop3A_519 = vector.shape_cast %parallel_loop3A_518 : vector<1x1x16xf32> to vector<16xf32>
          %parallel_loop3A_520 = vector.shape_cast %parallel_loop3A_513 : vector<16xf32> to vector<1x1x16xf32>
          tpu.vector_store %arg11[%parallel_loop3A_515, %parallel_loop3A_516, %parallel_loop3A_517], %parallel_loop3A_520 {strides = array<i32>} : memref<3x80x64xf32, #tpu.memory_space<vmem>>, vector<1x1x16xf32>,
          %parallel_loop3A_521 = arith.constant 2 : i32
          %parallel_loop3A_522 = arith.index_cast %parallel_loop3A_521 : i32 to index
          %parallel_loop3A_523 = arith.index_cast %parallel_loop3A_488 : i32 to index
          %parallel_loop3A_524 = arith.constant 32 : index
          %parallel_loop3A_525 = tpu.vector_load %arg11[%parallel_loop3A_522, %parallel_loop3A_523, %parallel_loop3A_524] {strides = array<i32>} : memref<3x80x64xf32, #tpu.memory_space<vmem>>, vector<1x1x16xf32>,
          %parallel_loop3A_526 = vector.shape_cast %parallel_loop3A_525 : vector<1x1x16xf32> to vector<16xf32>
          %parallel_loop3A_527 = vector.broadcast %parallel_loop3A_490 : f32 to vector<16xf32>
          %parallel_loop3A_528 = arith.mulf %parallel_loop3A_526, %parallel_loop3A_527 : vector<16xf32>
          %parallel_loop3A_529 = arith.constant 2 : i32
          %parallel_loop3A_530 = arith.index_cast %parallel_loop3A_529 : i32 to index
          %parallel_loop3A_531 = arith.index_cast %parallel_loop3A_488 : i32 to index
          %parallel_loop3A_532 = arith.constant 32 : index
          %parallel_loop3A_533 = tpu.vector_load %arg11[%parallel_loop3A_530, %parallel_loop3A_531, %parallel_loop3A_532] {strides = array<i32>} : memref<3x80x64xf32, #tpu.memory_space<vmem>>, vector<1x1x16xf32>,
          %parallel_loop3A_534 = vector.shape_cast %parallel_loop3A_533 : vector<1x1x16xf32> to vector<16xf32>
          %parallel_loop3A_535 = vector.shape_cast %parallel_loop3A_528 : vector<16xf32> to vector<1x1x16xf32>
          tpu.vector_store %arg11[%parallel_loop3A_530, %parallel_loop3A_531, %parallel_loop3A_532], %parallel_loop3A_535 {strides = array<i32>} : memref<3x80x64xf32, #tpu.memory_space<vmem>>, vector<1x1x16xf32>,
          %parallel_loop3A_536 = arith.constant 2 : i32
          %parallel_loop3A_537 = arith.index_cast %parallel_loop3A_536 : i32 to index
          %parallel_loop3A_538 = arith.index_cast %parallel_loop3A_488 : i32 to index
          %parallel_loop3A_539 = arith.constant 48 : index
          %parallel_loop3A_540 = tpu.vector_load %arg11[%parallel_loop3A_537, %parallel_loop3A_538, %parallel_loop3A_539] {strides = array<i32>} : memref<3x80x64xf32, #tpu.memory_space<vmem>>, vector<1x1x16xf32>,
          %parallel_loop3A_541 = vector.shape_cast %parallel_loop3A_540 : vector<1x1x16xf32> to vector<16xf32>
          %parallel_loop3A_542 = vector.broadcast %parallel_loop3A_490 : f32 to vector<16xf32>
          %parallel_loop3A_543 = arith.mulf %parallel_loop3A_541, %parallel_loop3A_542 : vector<16xf32>
          %parallel_loop3A_544 = arith.constant 2 : i32
          %parallel_loop3A_545 = arith.index_cast %parallel_loop3A_544 : i32 to index
          %parallel_loop3A_546 = arith.index_cast %parallel_loop3A_488 : i32 to index
          %parallel_loop3A_547 = arith.constant 48 : index
          %parallel_loop3A_548 = tpu.vector_load %arg11[%parallel_loop3A_545, %parallel_loop3A_546, %parallel_loop3A_547] {strides = array<i32>} : memref<3x80x64xf32, #tpu.memory_space<vmem>>, vector<1x1x16xf32>,
          %parallel_loop3A_549 = vector.shape_cast %parallel_loop3A_548 : vector<1x1x16xf32> to vector<16xf32>
          %parallel_loop3A_550 = vector.shape_cast %parallel_loop3A_543 : vector<16xf32> to vector<1x1x16xf32>
          tpu.vector_store %arg11[%parallel_loop3A_545, %parallel_loop3A_546, %parallel_loop3A_547], %parallel_loop3A_550 {strides = array<i32>} : memref<3x80x64xf32, #tpu.memory_space<vmem>>, vector<1x1x16xf32>,
          %parallel_loop3A_551 = arith.constant 16 : i32
          %parallel_loop3A_552 = arith.muli %parallel_loop3A_148, %parallel_loop3A_551 : i32
          %parallel_loop3A_553 = arith.constant 6 : i32
          %parallel_loop3A_554 = arith.addi %parallel_loop3A_552, %parallel_loop3A_553 : i32
          %parallel_loop3A_555 = vector.extract_strided_slice %parallel_loop3A_154 {offsets = [6], sizes = [1], strides = [1]} : vector<16xf32> to vector<1xf32>
          %parallel_loop3A_556 = vector.extract %parallel_loop3A_555[0] : f32 from vector<1xf32>
          %parallel_loop3A_557 = arith.constant 2 : i32
          %parallel_loop3A_558 = arith.index_cast %parallel_loop3A_557 : i32 to index
          %parallel_loop3A_559 = arith.index_cast %parallel_loop3A_554 : i32 to index
          %parallel_loop3A_560 = arith.constant 0 : index
          %parallel_loop3A_561 = tpu.vector_load %arg11[%parallel_loop3A_558, %parallel_loop3A_559, %parallel_loop3A_560] {strides = array<i32>} : memref<3x80x64xf32, #tpu.memory_space<vmem>>, vector<1x1x16xf32>,
          %parallel_loop3A_562 = vector.shape_cast %parallel_loop3A_561 : vector<1x1x16xf32> to vector<16xf32>
          %parallel_loop3A_563 = vector.broadcast %parallel_loop3A_556 : f32 to vector<16xf32>
          %parallel_loop3A_564 = arith.mulf %parallel_loop3A_562, %parallel_loop3A_563 : vector<16xf32>
          %parallel_loop3A_565 = arith.constant 2 : i32
          %parallel_loop3A_566 = arith.index_cast %parallel_loop3A_565 : i32 to index
          %parallel_loop3A_567 = arith.index_cast %parallel_loop3A_554 : i32 to index
          %parallel_loop3A_568 = arith.constant 0 : index
          %parallel_loop3A_569 = tpu.vector_load %arg11[%parallel_loop3A_566, %parallel_loop3A_567, %parallel_loop3A_568] {strides = array<i32>} : memref<3x80x64xf32, #tpu.memory_space<vmem>>, vector<1x1x16xf32>,
          %parallel_loop3A_570 = vector.shape_cast %parallel_loop3A_569 : vector<1x1x16xf32> to vector<16xf32>
          %parallel_loop3A_571 = vector.shape_cast %parallel_loop3A_564 : vector<16xf32> to vector<1x1x16xf32>
          tpu.vector_store %arg11[%parallel_loop3A_566, %parallel_loop3A_567, %parallel_loop3A_568], %parallel_loop3A_571 {strides = array<i32>} : memref<3x80x64xf32, #tpu.memory_space<vmem>>, vector<1x1x16xf32>,
          %parallel_loop3A_572 = arith.constant 2 : i32
          %parallel_loop3A_573 = arith.index_cast %parallel_loop3A_572 : i32 to index
          %parallel_loop3A_574 = arith.index_cast %parallel_loop3A_554 : i32 to index
          %parallel_loop3A_575 = arith.constant 16 : index
          %parallel_loop3A_576 = tpu.vector_load %arg11[%parallel_loop3A_573, %parallel_loop3A_574, %parallel_loop3A_575] {strides = array<i32>} : memref<3x80x64xf32, #tpu.memory_space<vmem>>, vector<1x1x16xf32>,
          %parallel_loop3A_577 = vector.shape_cast %parallel_loop3A_576 : vector<1x1x16xf32> to vector<16xf32>
          %parallel_loop3A_578 = vector.broadcast %parallel_loop3A_556 : f32 to vector<16xf32>
          %parallel_loop3A_579 = arith.mulf %parallel_loop3A_577, %parallel_loop3A_578 : vector<16xf32>
          %parallel_loop3A_580 = arith.constant 2 : i32
          %parallel_loop3A_581 = arith.index_cast %parallel_loop3A_580 : i32 to index
          %parallel_loop3A_582 = arith.index_cast %parallel_loop3A_554 : i32 to index
          %parallel_loop3A_583 = arith.constant 16 : index
          %parallel_loop3A_584 = tpu.vector_load %arg11[%parallel_loop3A_581, %parallel_loop3A_582, %parallel_loop3A_583] {strides = array<i32>} : memref<3x80x64xf32, #tpu.memory_space<vmem>>, vector<1x1x16xf32>,
          %parallel_loop3A_585 = vector.shape_cast %parallel_loop3A_584 : vector<1x1x16xf32> to vector<16xf32>
          %parallel_loop3A_586 = vector.shape_cast %parallel_loop3A_579 : vector<16xf32> to vector<1x1x16xf32>
          tpu.vector_store %arg11[%parallel_loop3A_581, %parallel_loop3A_582, %parallel_loop3A_583], %parallel_loop3A_586 {strides = array<i32>} : memref<3x80x64xf32, #tpu.memory_space<vmem>>, vector<1x1x16xf32>,
          %parallel_loop3A_587 = arith.constant 2 : i32
          %parallel_loop3A_588 = arith.index_cast %parallel_loop3A_587 : i32 to index
          %parallel_loop3A_589 = arith.index_cast %parallel_loop3A_554 : i32 to index
          %parallel_loop3A_590 = arith.constant 32 : index
          %parallel_loop3A_591 = tpu.vector_load %arg11[%parallel_loop3A_588, %parallel_loop3A_589, %parallel_loop3A_590] {strides = array<i32>} : memref<3x80x64xf32, #tpu.memory_space<vmem>>, vector<1x1x16xf32>,
          %parallel_loop3A_592 = vector.shape_cast %parallel_loop3A_591 : vector<1x1x16xf32> to vector<16xf32>
          %parallel_loop3A_593 = vector.broadcast %parallel_loop3A_556 : f32 to vector<16xf32>
          %parallel_loop3A_594 = arith.mulf %parallel_loop3A_592, %parallel_loop3A_593 : vector<16xf32>
          %parallel_loop3A_595 = arith.constant 2 : i32
          %parallel_loop3A_596 = arith.index_cast %parallel_loop3A_595 : i32 to index
          %parallel_loop3A_597 = arith.index_cast %parallel_loop3A_554 : i32 to index
          %parallel_loop3A_598 = arith.constant 32 : index
          %parallel_loop3A_599 = tpu.vector_load %arg11[%parallel_loop3A_596, %parallel_loop3A_597, %parallel_loop3A_598] {strides = array<i32>} : memref<3x80x64xf32, #tpu.memory_space<vmem>>, vector<1x1x16xf32>,
          %parallel_loop3A_600 = vector.shape_cast %parallel_loop3A_599 : vector<1x1x16xf32> to vector<16xf32>
          %parallel_loop3A_601 = vector.shape_cast %parallel_loop3A_594 : vector<16xf32> to vector<1x1x16xf32>
          tpu.vector_store %arg11[%parallel_loop3A_596, %parallel_loop3A_597, %parallel_loop3A_598], %parallel_loop3A_601 {strides = array<i32>} : memref<3x80x64xf32, #tpu.memory_space<vmem>>, vector<1x1x16xf32>,
          %parallel_loop3A_602 = arith.constant 2 : i32
          %parallel_loop3A_603 = arith.index_cast %parallel_loop3A_602 : i32 to index
          %parallel_loop3A_604 = arith.index_cast %parallel_loop3A_554 : i32 to index
          %parallel_loop3A_605 = arith.constant 48 : index
          %parallel_loop3A_606 = tpu.vector_load %arg11[%parallel_loop3A_603, %parallel_loop3A_604, %parallel_loop3A_605] {strides = array<i32>} : memref<3x80x64xf32, #tpu.memory_space<vmem>>, vector<1x1x16xf32>,
          %parallel_loop3A_607 = vector.shape_cast %parallel_loop3A_606 : vector<1x1x16xf32> to vector<16xf32>
          %parallel_loop3A_608 = vector.broadcast %parallel_loop3A_556 : f32 to vector<16xf32>
          %parallel_loop3A_609 = arith.mulf %parallel_loop3A_607, %parallel_loop3A_608 : vector<16xf32>
          %parallel_loop3A_610 = arith.constant 2 : i32
          %parallel_loop3A_611 = arith.index_cast %parallel_loop3A_610 : i32 to index
          %parallel_loop3A_612 = arith.index_cast %parallel_loop3A_554 : i32 to index
          %parallel_loop3A_613 = arith.constant 48 : index
          %parallel_loop3A_614 = tpu.vector_load %arg11[%parallel_loop3A_611, %parallel_loop3A_612, %parallel_loop3A_613] {strides = array<i32>} : memref<3x80x64xf32, #tpu.memory_space<vmem>>, vector<1x1x16xf32>,
          %parallel_loop3A_615 = vector.shape_cast %parallel_loop3A_614 : vector<1x1x16xf32> to vector<16xf32>
          %parallel_loop3A_616 = vector.shape_cast %parallel_loop3A_609 : vector<16xf32> to vector<1x1x16xf32>
          tpu.vector_store %arg11[%parallel_loop3A_611, %parallel_loop3A_612, %parallel_loop3A_613], %parallel_loop3A_616 {strides = array<i32>} : memref<3x80x64xf32, #tpu.memory_space<vmem>>, vector<1x1x16xf32>,
          %parallel_loop3A_617 = arith.constant 16 : i32
          %parallel_loop3A_618 = arith.muli %parallel_loop3A_148, %parallel_loop3A_617 : i32
          %parallel_loop3A_619 = arith.constant 7 : i32
          %parallel_loop3A_620 = arith.addi %parallel_loop3A_618, %parallel_loop3A_619 : i32
          %parallel_loop3A_621 = vector.extract_strided_slice %parallel_loop3A_154 {offsets = [7], sizes = [1], strides = [1]} : vector<16xf32> to vector<1xf32>
          %parallel_loop3A_622 = vector.extract %parallel_loop3A_621[0] : f32 from vector<1xf32>
          %parallel_loop3A_623 = arith.constant 2 : i32
          %parallel_loop3A_624 = arith.index_cast %parallel_loop3A_623 : i32 to index
          %parallel_loop3A_625 = arith.index_cast %parallel_loop3A_620 : i32 to index
          %parallel_loop3A_626 = arith.constant 0 : index
          %parallel_loop3A_627 = tpu.vector_load %arg11[%parallel_loop3A_624, %parallel_loop3A_625, %parallel_loop3A_626] {strides = array<i32>} : memref<3x80x64xf32, #tpu.memory_space<vmem>>, vector<1x1x16xf32>,
          %parallel_loop3A_628 = vector.shape_cast %parallel_loop3A_627 : vector<1x1x16xf32> to vector<16xf32>
          %parallel_loop3A_629 = vector.broadcast %parallel_loop3A_622 : f32 to vector<16xf32>
          %parallel_loop3A_630 = arith.mulf %parallel_loop3A_628, %parallel_loop3A_629 : vector<16xf32>
          %parallel_loop3A_631 = arith.constant 2 : i32
          %parallel_loop3A_632 = arith.index_cast %parallel_loop3A_631 : i32 to index
          %parallel_loop3A_633 = arith.index_cast %parallel_loop3A_620 : i32 to index
          %parallel_loop3A_634 = arith.constant 0 : index
          %parallel_loop3A_635 = tpu.vector_load %arg11[%parallel_loop3A_632, %parallel_loop3A_633, %parallel_loop3A_634] {strides = array<i32>} : memref<3x80x64xf32, #tpu.memory_space<vmem>>, vector<1x1x16xf32>,
          %parallel_loop3A_636 = vector.shape_cast %parallel_loop3A_635 : vector<1x1x16xf32> to vector<16xf32>
          %parallel_loop3A_637 = vector.shape_cast %parallel_loop3A_630 : vector<16xf32> to vector<1x1x16xf32>
          tpu.vector_store %arg11[%parallel_loop3A_632, %parallel_loop3A_633, %parallel_loop3A_634], %parallel_loop3A_637 {strides = array<i32>} : memref<3x80x64xf32, #tpu.memory_space<vmem>>, vector<1x1x16xf32>,
          %parallel_loop3A_638 = arith.constant 2 : i32
          %parallel_loop3A_639 = arith.index_cast %parallel_loop3A_638 : i32 to index
          %parallel_loop3A_640 = arith.index_cast %parallel_loop3A_620 : i32 to index
          %parallel_loop3A_641 = arith.constant 16 : index
          %parallel_loop3A_642 = tpu.vector_load %arg11[%parallel_loop3A_639, %parallel_loop3A_640, %parallel_loop3A_641] {strides = array<i32>} : memref<3x80x64xf32, #tpu.memory_space<vmem>>, vector<1x1x16xf32>,
          %parallel_loop3A_643 = vector.shape_cast %parallel_loop3A_642 : vector<1x1x16xf32> to vector<16xf32>
          %parallel_loop3A_644 = vector.broadcast %parallel_loop3A_622 : f32 to vector<16xf32>
          %parallel_loop3A_645 = arith.mulf %parallel_loop3A_643, %parallel_loop3A_644 : vector<16xf32>
          %parallel_loop3A_646 = arith.constant 2 : i32
          %parallel_loop3A_647 = arith.index_cast %parallel_loop3A_646 : i32 to index
          %parallel_loop3A_648 = arith.index_cast %parallel_loop3A_620 : i32 to index
          %parallel_loop3A_649 = arith.constant 16 : index
          %parallel_loop3A_650 = tpu.vector_load %arg11[%parallel_loop3A_647, %parallel_loop3A_648, %parallel_loop3A_649] {strides = array<i32>} : memref<3x80x64xf32, #tpu.memory_space<vmem>>, vector<1x1x16xf32>,
          %parallel_loop3A_651 = vector.shape_cast %parallel_loop3A_650 : vector<1x1x16xf32> to vector<16xf32>
          %parallel_loop3A_652 = vector.shape_cast %parallel_loop3A_645 : vector<16xf32> to vector<1x1x16xf32>
          tpu.vector_store %arg11[%parallel_loop3A_647, %parallel_loop3A_648, %parallel_loop3A_649], %parallel_loop3A_652 {strides = array<i32>} : memref<3x80x64xf32, #tpu.memory_space<vmem>>, vector<1x1x16xf32>,
          %parallel_loop3A_653 = arith.constant 2 : i32
          %parallel_loop3A_654 = arith.index_cast %parallel_loop3A_653 : i32 to index
          %parallel_loop3A_655 = arith.index_cast %parallel_loop3A_620 : i32 to index
          %parallel_loop3A_656 = arith.constant 32 : index
          %parallel_loop3A_657 = tpu.vector_load %arg11[%parallel_loop3A_654, %parallel_loop3A_655, %parallel_loop3A_656] {strides = array<i32>} : memref<3x80x64xf32, #tpu.memory_space<vmem>>, vector<1x1x16xf32>,
          %parallel_loop3A_658 = vector.shape_cast %parallel_loop3A_657 : vector<1x1x16xf32> to vector<16xf32>
          %parallel_loop3A_659 = vector.broadcast %parallel_loop3A_622 : f32 to vector<16xf32>
          %parallel_loop3A_660 = arith.mulf %parallel_loop3A_658, %parallel_loop3A_659 : vector<16xf32>
          %parallel_loop3A_661 = arith.constant 2 : i32
          %parallel_loop3A_662 = arith.index_cast %parallel_loop3A_661 : i32 to index
          %parallel_loop3A_663 = arith.index_cast %parallel_loop3A_620 : i32 to index
          %parallel_loop3A_664 = arith.constant 32 : index
          %parallel_loop3A_665 = tpu.vector_load %arg11[%parallel_loop3A_662, %parallel_loop3A_663, %parallel_loop3A_664] {strides = array<i32>} : memref<3x80x64xf32, #tpu.memory_space<vmem>>, vector<1x1x16xf32>,
          %parallel_loop3A_666 = vector.shape_cast %parallel_loop3A_665 : vector<1x1x16xf32> to vector<16xf32>
          %parallel_loop3A_667 = vector.shape_cast %parallel_loop3A_660 : vector<16xf32> to vector<1x1x16xf32>
          tpu.vector_store %arg11[%parallel_loop3A_662, %parallel_loop3A_663, %parallel_loop3A_664], %parallel_loop3A_667 {strides = array<i32>} : memref<3x80x64xf32, #tpu.memory_space<vmem>>, vector<1x1x16xf32>,
          %parallel_loop3A_668 = arith.constant 2 : i32
          %parallel_loop3A_669 = arith.index_cast %parallel_loop3A_668 : i32 to index
          %parallel_loop3A_670 = arith.index_cast %parallel_loop3A_620 : i32 to index
          %parallel_loop3A_671 = arith.constant 48 : index
          %parallel_loop3A_672 = tpu.vector_load %arg11[%parallel_loop3A_669, %parallel_loop3A_670, %parallel_loop3A_671] {strides = array<i32>} : memref<3x80x64xf32, #tpu.memory_space<vmem>>, vector<1x1x16xf32>,
          %parallel_loop3A_673 = vector.shape_cast %parallel_loop3A_672 : vector<1x1x16xf32> to vector<16xf32>
          %parallel_loop3A_674 = vector.broadcast %parallel_loop3A_622 : f32 to vector<16xf32>
          %parallel_loop3A_675 = arith.mulf %parallel_loop3A_673, %parallel_loop3A_674 : vector<16xf32>
          %parallel_loop3A_676 = arith.constant 2 : i32
          %parallel_loop3A_677 = arith.index_cast %parallel_loop3A_676 : i32 to index
          %parallel_loop3A_678 = arith.index_cast %parallel_loop3A_620 : i32 to index
          %parallel_loop3A_679 = arith.constant 48 : index
          %parallel_loop3A_680 = tpu.vector_load %arg11[%parallel_loop3A_677, %parallel_loop3A_678, %parallel_loop3A_679] {strides = array<i32>} : memref<3x80x64xf32, #tpu.memory_space<vmem>>, vector<1x1x16xf32>,
          %parallel_loop3A_681 = vector.shape_cast %parallel_loop3A_680 : vector<1x1x16xf32> to vector<16xf32>
          %parallel_loop3A_682 = vector.shape_cast %parallel_loop3A_675 : vector<16xf32> to vector<1x1x16xf32>
          tpu.vector_store %arg11[%parallel_loop3A_677, %parallel_loop3A_678, %parallel_loop3A_679], %parallel_loop3A_682 {strides = array<i32>} : memref<3x80x64xf32, #tpu.memory_space<vmem>>, vector<1x1x16xf32>,
          %parallel_loop3A_683 = arith.constant 16 : i32
          %parallel_loop3A_684 = arith.muli %parallel_loop3A_148, %parallel_loop3A_683 : i32
          %parallel_loop3A_685 = arith.constant 8 : i32
          %parallel_loop3A_686 = arith.addi %parallel_loop3A_684, %parallel_loop3A_685 : i32
          %parallel_loop3A_687 = vector.extract_strided_slice %parallel_loop3A_154 {offsets = [8], sizes = [1], strides = [1]} : vector<16xf32> to vector<1xf32>
          %parallel_loop3A_688 = vector.extract %parallel_loop3A_687[0] : f32 from vector<1xf32>
          %parallel_loop3A_689 = arith.constant 2 : i32
          %parallel_loop3A_690 = arith.index_cast %parallel_loop3A_689 : i32 to index
          %parallel_loop3A_691 = arith.index_cast %parallel_loop3A_686 : i32 to index
          %parallel_loop3A_692 = arith.constant 0 : index
          %parallel_loop3A_693 = tpu.vector_load %arg11[%parallel_loop3A_690, %parallel_loop3A_691, %parallel_loop3A_692] {strides = array<i32>} : memref<3x80x64xf32, #tpu.memory_space<vmem>>, vector<1x1x16xf32>,
          %parallel_loop3A_694 = vector.shape_cast %parallel_loop3A_693 : vector<1x1x16xf32> to vector<16xf32>
          %parallel_loop3A_695 = vector.broadcast %parallel_loop3A_688 : f32 to vector<16xf32>
          %parallel_loop3A_696 = arith.mulf %parallel_loop3A_694, %parallel_loop3A_695 : vector<16xf32>
          %parallel_loop3A_697 = arith.constant 2 : i32
          %parallel_loop3A_698 = arith.index_cast %parallel_loop3A_697 : i32 to index
          %parallel_loop3A_699 = arith.index_cast %parallel_loop3A_686 : i32 to index
          %parallel_loop3A_700 = arith.constant 0 : index
          %parallel_loop3A_701 = tpu.vector_load %arg11[%parallel_loop3A_698, %parallel_loop3A_699, %parallel_loop3A_700] {strides = array<i32>} : memref<3x80x64xf32, #tpu.memory_space<vmem>>, vector<1x1x16xf32>,
          %parallel_loop3A_702 = vector.shape_cast %parallel_loop3A_701 : vector<1x1x16xf32> to vector<16xf32>
          %parallel_loop3A_703 = vector.shape_cast %parallel_loop3A_696 : vector<16xf32> to vector<1x1x16xf32>
          tpu.vector_store %arg11[%parallel_loop3A_698, %parallel_loop3A_699, %parallel_loop3A_700], %parallel_loop3A_703 {strides = array<i32>} : memref<3x80x64xf32, #tpu.memory_space<vmem>>, vector<1x1x16xf32>,
          %parallel_loop3A_704 = arith.constant 2 : i32
          %parallel_loop3A_705 = arith.index_cast %parallel_loop3A_704 : i32 to index
          %parallel_loop3A_706 = arith.index_cast %parallel_loop3A_686 : i32 to index
          %parallel_loop3A_707 = arith.constant 16 : index
          %parallel_loop3A_708 = tpu.vector_load %arg11[%parallel_loop3A_705, %parallel_loop3A_706, %parallel_loop3A_707] {strides = array<i32>} : memref<3x80x64xf32, #tpu.memory_space<vmem>>, vector<1x1x16xf32>,
          %parallel_loop3A_709 = vector.shape_cast %parallel_loop3A_708 : vector<1x1x16xf32> to vector<16xf32>
          %parallel_loop3A_710 = vector.broadcast %parallel_loop3A_688 : f32 to vector<16xf32>
          %parallel_loop3A_711 = arith.mulf %parallel_loop3A_709, %parallel_loop3A_710 : vector<16xf32>
          %parallel_loop3A_712 = arith.constant 2 : i32
          %parallel_loop3A_713 = arith.index_cast %parallel_loop3A_712 : i32 to index
          %parallel_loop3A_714 = arith.index_cast %parallel_loop3A_686 : i32 to index
          %parallel_loop3A_715 = arith.constant 16 : index
          %parallel_loop3A_716 = tpu.vector_load %arg11[%parallel_loop3A_713, %parallel_loop3A_714, %parallel_loop3A_715] {strides = array<i32>} : memref<3x80x64xf32, #tpu.memory_space<vmem>>, vector<1x1x16xf32>,
          %parallel_loop3A_717 = vector.shape_cast %parallel_loop3A_716 : vector<1x1x16xf32> to vector<16xf32>
          %parallel_loop3A_718 = vector.shape_cast %parallel_loop3A_711 : vector<16xf32> to vector<1x1x16xf32>
          tpu.vector_store %arg11[%parallel_loop3A_713, %parallel_loop3A_714, %parallel_loop3A_715], %parallel_loop3A_718 {strides = array<i32>} : memref<3x80x64xf32, #tpu.memory_space<vmem>>, vector<1x1x16xf32>,
          %parallel_loop3A_719 = arith.constant 2 : i32
          %parallel_loop3A_720 = arith.index_cast %parallel_loop3A_719 : i32 to index
          %parallel_loop3A_721 = arith.index_cast %parallel_loop3A_686 : i32 to index
          %parallel_loop3A_722 = arith.constant 32 : index
          %parallel_loop3A_723 = tpu.vector_load %arg11[%parallel_loop3A_720, %parallel_loop3A_721, %parallel_loop3A_722] {strides = array<i32>} : memref<3x80x64xf32, #tpu.memory_space<vmem>>, vector<1x1x16xf32>,
          %parallel_loop3A_724 = vector.shape_cast %parallel_loop3A_723 : vector<1x1x16xf32> to vector<16xf32>
          %parallel_loop3A_725 = vector.broadcast %parallel_loop3A_688 : f32 to vector<16xf32>
          %parallel_loop3A_726 = arith.mulf %parallel_loop3A_724, %parallel_loop3A_725 : vector<16xf32>
          %parallel_loop3A_727 = arith.constant 2 : i32
          %parallel_loop3A_728 = arith.index_cast %parallel_loop3A_727 : i32 to index
          %parallel_loop3A_729 = arith.index_cast %parallel_loop3A_686 : i32 to index
          %parallel_loop3A_730 = arith.constant 32 : index
          %parallel_loop3A_731 = tpu.vector_load %arg11[%parallel_loop3A_728, %parallel_loop3A_729, %parallel_loop3A_730] {strides = array<i32>} : memref<3x80x64xf32, #tpu.memory_space<vmem>>, vector<1x1x16xf32>,
          %parallel_loop3A_732 = vector.shape_cast %parallel_loop3A_731 : vector<1x1x16xf32> to vector<16xf32>
          %parallel_loop3A_733 = vector.shape_cast %parallel_loop3A_726 : vector<16xf32> to vector<1x1x16xf32>
          tpu.vector_store %arg11[%parallel_loop3A_728, %parallel_loop3A_729, %parallel_loop3A_730], %parallel_loop3A_733 {strides = array<i32>} : memref<3x80x64xf32, #tpu.memory_space<vmem>>, vector<1x1x16xf32>,
          %parallel_loop3A_734 = arith.constant 2 : i32
          %parallel_loop3A_735 = arith.index_cast %parallel_loop3A_734 : i32 to index
          %parallel_loop3A_736 = arith.index_cast %parallel_loop3A_686 : i32 to index
          %parallel_loop3A_737 = arith.constant 48 : index
          %parallel_loop3A_738 = tpu.vector_load %arg11[%parallel_loop3A_735, %parallel_loop3A_736, %parallel_loop3A_737] {strides = array<i32>} : memref<3x80x64xf32, #tpu.memory_space<vmem>>, vector<1x1x16xf32>,
          %parallel_loop3A_739 = vector.shape_cast %parallel_loop3A_738 : vector<1x1x16xf32> to vector<16xf32>
          %parallel_loop3A_740 = vector.broadcast %parallel_loop3A_688 : f32 to vector<16xf32>
          %parallel_loop3A_741 = arith.mulf %parallel_loop3A_739, %parallel_loop3A_740 : vector<16xf32>
          %parallel_loop3A_742 = arith.constant 2 : i32
          %parallel_loop3A_743 = arith.index_cast %parallel_loop3A_742 : i32 to index
          %parallel_loop3A_744 = arith.index_cast %parallel_loop3A_686 : i32 to index
          %parallel_loop3A_745 = arith.constant 48 : index
          %parallel_loop3A_746 = tpu.vector_load %arg11[%parallel_loop3A_743, %parallel_loop3A_744, %parallel_loop3A_745] {strides = array<i32>} : memref<3x80x64xf32, #tpu.memory_space<vmem>>, vector<1x1x16xf32>,
          %parallel_loop3A_747 = vector.shape_cast %parallel_loop3A_746 : vector<1x1x16xf32> to vector<16xf32>
          %parallel_loop3A_748 = vector.shape_cast %parallel_loop3A_741 : vector<16xf32> to vector<1x1x16xf32>
          tpu.vector_store %arg11[%parallel_loop3A_743, %parallel_loop3A_744, %parallel_loop3A_745], %parallel_loop3A_748 {strides = array<i32>} : memref<3x80x64xf32, #tpu.memory_space<vmem>>, vector<1x1x16xf32>,
          %parallel_loop3A_749 = arith.constant 16 : i32
          %parallel_loop3A_750 = arith.muli %parallel_loop3A_148, %parallel_loop3A_749 : i32
          %parallel_loop3A_751 = arith.constant 9 : i32
          %parallel_loop3A_752 = arith.addi %parallel_loop3A_750, %parallel_loop3A_751 : i32
          %parallel_loop3A_753 = vector.extract_strided_slice %parallel_loop3A_154 {offsets = [9], sizes = [1], strides = [1]} : vector<16xf32> to vector<1xf32>
          %parallel_loop3A_754 = vector.extract %parallel_loop3A_753[0] : f32 from vector<1xf32>
          %parallel_loop3A_755 = arith.constant 2 : i32
          %parallel_loop3A_756 = arith.index_cast %parallel_loop3A_755 : i32 to index
          %parallel_loop3A_757 = arith.index_cast %parallel_loop3A_752 : i32 to index
          %parallel_loop3A_758 = arith.constant 0 : index
          %parallel_loop3A_759 = tpu.vector_load %arg11[%parallel_loop3A_756, %parallel_loop3A_757, %parallel_loop3A_758] {strides = array<i32>} : memref<3x80x64xf32, #tpu.memory_space<vmem>>, vector<1x1x16xf32>,
          %parallel_loop3A_760 = vector.shape_cast %parallel_loop3A_759 : vector<1x1x16xf32> to vector<16xf32>
          %parallel_loop3A_761 = vector.broadcast %parallel_loop3A_754 : f32 to vector<16xf32>
          %parallel_loop3A_762 = arith.mulf %parallel_loop3A_760, %parallel_loop3A_761 : vector<16xf32>
          %parallel_loop3A_763 = arith.constant 2 : i32
          %parallel_loop3A_764 = arith.index_cast %parallel_loop3A_763 : i32 to index
          %parallel_loop3A_765 = arith.index_cast %parallel_loop3A_752 : i32 to index
          %parallel_loop3A_766 = arith.constant 0 : index
          %parallel_loop3A_767 = tpu.vector_load %arg11[%parallel_loop3A_764, %parallel_loop3A_765, %parallel_loop3A_766] {strides = array<i32>} : memref<3x80x64xf32, #tpu.memory_space<vmem>>, vector<1x1x16xf32>,
          %parallel_loop3A_768 = vector.shape_cast %parallel_loop3A_767 : vector<1x1x16xf32> to vector<16xf32>
          %parallel_loop3A_769 = vector.shape_cast %parallel_loop3A_762 : vector<16xf32> to vector<1x1x16xf32>
          tpu.vector_store %arg11[%parallel_loop3A_764, %parallel_loop3A_765, %parallel_loop3A_766], %parallel_loop3A_769 {strides = array<i32>} : memref<3x80x64xf32, #tpu.memory_space<vmem>>, vector<1x1x16xf32>,
          %parallel_loop3A_770 = arith.constant 2 : i32
          %parallel_loop3A_771 = arith.index_cast %parallel_loop3A_770 : i32 to index
          %parallel_loop3A_772 = arith.index_cast %parallel_loop3A_752 : i32 to index
          %parallel_loop3A_773 = arith.constant 16 : index
          %parallel_loop3A_774 = tpu.vector_load %arg11[%parallel_loop3A_771, %parallel_loop3A_772, %parallel_loop3A_773] {strides = array<i32>} : memref<3x80x64xf32, #tpu.memory_space<vmem>>, vector<1x1x16xf32>,
          %parallel_loop3A_775 = vector.shape_cast %parallel_loop3A_774 : vector<1x1x16xf32> to vector<16xf32>
          %parallel_loop3A_776 = vector.broadcast %parallel_loop3A_754 : f32 to vector<16xf32>
          %parallel_loop3A_777 = arith.mulf %parallel_loop3A_775, %parallel_loop3A_776 : vector<16xf32>
          %parallel_loop3A_778 = arith.constant 2 : i32
          %parallel_loop3A_779 = arith.index_cast %parallel_loop3A_778 : i32 to index
          %parallel_loop3A_780 = arith.index_cast %parallel_loop3A_752 : i32 to index
          %parallel_loop3A_781 = arith.constant 16 : index
          %parallel_loop3A_782 = tpu.vector_load %arg11[%parallel_loop3A_779, %parallel_loop3A_780, %parallel_loop3A_781] {strides = array<i32>} : memref<3x80x64xf32, #tpu.memory_space<vmem>>, vector<1x1x16xf32>,
          %parallel_loop3A_783 = vector.shape_cast %parallel_loop3A_782 : vector<1x1x16xf32> to vector<16xf32>
          %parallel_loop3A_784 = vector.shape_cast %parallel_loop3A_777 : vector<16xf32> to vector<1x1x16xf32>
          tpu.vector_store %arg11[%parallel_loop3A_779, %parallel_loop3A_780, %parallel_loop3A_781], %parallel_loop3A_784 {strides = array<i32>} : memref<3x80x64xf32, #tpu.memory_space<vmem>>, vector<1x1x16xf32>,
          %parallel_loop3A_785 = arith.constant 2 : i32
          %parallel_loop3A_786 = arith.index_cast %parallel_loop3A_785 : i32 to index
          %parallel_loop3A_787 = arith.index_cast %parallel_loop3A_752 : i32 to index
          %parallel_loop3A_788 = arith.constant 32 : index
          %parallel_loop3A_789 = tpu.vector_load %arg11[%parallel_loop3A_786, %parallel_loop3A_787, %parallel_loop3A_788] {strides = array<i32>} : memref<3x80x64xf32, #tpu.memory_space<vmem>>, vector<1x1x16xf32>,
          %parallel_loop3A_790 = vector.shape_cast %parallel_loop3A_789 : vector<1x1x16xf32> to vector<16xf32>
          %parallel_loop3A_791 = vector.broadcast %parallel_loop3A_754 : f32 to vector<16xf32>
          %parallel_loop3A_792 = arith.mulf %parallel_loop3A_790, %parallel_loop3A_791 : vector<16xf32>
          %parallel_loop3A_793 = arith.constant 2 : i32
          %parallel_loop3A_794 = arith.index_cast %parallel_loop3A_793 : i32 to index
          %parallel_loop3A_795 = arith.index_cast %parallel_loop3A_752 : i32 to index
          %parallel_loop3A_796 = arith.constant 32 : index
          %parallel_loop3A_797 = tpu.vector_load %arg11[%parallel_loop3A_794, %parallel_loop3A_795, %parallel_loop3A_796] {strides = array<i32>} : memref<3x80x64xf32, #tpu.memory_space<vmem>>, vector<1x1x16xf32>,
          %parallel_loop3A_798 = vector.shape_cast %parallel_loop3A_797 : vector<1x1x16xf32> to vector<16xf32>
          %parallel_loop3A_799 = vector.shape_cast %parallel_loop3A_792 : vector<16xf32> to vector<1x1x16xf32>
          tpu.vector_store %arg11[%parallel_loop3A_794, %parallel_loop3A_795, %parallel_loop3A_796], %parallel_loop3A_799 {strides = array<i32>} : memref<3x80x64xf32, #tpu.memory_space<vmem>>, vector<1x1x16xf32>,
          %parallel_loop3A_800 = arith.constant 2 : i32
          %parallel_loop3A_801 = arith.index_cast %parallel_loop3A_800 : i32 to index
          %parallel_loop3A_802 = arith.index_cast %parallel_loop3A_752 : i32 to index
          %parallel_loop3A_803 = arith.constant 48 : index
          %parallel_loop3A_804 = tpu.vector_load %arg11[%parallel_loop3A_801, %parallel_loop3A_802, %parallel_loop3A_803] {strides = array<i32>} : memref<3x80x64xf32, #tpu.memory_space<vmem>>, vector<1x1x16xf32>,
          %parallel_loop3A_805 = vector.shape_cast %parallel_loop3A_804 : vector<1x1x16xf32> to vector<16xf32>
          %parallel_loop3A_806 = vector.broadcast %parallel_loop3A_754 : f32 to vector<16xf32>
          %parallel_loop3A_807 = arith.mulf %parallel_loop3A_805, %parallel_loop3A_806 : vector<16xf32>
          %parallel_loop3A_808 = arith.constant 2 : i32
          %parallel_loop3A_809 = arith.index_cast %parallel_loop3A_808 : i32 to index
          %parallel_loop3A_810 = arith.index_cast %parallel_loop3A_752 : i32 to index
          %parallel_loop3A_811 = arith.constant 48 : index
          %parallel_loop3A_812 = tpu.vector_load %arg11[%parallel_loop3A_809, %parallel_loop3A_810, %parallel_loop3A_811] {strides = array<i32>} : memref<3x80x64xf32, #tpu.memory_space<vmem>>, vector<1x1x16xf32>,
          %parallel_loop3A_813 = vector.shape_cast %parallel_loop3A_812 : vector<1x1x16xf32> to vector<16xf32>
          %parallel_loop3A_814 = vector.shape_cast %parallel_loop3A_807 : vector<16xf32> to vector<1x1x16xf32>
          tpu.vector_store %arg11[%parallel_loop3A_809, %parallel_loop3A_810, %parallel_loop3A_811], %parallel_loop3A_814 {strides = array<i32>} : memref<3x80x64xf32, #tpu.memory_space<vmem>>, vector<1x1x16xf32>,
          %parallel_loop3A_815 = arith.constant 16 : i32
          %parallel_loop3A_816 = arith.muli %parallel_loop3A_148, %parallel_loop3A_815 : i32
          %parallel_loop3A_817 = arith.constant 10 : i32
          %parallel_loop3A_818 = arith.addi %parallel_loop3A_816, %parallel_loop3A_817 : i32
          %parallel_loop3A_819 = vector.extract_strided_slice %parallel_loop3A_154 {offsets = [10], sizes = [1], strides = [1]} : vector<16xf32> to vector<1xf32>
          %parallel_loop3A_820 = vector.extract %parallel_loop3A_819[0] : f32 from vector<1xf32>
          %parallel_loop3A_821 = arith.constant 2 : i32
          %parallel_loop3A_822 = arith.index_cast %parallel_loop3A_821 : i32 to index
          %parallel_loop3A_823 = arith.index_cast %parallel_loop3A_818 : i32 to index
          %parallel_loop3A_824 = arith.constant 0 : index
          %parallel_loop3A_825 = tpu.vector_load %arg11[%parallel_loop3A_822, %parallel_loop3A_823, %parallel_loop3A_824] {strides = array<i32>} : memref<3x80x64xf32, #tpu.memory_space<vmem>>, vector<1x1x16xf32>,
          %parallel_loop3A_826 = vector.shape_cast %parallel_loop3A_825 : vector<1x1x16xf32> to vector<16xf32>
          %parallel_loop3A_827 = vector.broadcast %parallel_loop3A_820 : f32 to vector<16xf32>
          %parallel_loop3A_828 = arith.mulf %parallel_loop3A_826, %parallel_loop3A_827 : vector<16xf32>
          %parallel_loop3A_829 = arith.constant 2 : i32
          %parallel_loop3A_830 = arith.index_cast %parallel_loop3A_829 : i32 to index
          %parallel_loop3A_831 = arith.index_cast %parallel_loop3A_818 : i32 to index
          %parallel_loop3A_832 = arith.constant 0 : index
          %parallel_loop3A_833 = tpu.vector_load %arg11[%parallel_loop3A_830, %parallel_loop3A_831, %parallel_loop3A_832] {strides = array<i32>} : memref<3x80x64xf32, #tpu.memory_space<vmem>>, vector<1x1x16xf32>,
          %parallel_loop3A_834 = vector.shape_cast %parallel_loop3A_833 : vector<1x1x16xf32> to vector<16xf32>
          %parallel_loop3A_835 = vector.shape_cast %parallel_loop3A_828 : vector<16xf32> to vector<1x1x16xf32>
          tpu.vector_store %arg11[%parallel_loop3A_830, %parallel_loop3A_831, %parallel_loop3A_832], %parallel_loop3A_835 {strides = array<i32>} : memref<3x80x64xf32, #tpu.memory_space<vmem>>, vector<1x1x16xf32>,
          %parallel_loop3A_836 = arith.constant 2 : i32
          %parallel_loop3A_837 = arith.index_cast %parallel_loop3A_836 : i32 to index
          %parallel_loop3A_838 = arith.index_cast %parallel_loop3A_818 : i32 to index
          %parallel_loop3A_839 = arith.constant 16 : index
          %parallel_loop3A_840 = tpu.vector_load %arg11[%parallel_loop3A_837, %parallel_loop3A_838, %parallel_loop3A_839] {strides = array<i32>} : memref<3x80x64xf32, #tpu.memory_space<vmem>>, vector<1x1x16xf32>,
          %parallel_loop3A_841 = vector.shape_cast %parallel_loop3A_840 : vector<1x1x16xf32> to vector<16xf32>
          %parallel_loop3A_842 = vector.broadcast %parallel_loop3A_820 : f32 to vector<16xf32>
          %parallel_loop3A_843 = arith.mulf %parallel_loop3A_841, %parallel_loop3A_842 : vector<16xf32>
          %parallel_loop3A_844 = arith.constant 2 : i32
          %parallel_loop3A_845 = arith.index_cast %parallel_loop3A_844 : i32 to index
          %parallel_loop3A_846 = arith.index_cast %parallel_loop3A_818 : i32 to index
          %parallel_loop3A_847 = arith.constant 16 : index
          %parallel_loop3A_848 = tpu.vector_load %arg11[%parallel_loop3A_845, %parallel_loop3A_846, %parallel_loop3A_847] {strides = array<i32>} : memref<3x80x64xf32, #tpu.memory_space<vmem>>, vector<1x1x16xf32>,
          %parallel_loop3A_849 = vector.shape_cast %parallel_loop3A_848 : vector<1x1x16xf32> to vector<16xf32>
          %parallel_loop3A_850 = vector.shape_cast %parallel_loop3A_843 : vector<16xf32> to vector<1x1x16xf32>
          tpu.vector_store %arg11[%parallel_loop3A_845, %parallel_loop3A_846, %parallel_loop3A_847], %parallel_loop3A_850 {strides = array<i32>} : memref<3x80x64xf32, #tpu.memory_space<vmem>>, vector<1x1x16xf32>,
          %parallel_loop3A_851 = arith.constant 2 : i32
          %parallel_loop3A_852 = arith.index_cast %parallel_loop3A_851 : i32 to index
          %parallel_loop3A_853 = arith.index_cast %parallel_loop3A_818 : i32 to index
          %parallel_loop3A_854 = arith.constant 32 : index
          %parallel_loop3A_855 = tpu.vector_load %arg11[%parallel_loop3A_852, %parallel_loop3A_853, %parallel_loop3A_854] {strides = array<i32>} : memref<3x80x64xf32, #tpu.memory_space<vmem>>, vector<1x1x16xf32>,
          %parallel_loop3A_856 = vector.shape_cast %parallel_loop3A_855 : vector<1x1x16xf32> to vector<16xf32>
          %parallel_loop3A_857 = vector.broadcast %parallel_loop3A_820 : f32 to vector<16xf32>
          %parallel_loop3A_858 = arith.mulf %parallel_loop3A_856, %parallel_loop3A_857 : vector<16xf32>
          %parallel_loop3A_859 = arith.constant 2 : i32
          %parallel_loop3A_860 = arith.index_cast %parallel_loop3A_859 : i32 to index
          %parallel_loop3A_861 = arith.index_cast %parallel_loop3A_818 : i32 to index
          %parallel_loop3A_862 = arith.constant 32 : index
          %parallel_loop3A_863 = tpu.vector_load %arg11[%parallel_loop3A_860, %parallel_loop3A_861, %parallel_loop3A_862] {strides = array<i32>} : memref<3x80x64xf32, #tpu.memory_space<vmem>>, vector<1x1x16xf32>,
          %parallel_loop3A_864 = vector.shape_cast %parallel_loop3A_863 : vector<1x1x16xf32> to vector<16xf32>
          %parallel_loop3A_865 = vector.shape_cast %parallel_loop3A_858 : vector<16xf32> to vector<1x1x16xf32>
          tpu.vector_store %arg11[%parallel_loop3A_860, %parallel_loop3A_861, %parallel_loop3A_862], %parallel_loop3A_865 {strides = array<i32>} : memref<3x80x64xf32, #tpu.memory_space<vmem>>, vector<1x1x16xf32>,
          %parallel_loop3A_866 = arith.constant 2 : i32
          %parallel_loop3A_867 = arith.index_cast %parallel_loop3A_866 : i32 to index
          %parallel_loop3A_868 = arith.index_cast %parallel_loop3A_818 : i32 to index
          %parallel_loop3A_869 = arith.constant 48 : index
          %parallel_loop3A_870 = tpu.vector_load %arg11[%parallel_loop3A_867, %parallel_loop3A_868, %parallel_loop3A_869] {strides = array<i32>} : memref<3x80x64xf32, #tpu.memory_space<vmem>>, vector<1x1x16xf32>,
          %parallel_loop3A_871 = vector.shape_cast %parallel_loop3A_870 : vector<1x1x16xf32> to vector<16xf32>
          %parallel_loop3A_872 = vector.broadcast %parallel_loop3A_820 : f32 to vector<16xf32>
          %parallel_loop3A_873 = arith.mulf %parallel_loop3A_871, %parallel_loop3A_872 : vector<16xf32>
          %parallel_loop3A_874 = arith.constant 2 : i32
          %parallel_loop3A_875 = arith.index_cast %parallel_loop3A_874 : i32 to index
          %parallel_loop3A_876 = arith.index_cast %parallel_loop3A_818 : i32 to index
          %parallel_loop3A_877 = arith.constant 48 : index
          %parallel_loop3A_878 = tpu.vector_load %arg11[%parallel_loop3A_875, %parallel_loop3A_876, %parallel_loop3A_877] {strides = array<i32>} : memref<3x80x64xf32, #tpu.memory_space<vmem>>, vector<1x1x16xf32>,
          %parallel_loop3A_879 = vector.shape_cast %parallel_loop3A_878 : vector<1x1x16xf32> to vector<16xf32>
          %parallel_loop3A_880 = vector.shape_cast %parallel_loop3A_873 : vector<16xf32> to vector<1x1x16xf32>
          tpu.vector_store %arg11[%parallel_loop3A_875, %parallel_loop3A_876, %parallel_loop3A_877], %parallel_loop3A_880 {strides = array<i32>} : memref<3x80x64xf32, #tpu.memory_space<vmem>>, vector<1x1x16xf32>,
          %parallel_loop3A_881 = arith.constant 16 : i32
          %parallel_loop3A_882 = arith.muli %parallel_loop3A_148, %parallel_loop3A_881 : i32
          %parallel_loop3A_883 = arith.constant 11 : i32
          %parallel_loop3A_884 = arith.addi %parallel_loop3A_882, %parallel_loop3A_883 : i32
          %parallel_loop3A_885 = vector.extract_strided_slice %parallel_loop3A_154 {offsets = [11], sizes = [1], strides = [1]} : vector<16xf32> to vector<1xf32>
          %parallel_loop3A_886 = vector.extract %parallel_loop3A_885[0] : f32 from vector<1xf32>
          %parallel_loop3A_887 = arith.constant 2 : i32
          %parallel_loop3A_888 = arith.index_cast %parallel_loop3A_887 : i32 to index
          %parallel_loop3A_889 = arith.index_cast %parallel_loop3A_884 : i32 to index
          %parallel_loop3A_890 = arith.constant 0 : index
          %parallel_loop3A_891 = tpu.vector_load %arg11[%parallel_loop3A_888, %parallel_loop3A_889, %parallel_loop3A_890] {strides = array<i32>} : memref<3x80x64xf32, #tpu.memory_space<vmem>>, vector<1x1x16xf32>,
          %parallel_loop3A_892 = vector.shape_cast %parallel_loop3A_891 : vector<1x1x16xf32> to vector<16xf32>
          %parallel_loop3A_893 = vector.broadcast %parallel_loop3A_886 : f32 to vector<16xf32>
          %parallel_loop3A_894 = arith.mulf %parallel_loop3A_892, %parallel_loop3A_893 : vector<16xf32>
          %parallel_loop3A_895 = arith.constant 2 : i32
          %parallel_loop3A_896 = arith.index_cast %parallel_loop3A_895 : i32 to index
          %parallel_loop3A_897 = arith.index_cast %parallel_loop3A_884 : i32 to index
          %parallel_loop3A_898 = arith.constant 0 : index
          %parallel_loop3A_899 = tpu.vector_load %arg11[%parallel_loop3A_896, %parallel_loop3A_897, %parallel_loop3A_898] {strides = array<i32>} : memref<3x80x64xf32, #tpu.memory_space<vmem>>, vector<1x1x16xf32>,
          %parallel_loop3A_900 = vector.shape_cast %parallel_loop3A_899 : vector<1x1x16xf32> to vector<16xf32>
          %parallel_loop3A_901 = vector.shape_cast %parallel_loop3A_894 : vector<16xf32> to vector<1x1x16xf32>
          tpu.vector_store %arg11[%parallel_loop3A_896, %parallel_loop3A_897, %parallel_loop3A_898], %parallel_loop3A_901 {strides = array<i32>} : memref<3x80x64xf32, #tpu.memory_space<vmem>>, vector<1x1x16xf32>,
          %parallel_loop3A_902 = arith.constant 2 : i32
          %parallel_loop3A_903 = arith.index_cast %parallel_loop3A_902 : i32 to index
          %parallel_loop3A_904 = arith.index_cast %parallel_loop3A_884 : i32 to index
          %parallel_loop3A_905 = arith.constant 16 : index
          %parallel_loop3A_906 = tpu.vector_load %arg11[%parallel_loop3A_903, %parallel_loop3A_904, %parallel_loop3A_905] {strides = array<i32>} : memref<3x80x64xf32, #tpu.memory_space<vmem>>, vector<1x1x16xf32>,
          %parallel_loop3A_907 = vector.shape_cast %parallel_loop3A_906 : vector<1x1x16xf32> to vector<16xf32>
          %parallel_loop3A_908 = vector.broadcast %parallel_loop3A_886 : f32 to vector<16xf32>
          %parallel_loop3A_909 = arith.mulf %parallel_loop3A_907, %parallel_loop3A_908 : vector<16xf32>
          %parallel_loop3A_910 = arith.constant 2 : i32
          %parallel_loop3A_911 = arith.index_cast %parallel_loop3A_910 : i32 to index
          %parallel_loop3A_912 = arith.index_cast %parallel_loop3A_884 : i32 to index
          %parallel_loop3A_913 = arith.constant 16 : index
          %parallel_loop3A_914 = tpu.vector_load %arg11[%parallel_loop3A_911, %parallel_loop3A_912, %parallel_loop3A_913] {strides = array<i32>} : memref<3x80x64xf32, #tpu.memory_space<vmem>>, vector<1x1x16xf32>,
          %parallel_loop3A_915 = vector.shape_cast %parallel_loop3A_914 : vector<1x1x16xf32> to vector<16xf32>
          %parallel_loop3A_916 = vector.shape_cast %parallel_loop3A_909 : vector<16xf32> to vector<1x1x16xf32>
          tpu.vector_store %arg11[%parallel_loop3A_911, %parallel_loop3A_912, %parallel_loop3A_913], %parallel_loop3A_916 {strides = array<i32>} : memref<3x80x64xf32, #tpu.memory_space<vmem>>, vector<1x1x16xf32>,
          %parallel_loop3A_917 = arith.constant 2 : i32
          %parallel_loop3A_918 = arith.index_cast %parallel_loop3A_917 : i32 to index
          %parallel_loop3A_919 = arith.index_cast %parallel_loop3A_884 : i32 to index
          %parallel_loop3A_920 = arith.constant 32 : index
          %parallel_loop3A_921 = tpu.vector_load %arg11[%parallel_loop3A_918, %parallel_loop3A_919, %parallel_loop3A_920] {strides = array<i32>} : memref<3x80x64xf32, #tpu.memory_space<vmem>>, vector<1x1x16xf32>,
          %parallel_loop3A_922 = vector.shape_cast %parallel_loop3A_921 : vector<1x1x16xf32> to vector<16xf32>
          %parallel_loop3A_923 = vector.broadcast %parallel_loop3A_886 : f32 to vector<16xf32>
          %parallel_loop3A_924 = arith.mulf %parallel_loop3A_922, %parallel_loop3A_923 : vector<16xf32>
          %parallel_loop3A_925 = arith.constant 2 : i32
          %parallel_loop3A_926 = arith.index_cast %parallel_loop3A_925 : i32 to index
          %parallel_loop3A_927 = arith.index_cast %parallel_loop3A_884 : i32 to index
          %parallel_loop3A_928 = arith.constant 32 : index
          %parallel_loop3A_929 = tpu.vector_load %arg11[%parallel_loop3A_926, %parallel_loop3A_927, %parallel_loop3A_928] {strides = array<i32>} : memref<3x80x64xf32, #tpu.memory_space<vmem>>, vector<1x1x16xf32>,
          %parallel_loop3A_930 = vector.shape_cast %parallel_loop3A_929 : vector<1x1x16xf32> to vector<16xf32>
          %parallel_loop3A_931 = vector.shape_cast %parallel_loop3A_924 : vector<16xf32> to vector<1x1x16xf32>
          tpu.vector_store %arg11[%parallel_loop3A_926, %parallel_loop3A_927, %parallel_loop3A_928], %parallel_loop3A_931 {strides = array<i32>} : memref<3x80x64xf32, #tpu.memory_space<vmem>>, vector<1x1x16xf32>,
          %parallel_loop3A_932 = arith.constant 2 : i32
          %parallel_loop3A_933 = arith.index_cast %parallel_loop3A_932 : i32 to index
          %parallel_loop3A_934 = arith.index_cast %parallel_loop3A_884 : i32 to index
          %parallel_loop3A_935 = arith.constant 48 : index
          %parallel_loop3A_936 = tpu.vector_load %arg11[%parallel_loop3A_933, %parallel_loop3A_934, %parallel_loop3A_935] {strides = array<i32>} : memref<3x80x64xf32, #tpu.memory_space<vmem>>, vector<1x1x16xf32>,
          %parallel_loop3A_937 = vector.shape_cast %parallel_loop3A_936 : vector<1x1x16xf32> to vector<16xf32>
          %parallel_loop3A_938 = vector.broadcast %parallel_loop3A_886 : f32 to vector<16xf32>
          %parallel_loop3A_939 = arith.mulf %parallel_loop3A_937, %parallel_loop3A_938 : vector<16xf32>
          %parallel_loop3A_940 = arith.constant 2 : i32
          %parallel_loop3A_941 = arith.index_cast %parallel_loop3A_940 : i32 to index
          %parallel_loop3A_942 = arith.index_cast %parallel_loop3A_884 : i32 to index
          %parallel_loop3A_943 = arith.constant 48 : index
          %parallel_loop3A_944 = tpu.vector_load %arg11[%parallel_loop3A_941, %parallel_loop3A_942, %parallel_loop3A_943] {strides = array<i32>} : memref<3x80x64xf32, #tpu.memory_space<vmem>>, vector<1x1x16xf32>,
          %parallel_loop3A_945 = vector.shape_cast %parallel_loop3A_944 : vector<1x1x16xf32> to vector<16xf32>
          %parallel_loop3A_946 = vector.shape_cast %parallel_loop3A_939 : vector<16xf32> to vector<1x1x16xf32>
          tpu.vector_store %arg11[%parallel_loop3A_941, %parallel_loop3A_942, %parallel_loop3A_943], %parallel_loop3A_946 {strides = array<i32>} : memref<3x80x64xf32, #tpu.memory_space<vmem>>, vector<1x1x16xf32>,
          %parallel_loop3A_947 = arith.constant 16 : i32
          %parallel_loop3A_948 = arith.muli %parallel_loop3A_148, %parallel_loop3A_947 : i32
          %parallel_loop3A_949 = arith.constant 12 : i32
          %parallel_loop3A_950 = arith.addi %parallel_loop3A_948, %parallel_loop3A_949 : i32
          %parallel_loop3A_951 = vector.extract_strided_slice %parallel_loop3A_154 {offsets = [12], sizes = [1], strides = [1]} : vector<16xf32> to vector<1xf32>
          %parallel_loop3A_952 = vector.extract %parallel_loop3A_951[0] : f32 from vector<1xf32>
          %parallel_loop3A_953 = arith.constant 2 : i32
          %parallel_loop3A_954 = arith.index_cast %parallel_loop3A_953 : i32 to index
          %parallel_loop3A_955 = arith.index_cast %parallel_loop3A_950 : i32 to index
          %parallel_loop3A_956 = arith.constant 0 : index
          %parallel_loop3A_957 = tpu.vector_load %arg11[%parallel_loop3A_954, %parallel_loop3A_955, %parallel_loop3A_956] {strides = array<i32>} : memref<3x80x64xf32, #tpu.memory_space<vmem>>, vector<1x1x16xf32>,
          %parallel_loop3A_958 = vector.shape_cast %parallel_loop3A_957 : vector<1x1x16xf32> to vector<16xf32>
          %parallel_loop3A_959 = vector.broadcast %parallel_loop3A_952 : f32 to vector<16xf32>
          %parallel_loop3A_960 = arith.mulf %parallel_loop3A_958, %parallel_loop3A_959 : vector<16xf32>
          %parallel_loop3A_961 = arith.constant 2 : i32
          %parallel_loop3A_962 = arith.index_cast %parallel_loop3A_961 : i32 to index
          %parallel_loop3A_963 = arith.index_cast %parallel_loop3A_950 : i32 to index
          %parallel_loop3A_964 = arith.constant 0 : index
          %parallel_loop3A_965 = tpu.vector_load %arg11[%parallel_loop3A_962, %parallel_loop3A_963, %parallel_loop3A_964] {strides = array<i32>} : memref<3x80x64xf32, #tpu.memory_space<vmem>>, vector<1x1x16xf32>,
          %parallel_loop3A_966 = vector.shape_cast %parallel_loop3A_965 : vector<1x1x16xf32> to vector<16xf32>
          %parallel_loop3A_967 = vector.shape_cast %parallel_loop3A_960 : vector<16xf32> to vector<1x1x16xf32>
          tpu.vector_store %arg11[%parallel_loop3A_962, %parallel_loop3A_963, %parallel_loop3A_964], %parallel_loop3A_967 {strides = array<i32>} : memref<3x80x64xf32, #tpu.memory_space<vmem>>, vector<1x1x16xf32>,
          %parallel_loop3A_968 = arith.constant 2 : i32
          %parallel_loop3A_969 = arith.index_cast %parallel_loop3A_968 : i32 to index
          %parallel_loop3A_970 = arith.index_cast %parallel_loop3A_950 : i32 to index
          %parallel_loop3A_971 = arith.constant 16 : index
          %parallel_loop3A_972 = tpu.vector_load %arg11[%parallel_loop3A_969, %parallel_loop3A_970, %parallel_loop3A_971] {strides = array<i32>} : memref<3x80x64xf32, #tpu.memory_space<vmem>>, vector<1x1x16xf32>,
          %parallel_loop3A_973 = vector.shape_cast %parallel_loop3A_972 : vector<1x1x16xf32> to vector<16xf32>
          %parallel_loop3A_974 = vector.broadcast %parallel_loop3A_952 : f32 to vector<16xf32>
          %parallel_loop3A_975 = arith.mulf %parallel_loop3A_973, %parallel_loop3A_974 : vector<16xf32>
          %parallel_loop3A_976 = arith.constant 2 : i32
          %parallel_loop3A_977 = arith.index_cast %parallel_loop3A_976 : i32 to index
          %parallel_loop3A_978 = arith.index_cast %parallel_loop3A_950 : i32 to index
          %parallel_loop3A_979 = arith.constant 16 : index
          %parallel_loop3A_980 = tpu.vector_load %arg11[%parallel_loop3A_977, %parallel_loop3A_978, %parallel_loop3A_979] {strides = array<i32>} : memref<3x80x64xf32, #tpu.memory_space<vmem>>, vector<1x1x16xf32>,
          %parallel_loop3A_981 = vector.shape_cast %parallel_loop3A_980 : vector<1x1x16xf32> to vector<16xf32>
          %parallel_loop3A_982 = vector.shape_cast %parallel_loop3A_975 : vector<16xf32> to vector<1x1x16xf32>
          tpu.vector_store %arg11[%parallel_loop3A_977, %parallel_loop3A_978, %parallel_loop3A_979], %parallel_loop3A_982 {strides = array<i32>} : memref<3x80x64xf32, #tpu.memory_space<vmem>>, vector<1x1x16xf32>,
          %parallel_loop3A_983 = arith.constant 2 : i32
          %parallel_loop3A_984 = arith.index_cast %parallel_loop3A_983 : i32 to index
          %parallel_loop3A_985 = arith.index_cast %parallel_loop3A_950 : i32 to index
          %parallel_loop3A_986 = arith.constant 32 : index
          %parallel_loop3A_987 = tpu.vector_load %arg11[%parallel_loop3A_984, %parallel_loop3A_985, %parallel_loop3A_986] {strides = array<i32>} : memref<3x80x64xf32, #tpu.memory_space<vmem>>, vector<1x1x16xf32>,
          %parallel_loop3A_988 = vector.shape_cast %parallel_loop3A_987 : vector<1x1x16xf32> to vector<16xf32>
          %parallel_loop3A_989 = vector.broadcast %parallel_loop3A_952 : f32 to vector<16xf32>
          %parallel_loop3A_990 = arith.mulf %parallel_loop3A_988, %parallel_loop3A_989 : vector<16xf32>
          %parallel_loop3A_991 = arith.constant 2 : i32
          %parallel_loop3A_992 = arith.index_cast %parallel_loop3A_991 : i32 to index
          %parallel_loop3A_993 = arith.index_cast %parallel_loop3A_950 : i32 to index
          %parallel_loop3A_994 = arith.constant 32 : index
          %parallel_loop3A_995 = tpu.vector_load %arg11[%parallel_loop3A_992, %parallel_loop3A_993, %parallel_loop3A_994] {strides = array<i32>} : memref<3x80x64xf32, #tpu.memory_space<vmem>>, vector<1x1x16xf32>,
          %parallel_loop3A_996 = vector.shape_cast %parallel_loop3A_995 : vector<1x1x16xf32> to vector<16xf32>
          %parallel_loop3A_997 = vector.shape_cast %parallel_loop3A_990 : vector<16xf32> to vector<1x1x16xf32>
          tpu.vector_store %arg11[%parallel_loop3A_992, %parallel_loop3A_993, %parallel_loop3A_994], %parallel_loop3A_997 {strides = array<i32>} : memref<3x80x64xf32, #tpu.memory_space<vmem>>, vector<1x1x16xf32>,
          %parallel_loop3A_998 = arith.constant 2 : i32
          %parallel_loop3A_999 = arith.index_cast %parallel_loop3A_998 : i32 to index
          %parallel_loop3A_1000 = arith.index_cast %parallel_loop3A_950 : i32 to index
          %parallel_loop3A_1001 = arith.constant 48 : index
          %parallel_loop3A_1002 = tpu.vector_load %arg11[%parallel_loop3A_999, %parallel_loop3A_1000, %parallel_loop3A_1001] {strides = array<i32>} : memref<3x80x64xf32, #tpu.memory_space<vmem>>, vector<1x1x16xf32>,
          %parallel_loop3A_1003 = vector.shape_cast %parallel_loop3A_1002 : vector<1x1x16xf32> to vector<16xf32>
          %parallel_loop3A_1004 = vector.broadcast %parallel_loop3A_952 : f32 to vector<16xf32>
          %parallel_loop3A_1005 = arith.mulf %parallel_loop3A_1003, %parallel_loop3A_1004 : vector<16xf32>
          %parallel_loop3A_1006 = arith.constant 2 : i32
          %parallel_loop3A_1007 = arith.index_cast %parallel_loop3A_1006 : i32 to index
          %parallel_loop3A_1008 = arith.index_cast %parallel_loop3A_950 : i32 to index
          %parallel_loop3A_1009 = arith.constant 48 : index
          %parallel_loop3A_1010 = tpu.vector_load %arg11[%parallel_loop3A_1007, %parallel_loop3A_1008, %parallel_loop3A_1009] {strides = array<i32>} : memref<3x80x64xf32, #tpu.memory_space<vmem>>, vector<1x1x16xf32>,
          %parallel_loop3A_1011 = vector.shape_cast %parallel_loop3A_1010 : vector<1x1x16xf32> to vector<16xf32>
          %parallel_loop3A_1012 = vector.shape_cast %parallel_loop3A_1005 : vector<16xf32> to vector<1x1x16xf32>
          tpu.vector_store %arg11[%parallel_loop3A_1007, %parallel_loop3A_1008, %parallel_loop3A_1009], %parallel_loop3A_1012 {strides = array<i32>} : memref<3x80x64xf32, #tpu.memory_space<vmem>>, vector<1x1x16xf32>,
          %parallel_loop3A_1013 = arith.constant 16 : i32
          %parallel_loop3A_1014 = arith.muli %parallel_loop3A_148, %parallel_loop3A_1013 : i32
          %parallel_loop3A_1015 = arith.constant 13 : i32
          %parallel_loop3A_1016 = arith.addi %parallel_loop3A_1014, %parallel_loop3A_1015 : i32
          %parallel_loop3A_1017 = vector.extract_strided_slice %parallel_loop3A_154 {offsets = [13], sizes = [1], strides = [1]} : vector<16xf32> to vector<1xf32>
          %parallel_loop3A_1018 = vector.extract %parallel_loop3A_1017[0] : f32 from vector<1xf32>
          %parallel_loop3A_1019 = arith.constant 2 : i32
          %parallel_loop3A_1020 = arith.index_cast %parallel_loop3A_1019 : i32 to index
          %parallel_loop3A_1021 = arith.index_cast %parallel_loop3A_1016 : i32 to index
          %parallel_loop3A_1022 = arith.constant 0 : index
          %parallel_loop3A_1023 = tpu.vector_load %arg11[%parallel_loop3A_1020, %parallel_loop3A_1021, %parallel_loop3A_1022] {strides = array<i32>} : memref<3x80x64xf32, #tpu.memory_space<vmem>>, vector<1x1x16xf32>,
          %parallel_loop3A_1024 = vector.shape_cast %parallel_loop3A_1023 : vector<1x1x16xf32> to vector<16xf32>
          %parallel_loop3A_1025 = vector.broadcast %parallel_loop3A_1018 : f32 to vector<16xf32>
          %parallel_loop3A_1026 = arith.mulf %parallel_loop3A_1024, %parallel_loop3A_1025 : vector<16xf32>
          %parallel_loop3A_1027 = arith.constant 2 : i32
          %parallel_loop3A_1028 = arith.index_cast %parallel_loop3A_1027 : i32 to index
          %parallel_loop3A_1029 = arith.index_cast %parallel_loop3A_1016 : i32 to index
          %parallel_loop3A_1030 = arith.constant 0 : index
          %parallel_loop3A_1031 = tpu.vector_load %arg11[%parallel_loop3A_1028, %parallel_loop3A_1029, %parallel_loop3A_1030] {strides = array<i32>} : memref<3x80x64xf32, #tpu.memory_space<vmem>>, vector<1x1x16xf32>,
          %parallel_loop3A_1032 = vector.shape_cast %parallel_loop3A_1031 : vector<1x1x16xf32> to vector<16xf32>
          %parallel_loop3A_1033 = vector.shape_cast %parallel_loop3A_1026 : vector<16xf32> to vector<1x1x16xf32>
          tpu.vector_store %arg11[%parallel_loop3A_1028, %parallel_loop3A_1029, %parallel_loop3A_1030], %parallel_loop3A_1033 {strides = array<i32>} : memref<3x80x64xf32, #tpu.memory_space<vmem>>, vector<1x1x16xf32>,
          %parallel_loop3A_1034 = arith.constant 2 : i32
          %parallel_loop3A_1035 = arith.index_cast %parallel_loop3A_1034 : i32 to index
          %parallel_loop3A_1036 = arith.index_cast %parallel_loop3A_1016 : i32 to index
          %parallel_loop3A_1037 = arith.constant 16 : index
          %parallel_loop3A_1038 = tpu.vector_load %arg11[%parallel_loop3A_1035, %parallel_loop3A_1036, %parallel_loop3A_1037] {strides = array<i32>} : memref<3x80x64xf32, #tpu.memory_space<vmem>>, vector<1x1x16xf32>,
          %parallel_loop3A_1039 = vector.shape_cast %parallel_loop3A_1038 : vector<1x1x16xf32> to vector<16xf32>
          %parallel_loop3A_1040 = vector.broadcast %parallel_loop3A_1018 : f32 to vector<16xf32>
          %parallel_loop3A_1041 = arith.mulf %parallel_loop3A_1039, %parallel_loop3A_1040 : vector<16xf32>
          %parallel_loop3A_1042 = arith.constant 2 : i32
          %parallel_loop3A_1043 = arith.index_cast %parallel_loop3A_1042 : i32 to index
          %parallel_loop3A_1044 = arith.index_cast %parallel_loop3A_1016 : i32 to index
          %parallel_loop3A_1045 = arith.constant 16 : index
          %parallel_loop3A_1046 = tpu.vector_load %arg11[%parallel_loop3A_1043, %parallel_loop3A_1044, %parallel_loop3A_1045] {strides = array<i32>} : memref<3x80x64xf32, #tpu.memory_space<vmem>>, vector<1x1x16xf32>,
          %parallel_loop3A_1047 = vector.shape_cast %parallel_loop3A_1046 : vector<1x1x16xf32> to vector<16xf32>
          %parallel_loop3A_1048 = vector.shape_cast %parallel_loop3A_1041 : vector<16xf32> to vector<1x1x16xf32>
          tpu.vector_store %arg11[%parallel_loop3A_1043, %parallel_loop3A_1044, %parallel_loop3A_1045], %parallel_loop3A_1048 {strides = array<i32>} : memref<3x80x64xf32, #tpu.memory_space<vmem>>, vector<1x1x16xf32>,
          %parallel_loop3A_1049 = arith.constant 2 : i32
          %parallel_loop3A_1050 = arith.index_cast %parallel_loop3A_1049 : i32 to index
          %parallel_loop3A_1051 = arith.index_cast %parallel_loop3A_1016 : i32 to index
          %parallel_loop3A_1052 = arith.constant 32 : index
          %parallel_loop3A_1053 = tpu.vector_load %arg11[%parallel_loop3A_1050, %parallel_loop3A_1051, %parallel_loop3A_1052] {strides = array<i32>} : memref<3x80x64xf32, #tpu.memory_space<vmem>>, vector<1x1x16xf32>,
          %parallel_loop3A_1054 = vector.shape_cast %parallel_loop3A_1053 : vector<1x1x16xf32> to vector<16xf32>
          %parallel_loop3A_1055 = vector.broadcast %parallel_loop3A_1018 : f32 to vector<16xf32>
          %parallel_loop3A_1056 = arith.mulf %parallel_loop3A_1054, %parallel_loop3A_1055 : vector<16xf32>
          %parallel_loop3A_1057 = arith.constant 2 : i32
          %parallel_loop3A_1058 = arith.index_cast %parallel_loop3A_1057 : i32 to index
          %parallel_loop3A_1059 = arith.index_cast %parallel_loop3A_1016 : i32 to index
          %parallel_loop3A_1060 = arith.constant 32 : index
          %parallel_loop3A_1061 = tpu.vector_load %arg11[%parallel_loop3A_1058, %parallel_loop3A_1059, %parallel_loop3A_1060] {strides = array<i32>} : memref<3x80x64xf32, #tpu.memory_space<vmem>>, vector<1x1x16xf32>,
          %parallel_loop3A_1062 = vector.shape_cast %parallel_loop3A_1061 : vector<1x1x16xf32> to vector<16xf32>
          %parallel_loop3A_1063 = vector.shape_cast %parallel_loop3A_1056 : vector<16xf32> to vector<1x1x16xf32>
          tpu.vector_store %arg11[%parallel_loop3A_1058, %parallel_loop3A_1059, %parallel_loop3A_1060], %parallel_loop3A_1063 {strides = array<i32>} : memref<3x80x64xf32, #tpu.memory_space<vmem>>, vector<1x1x16xf32>,
          %parallel_loop3A_1064 = arith.constant 2 : i32
          %parallel_loop3A_1065 = arith.index_cast %parallel_loop3A_1064 : i32 to index
          %parallel_loop3A_1066 = arith.index_cast %parallel_loop3A_1016 : i32 to index
          %parallel_loop3A_1067 = arith.constant 48 : index
          %parallel_loop3A_1068 = tpu.vector_load %arg11[%parallel_loop3A_1065, %parallel_loop3A_1066, %parallel_loop3A_1067] {strides = array<i32>} : memref<3x80x64xf32, #tpu.memory_space<vmem>>, vector<1x1x16xf32>,
          %parallel_loop3A_1069 = vector.shape_cast %parallel_loop3A_1068 : vector<1x1x16xf32> to vector<16xf32>
          %parallel_loop3A_1070 = vector.broadcast %parallel_loop3A_1018 : f32 to vector<16xf32>
          %parallel_loop3A_1071 = arith.mulf %parallel_loop3A_1069, %parallel_loop3A_1070 : vector<16xf32>
          %parallel_loop3A_1072 = arith.constant 2 : i32
          %parallel_loop3A_1073 = arith.index_cast %parallel_loop3A_1072 : i32 to index
          %parallel_loop3A_1074 = arith.index_cast %parallel_loop3A_1016 : i32 to index
          %parallel_loop3A_1075 = arith.constant 48 : index
          %parallel_loop3A_1076 = tpu.vector_load %arg11[%parallel_loop3A_1073, %parallel_loop3A_1074, %parallel_loop3A_1075] {strides = array<i32>} : memref<3x80x64xf32, #tpu.memory_space<vmem>>, vector<1x1x16xf32>,
          %parallel_loop3A_1077 = vector.shape_cast %parallel_loop3A_1076 : vector<1x1x16xf32> to vector<16xf32>
          %parallel_loop3A_1078 = vector.shape_cast %parallel_loop3A_1071 : vector<16xf32> to vector<1x1x16xf32>
          tpu.vector_store %arg11[%parallel_loop3A_1073, %parallel_loop3A_1074, %parallel_loop3A_1075], %parallel_loop3A_1078 {strides = array<i32>} : memref<3x80x64xf32, #tpu.memory_space<vmem>>, vector<1x1x16xf32>,
          %parallel_loop3A_1079 = arith.constant 16 : i32
          %parallel_loop3A_1080 = arith.muli %parallel_loop3A_148, %parallel_loop3A_1079 : i32
          %parallel_loop3A_1081 = arith.constant 14 : i32
          %parallel_loop3A_1082 = arith.addi %parallel_loop3A_1080, %parallel_loop3A_1081 : i32
          %parallel_loop3A_1083 = vector.extract_strided_slice %parallel_loop3A_154 {offsets = [14], sizes = [1], strides = [1]} : vector<16xf32> to vector<1xf32>
          %parallel_loop3A_1084 = vector.extract %parallel_loop3A_1083[0] : f32 from vector<1xf32>
          %parallel_loop3A_1085 = arith.constant 2 : i32
          %parallel_loop3A_1086 = arith.index_cast %parallel_loop3A_1085 : i32 to index
          %parallel_loop3A_1087 = arith.index_cast %parallel_loop3A_1082 : i32 to index
          %parallel_loop3A_1088 = arith.constant 0 : index
          %parallel_loop3A_1089 = tpu.vector_load %arg11[%parallel_loop3A_1086, %parallel_loop3A_1087, %parallel_loop3A_1088] {strides = array<i32>} : memref<3x80x64xf32, #tpu.memory_space<vmem>>, vector<1x1x16xf32>,
          %parallel_loop3A_1090 = vector.shape_cast %parallel_loop3A_1089 : vector<1x1x16xf32> to vector<16xf32>
          %parallel_loop3A_1091 = vector.broadcast %parallel_loop3A_1084 : f32 to vector<16xf32>
          %parallel_loop3A_1092 = arith.mulf %parallel_loop3A_1090, %parallel_loop3A_1091 : vector<16xf32>
          %parallel_loop3A_1093 = arith.constant 2 : i32
          %parallel_loop3A_1094 = arith.index_cast %parallel_loop3A_1093 : i32 to index
          %parallel_loop3A_1095 = arith.index_cast %parallel_loop3A_1082 : i32 to index
          %parallel_loop3A_1096 = arith.constant 0 : index
          %parallel_loop3A_1097 = tpu.vector_load %arg11[%parallel_loop3A_1094, %parallel_loop3A_1095, %parallel_loop3A_1096] {strides = array<i32>} : memref<3x80x64xf32, #tpu.memory_space<vmem>>, vector<1x1x16xf32>,
          %parallel_loop3A_1098 = vector.shape_cast %parallel_loop3A_1097 : vector<1x1x16xf32> to vector<16xf32>
          %parallel_loop3A_1099 = vector.shape_cast %parallel_loop3A_1092 : vector<16xf32> to vector<1x1x16xf32>
          tpu.vector_store %arg11[%parallel_loop3A_1094, %parallel_loop3A_1095, %parallel_loop3A_1096], %parallel_loop3A_1099 {strides = array<i32>} : memref<3x80x64xf32, #tpu.memory_space<vmem>>, vector<1x1x16xf32>,
          %parallel_loop3A_1100 = arith.constant 2 : i32
          %parallel_loop3A_1101 = arith.index_cast %parallel_loop3A_1100 : i32 to index
          %parallel_loop3A_1102 = arith.index_cast %parallel_loop3A_1082 : i32 to index
          %parallel_loop3A_1103 = arith.constant 16 : index
          %parallel_loop3A_1104 = tpu.vector_load %arg11[%parallel_loop3A_1101, %parallel_loop3A_1102, %parallel_loop3A_1103] {strides = array<i32>} : memref<3x80x64xf32, #tpu.memory_space<vmem>>, vector<1x1x16xf32>,
          %parallel_loop3A_1105 = vector.shape_cast %parallel_loop3A_1104 : vector<1x1x16xf32> to vector<16xf32>
          %parallel_loop3A_1106 = vector.broadcast %parallel_loop3A_1084 : f32 to vector<16xf32>
          %parallel_loop3A_1107 = arith.mulf %parallel_loop3A_1105, %parallel_loop3A_1106 : vector<16xf32>
          %parallel_loop3A_1108 = arith.constant 2 : i32
          %parallel_loop3A_1109 = arith.index_cast %parallel_loop3A_1108 : i32 to index
          %parallel_loop3A_1110 = arith.index_cast %parallel_loop3A_1082 : i32 to index
          %parallel_loop3A_1111 = arith.constant 16 : index
          %parallel_loop3A_1112 = tpu.vector_load %arg11[%parallel_loop3A_1109, %parallel_loop3A_1110, %parallel_loop3A_1111] {strides = array<i32>} : memref<3x80x64xf32, #tpu.memory_space<vmem>>, vector<1x1x16xf32>,
          %parallel_loop3A_1113 = vector.shape_cast %parallel_loop3A_1112 : vector<1x1x16xf32> to vector<16xf32>
          %parallel_loop3A_1114 = vector.shape_cast %parallel_loop3A_1107 : vector<16xf32> to vector<1x1x16xf32>
          tpu.vector_store %arg11[%parallel_loop3A_1109, %parallel_loop3A_1110, %parallel_loop3A_1111], %parallel_loop3A_1114 {strides = array<i32>} : memref<3x80x64xf32, #tpu.memory_space<vmem>>, vector<1x1x16xf32>,
          %parallel_loop3A_1115 = arith.constant 2 : i32
          %parallel_loop3A_1116 = arith.index_cast %parallel_loop3A_1115 : i32 to index
          %parallel_loop3A_1117 = arith.index_cast %parallel_loop3A_1082 : i32 to index
          %parallel_loop3A_1118 = arith.constant 32 : index
          %parallel_loop3A_1119 = tpu.vector_load %arg11[%parallel_loop3A_1116, %parallel_loop3A_1117, %parallel_loop3A_1118] {strides = array<i32>} : memref<3x80x64xf32, #tpu.memory_space<vmem>>, vector<1x1x16xf32>,
          %parallel_loop3A_1120 = vector.shape_cast %parallel_loop3A_1119 : vector<1x1x16xf32> to vector<16xf32>
          %parallel_loop3A_1121 = vector.broadcast %parallel_loop3A_1084 : f32 to vector<16xf32>
          %parallel_loop3A_1122 = arith.mulf %parallel_loop3A_1120, %parallel_loop3A_1121 : vector<16xf32>
          %parallel_loop3A_1123 = arith.constant 2 : i32
          %parallel_loop3A_1124 = arith.index_cast %parallel_loop3A_1123 : i32 to index
          %parallel_loop3A_1125 = arith.index_cast %parallel_loop3A_1082 : i32 to index
          %parallel_loop3A_1126 = arith.constant 32 : index
          %parallel_loop3A_1127 = tpu.vector_load %arg11[%parallel_loop3A_1124, %parallel_loop3A_1125, %parallel_loop3A_1126] {strides = array<i32>} : memref<3x80x64xf32, #tpu.memory_space<vmem>>, vector<1x1x16xf32>,
          %parallel_loop3A_1128 = vector.shape_cast %parallel_loop3A_1127 : vector<1x1x16xf32> to vector<16xf32>
          %parallel_loop3A_1129 = vector.shape_cast %parallel_loop3A_1122 : vector<16xf32> to vector<1x1x16xf32>
          tpu.vector_store %arg11[%parallel_loop3A_1124, %parallel_loop3A_1125, %parallel_loop3A_1126], %parallel_loop3A_1129 {strides = array<i32>} : memref<3x80x64xf32, #tpu.memory_space<vmem>>, vector<1x1x16xf32>,
          %parallel_loop3A_1130 = arith.constant 2 : i32
          %parallel_loop3A_1131 = arith.index_cast %parallel_loop3A_1130 : i32 to index
          %parallel_loop3A_1132 = arith.index_cast %parallel_loop3A_1082 : i32 to index
          %parallel_loop3A_1133 = arith.constant 48 : index
          %parallel_loop3A_1134 = tpu.vector_load %arg11[%parallel_loop3A_1131, %parallel_loop3A_1132, %parallel_loop3A_1133] {strides = array<i32>} : memref<3x80x64xf32, #tpu.memory_space<vmem>>, vector<1x1x16xf32>,
          %parallel_loop3A_1135 = vector.shape_cast %parallel_loop3A_1134 : vector<1x1x16xf32> to vector<16xf32>
          %parallel_loop3A_1136 = vector.broadcast %parallel_loop3A_1084 : f32 to vector<16xf32>
          %parallel_loop3A_1137 = arith.mulf %parallel_loop3A_1135, %parallel_loop3A_1136 : vector<16xf32>
          %parallel_loop3A_1138 = arith.constant 2 : i32
          %parallel_loop3A_1139 = arith.index_cast %parallel_loop3A_1138 : i32 to index
          %parallel_loop3A_1140 = arith.index_cast %parallel_loop3A_1082 : i32 to index
          %parallel_loop3A_1141 = arith.constant 48 : index
          %parallel_loop3A_1142 = tpu.vector_load %arg11[%parallel_loop3A_1139, %parallel_loop3A_1140, %parallel_loop3A_1141] {strides = array<i32>} : memref<3x80x64xf32, #tpu.memory_space<vmem>>, vector<1x1x16xf32>,
          %parallel_loop3A_1143 = vector.shape_cast %parallel_loop3A_1142 : vector<1x1x16xf32> to vector<16xf32>
          %parallel_loop3A_1144 = vector.shape_cast %parallel_loop3A_1137 : vector<16xf32> to vector<1x1x16xf32>
          tpu.vector_store %arg11[%parallel_loop3A_1139, %parallel_loop3A_1140, %parallel_loop3A_1141], %parallel_loop3A_1144 {strides = array<i32>} : memref<3x80x64xf32, #tpu.memory_space<vmem>>, vector<1x1x16xf32>,
          %parallel_loop3A_1145 = arith.constant 16 : i32
          %parallel_loop3A_1146 = arith.muli %parallel_loop3A_148, %parallel_loop3A_1145 : i32
          %parallel_loop3A_1147 = arith.constant 15 : i32
          %parallel_loop3A_1148 = arith.addi %parallel_loop3A_1146, %parallel_loop3A_1147 : i32
          %parallel_loop3A_1149 = vector.extract_strided_slice %parallel_loop3A_154 {offsets = [15], sizes = [1], strides = [1]} : vector<16xf32> to vector<1xf32>
          %parallel_loop3A_1150 = vector.extract %parallel_loop3A_1149[0] : f32 from vector<1xf32>
          %parallel_loop3A_1151 = arith.constant 2 : i32
          %parallel_loop3A_1152 = arith.index_cast %parallel_loop3A_1151 : i32 to index
          %parallel_loop3A_1153 = arith.index_cast %parallel_loop3A_1148 : i32 to index
          %parallel_loop3A_1154 = arith.constant 0 : index
          %parallel_loop3A_1155 = tpu.vector_load %arg11[%parallel_loop3A_1152, %parallel_loop3A_1153, %parallel_loop3A_1154] {strides = array<i32>} : memref<3x80x64xf32, #tpu.memory_space<vmem>>, vector<1x1x16xf32>,
          %parallel_loop3A_1156 = vector.shape_cast %parallel_loop3A_1155 : vector<1x1x16xf32> to vector<16xf32>
          %parallel_loop3A_1157 = vector.broadcast %parallel_loop3A_1150 : f32 to vector<16xf32>
          %parallel_loop3A_1158 = arith.mulf %parallel_loop3A_1156, %parallel_loop3A_1157 : vector<16xf32>
          %parallel_loop3A_1159 = arith.constant 2 : i32
          %parallel_loop3A_1160 = arith.index_cast %parallel_loop3A_1159 : i32 to index
          %parallel_loop3A_1161 = arith.index_cast %parallel_loop3A_1148 : i32 to index
          %parallel_loop3A_1162 = arith.constant 0 : index
          %parallel_loop3A_1163 = tpu.vector_load %arg11[%parallel_loop3A_1160, %parallel_loop3A_1161, %parallel_loop3A_1162] {strides = array<i32>} : memref<3x80x64xf32, #tpu.memory_space<vmem>>, vector<1x1x16xf32>,
          %parallel_loop3A_1164 = vector.shape_cast %parallel_loop3A_1163 : vector<1x1x16xf32> to vector<16xf32>
          %parallel_loop3A_1165 = vector.shape_cast %parallel_loop3A_1158 : vector<16xf32> to vector<1x1x16xf32>
          tpu.vector_store %arg11[%parallel_loop3A_1160, %parallel_loop3A_1161, %parallel_loop3A_1162], %parallel_loop3A_1165 {strides = array<i32>} : memref<3x80x64xf32, #tpu.memory_space<vmem>>, vector<1x1x16xf32>,
          %parallel_loop3A_1166 = arith.constant 2 : i32
          %parallel_loop3A_1167 = arith.index_cast %parallel_loop3A_1166 : i32 to index
          %parallel_loop3A_1168 = arith.index_cast %parallel_loop3A_1148 : i32 to index
          %parallel_loop3A_1169 = arith.constant 16 : index
          %parallel_loop3A_1170 = tpu.vector_load %arg11[%parallel_loop3A_1167, %parallel_loop3A_1168, %parallel_loop3A_1169] {strides = array<i32>} : memref<3x80x64xf32, #tpu.memory_space<vmem>>, vector<1x1x16xf32>,
          %parallel_loop3A_1171 = vector.shape_cast %parallel_loop3A_1170 : vector<1x1x16xf32> to vector<16xf32>
          %parallel_loop3A_1172 = vector.broadcast %parallel_loop3A_1150 : f32 to vector<16xf32>
          %parallel_loop3A_1173 = arith.mulf %parallel_loop3A_1171, %parallel_loop3A_1172 : vector<16xf32>
          %parallel_loop3A_1174 = arith.constant 2 : i32
          %parallel_loop3A_1175 = arith.index_cast %parallel_loop3A_1174 : i32 to index
          %parallel_loop3A_1176 = arith.index_cast %parallel_loop3A_1148 : i32 to index
          %parallel_loop3A_1177 = arith.constant 16 : index
          %parallel_loop3A_1178 = tpu.vector_load %arg11[%parallel_loop3A_1175, %parallel_loop3A_1176, %parallel_loop3A_1177] {strides = array<i32>} : memref<3x80x64xf32, #tpu.memory_space<vmem>>, vector<1x1x16xf32>,
          %parallel_loop3A_1179 = vector.shape_cast %parallel_loop3A_1178 : vector<1x1x16xf32> to vector<16xf32>
          %parallel_loop3A_1180 = vector.shape_cast %parallel_loop3A_1173 : vector<16xf32> to vector<1x1x16xf32>
          tpu.vector_store %arg11[%parallel_loop3A_1175, %parallel_loop3A_1176, %parallel_loop3A_1177], %parallel_loop3A_1180 {strides = array<i32>} : memref<3x80x64xf32, #tpu.memory_space<vmem>>, vector<1x1x16xf32>,
          %parallel_loop3A_1181 = arith.constant 2 : i32
          %parallel_loop3A_1182 = arith.index_cast %parallel_loop3A_1181 : i32 to index
          %parallel_loop3A_1183 = arith.index_cast %parallel_loop3A_1148 : i32 to index
          %parallel_loop3A_1184 = arith.constant 32 : index
          %parallel_loop3A_1185 = tpu.vector_load %arg11[%parallel_loop3A_1182, %parallel_loop3A_1183, %parallel_loop3A_1184] {strides = array<i32>} : memref<3x80x64xf32, #tpu.memory_space<vmem>>, vector<1x1x16xf32>,
          %parallel_loop3A_1186 = vector.shape_cast %parallel_loop3A_1185 : vector<1x1x16xf32> to vector<16xf32>
          %parallel_loop3A_1187 = vector.broadcast %parallel_loop3A_1150 : f32 to vector<16xf32>
          %parallel_loop3A_1188 = arith.mulf %parallel_loop3A_1186, %parallel_loop3A_1187 : vector<16xf32>
          %parallel_loop3A_1189 = arith.constant 2 : i32
          %parallel_loop3A_1190 = arith.index_cast %parallel_loop3A_1189 : i32 to index
          %parallel_loop3A_1191 = arith.index_cast %parallel_loop3A_1148 : i32 to index
          %parallel_loop3A_1192 = arith.constant 32 : index
          %parallel_loop3A_1193 = tpu.vector_load %arg11[%parallel_loop3A_1190, %parallel_loop3A_1191, %parallel_loop3A_1192] {strides = array<i32>} : memref<3x80x64xf32, #tpu.memory_space<vmem>>, vector<1x1x16xf32>,
          %parallel_loop3A_1194 = vector.shape_cast %parallel_loop3A_1193 : vector<1x1x16xf32> to vector<16xf32>
          %parallel_loop3A_1195 = vector.shape_cast %parallel_loop3A_1188 : vector<16xf32> to vector<1x1x16xf32>
          tpu.vector_store %arg11[%parallel_loop3A_1190, %parallel_loop3A_1191, %parallel_loop3A_1192], %parallel_loop3A_1195 {strides = array<i32>} : memref<3x80x64xf32, #tpu.memory_space<vmem>>, vector<1x1x16xf32>,
          %parallel_loop3A_1196 = arith.constant 2 : i32
          %parallel_loop3A_1197 = arith.index_cast %parallel_loop3A_1196 : i32 to index
          %parallel_loop3A_1198 = arith.index_cast %parallel_loop3A_1148 : i32 to index
          %parallel_loop3A_1199 = arith.constant 48 : index
          %parallel_loop3A_1200 = tpu.vector_load %arg11[%parallel_loop3A_1197, %parallel_loop3A_1198, %parallel_loop3A_1199] {strides = array<i32>} : memref<3x80x64xf32, #tpu.memory_space<vmem>>, vector<1x1x16xf32>,
          %parallel_loop3A_1201 = vector.shape_cast %parallel_loop3A_1200 : vector<1x1x16xf32> to vector<16xf32>
          %parallel_loop3A_1202 = vector.broadcast %parallel_loop3A_1150 : f32 to vector<16xf32>
          %parallel_loop3A_1203 = arith.mulf %parallel_loop3A_1201, %parallel_loop3A_1202 : vector<16xf32>
          %parallel_loop3A_1204 = arith.constant 2 : i32
          %parallel_loop3A_1205 = arith.index_cast %parallel_loop3A_1204 : i32 to index
          %parallel_loop3A_1206 = arith.index_cast %parallel_loop3A_1148 : i32 to index
          %parallel_loop3A_1207 = arith.constant 48 : index
          %parallel_loop3A_1208 = tpu.vector_load %arg11[%parallel_loop3A_1205, %parallel_loop3A_1206, %parallel_loop3A_1207] {strides = array<i32>} : memref<3x80x64xf32, #tpu.memory_space<vmem>>, vector<1x1x16xf32>,
          %parallel_loop3A_1209 = vector.shape_cast %parallel_loop3A_1208 : vector<1x1x16xf32> to vector<16xf32>
          %parallel_loop3A_1210 = vector.shape_cast %parallel_loop3A_1203 : vector<16xf32> to vector<1x1x16xf32>
          tpu.vector_store %arg11[%parallel_loop3A_1205, %parallel_loop3A_1206, %parallel_loop3A_1207], %parallel_loop3A_1210 {strides = array<i32>} : memref<3x80x64xf32, #tpu.memory_space<vmem>>, vector<1x1x16xf32>,
        } {sc.loop_unroll_factor = 1 : i64, sc.parallel_access}
        %dma_start3A_134 = arith.constant 2 : i32
        %dma_start3A_135 = arith.constant 2 : i32
        %dma_start3A_136 = arith.constant 0 : i32
        %dma_start3A_137 = arith.constant 0 : i32
        %dma_start3A_138 = tpu.memref_slice %arg11[%dma_start3A_134, %dma_start3A_136, %dma_start3A_137] : memref<3x80x64xf32, #tpu.memory_space<vmem>> -> memref<1x80x64xf32, #tpu.memory_space<vmem>>
        %dma_start3A_139 = tpu.memref_squeeze %dma_start3A_138 : memref<1x80x64xf32, #tpu.memory_space<vmem>> -> memref<80x64xf32, #tpu.memory_space<vmem>>
        %dma_start3A_140 = arith.constant 0 : i32
        %dma_start3A_141 = tpu.memref_slice %arg9[%add3A_96, %dma_start3A_140] : memref<250x80xi32, #tpu.memory_space<vmem>> -> memref<1x80xi32, #tpu.memory_space<vmem>>
        %dma_start3A_142 = tpu.memref_squeeze %dma_start3A_141 : memref<1x80xi32, #tpu.memory_space<vmem>> -> memref<80xi32, #tpu.memory_space<vmem>>
        %dma_start3A_143 = arith.constant 0 : i32
        %dma_start3A_144 = arith.constant 0 : i32
        %dma_start3A_145 = tpu.memref_slice %arg14[%dma_start3A_143, %dma_start3A_144] : memref<10000x64xf32, #tpu.memory_space<vmem_shared>> -> memref<10000x64xf32, #tpu.memory_space<vmem_shared>>
        %dma_start3A_146 = tpu.memref_slice %arg16[%dma_start3A_135] : memref<3x!tpu.dma_semaphore, #tpu.memory_space<semaphore_mem>> -> memref<1x!tpu.dma_semaphore, #tpu.memory_space<semaphore_mem>>
        %dma_start3A_147 = tpu.memref_squeeze %dma_start3A_146 : memref<1x!tpu.dma_semaphore, #tpu.memory_space<semaphore_mem>> -> memref<!tpu.dma_semaphore, #tpu.memory_space<semaphore_mem>>
        tpu.enqueue_indirect_dma source(%dma_start3A_139 : memref<80x64xf32, #tpu.memory_space<vmem>>) target(%dma_start3A_145 : memref<10000x64xf32, #tpu.memory_space<vmem_shared>>) offsets(%dma_start3A_142 : memref<80xi32, #tpu.memory_space<vmem>>) semaphore(%dma_start3A_147 : memref<!tpu.dma_semaphore, #tpu.memory_space<semaphore_mem>>) {add = true}
      } else {
      }
    }
    %scan3A_53 = arith.constant 84 : i32
    %dma_wait3A = arith.constant 0 : i32
    %dma_wait3A_54 = arith.constant 249 : i32
    %dma_wait3A_55 = arith.constant 0 : i32
    %dma_wait3A_56 = arith.constant 0 : i32
    %dma_wait3A_57 = arith.constant 0 : i32
    %dma_wait3A_58 = tpu.memref_slice %arg11[%dma_wait3A, %dma_wait3A_56, %dma_wait3A_57] : memref<3x80x64xf32, #tpu.memory_space<vmem>> -> memref<1x80x64xf32, #tpu.memory_space<vmem>>
    %dma_wait3A_59 = tpu.memref_squeeze %dma_wait3A_58 : memref<1x80x64xf32, #tpu.memory_space<vmem>> -> memref<80x64xf32, #tpu.memory_space<vmem>>
    %dma_wait3A_60 = arith.constant 0 : i32
    %dma_wait3A_61 = tpu.memref_slice %arg9[%dma_wait3A_54, %dma_wait3A_60] : memref<250x80xi32, #tpu.memory_space<vmem>> -> memref<1x80xi32, #tpu.memory_space<vmem>>
    %dma_wait3A_62 = tpu.memref_squeeze %dma_wait3A_61 : memref<1x80xi32, #tpu.memory_space<vmem>> -> memref<80xi32, #tpu.memory_space<vmem>>
    %dma_wait3A_63 = arith.constant 0 : i32
    %dma_wait3A_64 = arith.constant 0 : i32
    %dma_wait3A_65 = tpu.memref_slice %arg14[%dma_wait3A_63, %dma_wait3A_64] : memref<10000x64xf32, #tpu.memory_space<vmem_shared>> -> memref<10000x64xf32, #tpu.memory_space<vmem_shared>>
    %dma_wait3A_66 = tpu.memref_slice %arg16[%dma_wait3A_55] : memref<3x!tpu.dma_semaphore, #tpu.memory_space<semaphore_mem>> -> memref<1x!tpu.dma_semaphore, #tpu.memory_space<semaphore_mem>>
    %dma_wait3A_67 = tpu.memref_squeeze %dma_wait3A_66 : memref<1x!tpu.dma_semaphore, #tpu.memory_space<semaphore_mem>> -> memref<!tpu.dma_semaphore, #tpu.memory_space<semaphore_mem>>
    tpu.wait_indirect_dma semaphore(%dma_wait3A_67 : memref<!tpu.dma_semaphore, #tpu.memory_space<semaphore_mem>>) src(%dma_wait3A_59 : memref<80x64xf32, #tpu.memory_space<vmem>>) dst(%dma_wait3A_65 : memref<10000x64xf32, #tpu.memory_space<vmem_shared>>)
    %barrier3A_68 = arith.constant 0 : index
    tpu.barrier barrier_id(%barrier3A_68)
    %mul3A_69 = arith.constant 64 : i32
    %mul3A_70 = arith.muli %arg0, %mul3A_69 : i32
    %multiple_of3A_71 = tpu.assume_multiple %mul3A_70, 8 : i32
    "tpu.region"() ({
      %run_scoped3A = tpu.sem_alloc : memref<!tpu.dma_semaphore, #tpu.memory_space<semaphore_mem>>
      %dma_start3A_77 = tpu.memref_slice %arg7[%multiple_of3A, %multiple_of3A_71] : memref<10000x128xf32, #tpu.memory_space<hbm>> -> memref<624x64xf32, #tpu.memory_space<hbm>>
      %dma_start3A_78 = arith.constant 0 : i32
      %dma_start3A_79 = tpu.memref_slice %arg14[%multiple_of3A, %dma_start3A_78] : memref<10000x64xf32, #tpu.memory_space<vmem_shared>> -> memref<624x64xf32, #tpu.memory_space<vmem_shared>>
      tpu.enqueue_dma source(%dma_start3A_79 : memref<624x64xf32, #tpu.memory_space<vmem_shared>>) target(%dma_start3A_77 : memref<624x64xf32, #tpu.memory_space<hbm>>) target_semaphore(%run_scoped3A : memref<!tpu.dma_semaphore, #tpu.memory_space<semaphore_mem>>)
      %dma_wait3A_80 = tpu.memref_slice %arg7[%multiple_of3A, %multiple_of3A_71] : memref<10000x128xf32, #tpu.memory_space<hbm>> -> memref<624x64xf32, #tpu.memory_space<hbm>>
      %dma_wait3A_81 = arith.constant 0 : i32
      %dma_wait3A_82 = tpu.memref_slice %arg14[%multiple_of3A, %dma_wait3A_81] : memref<10000x64xf32, #tpu.memory_space<vmem_shared>> -> memref<624x64xf32, #tpu.memory_space<vmem_shared>>
      tpu.wait_dma2 semaphore(%run_scoped3A : memref<!tpu.dma_semaphore, #tpu.memory_space<semaphore_mem>>) src(%dma_wait3A_82 : memref<624x64xf32, #tpu.memory_space<vmem_shared>>) dst(%dma_wait3A_80 : memref<624x64xf32, #tpu.memory_space<hbm>>)
      tpu.yield
    }) : () -> ()
    %eq3A_72 = arith.constant 15 : i32
    %eq3A_73 = arith.cmpi eq, %arg1, %eq3A_72 : i32
    %convert_element_type3A_74 = arith.extui %eq3A_73 : i1 to i32
    %cond3A_75 = arith.constant 0 : i32
    %cond3A_76 = arith.cmpi ne, %convert_element_type3A_74, %cond3A_75 : i32
    scf.if %cond3A_76 {
      "tpu.region"() ({
        %run_scoped3A = tpu.sem_alloc : memref<!tpu.dma_semaphore, #tpu.memory_space<semaphore_mem>>
        %dma_start3A_77 = arith.constant 9984 : i32
        %dma_start3A_78 = tpu.memref_slice %arg7[%dma_start3A_77, %multiple_of3A_71] : memref<10000x128xf32, #tpu.memory_space<hbm>> -> memref<16x64xf32, #tpu.memory_space<hbm>>
        %dma_start3A_79 = arith.constant 9984 : i32
        %dma_start3A_80 = arith.constant 0 : i32
        %dma_start3A_81 = tpu.memref_slice %arg14[%dma_start3A_79, %dma_start3A_80] : memref<10000x64xf32, #tpu.memory_space<vmem_shared>> -> memref<16x64xf32, #tpu.memory_space<vmem_shared>>
        tpu.enqueue_dma source(%dma_start3A_81 : memref<16x64xf32, #tpu.memory_space<vmem_shared>>) target(%dma_start3A_78 : memref<16x64xf32, #tpu.memory_space<hbm>>) target_semaphore(%run_scoped3A : memref<!tpu.dma_semaphore, #tpu.memory_space<semaphore_mem>>)
        %dma_wait3A_82 = arith.constant 9984 : i32
        %dma_wait3A_83 = tpu.memref_slice %arg7[%dma_wait3A_82, %multiple_of3A_71] : memref<10000x128xf32, #tpu.memory_space<hbm>> -> memref<16x64xf32, #tpu.memory_space<hbm>>
        %dma_wait3A_84 = arith.constant 9984 : i32
        %dma_wait3A_85 = arith.constant 0 : i32
        %dma_wait3A_86 = tpu.memref_slice %arg14[%dma_wait3A_84, %dma_wait3A_85] : memref<10000x64xf32, #tpu.memory_space<vmem_shared>> -> memref<16x64xf32, #tpu.memory_space<vmem_shared>>
        tpu.wait_dma2 semaphore(%run_scoped3A : memref<!tpu.dma_semaphore, #tpu.memory_space<semaphore_mem>>) src(%dma_wait3A_86 : memref<16x64xf32, #tpu.memory_space<vmem_shared>>) dst(%dma_wait3A_83 : memref<16x64xf32, #tpu.memory_space<hbm>>)
        tpu.yield
      }) : () -> ()
    } else {
    }
    return
  }
}

module attributes {stable_mosaic.version = 14 : i64} {
  func.func @body(%arg0: i32, %arg1: memref<10000x128xf32, #tpu.memory_space<vmem>>, %arg2: memref<1x128x64xf32, #tpu.memory_space<vmem>>, %arg3: memref<1x10000x64xf32, #tpu.memory_space<vmem>>) attributes {dimension_semantics = [#tpu.dimension_semantics<arbitrary>], iteration_bounds = array<i64: 2>, scalar_prefetch = 0 : i64, scratch_operands = 0 : i64, tpu.core_type = #tpu.core_type<tc>, window_params = [{pipeline_mode = #tpu.pipeline_mode<synchronous>, transform_indices = @transform_0, window_bounds = array<i64: 10000, 128>}, {transform_indices = @transform_1, window_bounds = array<i64: 1, 128, 64>}, {transform_indices = @transform_2, window_bounds = array<i64: 1, 10000, 64>}]} {
    %get3A = arith.constant 0 : index
    %get3A_0 = arith.constant 0 : index
    %get3A_1 = vector.load %arg1[%get3A, %get3A_0] : memref<10000x128xf32, #tpu.memory_space<vmem>>, vector<10000x128xf32>
    %get3A_2 = arith.constant 0 : index
    %get3A_3 = arith.constant 0 : index
    %get3A_4 = arith.constant 0 : index
    %get3A_5 = vector.load %arg2[%get3A_2, %get3A_3, %get3A_4] : memref<1x128x64xf32, #tpu.memory_space<vmem>>, vector<1x128x64xf32>
    %get3A_6 = vector.shape_cast %get3A_5 : vector<1x128x64xf32> to vector<128x64xf32>
    %dot_general3A = arith.constant dense<0.000000e+00> : vector<10000x64xf32>
    %dot_general3A_7 = tpu.matmul %get3A_1, %get3A_6, %dot_general3A {dimension_numbers = #tpu.dot_dimension_numbers<[1], [0], [0], [1], [0, 0, 1, 1], [], []>, transpose_lhs_hint = false} : vector<10000x128xf32>, vector<128x64xf32>, vector<10000x64xf32> -> vector<10000x64xf32>
    %swap3A = arith.constant 0 : index
    %swap3A_8 = arith.constant 0 : index
    %swap3A_9 = arith.constant 0 : index
    %swap3A_10 = vector.load %arg3[%swap3A, %swap3A_8, %swap3A_9] : memref<1x10000x64xf32, #tpu.memory_space<vmem>>, vector<1x10000x64xf32>
    %swap3A_11 = vector.shape_cast %swap3A_10 : vector<1x10000x64xf32> to vector<10000x64xf32>
    %swap3A_12 = vector.shape_cast %dot_general3A_7 : vector<10000x64xf32> to vector<1x10000x64xf32>
    tpu.vector_store %arg3[%swap3A, %swap3A_8, %swap3A_9], %swap3A_12 {strides = array<i32>} : memref<1x10000x64xf32, #tpu.memory_space<vmem>>, vector<1x10000x64xf32>,
    return
  }
  func.func @transform_0(%arg0: i32) -> (i32, i32) {
    %c0_i32 = arith.constant 0 : i32
    %c0_i32_0 = arith.constant 0 : i32
    %c0_i32_1 = arith.constant 0 : i32
    return %c0_i32, %c0_i32_0 : i32, i32
  }
  func.func @transform_1(%arg0: i32) -> (i32, i32, i32) {
    %c0_i32 = arith.constant 0 : i32
    %c0_i32_0 = arith.constant 0 : i32
    %c0_i32_1 = arith.constant 0 : i32
    return %arg0, %c0_i32, %c0_i32_0 : i32, i32, i32
  }
  func.func @transform_2(%arg0: i32) -> (i32, i32, i32) {
    %c0_i32 = arith.constant 0 : i32
    %c0_i32_0 = arith.constant 0 : i32
    %c0_i32_1 = arith.constant 0 : i32
    return %arg0, %c0_i32, %c0_i32_0 : i32, i32, i32
  }
}

</mosaic_0001>

<sc_bundles>
// kernel: kernel.4.cloned.1.call-start
scs
__scs_entry_jumppad:
0x0: {  	(pc) =	sbr.rel $0x88, $3  }
0x1: {  	(tag) =	ssettag $0x0;
	lr =	simm.s32 $0x1  }
0x2: {  	[smem:$0x3F9C] =	sst lr;
	_ =	strace $0xD0000000  }
0x3: {  	_ = 	snop  }
0x4: {  	_ = 	snop  }
0x5: {  	_ = 	snop  }
0x6: {  	_ = 	snop  }
0x7: {  	_ = 	snop  }
__scs_overlays_trampoline_lowered:
0x8: {  	[smem:$0x3FAB] =	sst s0  }
0x9: {  	[smem:$0x3FAC] =	sst s1  }
0xa: {  	[smem:$0x3FAD] =	sst s2  }
0xb: {  	[smem:$0x3FAE] =	sst s3  }
0xc: {  	[smem:$0x3FAF] =	sst s4  }
0xd: {  	[smem:$0x3FB0] =	sst s5  }
0xe: {  	[smem:$0x3FB1] =	sst s6  }
0xf: {  	[smem:$0x3FB2] =	sst s7  }
0x10: {  	[smem:$0x3FB3] =	sst s8  }
0x11: {  	[smem:$0x3FB4] =	sst s9;
	s0 =	simm.s32 @!p0 $0x0  }
0x12: {  	s1 =	sld [smem:$0x3F9A];
	s0 =	simm.s32 @p0 $0x1  }
0x13: {  	[smem:$0x3FB5] =	sst s0;
	s0 =	simm.s32 @!p1 $0x0  }
0x14: {  	s2 =	sld [smem:$0x3F99];
	s0 =	simm.s32 @p1 $0x1  }
0x15: {  	[smem:$0x3FB6] =	sst s0;
	s0 =	simm.s32 @!p2 $0x0  }
0x16: {  	s3 =	sld [smem:$0x3FDB];
	s0 =	simm.s32 @p2 $0x1  }
0x17: {  	s4 =	simm.s32 $0x1BF5;
	[smem:$0x3FB8] =	sst s0  }
0x18: {  	s0 =	sld [smem:$0x3F9B];
	_ =	swait.ge [sflag:s4], $0x0  }
0x19: {  	s7 =	sld [smem:$0x3F9C]  }
0x1a: {  	s8 =	sadd.s32 $0xFFFFE003, lr  }
0x1b: {  	s9 =	sadd.s32 $0xFFFFFEF7, lr;
	s5 =	simm.s32 $0xFFFFFFFF;
	p2 =	slt.u32 s8, $0xFFFFF086  }
0x1c: {  	p1 =	slt.u32 s9, $0xF7A;
	s5 =	simm.s32 @!p2 $0x0  }
0x1d: {  	s5 =	simm.s32 @p1 $0x1;
	p0 =	seq.s32 s7, s2  }
0x1e: {  	s7 =	smul.u32 @!p0 $0xF7A, s2;
	p2 =	seq.s32 @!p0 s5, $0x0  }
0x1f: {  	s9 =	smul.u32 $0xF7A, s1;
	s8 =	simm.s32 @!p0 $0x1BF5;
	p2 =	por !p2, p0  }
0x20: {  	[sflag:s8] =	ssyncset.s32 @!p0 $0xFFFFF086;
	s6 =	sadd.s32 @!p0 s3, s7;
	s7 =	simm.s32 @!p0 $0x108  }
0x21: {  	s3 =	sadd.s32 s3, s9;
	s6 =	sadd.s32 @!p0 $0x88, s6;
	s7 =	simm.s32 @p2 $0x1082  }
0x22: {  	[simem:s7], [sflag:s8] =	dma.local @!p0 [hbm:s6], $0xF7A  }
0x23: {  	s9 =	sor.u32 $0xD0000000, s2;
	s6 =	simm.s32 $0x108;
	_ =	swait.ge @!p0 [sflag:s8], $0x0  }
0x24: {  	s3 =	sadd.s32 $0x88, s3;
	s6 =	simm.s32 @!p1 $0x1082;
	[sflag:s4] =	ssyncset.s32 $0xFFFFF086  }
0x25: {  	[simem:s6], [sflag:s4] =	dma.local [hbm:s3], $0xF7A  }
0x26: {  	[smem:$0x3F9C] =	sst s1;
	(tag) =	ssettag s2;
	_ =	strace s9  }
0x27: {  	s1 =	sld [smem:$0x3FAC]  }
0x28: {  	s2 =	sld [smem:$0x3FAD]  }
0x29: {  	s4 =	sld [smem:$0x3FAF]  }
0x2a: {  	p0 =	seq.s32 s5, $0x0;
	s5 =	sld [smem:$0x3FB0]  }
0x2b: {  	s6 =	sld [smem:$0x3FB1]  }
0x2c: {  	s7 =	sld [smem:$0x3FB2]  }
0x2d: {  	s3 =	simm.s32 $0x108;
	s8 =	sld [smem:$0x3FB3]  }
0x2e: {  	s3 =	simm.s32 @!p0 $0x1082;
	s9 =	sld [smem:$0x3FB4]  }
0x2f: {  	lr =	sadd.s32 s0, s3;
	s0 =	sld [smem:$0x3FAB]  }
0x30: {  	s3 =	sld [smem:$0x3FAE]  }
0x31: {  	[smem:$0x3FB7] =	sst s10  }
0x32: {  	s10 =	sld [smem:$0x3FB5];
	_ =	sdelay $0x3  }
0x33: {  	p0 =	seq.s32 s10, $0x1;
	s10 =	sld [smem:$0x3FB7];
	_ =	sdelay $0x3  }
0x34: {  	[smem:$0x3FB7] =	sst s10  }
0x35: {  	s10 =	sld [smem:$0x3FB6];
	_ =	sdelay $0x3  }
0x36: {  	p1 =	seq.s32 s10, $0x1;
	s10 =	sld [smem:$0x3FB7];
	_ =	sdelay $0x3  }
0x37: {  	[smem:$0x3FB7] =	sst s10  }
0x38: {  	s10 =	sld [smem:$0x3FB8]  }
0x39: {  	_ = 	snop;
	(pc) =	sbr.ind lr, $3  }
0x3a: {  	_ = 	snop  }
0x3b: {  	_ = 	snop  }
0x3c: {  	p2 =	seq.s32 s10, $0x1;
	s10 =	sld [smem:$0x3FB7]  }
0x3d: {  	_ =	shalt  }
0x3e: {  	_ =	shalt  }
0x3f: {  	_ =	shalt  }
0x40: {  	_ =	shalt  }
0x41: {  	_ =	shalt  }
0x42: {  	_ =	shalt  }
0x43: {  	_ =	shalt  }
0x44: {  	_ =	shalt  }
0x45: {  	_ =	shalt  }
0x46: {  	_ =	shalt  }
0x47: {  	_ =	shalt  }
0x48: {  	_ =	shalt  }
0x49: {  	_ =	shalt  }
0x4a: {  	_ =	shalt  }
0x4b: {  	_ =	shalt  }
0x4c: {  	_ =	shalt  }
0x4d: {  	_ =	shalt  }
0x4e: {  	_ =	shalt  }
0x4f: {  	_ =	shalt  }
0x50: {  	_ =	shalt  }
0x51: {  	_ =	shalt  }
0x52: {  	_ =	shalt  }
0x53: {  	_ =	shalt  }
0x54: {  	_ =	shalt  }
0x55: {  	_ =	shalt  }
0x56: {  	_ =	shalt  }
0x57: {  	_ =	shalt  }
0x58: {  	_ =	shalt  }
0x59: {  	_ =	shalt  }
0x5a: {  	_ =	shalt  }
0x5b: {  	_ =	shalt  }
0x5c: {  	_ =	shalt  }
0x5d: {  	_ =	shalt  }
0x5e: {  	_ =	shalt  }
0x5f: {  	_ =	shalt  }
0x60: {  	_ =	shalt  }
0x61: {  	_ =	shalt  }
0x62: {  	_ =	shalt  }
0x63: {  	_ =	shalt  }
0x64: {  	_ =	shalt  }
0x65: {  	_ =	shalt  }
0x66: {  	_ =	shalt  }
0x67: {  	_ =	shalt  }
0x68: {  	_ =	shalt  }
0x69: {  	_ =	shalt  }
0x6a: {  	_ =	shalt  }
0x6b: {  	_ =	shalt  }
0x6c: {  	_ =	shalt  }
0x6d: {  	_ =	shalt  }
0x6e: {  	_ =	shalt  }
0x6f: {  	_ =	shalt  }
0x70: {  	_ =	shalt  }
0x71: {  	_ =	shalt  }
0x72: {  	_ =	shalt  }
0x73: {  	_ =	shalt  }
0x74: {  	_ =	shalt  }
0x75: {  	_ =	shalt  }
0x76: {  	_ =	shalt  }
0x77: {  	_ =	shalt  }
0x78: {  	_ =	shalt  }
0x79: {  	_ =	shalt  }
0x7a: {  	_ =	shalt  }
0x7b: {  	_ =	shalt  }
0x7c: {  	_ =	shalt  }
0x7d: {  	_ =	shalt  }
0x7e: {  	_ =	shalt  }
0x7f: {  	_ =	shalt  }
0x80: {  	_ =	shalt  }
0x81: {  	_ =	shalt  }
0x82: {  	_ =	shalt  }
0x83: {  	_ =	shalt  }
0x84: {  	_ =	shalt  }
0x85: {  	_ =	shalt  }
0x86: {  	_ =	shalt  }
0x87: {  	_ =	shalt  }
.Lfunc_end0:
.L_simem_size_0:
called_computation_lowered:
.L_overlay_start_0:
0x88: {  	s2 =	sld [smem:$0x3FD9]  }
0x89: {  	s3 =	sld [smem:$0x3FFE];
	_ =	sdelay $0x1  }
0x8a: {  	s1 =	srdreg.scid  }
0x8b: {  	s0 =	sand.u32 $0x1, s1  }
0x8c: {  	s17 =	sshll.u32 s0, $0xA;
	s2 =	sadd.s32 s3, s2  }
0x8d: {  	s2 =	sadd.s32 s2, s17  }
0x8e: {  	[smem:$0x3FC3] =	sst s2  }
0x8f: {  	_ = 	snop  }
0x90: {  	s2 =	sld [smem:$0x3FC7]  }
0x91: {  	s18 =	sld [smem:$0x3FD0];
	(tm) =	ssettm $0x1  }
0x92: {  	s4 =	sld [smem:$0x3FFB];
	_ =	sdelay $0x3  }
0x93: {  	_ =	strace s4  }
0x94: {  	s4 =	sld [smem:$0x3FFC];
	_ =	sdelay $0x3  }
0x95: {  	_ =	strace s4  }
0x96: {  	s4 =	sld [smem:$0x3FFD];
	_ =	sdelay $0x3  }
0x97: {  	_ =	strace s4  }
0x98: {  	_ =	strace $0x8FFFFFFF  }
0x99: {  	s19 =	sld [smem:$0x3FDB];
	_ =	sdelay $0x1  }
0x9a: {  	s5 =	simm.s32 $_scs_section_size  }
0x9b: {  	s6 =	simm.s32 $_size__tile_overlayer_lowered;
	s7 =	simm.s32 $_tile_overlayer_lowered  }
0x9c: {  	s22 =	simm.s32 $0x1BFF;
	s21 =	sshll.u32 s7, $0x1;
	s4 =	sadd.s32 s5, s19  }
0x9d: {  	s8 =	simm.s32 $0x0;
	s20 =	sshll.u32 s6, $0x1;
	s6 =	sadd.s32 s21, s4  }
0x9e: {  	[timem:s8], [sflag:s22] =	dma.local [hbm:s6], s20  }
0x9f: {  	_ =	swait.ge [sflag:s22], s20  }
0xa0: {  	s5 =	ssub.s32 $0x0, s20;
	[sflag:s22] =	ssyncset.done $0x0  }
0xa1: {  	[sflag:s22] =	ssyncadd.s32 s5;
	_ =	sdelay $0x1  }
0xa2: {  	s23 =	simm.s32 $0x1B8B  }
0xa3: {  	_ =	swait.ge [sflag:s23], $0x1  }
0xa4: {  	[sflag:s23] =	ssyncset.done $0x0  }
0xa5: {  	s25 =	simm.s32 $0x1B8E;
	s24 =	sld [smem:$0x3FFE];
	[sflag:s23] =	ssyncadd.s32 $0xFFFFFFFF  }
0xa6: {  	s26 =	simm.s32 $execute0_lowered;
	[smem:$0x3FD2] =	sst s25  }
0xa7: {  	s6 =	sshll.u32 s26, $0x1;
	_ =	strace $0x80000046;
	[dreg:$0x1] =	wrdreg $0xFFFFFFFF  }
0xa8: {  	s28 =	simm.s32 $_size_execute0_lowered;
	s4 =	sadd.s32 s4, s6;
	[dreg:$0x0] =	wrdreg $0x0  }
0xa9: {  	s6 =	sshll.u32 s28, $0x1;
	[dreg:$0x2] =	wrdreg s4  }
0xaa: {  	[dreg:$0x3] =	wrdreg s6  }
0xab: {  	[dreg:$0x4] =	wrdreg $0xC0  }
0xac: {  	_ =	task [dreg:s8], $0x5FFFF  }
0xad: {  	[dreg:$0x1] =	wrdreg $0xFFFFFFFF  }
0xae: {  	[dreg:$0x0] =	wrdreg $0x60  }
0xaf: {  	[dreg:$0x2] =	wrdreg s24  }
0xb0: {  	[dreg:$0x3] =	wrdreg s2  }
0xb1: {  	[dreg:$0x4] =	wrdreg s18  }
0xb2: {  	[dreg:$0x5] =	wrdreg $0x15AA00  }
0xb3: {  	[dreg:$0x6] =	wrdreg $0x9  }
0xb4: {  	_ =	task.clear_ibuf [dreg:s8], $0x7FFFF;
	_ =	strace $0x90000046  }
0xb5: {  	s29 =	simm.s32 $0x9;
	_ =	strace $0x80000048  }
0xb6: {  	_ =	swait.ge [sflag:s29], $0x1  }
0xb7: {  	[sflag:s29] =	ssyncadd.s32 $0xFFFFFFFF  }
0xb8: {  	_ =	strace $0x90000048  }
0xb9: {  	_ =	sfence  }
0xba: {  	s30 =	sld [smem:$0x0];
	_ =	sdelay $0x2  }
0xbb: {  	s31 =	sshll.u32 s1, $0xD;
	s1 =	sshrl.u32 s1, $0x2  }
0xbc: {  	s3 =	sand.u32 $0x4000, s31;
	s1 =	sadd.s32 s1, s30  }
0xbd: {  	s0 =	sor.u32 s3, s0;
	s1 =	sshll.u32 s1, $0x11  }
0xbe: {  	s0 =	sor.u32 s1, s0  }
0xbf: {  	s0 =	sadd.s32 $0x8F2B, s0  }
0xc0: {  	[sflag:s0] =	ssyncadd.remote.s32 $0x1  }
0xc1: {  	_ =	sfence.sel $0xFFFF  }
0xc2: {  	[dreg:$0x0] =	wrdreg $0xFFFFFFFF;
	(pc) =	sbr.abs _section_cstart, $3  }
0xc3: {  	[dreg:$0x1] =	wrdreg $0xFFFFFFFF  }
0xc4: {  	_ =	task.clear_ibuf [dreg:s8], $0x2FFFF;
	_ =	strace $0x9FFFFFFF  }
0xc5: {  	(tm) =	ssettm $0x7FFFFFFF  }
tec
execute0_lowered:
.L_overlay_start_1:
0x0: {  	(tag) =	ssettag $0x1  }
0x1: {  	s0 =	rddreg [dreg:$0x0]  }
0x2: {  	s1 =	rddreg [dreg:$0x1]  }
0x3: {  	s4 =	rddreg [dreg:$0x2]  }
0x4: {  	s2 =	rddreg [dreg:$0x3];
	s17 =	stileid.u32;
	s3 =	simm.s32 $0x0  }
0x5: {  	s6 =	srdreg.scid;
	s16 =	simm.s32 $0x7;
	s29 =	simm.s32 $0x2  }
0x6: {  	s30 =	simm.s32 $0x3;
	s31 =	simm.s32 $0x5;
	s5 =	smul.u32 $0x9C4, s17  }
0x7: {  	[smem:$0x7FF] =	sst s3;
	s6 =	sand.u32 $0x1, s6;
	s11 =	smul.u32 $0x27000, s17  }
0x8: {  	s22 =	smul.u32 $0x13800, s17;
	p0 =	sne.s32 s17, $0xF;
	s17 =	simm.s32 $0x0  }
0x9: {  	_ =	strace $0x80000047;
	s8 =	ssub.s32 $0x2, s6;
	s9 =	sshll.u32 s6, $0x3  }
0xa: {  	s21 =	sshll.u32 s6, $0x6;
	s6 =	smul.u32 $0x13880, s6;
	s7 =	sadd.s32 s5, s0  }
0xb: {  	s10 =	sshrl.u32 s8, $0x1;
	s12 =	sadd.s32 s9, s0;
	s1 =	sadd.s32 s1, s5  }
0xc: {  	s20 =	sshrl.u32 s11, $0x2;
	s11 =	sadd.s32 $0x9C000, s2;
	s28 =	sadd.s32 s9, s4  }
0xd: {  	s8 =	ssub.s32 s8, s10;
	s19 =	sadd.s32 $0x31200, s7;
	s7 =	sadd.s32 $0x27400, s7  }
0xe: {  	[dreg:$0x7] =	wrdreg s1;
	s23 =	sadd.s32 $0x27200, s12;
	s1 =	sor.u32 s21, s22  }
0xf: {  	s12 =	sadd.s32 s0, s6;
	s14 =	sadd.s32 $0x27000, s28;
	s21 =	simm.s32 $0x50  }
0x10: {  	s22 =	simm.s32 $0xEA60;
	s0 =	simm.s32 $0x11260;
	[dreg:$0x5] =	wrdreg s19  }
.Ltmp0:
0x11: {  	[dreg:$0x6] =	wrdreg s7;
	s7 =	sadd.s32 s20, s2;
	(pc) =	sbr.rel .LBB2_1-.Ltmp0, $4  }
0x12: {  	[dreg:$0x8] =	wrdreg s23;
	s26 =	sshrl.u32 s1, $0x3;
	s15 =	smax.u32 s8, $0x1  }
0x13: {  	s20 =	simm.s32 $0x12660;
	s23 =	simm.s32 $0xFE60;
	s24 =	sadd.s32 $0x3400, s7  }
0x14: {  	s25 =	sadd.s32 $0x6800, s7;
	s13 =	sadd.s32 s4, s26;
	[dreg:$0x9] =	wrdreg s24  }
0x15: {  	[dreg:$0xa] =	wrdreg s25;
	s24 =	simm.s32 $0x1;
	s25 =	simm.s32 $0x4  }
.LBB2_12:
0x16: {  	_ =	swait.ge [sflag:s25], $0x1400  }
0x17: {  	s1 =	stileid.u32;
	s4 =	sshrl.u32 s7, $0x3;
	[sflag:s25] =	ssyncset.done $0x0  }
0x18: {  	s5 =	simm.s32 $0x10;
	s1 =	sshll.u32 s1, $0x6;
	[sflag:s25] =	ssyncadd.s32 $0xFFFFEC00  }
0x19: {  	s6 =	simm.s32 $0x8;
	s1 =	sor.u32 $0x1C07, s1;
	[bflag:$0x0] =	sbarrier.arrive $0xFFFF  }
0x1a: {  	[hbm:s13@s5], [sflag:s1] =	dma.strided [spmem:s4@s6], $0x1380, s24, $0x8   }
0x1b: {  	s8 =	simm.s32 @!p0 $0x8;
	s17 =	sadd.s32 $0x1, s17;
	_ =	swait.ge [sflag:s16], $0x1380  }
0x1c: {  	p1 =	sne.s32 s17, s15;
	s4 =	sshrl.u32 @!p0 s11, $0x3;
	[sflag:s16] =	ssyncset.done $0x0  }
0x1d: {  	s5 =	simm.s32 @!p0 $0x1;
	s6 =	simm.s32 @!p0 $0x10;
	[sflag:s16] =	ssyncadd.s32 $0xFFFFEC80  }
0x1e: {  	[hbm:s14@s6], [sflag:s1] =	dma.strided @!p0 [spmem:s4@s8], $0x80, s5, $0x8   }
.Ltmp1:
0x1f: {  	_ = 	snop;
	(pc) =	sbr.rel @!p1 .LBB2_13-.Ltmp1, $4  }
0x20: {  	s1 =	simm.s32 @!p0 $0x7  }
0x21: {  	_ =	swait.ge @!p0 [sflag:s1], $0x80  }
0x22: {  	[sflag:s1] =	ssyncset.done @!p0 $0x0  }
0x23: {  	[sflag:s1] =	ssyncadd.s32 @!p0 $0xFFFFFF80  }
.LBB2_1:
0x24: {  	s1 =	rddreg [dreg:$0x5]  }
0x25: {  	[tilespmem:s3], [sflag:$0x7] =	stream.linear.gather [hbm4b:s1+s3], $0x4E20, $0x38;
	[tilespmem:$0x1F6E0] =	vst v63  }
0x26: {  	_ =	swait.ge [sflag:s16], $0x4E20  }
0x27: {  	[sflag:s16] =	ssyncset.done $0x0  }
0x28: {  	s4 =	simm.s32 $0x4E20;
	s10 =	rddreg [dreg:$0x6];
	[sflag:s16] =	ssyncadd.s32 $0xFFFFB1E0  }
0x29: {  	[tilespmem:s4], [sflag:$0x7] =	stream.linear.gather [hbm4b:s10+s3], $0x4E20, $0x38;
	[tilespmem:$0x1F6E0] =	vst v63  }
0x2a: {  	_ =	swait.ge [sflag:s16], $0x4E20  }
0x2b: {  	[sflag:s16] =	ssyncset.done $0x0  }
0x2c: {  	s19 =	simm.s32 $0x9C40;
	s18 =	rddreg [dreg:$0x7];
	[sflag:s16] =	ssyncadd.s32 $0xFFFFB1E0  }
0x2d: {  	[tilespmem:s19], [sflag:$0x7] =	stream.linear.gather [hbm4b:s18+s3], $0x4E20, $0x38;
	[tilespmem:$0x1F6E0] =	vst v63  }
0x2e: {  	_ =	swait.ge [sflag:s16], $0x4E20  }
0x2f: {  	[sflag:s16] =	ssyncset.done $0x0  }
0x30: {  	s28 =	simm.s32 $0x15A60;
	s26 =	rddreg [dreg:$0x8];
	[sflag:s16] =	ssyncadd.s32 $0xFFFFB1E0  }
0x31: {  	[tilespmem:s28], [sflag:$0x7] =	stream.linear.gather [hbm4b:s26+s3], $0x40, $0x38;
	[tilespmem:$0x1F6E0] =	vst v63  }
0x32: {  	_ =	swait.ge [sflag:s16], $0x40  }
0x33: {  	[sflag:s16] =	ssyncset.done $0x0  }
0x34: {  	[sflag:s16] =	ssyncadd.s32 $0xFFFFFFC0  }
0x35: {  	s1 =	simm.s32 $0x100;
	s4 =	simm.s32 $0x0;
	v0 =	vld [tilespmem:$0x15A60]  }
.LBB2_2:
0x36: {  	p1 =	sne.s32 s1, $0xCF00;
	_ =	sdelay $0x2  }
0x37: {  	s5 =	sshra.s32 s4, $0x2;
	s4 =	smov.u32 s1  }
0x38: {  	[tilespmem:s5+$0x12660] =	vst v0  }
0x39: {  	v0 =	vld [tilespmem:$0x15A70];
	_ =	sdelay $0x4  }
0x3a: {  	[tilespmem:s5+$0x12670] =	vst v0  }
0x3b: {  	v0 =	vld [tilespmem:$0x15A80];
	_ =	sdelay $0x4  }
0x3c: {  	[tilespmem:s5+$0x12680] =	vst v0  }
0x3d: {  	v0 =	vld [tilespmem:$0x15A90];
	_ =	sdelay $0x1  }
.Ltmp2:
0x3e: {  	(pc) =	sbr.rel @p1 .LBB2_2-.Ltmp2, $3  }
0x3f: {  	_ =	sdelay $0x1  }
0x40: {  	[tilespmem:s5+$0x12690] =	vst v0  }
0x41: {  	s1 =	sadd.s32 $0x100, s1;
	v0 =	vld [tilespmem:$0x15A60]  }
0x42: {  	_ =	sdelay $0x2  }
0x43: {  	s1 =	sshra.s32 s4, $0x2  }
0x44: {  	[tilespmem:s1+$0x12660] =	vst v0  }
0x45: {  	v0 =	vld [tilespmem:$0x15A70];
	_ =	sdelay $0x4  }
0x46: {  	[tilespmem:s1+$0x12670] =	vst v0  }
0x47: {  	v0 =	vld [tilespmem:$0x15A80];
	_ =	sdelay $0x4  }
0x48: {  	[tilespmem:s1+$0x12680] =	vst v0  }
0x49: {  	v0 =	vld [tilespmem:$0x15A90];
	_ =	sdelay $0x4  }
0x4a: {  	[tilespmem:s1+$0x12690] =	vst v0  }
0x4b: {  	[spmem:s7] =	stream.linear.scatter [tilespmem:s20], [sflag:$0x7], $0x3400, $0x38;
	[tilespmem:$0x1F6E0] =	vst v63  }
0x4c: {  	_ =	swait.ge [sflag:s16], $0x3400  }
0x4d: {  	[sflag:s16] =	ssyncset.done $0x0  }
0x4e: {  	s26 =	rddreg [dreg:$0x9];
	[sflag:s16] =	ssyncadd.s32 $0xFFFFCC00  }
0x4f: {  	[spmem:s26] =	stream.linear.scatter [tilespmem:s20], [sflag:$0x7], $0x3400, $0x38;
	[tilespmem:$0x1F6E0] =	vst v63  }
0x50: {  	_ =	swait.ge [sflag:s16], $0x3400  }
0x51: {  	[sflag:s16] =	ssyncset.done $0x0  }
0x52: {  	s28 =	rddreg [dreg:$0xa];
	[sflag:s16] =	ssyncadd.s32 $0xFFFFCC00  }
0x53: {  	[spmem:s28] =	stream.linear.scatter [tilespmem:s20], [sflag:$0x7], $0x3400, $0x38;
	[tilespmem:$0x1F6E0] =	vst v63  }
0x54: {  	_ =	swait.ge [sflag:s16], $0x3400  }
0x55: {  	[sflag:s16] =	ssyncset.done $0x0  }
0x56: {  	s1 =	simm.s32 @!p0 $0x12660;
	[sflag:s16] =	ssyncadd.s32 $0xFFFFCC00  }
0x57: {  	[spmem:s11] =	stream.linear.scatter @!p0 [tilespmem:s1], [sflag:$0x7], $0x400, $0x38;
	[tilespmem:$0x1F6E0] =	vst v63  }
0x58: {  	s1 =	simm.s32 @!p0 $0x7  }
0x59: {  	_ =	swait.ge @!p0 [sflag:s1], $0x400  }
0x5a: {  	[sflag:s1] =	ssyncset.done @!p0 $0x0  }
0x5b: {  	[sflag:s1] =	ssyncadd.s32 @!p0 $0xFFFFFC00  }
0x5c: {  	s18 =	simm.s32 $0x0;
	[bflag:$0x0] =	sbarrier.arrive $0xFFFF  }
0x5d: {  	[tilespmem:s22], [sflag:$0x1] =	stream.indirect.gather [hbm4b:s12+s21], $0x40, s18, s21, $0xb8;
	[tilespmem:$0x1F6E0] =	vst v63  }
0x5e: {  	s19 =	simm.s32 $0x9C90;
	s26 =	simm.s32 $0x9CE0  }
0x5f: {  	[tilespmem:s23], [sflag:$0x2] =	stream.indirect.gather [hbm4b:s12+s21], $0x40, s21, s21, $0xb8;
	[tilespmem:$0x1F6E0] =	vst v63  }
.LBB2_4:
0x60: {  	_ =	swait.ge [sflag:s24], $0x1400  }
0x61: {  	p1 =	seq.s32 s18, $0x0;
	[sflag:s24] =	ssyncset.done $0x0  }
0x62: {  	s1 =	simm.s32 @!p1 $0x6;
	[sflag:s24] =	ssyncadd.s32 $0xFFFFEC00  }
0x63: {  	_ =	swait.ge @!p1 [sflag:s1], $0x1400  }
0x64: {  	p2 =	seq.s32 @!p1 s18, $0x53;
	[sflag:s1] =	ssyncset.done @!p1 $0x0  }
0x65: {  	p2 =	por p1, !p2;
	[sflag:s1] =	ssyncadd.s32 @!p1 $0xFFFFEC00;
	s1 =	simm.s32 @!p1 $0x13740  }
0x66: {  	s1 =	smul.u32 @p2 $0x3C0, s18;
	_ =	sdelay $0x1  }
0x67: {  	s4 =	sshra.s32 @p2 s1, $0x2;
	s28 =	sshra.s32 s1, $0x2  }
0x68: {  	s4 =	sadd.s32 @p2 $0xA0, s4;
	s1 =	sadd.s32 $0x9C40, s28  }
0x69: {  	[tilespmem:s0], [sflag:$0x3] =	stream.indirect.gather @p2 [hbm4b:s12+s21], $0x40, s4, s21, $0xb8;
	[tilespmem:$0x1F6E0] =	vst v63  }
0x6a: {  	v1 =	vmov s1;
	s1 =	simm.s32 $0xEC60  }
0x6b: {  	v0 =	vld [tilespmem:s1+$0x1F0]  }
0x6c: {  	v4 =	vld [tilespmem:s1+$0xFFFFFE00]  }
0x6d: {  	v5 =	vld [tilespmem:s1+$0xFFFFFE10]  }
0x6e: {  	v6 =	vld [tilespmem:s1+$0xFFFFFE20]  }
0x6f: {  	v7 =	vld [tilespmem:s1+$0xFFFFFE30]  }
0x70: {  	v8 =	vld [tilespmem:s1+$0xFFFFFE40]  }
0x71: {  	s9 =	simm.s32 $0x0;
	v9 =	vld [tilespmem:s1+$0xFFFFFE50]  }
0x72: {  	v3 =	vld.idx.msk [tilespmem:v1+s9+$0x0 ss:$0x1], $0xffff  }
0x73: {  	v10 =	vld [tilespmem:s1+$0xFFFFFE60]  }
0x74: {  	v12 =	vld [tilespmem:s1+$0xFFFFFE80]  }
0x75: {  	v13 =	vld [tilespmem:s1+$0xFFFFFE90]  }
0x76: {  	v14 =	vld [tilespmem:s1+$0xFFFFFEA0]  }
0x77: {  	v15 =	vld [tilespmem:s1+$0xFFFFFEB0];
	v2 =	vbroadcast v3, $0xF  }
0x78: {  	v16 =	vld [tilespmem:s1+$0xFFFFFEC0];
	v11 =	vbroadcast v3, $0x0  }
0x79: {  	s4 =	simm.s32 $0xF060;
	v17 =	vld [tilespmem:s1+$0xFFFFFF50];
	v0 =	vmul.f32 v0, v2  }
0x7a: {  	v18 =	vld [tilespmem:s4+$0x1F0];
	v4 =	vmul.f32 v11, v4  }
0x7b: {  	v19 =	vld [tilespmem:s4+$0xFFFFFE00];
	v5 =	vmul.f32 v5, v11;
	[tilespmem:s1+$0x1F0] =	vst v0  }
0x7c: {  	v20 =	vld [tilespmem:s4+$0xFFFFFE10];
	v28 =	vbroadcast v3, $0x3;
	v7 =	vmul.f32 v7, v11;
	[tilespmem:s1+$0xFFFFFE00] =	vst v4  }
0x7d: {  	v0 =	vld [tilespmem:s1+$0xFFFFFE70];
	v4 =	vmul.f32 v6, v11;
	[tilespmem:s1+$0xFFFFFE10] =	vst v5;
	v6 =	vbroadcast v3, $0x1  }
0x7e: {  	v16 =	vmul.f32 v16, v28;
	v5 =	vld [tilespmem:s1+$0xFFFFFED0];
	[tilespmem:s1+$0xFFFFFE30] =	vst v7  }
0x7f: {  	v11 =	vld [tilespmem:s1+$0xFFFFFEE0];
	[tilespmem:s1+$0xFFFFFE20] =	vst v4;
	v4 =	vmul.f32 v8, v6  }
0x80: {  	v21 =	vld [tilespmem:s4+$0xFFFFFE20];
	[tilespmem:s1+$0xFFFFFEC0] =	vst v16;
	v8 =	vmul.f32 v9, v6  }
0x81: {  	v7 =	vld [tilespmem:s1+$0xFFFFFEF0];
	[tilespmem:s1+$0xFFFFFE40] =	vst v4;
	v4 =	vmul.f32 v10, v6  }
0x82: {  	v22 =	vld [tilespmem:s4+$0xFFFFFE30];
	[tilespmem:s1+$0xFFFFFE50] =	vst v8;
	v0 =	vmul.f32 v0, v6  }
0x83: {  	v23 =	vld [tilespmem:s4+$0xFFFFFE40];
	v10 =	vbroadcast v3, $0x2;
	v5 =	vmul.f32 v5, v28;
	[tilespmem:s1+$0xFFFFFE60] =	vst v4  }
0x84: {  	v9 =	vld [tilespmem:s1+$0xFFFFFF00];
	v11 =	vmul.f32 v11, v28;
	[tilespmem:s1+$0xFFFFFE70] =	vst v0  }
0x85: {  	v8 =	vld [tilespmem:s1+$0xFFFFFF10];
	v4 =	vmul.f32 v12, v10;
	[tilespmem:s1+$0xFFFFFED0] =	vst v5  }
0x86: {  	s10 =	simm.s32 $0x10;
	v6 =	vld [tilespmem:s1+$0xFFFFFF20];
	v7 =	vmul.f32 v7, v28;
	[tilespmem:s1+$0xFFFFFEE0] =	vst v11  }
0x87: {  	v14 =	vmul.f32 v14, v10;
	[tilespmem:s1+$0xFFFFFE80] =	vst v4;
	v4 =	vld.idx.msk [tilespmem:v1+s10+$0x0 ss:$0x1], $0xffff  }
0x88: {  	v46 =	vbroadcast v3, $0x4;
	v12 =	vld [tilespmem:s1+$0xFFFFFF30];
	v0 =	vmul.f32 v13, v10;
	[tilespmem:s1+$0xFFFFFEF0] =	vst v7  }
0x89: {  	v24 =	vld [tilespmem:s4+$0xFFFFFE50];
	v10 =	vmul.f32 v15, v10;
	[tilespmem:s1+$0xFFFFFEA0] =	vst v14  }
0x8a: {  	v25 =	vld [tilespmem:s1+$0xFFFFFF60];
	v9 =	vmul.f32 v9, v46;
	[tilespmem:s1+$0xFFFFFE90] =	vst v0  }
0x8b: {  	v27 =	vld [tilespmem:s4+$0xFFFFFE80];
	[tilespmem:s1+$0xFFFFFEB0] =	vst v10;
	v8 =	vmul.f32 v8, v46  }
0x8c: {  	v29 =	vld [tilespmem:s4+$0xFFFFFEA0];
	[tilespmem:s1+$0xFFFFFF00] =	vst v9;
	v6 =	vmul.f32 v6, v46;
	v0 =	vbroadcast v4, $0xF  }
0x8d: {  	v30 =	vld [tilespmem:s1+$0xFFFFFF70];
	[tilespmem:s1+$0xFFFFFF10] =	vst v8;
	v12 =	vmul.f32 v12, v46;
	v26 =	vbroadcast v4, $0x0  }
0x8e: {  	v45 =	vld [tilespmem:s1+$0xFFFFFF90];
	[tilespmem:s1+$0xFFFFFF20] =	vst v6;
	v18 =	vmul.f32 v18, v0  }
0x8f: {  	v47 =	vld [tilespmem:s1+$0xFFFFFFA0];
	[tilespmem:s1+$0xFFFFFF30] =	vst v12;
	v19 =	vmul.f32 v26, v19  }
0x90: {  	v14 =	vld [tilespmem:s4+$0xFFFFFE60];
	v20 =	vmul.f32 v20, v26;
	[tilespmem:s4+$0x1F0] =	vst v18  }
0x91: {  	v48 =	vld [tilespmem:s1+$0xFFFFFFB0];
	v31 =	vbroadcast v4, $0x1;
	v21 =	vmul.f32 v21, v26;
	[tilespmem:s4+$0xFFFFFE00] =	vst v19  }
0x92: {  	v15 =	vld [tilespmem:s4+$0xFFFFFE90];
	v22 =	vmul.f32 v22, v26;
	[tilespmem:s4+$0xFFFFFE10] =	vst v20  }
0x93: {  	v49 =	vld [tilespmem:s1+$0xFFFFFFC0];
	v23 =	vmul.f32 v23, v31;
	[tilespmem:s4+$0xFFFFFE20] =	vst v21  }
0x94: {  	v10 =	vld [tilespmem:s4+$0xFFFFFEB0];
	v51 =	vbroadcast v4, $0x2;
	v24 =	vmul.f32 v24, v31;
	[tilespmem:s4+$0xFFFFFE30] =	vst v22  }
0x95: {  	v16 =	vld [tilespmem:s4+$0xFFFFFEC0];
	v14 =	vmul.f32 v14, v31;
	[tilespmem:s4+$0xFFFFFE40] =	vst v23  }
0x96: {  	v5 =	vld [tilespmem:s4+$0xFFFFFED0];
	v27 =	vmul.f32 v27, v51;
	[tilespmem:s4+$0xFFFFFE50] =	vst v24  }
0x97: {  	v11 =	vld [tilespmem:s4+$0xFFFFFEE0];
	v15 =	vmul.f32 v15, v51;
	[tilespmem:s4+$0xFFFFFE60] =	vst v14  }
0x98: {  	v7 =	vld [tilespmem:s4+$0xFFFFFEF0];
	v55 =	vbroadcast v4, $0x3;
	v29 =	vmul.f32 v29, v51;
	[tilespmem:s4+$0xFFFFFE80] =	vst v27  }
0x99: {  	v9 =	vld [tilespmem:s4+$0xFFFFFF00];
	v10 =	vmul.f32 v10, v51;
	[tilespmem:s4+$0xFFFFFE90] =	vst v15  }
0x9a: {  	v8 =	vld [tilespmem:s4+$0xFFFFFF10];
	v16 =	vmul.f32 v16, v55;
	[tilespmem:s4+$0xFFFFFEA0] =	vst v29  }
0x9b: {  	v50 =	vld [tilespmem:s1+$0xFFFFFFD0];
	v5 =	vmul.f32 v5, v55;
	[tilespmem:s4+$0xFFFFFEB0] =	vst v10  }
0x9c: {  	v52 =	vld [tilespmem:s1+$0xFFFFFFE0];
	v60 =	vbroadcast v4, $0x4;
	v11 =	vmul.f32 v11, v55;
	[tilespmem:s4+$0xFFFFFEC0] =	vst v16  }
0x9d: {  	v53 =	vld [tilespmem:s1+$0x0];
	v7 =	vmul.f32 v7, v55;
	[tilespmem:s4+$0xFFFFFED0] =	vst v5  }
0x9e: {  	v56 =	vbroadcast v3, $0x6;
	v6 =	vld [tilespmem:s4+$0xFFFFFF20];
	v9 =	vmul.f32 v9, v60;
	[tilespmem:s4+$0xFFFFFEE0] =	vst v11  }
0x9f: {  	v12 =	vld [tilespmem:s4+$0xFFFFFF30];
	v8 =	vmul.f32 v8, v60;
	[tilespmem:s4+$0xFFFFFEF0] =	vst v7  }
0xa0: {  	v13 =	vld [tilespmem:s1+$0xFFFFFF40];
	v16 =	vmul.f32 v45, v56;
	[tilespmem:s4+$0xFFFFFF00] =	vst v9  }
0xa1: {  	v54 =	vld [tilespmem:s1+$0x10];
	v5 =	vmul.f32 v47, v56;
	[tilespmem:s4+$0xFFFFFF10] =	vst v8  }
0xa2: {  	v57 =	vld [tilespmem:s1+$0x20];
	v22 =	vmul.f32 v48, v56;
	[tilespmem:s1+$0xFFFFFF90] =	vst v16  }
0xa3: {  	v58 =	vld [tilespmem:s1+$0x40];
	v14 =	vbroadcast v3, $0x5;
	v6 =	vmul.f32 v6, v60;
	[tilespmem:s1+$0xFFFFFFA0] =	vst v5  }
0xa4: {  	v59 =	vld [tilespmem:s1+$0x50];
	v12 =	vmul.f32 v12, v60;
	[tilespmem:s1+$0xFFFFFFB0] =	vst v22  }
0xa5: {  	v61 =	vld [tilespmem:s1+$0x60];
	v13 =	vmul.f32 v13, v14;
	[tilespmem:s4+$0xFFFFFF20] =	vst v6  }
0xa6: {  	v62 =	vld [tilespmem:s4+$0xFFFFFFB0];
	v17 =	vmul.f32 v17, v14;
	[tilespmem:s4+$0xFFFFFF30] =	vst v12  }
0xa7: {  	v63 =	vld [tilespmem:s1+$0x70];
	v11 =	vbroadcast v3, $0x7;
	v15 =	vmul.f32 v25, v14;
	[tilespmem:s1+$0xFFFFFF40] =	vst v13  }
0xa8: {  	v33 =	vld [tilespmem:s1+$0x80];
	v14 =	vmul.f32 v30, v14;
	[tilespmem:s1+$0xFFFFFF50] =	vst v17  }
0xa9: {  	v18 =	vld [tilespmem:s4+$0xFFFFFE70];
	v7 =	vmul.f32 v49, v11;
	[tilespmem:s1+$0xFFFFFF60] =	vst v15  }
0xaa: {  	v39 =	vbroadcast v4, $0x6;
	v19 =	vld [tilespmem:s1+$0xFFFFFF80];
	v9 =	vmul.f32 v50, v11;
	[tilespmem:s1+$0xFFFFFF70] =	vst v14  }
0xab: {  	v16 =	vld [tilespmem:s4+$0xFFFFFF90];
	v8 =	vmul.f32 v52, v11;
	v6 =	vbroadcast v3, $0x8;
	[tilespmem:s1+$0xFFFFFFC0] =	vst v7  }
0xac: {  	v5 =	vld [tilespmem:s4+$0xFFFFFFA0];
	v22 =	vmul.f32 v62, v39;
	[tilespmem:s1+$0xFFFFFFD0] =	vst v9  }
0xad: {  	v13 =	vld [tilespmem:s4+$0xFFFFFF40];
	[tilespmem:s1+$0xFFFFFFE0] =	vst v8;
	v12 =	vmul.f32 v53, v6  }
0xae: {  	v17 =	vld [tilespmem:s4+$0xFFFFFF50];
	[tilespmem:s4+$0xFFFFFFB0] =	vst v22;
	v18 =	vmul.f32 v18, v31  }
0xaf: {  	v15 =	vld [tilespmem:s4+$0xFFFFFF60];
	v10 =	vmul.f32 v19, v56;
	[tilespmem:s1+$0x0] =	vst v12  }
0xb0: {  	v35 =	vbroadcast v4, $0x5;
	v14 =	vld [tilespmem:s4+$0xFFFFFF70];
	[tilespmem:s4+$0xFFFFFE70] =	vst v18;
	v16 =	vmul.f32 v16, v39  }
0xb1: {  	v7 =	vld [tilespmem:s4+$0xFFFFFFC0];
	[tilespmem:s1+$0xFFFFFF80] =	vst v10;
	v5 =	vmul.f32 v5, v39  }
0xb2: {  	v9 =	vld [tilespmem:s4+$0xFFFFFFD0];
	v13 =	vmul.f32 v13, v35;
	[tilespmem:s4+$0xFFFFFF90] =	vst v16  }
0xb3: {  	v8 =	vld [tilespmem:s4+$0xFFFFFFE0];
	v17 =	vmul.f32 v17, v35;
	[tilespmem:s4+$0xFFFFFFA0] =	vst v5  }
0xb4: {  	v34 =	vld [tilespmem:s1+$0x90];
	v43 =	vbroadcast v4, $0x7;
	v15 =	vmul.f32 v15, v35;
	[tilespmem:s4+$0xFFFFFF40] =	vst v13  }
0xb5: {  	v36 =	vld [tilespmem:s1+$0xB0];
	v14 =	vmul.f32 v14, v35;
	[tilespmem:s4+$0xFFFFFF50] =	vst v17  }
0xb6: {  	v19 =	vld [tilespmem:s1+$0x30];
	v7 =	vmul.f32 v7, v43;
	[tilespmem:s4+$0xFFFFFF60] =	vst v15  }
0xb7: {  	v37 =	vld [tilespmem:s1+$0xC0];
	v9 =	vmul.f32 v9, v43;
	[tilespmem:s4+$0xFFFFFF70] =	vst v14  }
0xb8: {  	v38 =	vld [tilespmem:s1+$0xD0];
	v8 =	vmul.f32 v8, v43;
	[tilespmem:s4+$0xFFFFFFC0] =	vst v7  }
0xb9: {  	v12 =	vld [tilespmem:s4+$0x0];
	v13 =	vmul.f32 v54, v6;
	[tilespmem:s4+$0xFFFFFFD0] =	vst v9  }
0xba: {  	v18 =	vld [tilespmem:s1+$0xFFFFFFF0];
	v5 =	vbroadcast v3, $0xA;
	v17 =	vmul.f32 v57, v6;
	[tilespmem:s4+$0xFFFFFFE0] =	vst v8  }
0xbb: {  	v10 =	vld [tilespmem:s4+$0xFFFFFF80];
	v6 =	vmul.f32 v19, v6;
	[tilespmem:s1+$0x10] =	vst v13  }
0xbc: {  	v40 =	vld [tilespmem:s1+$0xF0];
	v49 =	vbroadcast v4, $0x8;
	v45 =	vmul.f32 v33, v5;
	[tilespmem:s1+$0x20] =	vst v17  }
0xbd: {  	v41 =	vld [tilespmem:s1+$0x100];
	v7 =	vmul.f32 v34, v5;
	[tilespmem:s1+$0x30] =	vst v6  }
0xbe: {  	v42 =	vld [tilespmem:s1+$0x110];
	v12 =	vmul.f32 v12, v49;
	[tilespmem:s1+$0x80] =	vst v45  }
0xbf: {  	v44 =	vld [tilespmem:s1+$0x120];
	v15 =	vbroadcast v3, $0x9;
	v11 =	vmul.f32 v18, v11;
	[tilespmem:s1+$0x90] =	vst v7  }
0xc0: {  	v46 =	vld [tilespmem:s1+$0x130];
	v10 =	vmul.f32 v10, v39;
	[tilespmem:s4+$0x0] =	vst v12  }
0xc1: {  	v8 =	vbroadcast v3, $0xB;
	v18 =	vld [tilespmem:s1+$0xA0];
	v14 =	vmul.f32 v58, v15;
	[tilespmem:s1+$0xFFFFFFF0] =	vst v11  }
0xc2: {  	v51 =	vld [tilespmem:s1+$0x170];
	v16 =	vmul.f32 v61, v15;
	[tilespmem:s4+$0xFFFFFF80] =	vst v10  }
0xc3: {  	v13 =	vld [tilespmem:s4+$0x10];
	v12 =	vmul.f32 v38, v8;
	[tilespmem:s1+$0x40] =	vst v14  }
0xc4: {  	v17 =	vld [tilespmem:s4+$0x20];
	v10 =	vmul.f32 v59, v15;
	[tilespmem:s1+$0x60] =	vst v16  }
0xc5: {  	v6 =	vld [tilespmem:s4+$0x30];
	v15 =	vmul.f32 v63, v15;
	[tilespmem:s1+$0xD0] =	vst v12  }
0xc6: {  	v11 =	vld [tilespmem:s4+$0xFFFFFFF0];
	[tilespmem:s1+$0x50] =	vst v10;
	v9 =	vmul.f32 v18, v5  }
0xc7: {  	v19 =	vld [tilespmem:s1+$0xE0];
	[tilespmem:s1+$0x70] =	vst v15;
	v5 =	vmul.f32 v36, v5  }
0xc8: {  	v14 =	vld [tilespmem:s4+$0x40];
	v13 =	vmul.f32 v13, v49;
	[tilespmem:s1+$0xA0] =	vst v9  }
0xc9: {  	v55 =	vld [tilespmem:s4+$0xF0];
	v17 =	vmul.f32 v17, v49;
	[tilespmem:s1+$0xB0] =	vst v5  }
0xca: {  	v47 =	vld [tilespmem:s4+$0x80];
	v6 =	vmul.f32 v6, v49;
	[tilespmem:s4+$0x10] =	vst v13  }
0xcb: {  	v53 =	vbroadcast v4, $0x9;
	v10 =	vld [tilespmem:s4+$0x50];
	v11 =	vmul.f32 v11, v43;
	[tilespmem:s4+$0x20] =	vst v17  }
0xcc: {  	v15 =	vld [tilespmem:s4+$0x70];
	v13 =	vmul.f32 v19, v8;
	[tilespmem:s4+$0x30] =	vst v6  }
0xcd: {  	v48 =	vld [tilespmem:s1+$0x140];
	v14 =	vmul.f32 v14, v53;
	[tilespmem:s4+$0xFFFFFFF0] =	vst v11  }
0xce: {  	v50 =	vld [tilespmem:s1+$0x160];
	v11 =	vmul.f32 v37, v8;
	[tilespmem:s1+$0xE0] =	vst v13  }
0xcf: {  	v52 =	vld [tilespmem:s1+$0x180];
	v8 =	vmul.f32 v40, v8;
	[tilespmem:s4+$0x40] =	vst v14  }
0xd0: {  	v16 =	vld [tilespmem:s4+$0x60];
	v17 =	vbroadcast v3, $0xC;
	v10 =	vmul.f32 v10, v53;
	[tilespmem:s1+$0xC0] =	vst v11  }
0xd1: {  	v62 =	vld [tilespmem:s4+$0x170];
	v15 =	vmul.f32 v15, v53;
	[tilespmem:s1+$0xF0] =	vst v8  }
0xd2: {  	v56 =	vld [tilespmem:s4+$0x100];
	v6 =	vmul.f32 v41, v17;
	[tilespmem:s4+$0x50] =	vst v10  }
0xd3: {  	v7 =	vld [tilespmem:s4+$0x90];
	v14 =	vmul.f32 v42, v17;
	[tilespmem:s4+$0x70] =	vst v15  }
0xd4: {  	v9 =	vld [tilespmem:s4+$0xA0];
	v10 =	vmul.f32 v44, v17;
	v17 =	vmul.f32 v46, v17;
	[tilespmem:s1+$0x100] =	vst v6  }
0xd5: {  	v5 =	vld [tilespmem:s4+$0xB0];
	v6 =	vmul.f32 v16, v53;
	[tilespmem:s1+$0x110] =	vst v14;
	v16 =	vbroadcast v4, $0xA  }
0xd6: {  	v54 =	vld [tilespmem:s1+$0x1A0];
	[tilespmem:s1+$0x120] =	vst v10  }
0xd7: {  	v18 =	vld [tilespmem:s1+$0x150];
	[tilespmem:s1+$0x130] =	vst v17;
	v21 =	vmul.f32 v47, v16  }
0xd8: {  	v57 =	vld [tilespmem:s1+$0x1C0];
	[tilespmem:s4+$0x60] =	vst v6;
	v7 =	vmul.f32 v7, v16  }
0xd9: {  	v58 =	vld [tilespmem:s1+$0x1D0];
	v6 =	vbroadcast v3, $0xD;
	v9 =	vmul.f32 v9, v16;
	[tilespmem:s4+$0x80] =	vst v21  }
0xda: {  	v12 =	vld [tilespmem:s4+$0xD0];
	v5 =	vmul.f32 v5, v16;
	[tilespmem:s4+$0x90] =	vst v7  }
0xdb: {  	v19 =	vld [tilespmem:s1+$0x190];
	v15 =	vmul.f32 v48, v6;
	[tilespmem:s4+$0xA0] =	vst v9  }
0xdc: {  	v11 =	vld [tilespmem:s4+$0xC0];
	v18 =	vmul.f32 v18, v6;
	[tilespmem:s4+$0xB0] =	vst v5  }
0xdd: {  	v8 =	vld [tilespmem:s1+$0x1B0];
	v3 =	vbroadcast v3, $0xE;
	v7 =	vmul.f32 v50, v6;
	[tilespmem:s1+$0x140] =	vst v15  }
0xde: {  	v61 =	vld [tilespmem:s4+$0x160];
	v6 =	vmul.f32 v51, v6;
	[tilespmem:s1+$0x150] =	vst v18  }
0xdf: {  	v60 =	vbroadcast v4, $0xB;
	v13 =	vld [tilespmem:s4+$0xE0];
	v5 =	vmul.f32 v52, v3;
	[tilespmem:s1+$0x160] =	vst v7  }
0xe0: {  	v59 =	vld [tilespmem:s4+$0x130];
	v9 =	vmul.f32 v19, v3;
	[tilespmem:s1+$0x170] =	vst v6  }
0xe1: {  	v17 =	vld [tilespmem:s1+$0x1E0];
	v19 =	vbroadcast v4, $0xD;
	v7 =	vmul.f32 v11, v60;
	[tilespmem:s1+$0x180] =	vst v5  }
0xe2: {  	v14 =	vld [tilespmem:s4+$0x110];
	v11 =	vmul.f32 v12, v60;
	v12 =	vmul.f32 v8, v3;
	[tilespmem:s1+$0x190] =	vst v9  }
0xe3: {  	v10 =	vld [tilespmem:s4+$0x120];
	v5 =	vmul.f32 v57, v2;
	[tilespmem:s4+$0xC0] =	vst v7;
	v7 =	vmul.f32 v54, v3  }
0xe4: {  	v15 =	vld [tilespmem:s4+$0x140];
	v3 =	vmul.f32 v13, v60;
	[tilespmem:s4+$0xD0] =	vst v11;
	v11 =	vbroadcast v4, $0xC  }
0xe5: {  	v18 =	vld [tilespmem:s4+$0x150];
	v4 =	vbroadcast v4, $0xE;
	v13 =	vmul.f32 v55, v60;
	[tilespmem:s1+$0x1B0] =	vst v12  }
0xe6: {  	v6 =	vld [tilespmem:s4+$0x180];
	[tilespmem:s4+$0xE0] =	vst v3;
	v3 =	vmul.f32 v58, v2;
	v2 =	vmul.f32 v17, v2  }
0xe7: {  	v8 =	vld [tilespmem:s4+$0x190];
	[tilespmem:s1+$0x1A0] =	vst v7;
	v63 =	vmul.f32 v56, v11;
	v7 =	vmul.f32 v14, v11  }
0xe8: {  	v9 =	vld [tilespmem:s4+$0x1A0];
	[tilespmem:s1+$0x1C0] =	vst v5;
	v17 =	vmul.f32 v10, v11;
	v16 =	vmul.f32 v59, v11  }
0xe9: {  	[tilespmem:s4+$0xF0] =	vst v13;
	v10 =	vld [tilespmem:s4+$0x1B0];
	v13 =	vmul.f32 v61, v19;
	v14 =	vmul.f32 v62, v19  }
0xea: {  	s8 =	simm.s32 $0x20;
	s6 =	simm.s32 $0xC0;
	s5 =	simm.s32 $0xF060;
	v11 =	vmul.f32 v15, v19;
	v12 =	vmul.f32 v18, v19;
	v15 =	vld [tilespmem:s4+$0x1C0];
	[tilespmem:s4+$0x100] =	vst v63  }
.LBB2_5:
0xeb: {  	p1 =	sne.s32 s6, $0x100;
	v18 =	vld.idx.msk [tilespmem:v1+s8+$0x0 ss:$0x1], $0xffff;
	[tilespmem:s4+$0x110] =	vst v7;
	v5 =	vmul.f32 v6, v4  }
0xec: {  	[tilespmem:s4+$0x120] =	vst v17;
	v6 =	vmul.f32 v8, v4;
	v17 =	vld [tilespmem:s4+$0x1D0]  }
0xed: {  	s4 =	sadd.s32 $0x400, s4;
	[tilespmem:s5+$0x130] =	vst v16;
	v7 =	vmul.f32 v9, v4;
	v16 =	vld [tilespmem:s5+$0x1E0]  }
0xee: {  	v8 =	vld [tilespmem:s4+$0x1F0];
	[tilespmem:s5+$0x140] =	vst v11;
	v4 =	vmul.f32 v10, v4  }
0xef: {  	v19 =	vld [tilespmem:s4+$0xFFFFFE00];
	[tilespmem:s5+$0x150] =	vst v12;
	v12 =	vmul.f32 v15, v0  }
0xf0: {  	v15 =	vld [tilespmem:s4+$0xFFFFFE10];
	[tilespmem:s5+$0x160] =	vst v13  }
0xf1: {  	v13 =	vbroadcast v18, $0x0;
	v21 =	vbroadcast v18, $0xF;
	v20 =	vld [tilespmem:s4+$0xFFFFFE20];
	[tilespmem:s5+$0x170] =	vst v14  }
0xf2: {  	v22 =	vbroadcast v18, $0x1;
	v23 =	vbroadcast v18, $0x2;
	v14 =	vld [tilespmem:s4+$0xFFFFFE30];
	[tilespmem:s5+$0x180] =	vst v5  }
0xf3: {  	v25 =	vbroadcast v18, $0x3;
	v24 =	vld [tilespmem:s4+$0xFFFFFE40];
	v5 =	vmul.f32 v8, v21;
	[tilespmem:s5+$0x190] =	vst v6  }
0xf4: {  	v27 =	vbroadcast v18, $0x4;
	v28 =	vbroadcast v18, $0x5;
	v26 =	vld [tilespmem:s4+$0xFFFFFE50];
	[tilespmem:s5+$0x1A0] =	vst v7  }
0xf5: {  	v30 =	vbroadcast v18, $0x6;
	v11 =	vbroadcast v18, $0x7;
	v29 =	vld [tilespmem:s4+$0xFFFFFE60];
	[tilespmem:s4+$0x1F0] =	vst v5  }
0xf6: {  	v10 =	vbroadcast v18, $0x8;
	v9 =	vbroadcast v18, $0x9;
	v31 =	vld [tilespmem:s4+$0xFFFFFE70];
	[tilespmem:s5+$0x1B0] =	vst v4  }
0xf7: {  	v8 =	vbroadcast v18, $0xA;
	v7 =	vbroadcast v18, $0xB;
	v32 =	vld [tilespmem:s4+$0xFFFFFE80];
	[tilespmem:s5+$0x1C0] =	vst v12  }
0xf8: {  	v6 =	vbroadcast v18, $0xC;
	v5 =	vbroadcast v18, $0xD;
	v12 =	vld [tilespmem:s4+$0xFFFFFE90];
	[tilespmem:s1+$0x1D0] =	vst v3  }
0xf9: {  	v4 =	vbroadcast v18, $0xE;
	v3 =	vmul.f32 v13, v19;
	v19 =	vld [tilespmem:s4+$0xFFFFFEA0];
	[tilespmem:s1+$0x1E0] =	vst v2;
	s1 =	smov.u32 s5;
	s5 =	smov.u32 s4  }
0xfa: {  	v2 =	vmul.f32 v15, v13;
	v15 =	vmul.f32 v20, v13;
	v18 =	vld [tilespmem:s4+$0xFFFFFEB0]  }
0xfb: {  	[tilespmem:s4+$0xFFFFFE00] =	vst v3;
	v3 =	vmul.f32 v14, v13;
	v13 =	vmul.f32 v24, v22;
	v14 =	vld [tilespmem:s4+$0xFFFFFEC0]  }
0xfc: {  	v20 =	vmul.f32 v29, v22;
	[tilespmem:s4+$0xFFFFFE10] =	vst v2;
	v2 =	vmul.f32 v26, v22;
	v24 =	vld [tilespmem:s4+$0xFFFFFED0]  }
0xfd: {  	[tilespmem:s4+$0xFFFFFE20] =	vst v15;
	v15 =	vmul.f32 v31, v22;
	v22 =	vmul.f32 v32, v23;
	v26 =	vld [tilespmem:s4+$0xFFFFFEE0]  }
0xfe: {  	v12 =	vmul.f32 v12, v23;
	[tilespmem:s4+$0xFFFFFE30] =	vst v3;
	v19 =	vmul.f32 v19, v23;
	v29 =	vld [tilespmem:s4+$0xFFFFFEF0]  }
0xff: {  	v3 =	vmul.f32 v17, v0;
	[tilespmem:s4+$0xFFFFFE40] =	vst v13;
	v13 =	vmul.f32 v18, v23;
	v18 =	vld [tilespmem:s4+$0xFFFFFF00]  }
0x100: {  	[tilespmem:s4+$0xFFFFFE50] =	vst v2;
	v14 =	vmul.f32 v14, v25;
	v17 =	vld [tilespmem:s4+$0xFFFFFF10];
	v2 =	vmul.f32 v16, v0;
	v0 =	vmov v21  }
0x101: {  	[tilespmem:s4+$0xFFFFFE60] =	vst v20;
	v16 =	vmul.f32 v24, v25;
	v20 =	vld [tilespmem:s4+$0xFFFFFF20]  }
0x102: {  	[tilespmem:s4+$0xFFFFFE70] =	vst v15;
	v15 =	vmul.f32 v26, v25;
	v21 =	vld [tilespmem:s4+$0xFFFFFF30]  }
0x103: {  	[tilespmem:s4+$0xFFFFFE80] =	vst v22;
	v22 =	vmul.f32 v29, v25;
	v23 =	vld [tilespmem:s4+$0xFFFFFF40]  }
0x104: {  	[tilespmem:s4+$0xFFFFFE90] =	vst v12;
	v12 =	vmul.f32 v18, v27;
	v18 =	vld [tilespmem:s4+$0xFFFFFF50]  }
0x105: {  	[tilespmem:s4+$0xFFFFFEA0] =	vst v19;
	v17 =	vmul.f32 v17, v27;
	v19 =	vld [tilespmem:s4+$0xFFFFFF60]  }
0x106: {  	[tilespmem:s4+$0xFFFFFEB0] =	vst v13;
	v13 =	vmul.f32 v20, v27;
	v20 =	vld [tilespmem:s4+$0xFFFFFF70]  }
0x107: {  	[tilespmem:s4+$0xFFFFFEC0] =	vst v14;
	v14 =	vmul.f32 v21, v27;
	v21 =	vld [tilespmem:s4+$0xFFFFFF80]  }
0x108: {  	[tilespmem:s4+$0xFFFFFED0] =	vst v16;
	v16 =	vmul.f32 v23, v28;
	v23 =	vld [tilespmem:s4+$0xFFFFFF90]  }
0x109: {  	[tilespmem:s4+$0xFFFFFEE0] =	vst v15;
	v15 =	vmul.f32 v18, v28;
	v18 =	vld [tilespmem:s4+$0xFFFFFFA0]  }
0x10a: {  	[tilespmem:s4+$0xFFFFFEF0] =	vst v22;
	v19 =	vmul.f32 v19, v28;
	v22 =	vld [tilespmem:s4+$0xFFFFFFB0]  }
0x10b: {  	[tilespmem:s4+$0xFFFFFF00] =	vst v12;
	v12 =	vmul.f32 v20, v28;
	v20 =	vld [tilespmem:s4+$0xFFFFFFC0]  }
0x10c: {  	[tilespmem:s4+$0xFFFFFF10] =	vst v17;
	v17 =	vmul.f32 v21, v30;
	v21 =	vld [tilespmem:s4+$0xFFFFFFD0]  }
0x10d: {  	[tilespmem:s4+$0xFFFFFF20] =	vst v13;
	v13 =	vmul.f32 v23, v30;
	v23 =	vld [tilespmem:s4+$0xFFFFFFE0]  }
0x10e: {  	[tilespmem:s4+$0xFFFFFF30] =	vst v14;
	v14 =	vmul.f32 v18, v30;
	v18 =	vld [tilespmem:s4+$0xFFFFFFF0]  }
0x10f: {  	[tilespmem:s4+$0xFFFFFF40] =	vst v16;
	v16 =	vmul.f32 v22, v30;
	v22 =	vld [tilespmem:s4+$0x0]  }
0x110: {  	[tilespmem:s4+$0xFFFFFF50] =	vst v15;
	v15 =	vmul.f32 v20, v11;
	v20 =	vld [tilespmem:s4+$0x10]  }
0x111: {  	[tilespmem:s4+$0xFFFFFF60] =	vst v19;
	v19 =	vmul.f32 v21, v11;
	v21 =	vld [tilespmem:s4+$0x20]  }
0x112: {  	[tilespmem:s4+$0xFFFFFF70] =	vst v12;
	v12 =	vmul.f32 v23, v11;
	v23 =	vld [tilespmem:s4+$0x30]  }
0x113: {  	[tilespmem:s4+$0xFFFFFF80] =	vst v17;
	v11 =	vmul.f32 v18, v11;
	v17 =	vld [tilespmem:s4+$0x40]  }
0x114: {  	[tilespmem:s4+$0xFFFFFF90] =	vst v13;
	v13 =	vmul.f32 v22, v10;
	v18 =	vld [tilespmem:s4+$0x50]  }
0x115: {  	[tilespmem:s4+$0xFFFFFFA0] =	vst v14;
	v14 =	vmul.f32 v20, v10;
	v20 =	vld [tilespmem:s4+$0x60]  }
0x116: {  	[tilespmem:s4+$0xFFFFFFB0] =	vst v16;
	v16 =	vmul.f32 v21, v10;
	v21 =	vld [tilespmem:s4+$0x70]  }
0x117: {  	[tilespmem:s4+$0xFFFFFFC0] =	vst v15;
	v10 =	vmul.f32 v23, v10;
	v15 =	vld [tilespmem:s4+$0x80]  }
0x118: {  	[tilespmem:s4+$0xFFFFFFD0] =	vst v19;
	v17 =	vmul.f32 v17, v9;
	v19 =	vld [tilespmem:s4+$0x90]  }
0x119: {  	[tilespmem:s4+$0xFFFFFFE0] =	vst v12;
	v12 =	vmul.f32 v18, v9;
	v18 =	vld [tilespmem:s4+$0xA0]  }
0x11a: {  	[tilespmem:s4+$0xFFFFFFF0] =	vst v11;
	v11 =	vmul.f32 v20, v9;
	v20 =	vld [tilespmem:s4+$0xB0]  }
0x11b: {  	[tilespmem:s4+$0x0] =	vst v13;
	v9 =	vmul.f32 v21, v9;
	v13 =	vld [tilespmem:s4+$0xC0]  }
0x11c: {  	[tilespmem:s4+$0x10] =	vst v14;
	v14 =	vmul.f32 v15, v8;
	v15 =	vld [tilespmem:s4+$0xD0]  }
0x11d: {  	[tilespmem:s4+$0x20] =	vst v16;
	v16 =	vmul.f32 v19, v8;
	v19 =	vld [tilespmem:s4+$0xE0]  }
0x11e: {  	[tilespmem:s4+$0x30] =	vst v10;
	v10 =	vmul.f32 v18, v8;
	v18 =	vld [tilespmem:s4+$0xF0]  }
0x11f: {  	[tilespmem:s4+$0x40] =	vst v17;
	v8 =	vmul.f32 v20, v8;
	v17 =	vld [tilespmem:s4+$0x100]  }
0x120: {  	[tilespmem:s4+$0x50] =	vst v12;
	v12 =	vmul.f32 v13, v7;
	v13 =	vld [tilespmem:s4+$0x110]  }
0x121: {  	[tilespmem:s4+$0x60] =	vst v11;
	v11 =	vmul.f32 v15, v7;
	v15 =	vld [tilespmem:s4+$0x120]  }
0x122: {  	[tilespmem:s4+$0x70] =	vst v9;
	v9 =	vmul.f32 v19, v7;
	v19 =	vld [tilespmem:s4+$0x130]  }
0x123: {  	[tilespmem:s4+$0x80] =	vst v14;
	v14 =	vmul.f32 v18, v7;
	v18 =	vld [tilespmem:s4+$0x140]  }
0x124: {  	[tilespmem:s4+$0x90] =	vst v16;
	v20 =	vmul.f32 v17, v6;
	v21 =	vld [tilespmem:s4+$0x150]  }
0x125: {  	[tilespmem:s4+$0xA0] =	vst v10;
	v7 =	vmul.f32 v13, v6;
	v10 =	vld [tilespmem:s4+$0x160]  }
0x126: {  	[tilespmem:s4+$0xB0] =	vst v8;
	v17 =	vmul.f32 v15, v6;
	v15 =	vld [tilespmem:s4+$0x170]  }
.Ltmp3:
0x127: {  	[tilespmem:s4+$0xC0] =	vst v12;
	v16 =	vmul.f32 v19, v6;
	v6 =	vld [tilespmem:s4+$0x180];
	(pc) =	sbr.rel @p1 .LBB2_5-.Ltmp3, $4  }
0x128: {  	[tilespmem:s4+$0xD0] =	vst v11;
	v11 =	vmul.f32 v18, v5;
	v8 =	vld [tilespmem:s4+$0x190]  }
0x129: {  	[tilespmem:s4+$0xE0] =	vst v9;
	v12 =	vmul.f32 v21, v5;
	v9 =	vld [tilespmem:s4+$0x1A0]  }
0x12a: {  	[tilespmem:s4+$0xF0] =	vst v14;
	v13 =	vmul.f32 v10, v5;
	v10 =	vld [tilespmem:s4+$0x1B0]  }
0x12b: {  	s8 =	sshra.s32 s6, $0x2;
	s6 =	sadd.s32 $0x40, s6;
	[tilespmem:s4+$0x100] =	vst v20;
	v14 =	vmul.f32 v15, v5;
	v15 =	vld [tilespmem:s4+$0x1C0]  }
0x12c: {  	[tilespmem:s4+$0x110] =	vst v7  }
0x12d: {  	[tilespmem:s4+$0x120] =	vst v17  }
0x12e: {  	[tilespmem:s1+$0x1D0] =	vst v3  }
0x12f: {  	[tilespmem:s1+$0x1E0] =	vst v2  }
0x130: {  	v5 =	vld [tilespmem:s4+$0x1D0];
	[tilespmem:s5+$0x130] =	vst v16  }
0x131: {  	[tilespmem:s5+$0x140] =	vst v11  }
0x132: {  	v7 =	vld.idx.msk [tilespmem:v1+s8+$0x0 ss:$0x1], $0xffff;
	[tilespmem:s5+$0x150] =	vst v12  }
0x133: {  	s9 =	sadd.s32 $0x400, s4;
	v12 =	vmul.f32 v6, v4;
	[tilespmem:s5+$0x160] =	vst v13  }
0x134: {  	v63 =	vld [tilespmem:s9+$0x1F0];
	v8 =	vmul.f32 v8, v4;
	[tilespmem:s5+$0x170] =	vst v14  }
0x135: {  	v17 =	vld [tilespmem:s9+$0xFFFFFE00];
	v9 =	vmul.f32 v9, v4;
	[tilespmem:s5+$0x180] =	vst v12  }
0x136: {  	v20 =	vld [tilespmem:s9+$0xFFFFFE10];
	[tilespmem:s5+$0x190] =	vst v8;
	v19 =	vmul.f32 v10, v4  }
0x137: {  	v22 =	vld [tilespmem:s9+$0xFFFFFE20];
	[tilespmem:s5+$0x1A0] =	vst v9;
	v21 =	vmul.f32 v15, v0;
	v6 =	vbroadcast v7, $0xF  }
0x138: {  	v24 =	vld [tilespmem:s9+$0xFFFFFE30];
	v23 =	vbroadcast v7, $0x0;
	[tilespmem:s5+$0x1B0] =	vst v19;
	v5 =	vmul.f32 v5, v0  }
0x139: {  	v25 =	vld [tilespmem:s9+$0xFFFFFE40];
	[tilespmem:s5+$0x1C0] =	vst v21;
	v18 =	vmul.f32 v63, v6  }
0x13a: {  	v26 =	vld [tilespmem:s9+$0xFFFFFE50];
	v27 =	vmul.f32 v23, v17;
	[tilespmem:s5+$0x1D0] =	vst v5  }
0x13b: {  	v28 =	vld [tilespmem:s9+$0xFFFFFE60];
	v29 =	vmul.f32 v20, v23;
	[tilespmem:s9+$0x1F0] =	vst v18  }
0x13c: {  	v31 =	vld [tilespmem:s9+$0xFFFFFE70];
	v30 =	vbroadcast v7, $0x1;
	v10 =	vmul.f32 v22, v23;
	[tilespmem:s9+$0xFFFFFE00] =	vst v27  }
0x13d: {  	v32 =	vld [tilespmem:s9+$0xFFFFFE80];
	v12 =	vmul.f32 v24, v23;
	[tilespmem:s9+$0xFFFFFE10] =	vst v29  }
0x13e: {  	v33 =	vld [tilespmem:s9+$0xFFFFFE90];
	v4 =	vmul.f32 v25, v30;
	[tilespmem:s9+$0xFFFFFE20] =	vst v10  }
0x13f: {  	v36 =	vld [tilespmem:s9+$0xFFFFFEB0];
	v9 =	vmul.f32 v26, v30;
	[tilespmem:s9+$0xFFFFFE30] =	vst v12  }
0x140: {  	v37 =	vld [tilespmem:s9+$0xFFFFFEC0];
	v35 =	vbroadcast v7, $0x2;
	v11 =	vmul.f32 v28, v30;
	[tilespmem:s9+$0xFFFFFE40] =	vst v4  }
0x141: {  	v41 =	vld [tilespmem:s9+$0xFFFFFEF0];
	v8 =	vmul.f32 v31, v30;
	[tilespmem:s9+$0xFFFFFE50] =	vst v9  }
0x142: {  	v43 =	vld [tilespmem:s9+$0xFFFFFF00];
	v3 =	vmul.f32 v32, v35;
	[tilespmem:s9+$0xFFFFFE60] =	vst v11  }
0x143: {  	v50 =	vld [tilespmem:s9+$0xFFFFFF40];
	v40 =	vbroadcast v7, $0x3;
	v2 =	vmul.f32 v33, v35;
	[tilespmem:s9+$0xFFFFFE70] =	vst v8  }
0x144: {  	v52 =	vld [tilespmem:s9+$0xFFFFFF50];
	v42 =	vmul.f32 v36, v35;
	[tilespmem:s9+$0xFFFFFE80] =	vst v3  }
0x145: {  	v34 =	vld [tilespmem:s9+$0xFFFFFEA0];
	v47 =	vbroadcast v7, $0x4;
	v44 =	vmul.f32 v37, v40;
	[tilespmem:s9+$0xFFFFFE90] =	vst v2  }
0x146: {  	v38 =	vld [tilespmem:s9+$0xFFFFFED0];
	v54 =	vbroadcast v7, $0x5;
	v49 =	vmul.f32 v41, v40;
	[tilespmem:s9+$0xFFFFFEB0] =	vst v42  }
0x147: {  	v39 =	vld [tilespmem:s9+$0xFFFFFEE0];
	v51 =	vmul.f32 v43, v47;
	[tilespmem:s9+$0xFFFFFEC0] =	vst v44  }
0x148: {  	v45 =	vld [tilespmem:s9+$0xFFFFFF10];
	v57 =	vmul.f32 v50, v54;
	[tilespmem:s9+$0xFFFFFEF0] =	vst v49  }
0x149: {  	v48 =	vld [tilespmem:s9+$0xFFFFFF30];
	v59 =	vmul.f32 v52, v54;
	[tilespmem:s9+$0xFFFFFF00] =	vst v51  }
0x14a: {  	v55 =	vld [tilespmem:s9+$0xFFFFFF70];
	v10 =	vmul.f32 v34, v35;
	[tilespmem:s9+$0xFFFFFF40] =	vst v57  }
0x14b: {  	v58 =	vld [tilespmem:s9+$0xFFFFFF90];
	v9 =	vmul.f32 v38, v40;
	[tilespmem:s9+$0xFFFFFF50] =	vst v59  }
0x14c: {  	v60 =	vld [tilespmem:s9+$0xFFFFFFA0];
	v11 =	vmul.f32 v39, v40;
	[tilespmem:s9+$0xFFFFFEA0] =	vst v10  }
0x14d: {  	v46 =	vld [tilespmem:s9+$0xFFFFFF20];
	v4 =	vmul.f32 v45, v47;
	[tilespmem:s9+$0xFFFFFED0] =	vst v9  }
0x14e: {  	v53 =	vld [tilespmem:s9+$0xFFFFFF60];
	v61 =	vbroadcast v7, $0x6;
	v3 =	vmul.f32 v48, v47;
	[tilespmem:s9+$0xFFFFFEE0] =	vst v11  }
0x14f: {  	v56 =	vld [tilespmem:s9+$0xFFFFFF80];
	v2 =	vmul.f32 v55, v54;
	[tilespmem:s9+$0xFFFFFF10] =	vst v4  }
0x150: {  	v62 =	vld [tilespmem:s9+$0xFFFFFFB0];
	v8 =	vmul.f32 v58, v61;
	[tilespmem:s9+$0xFFFFFF30] =	vst v3  }
0x151: {  	v19 =	vld [tilespmem:s9+$0xFFFFFFF0];
	v12 =	vmul.f32 v60, v61;
	[tilespmem:s9+$0xFFFFFF70] =	vst v2  }
0x152: {  	v21 =	vld [tilespmem:s9+$0x10];
	v10 =	vmul.f32 v46, v47;
	[tilespmem:s9+$0xFFFFFF90] =	vst v8  }
0x153: {  	v1 =	vld [tilespmem:s5+$0x1E0];
	v11 =	vmul.f32 v53, v54;
	[tilespmem:s9+$0xFFFFFFA0] =	vst v12  }
0x154: {  	v63 =	vld [tilespmem:s9+$0xFFFFFFC0];
	v18 =	vbroadcast v7, $0x7;
	v9 =	vmul.f32 v56, v61;
	[tilespmem:s9+$0xFFFFFF20] =	vst v10  }
0x155: {  	v22 =	vld [tilespmem:s9+$0x20];
	v23 =	vbroadcast v7, $0x8;
	v3 =	vmul.f32 v62, v61;
	[tilespmem:s9+$0xFFFFFF60] =	vst v11  }
0x156: {  	v16 =	vld [tilespmem:s9+$0xFFFFFFD0];
	v2 =	vmul.f32 v19, v18;
	[tilespmem:s9+$0xFFFFFF80] =	vst v9  }
0x157: {  	v17 =	vld [tilespmem:s9+$0xFFFFFFE0];
	v8 =	vmul.f32 v21, v23;
	[tilespmem:s9+$0xFFFFFFB0] =	vst v3  }
0x158: {  	v20 =	vld [tilespmem:s9+$0x0];
	v61 =	vmul.f32 v1, v0;
	[tilespmem:s9+$0xFFFFFFF0] =	vst v2  }
0x159: {  	v24 =	vld [tilespmem:s9+$0x30];
	v4 =	vmul.f32 v63, v18;
	[tilespmem:s9+$0x10] =	vst v8  }
0x15a: {  	v31 =	vld [tilespmem:s9+$0x90];
	v12 =	vmul.f32 v22, v23;
	[tilespmem:s5+$0x1E0] =	vst v61  }
0x15b: {  	v52 =	vld [tilespmem:s9+$0x1A0];
	v10 =	vmul.f32 v16, v18;
	[tilespmem:s9+$0xFFFFFFC0] =	vst v4  }
0x15c: {  	v25 =	vld [tilespmem:s9+$0x40];
	v11 =	vmul.f32 v17, v18;
	[tilespmem:s9+$0x20] =	vst v12  }
0x15d: {  	v33 =	vbroadcast v7, $0xA;
	v29 =	vld [tilespmem:s9+$0x70];
	v9 =	vmul.f32 v20, v23;
	[tilespmem:s9+$0xFFFFFFD0] =	vst v10  }
0x15e: {  	v32 =	vld [tilespmem:s9+$0xA0];
	v53 =	vbroadcast v7, $0xE;
	v3 =	vmul.f32 v24, v23;
	[tilespmem:s9+$0xFFFFFFE0] =	vst v11  }
0x15f: {  	v28 =	vbroadcast v7, $0x9;
	v51 =	vld [tilespmem:s9+$0x190];
	v8 =	vmul.f32 v31, v33;
	[tilespmem:s9+$0x0] =	vst v9  }
0x160: {  	v58 =	vld [tilespmem:s9+$0x1D0];
	v59 =	vmul.f32 v52, v53;
	[tilespmem:s9+$0x30] =	vst v3  }
0x161: {  	v60 =	vld [tilespmem:s9+$0x1E0];
	v4 =	vmul.f32 v25, v28;
	[tilespmem:s9+$0x90] =	vst v8  }
0x162: {  	v26 =	vld [tilespmem:s9+$0x50];
	v2 =	vmul.f32 v29, v28;
	[tilespmem:s9+$0x1A0] =	vst v59  }
0x163: {  	v27 =	vld [tilespmem:s9+$0x60];
	v12 =	vmul.f32 v32, v33;
	[tilespmem:s9+$0x40] =	vst v4  }
0x164: {  	v30 =	vld [tilespmem:s9+$0x80];
	v57 =	vmul.f32 v51, v53;
	[tilespmem:s9+$0x70] =	vst v2  }
0x165: {  	v34 =	vld [tilespmem:s9+$0xB0];
	v62 =	vmul.f32 v58, v6;
	[tilespmem:s9+$0xA0] =	vst v12  }
0x166: {  	v41 =	vld [tilespmem:s9+$0x110];
	v63 =	vmul.f32 v60, v6;
	[tilespmem:s9+$0x190] =	vst v57  }
0x167: {  	v35 =	vld [tilespmem:s9+$0xC0];
	v10 =	vmul.f32 v26, v28;
	[tilespmem:s9+$0x1D0] =	vst v62  }
0x168: {  	v39 =	vld [tilespmem:s9+$0xF0];
	v11 =	vmul.f32 v27, v28;
	[tilespmem:s9+$0x1E0] =	vst v63  }
0x169: {  	v43 =	vbroadcast v7, $0xC;
	v42 =	vld [tilespmem:s9+$0x120];
	v9 =	vmul.f32 v30, v33;
	[tilespmem:s9+$0x50] =	vst v10  }
0x16a: {  	v38 =	vbroadcast v7, $0xB;
	v47 =	vld [tilespmem:s9+$0x160];
	v3 =	vmul.f32 v34, v33;
	[tilespmem:s9+$0x60] =	vst v11  }
0x16b: {  	v36 =	vld [tilespmem:s9+$0xD0];
	v8 =	vmul.f32 v41, v43;
	[tilespmem:s9+$0x80] =	vst v9  }
0x16c: {  	v37 =	vld [tilespmem:s9+$0xE0];
	v4 =	vmul.f32 v35, v38;
	[tilespmem:s9+$0xB0] =	vst v3  }
0x16d: {  	v40 =	vld [tilespmem:s9+$0x100];
	v48 =	vbroadcast v7, $0xD;
	v2 =	vmul.f32 v39, v38;
	[tilespmem:s9+$0x110] =	vst v8  }
0x16e: {  	v44 =	vld [tilespmem:s9+$0x130];
	v12 =	vmul.f32 v42, v43;
	[tilespmem:s9+$0xC0] =	vst v4  }
0x16f: {  	v45 =	vld [tilespmem:s9+$0x140];
	v54 =	vmul.f32 v47, v48;
	[tilespmem:s9+$0xF0] =	vst v2  }
0x170: {  	v49 =	vld [tilespmem:s9+$0x170];
	v10 =	vmul.f32 v36, v38;
	[tilespmem:s9+$0x120] =	vst v12  }
0x171: {  	v46 =	vld [tilespmem:s9+$0x150];
	v11 =	vmul.f32 v37, v38;
	[tilespmem:s9+$0x160] =	vst v54  }
0x172: {  	v50 =	vld [tilespmem:s9+$0x180];
	v9 =	vmul.f32 v40, v43;
	[tilespmem:s9+$0xD0] =	vst v10  }
0x173: {  	v55 =	vld [tilespmem:s9+$0x1B0];
	v3 =	vmul.f32 v44, v43;
	[tilespmem:s9+$0xE0] =	vst v11  }
0x174: {  	v56 =	vld [tilespmem:s9+$0x1C0];
	v4 =	vmul.f32 v45, v48;
	[tilespmem:s9+$0x100] =	vst v9  }
0x175: {  	v2 =	vmul.f32 v49, v48;
	[tilespmem:s9+$0x130] =	vst v3  }
0x176: {  	v10 =	vmul.f32 v46, v48;
	[tilespmem:s9+$0x140] =	vst v4  }
0x177: {  	p1 =	seq.s32 s18, $0x53;
	v9 =	vmul.f32 v50, v53;
	[tilespmem:s9+$0x170] =	vst v2  }
.Ltmp4:
0x178: {  	v3 =	vmul.f32 v55, v53;
	[tilespmem:s9+$0x150] =	vst v10;
	(pc) =	sbr.rel @p1 .LBB2_12-.Ltmp4, $4  }
0x179: {  	v4 =	vmul.f32 v56, v6;
	[tilespmem:s9+$0x180] =	vst v9  }
0x17a: {  	[tilespmem:s9+$0x1B0] =	vst v3  }
0x17b: {  	s10 =	sadd.s32 $0x4E20, s28;
	[tilespmem:s9+$0x1C0] =	vst v4  }
0x17c: {  	[spmem:s2] =	stream.indirect.scatter.add.f32 [tilespmem:s22], [sflag:$0x4], $0x40, s10, s21, $0xb8;
	[tilespmem:$0x1F6E0] =	vst v63  }
0x17d: {  	_ =	swait.ge [sflag:s29], $0x1400  }
0x17e: {  	[sflag:s29] =	ssyncset.done $0x0  }
0x17f: {  	v1 =	vmov s19;
	[sflag:s29] =	ssyncadd.s32 $0xFFFFEC00  }
0x180: {  	_ =	swait.ge [sflag:s25], $0x1400  }
0x181: {  	[sflag:s25] =	ssyncset.done $0x0  }
0x182: {  	s1 =	sadd.s32 $0xF0, s28;
	s9 =	simm.s32 $0x0;
	[sflag:s25] =	ssyncadd.s32 $0xFFFFEC00  }
0x183: {  	[tilespmem:s22], [sflag:$0x1] =	stream.indirect.gather [hbm4b:s12+s21], $0x40, s1, s21, $0xb8;
	[tilespmem:$0x1F6E0] =	vst v63  }
0x184: {  	s4 =	simm.s32 $0x10250;
	v3 =	vld.idx.msk [tilespmem:v1+s9+$0x0 ss:$0x1], $0xffff  }
0x185: {  	v0 =	vld [tilespmem:s4+$0x0]  }
0x186: {  	v4 =	vld [tilespmem:s4+$0xFFFFFC10]  }
0x187: {  	v5 =	vld [tilespmem:s4+$0xFFFFFC20]  }
0x188: {  	v6 =	vld [tilespmem:s4+$0xFFFFFC30]  }
0x189: {  	v7 =	vld [tilespmem:s4+$0xFFFFFC40]  }
0x18a: {  	v8 =	vld [tilespmem:s4+$0xFFFFFC50]  }
0x18b: {  	v9 =	vld [tilespmem:s4+$0xFFFFFC60]  }
0x18c: {  	v10 =	vld [tilespmem:s4+$0xFFFFFC70]  }
0x18d: {  	v12 =	vld [tilespmem:s4+$0xFFFFFC90]  }
0x18e: {  	v13 =	vld [tilespmem:s4+$0xFFFFFCA0]  }
0x18f: {  	v14 =	vld [tilespmem:s4+$0xFFFFFCB0]  }
0x190: {  	v15 =	vld [tilespmem:s4+$0xFFFFFCC0];
	v2 =	vbroadcast v3, $0xF  }
0x191: {  	v16 =	vld [tilespmem:s4+$0xFFFFFCD0];
	v11 =	vbroadcast v3, $0x0  }
0x192: {  	s5 =	simm.s32 $0x10650;
	v17 =	vld [tilespmem:s4+$0xFFFFFD60];
	v0 =	vmul.f32 v0, v2  }
0x193: {  	v18 =	vld [tilespmem:s5+$0x0];
	v4 =	vmul.f32 v11, v4  }
0x194: {  	v19 =	vld [tilespmem:s5+$0xFFFFFC10];
	v5 =	vmul.f32 v5, v11;
	[tilespmem:s4+$0x0] =	vst v0  }
0x195: {  	v20 =	vld [tilespmem:s5+$0xFFFFFC20];
	v28 =	vbroadcast v3, $0x3;
	v7 =	vmul.f32 v7, v11;
	[tilespmem:s4+$0xFFFFFC10] =	vst v4  }
0x196: {  	v0 =	vld [tilespmem:s4+$0xFFFFFC80];
	v4 =	vmul.f32 v6, v11;
	[tilespmem:s4+$0xFFFFFC20] =	vst v5;
	v6 =	vbroadcast v3, $0x1  }
0x197: {  	v16 =	vmul.f32 v16, v28;
	v5 =	vld [tilespmem:s4+$0xFFFFFCE0];
	[tilespmem:s4+$0xFFFFFC40] =	vst v7  }
0x198: {  	v11 =	vld [tilespmem:s4+$0xFFFFFCF0];
	[tilespmem:s4+$0xFFFFFC30] =	vst v4;
	v4 =	vmul.f32 v8, v6  }
0x199: {  	v21 =	vld [tilespmem:s5+$0xFFFFFC30];
	[tilespmem:s4+$0xFFFFFCD0] =	vst v16;
	v8 =	vmul.f32 v9, v6  }
0x19a: {  	v7 =	vld [tilespmem:s4+$0xFFFFFD00];
	[tilespmem:s4+$0xFFFFFC50] =	vst v4;
	v4 =	vmul.f32 v10, v6  }
0x19b: {  	v22 =	vld [tilespmem:s5+$0xFFFFFC40];
	[tilespmem:s4+$0xFFFFFC60] =	vst v8;
	v0 =	vmul.f32 v0, v6  }
0x19c: {  	v23 =	vld [tilespmem:s5+$0xFFFFFC50];
	v10 =	vbroadcast v3, $0x2;
	v5 =	vmul.f32 v5, v28;
	[tilespmem:s4+$0xFFFFFC70] =	vst v4  }
0x19d: {  	v9 =	vld [tilespmem:s4+$0xFFFFFD10];
	v11 =	vmul.f32 v11, v28;
	[tilespmem:s4+$0xFFFFFC80] =	vst v0  }
0x19e: {  	v8 =	vld [tilespmem:s4+$0xFFFFFD20];
	v4 =	vmul.f32 v12, v10;
	[tilespmem:s4+$0xFFFFFCE0] =	vst v5  }
0x19f: {  	s10 =	simm.s32 $0x10;
	v6 =	vld [tilespmem:s4+$0xFFFFFD30];
	v7 =	vmul.f32 v7, v28;
	[tilespmem:s4+$0xFFFFFCF0] =	vst v11  }
0x1a0: {  	v14 =	vmul.f32 v14, v10;
	[tilespmem:s4+$0xFFFFFC90] =	vst v4;
	v4 =	vld.idx.msk [tilespmem:v1+s10+$0x0 ss:$0x1], $0xffff  }
0x1a1: {  	v47 =	vbroadcast v3, $0x4;
	v12 =	vld [tilespmem:s4+$0xFFFFFD40];
	v0 =	vmul.f32 v13, v10;
	[tilespmem:s4+$0xFFFFFD00] =	vst v7  }
0x1a2: {  	v24 =	vld [tilespmem:s5+$0xFFFFFC60];
	v10 =	vmul.f32 v15, v10;
	[tilespmem:s4+$0xFFFFFCB0] =	vst v14  }
0x1a3: {  	v25 =	vld [tilespmem:s4+$0xFFFFFD70];
	v9 =	vmul.f32 v9, v47;
	[tilespmem:s4+$0xFFFFFCA0] =	vst v0  }
0x1a4: {  	v27 =	vld [tilespmem:s5+$0xFFFFFC90];
	[tilespmem:s4+$0xFFFFFCC0] =	vst v10;
	v8 =	vmul.f32 v8, v47  }
0x1a5: {  	v29 =	vld [tilespmem:s5+$0xFFFFFCB0];
	[tilespmem:s4+$0xFFFFFD10] =	vst v9;
	v6 =	vmul.f32 v6, v47;
	v0 =	vbroadcast v4, $0xF  }
0x1a6: {  	v30 =	vld [tilespmem:s4+$0xFFFFFD80];
	[tilespmem:s4+$0xFFFFFD20] =	vst v8;
	v12 =	vmul.f32 v12, v47;
	v26 =	vbroadcast v4, $0x0  }
0x1a7: {  	v46 =	vld [tilespmem:s4+$0xFFFFFDA0];
	[tilespmem:s4+$0xFFFFFD30] =	vst v6;
	v18 =	vmul.f32 v18, v0  }
0x1a8: {  	v48 =	vld [tilespmem:s4+$0xFFFFFDB0];
	[tilespmem:s4+$0xFFFFFD40] =	vst v12;
	v19 =	vmul.f32 v26, v19  }
0x1a9: {  	v14 =	vld [tilespmem:s5+$0xFFFFFC70];
	v20 =	vmul.f32 v20, v26;
	[tilespmem:s5+$0x0] =	vst v18  }
0x1aa: {  	v49 =	vld [tilespmem:s4+$0xFFFFFDC0];
	v31 =	vbroadcast v4, $0x1;
	v21 =	vmul.f32 v21, v26;
	[tilespmem:s5+$0xFFFFFC10] =	vst v19  }
0x1ab: {  	v15 =	vld [tilespmem:s5+$0xFFFFFCA0];
	v22 =	vmul.f32 v22, v26;
	[tilespmem:s5+$0xFFFFFC20] =	vst v20  }
0x1ac: {  	v50 =	vld [tilespmem:s4+$0xFFFFFDD0];
	v23 =	vmul.f32 v23, v31;
	[tilespmem:s5+$0xFFFFFC30] =	vst v21  }
0x1ad: {  	v10 =	vld [tilespmem:s5+$0xFFFFFCC0];
	v52 =	vbroadcast v4, $0x2;
	v24 =	vmul.f32 v24, v31;
	[tilespmem:s5+$0xFFFFFC40] =	vst v22  }
0x1ae: {  	v16 =	vld [tilespmem:s5+$0xFFFFFCD0];
	v14 =	vmul.f32 v14, v31;
	[tilespmem:s5+$0xFFFFFC50] =	vst v23  }
0x1af: {  	v5 =	vld [tilespmem:s5+$0xFFFFFCE0];
	v27 =	vmul.f32 v27, v52;
	[tilespmem:s5+$0xFFFFFC60] =	vst v24  }
0x1b0: {  	v11 =	vld [tilespmem:s5+$0xFFFFFCF0];
	v15 =	vmul.f32 v15, v52;
	[tilespmem:s5+$0xFFFFFC70] =	vst v14  }
0x1b1: {  	v7 =	vld [tilespmem:s5+$0xFFFFFD00];
	v56 =	vbroadcast v4, $0x3;
	v29 =	vmul.f32 v29, v52;
	[tilespmem:s5+$0xFFFFFC90] =	vst v27  }
0x1b2: {  	v9 =	vld [tilespmem:s5+$0xFFFFFD10];
	v10 =	vmul.f32 v10, v52;
	[tilespmem:s5+$0xFFFFFCA0] =	vst v15  }
0x1b3: {  	v8 =	vld [tilespmem:s5+$0xFFFFFD20];
	v16 =	vmul.f32 v16, v56;
	[tilespmem:s5+$0xFFFFFCB0] =	vst v29  }
0x1b4: {  	v51 =	vld [tilespmem:s4+$0xFFFFFDE0];
	v5 =	vmul.f32 v5, v56;
	[tilespmem:s5+$0xFFFFFCC0] =	vst v10  }
0x1b5: {  	v53 =	vld [tilespmem:s4+$0xFFFFFDF0];
	v61 =	vbroadcast v4, $0x4;
	v11 =	vmul.f32 v11, v56;
	[tilespmem:s5+$0xFFFFFCD0] =	vst v16  }
0x1b6: {  	v54 =	vld [tilespmem:s4+$0xFFFFFE10];
	v7 =	vmul.f32 v7, v56;
	[tilespmem:s5+$0xFFFFFCE0] =	vst v5  }
0x1b7: {  	v57 =	vbroadcast v3, $0x6;
	v6 =	vld [tilespmem:s5+$0xFFFFFD30];
	v9 =	vmul.f32 v9, v61;
	[tilespmem:s5+$0xFFFFFCF0] =	vst v11  }
0x1b8: {  	v12 =	vld [tilespmem:s5+$0xFFFFFD40];
	v8 =	vmul.f32 v8, v61;
	[tilespmem:s5+$0xFFFFFD00] =	vst v7  }
0x1b9: {  	v13 =	vld [tilespmem:s4+$0xFFFFFD50];
	v16 =	vmul.f32 v46, v57;
	[tilespmem:s5+$0xFFFFFD10] =	vst v9  }
0x1ba: {  	v55 =	vld [tilespmem:s4+$0xFFFFFE20];
	v5 =	vmul.f32 v48, v57;
	[tilespmem:s5+$0xFFFFFD20] =	vst v8  }
0x1bb: {  	v58 =	vld [tilespmem:s4+$0xFFFFFE30];
	v22 =	vmul.f32 v49, v57;
	[tilespmem:s4+$0xFFFFFDA0] =	vst v16  }
0x1bc: {  	v59 =	vld [tilespmem:s4+$0xFFFFFE50];
	v14 =	vbroadcast v3, $0x5;
	v6 =	vmul.f32 v6, v61;
	[tilespmem:s4+$0xFFFFFDB0] =	vst v5  }
0x1bd: {  	v60 =	vld [tilespmem:s4+$0xFFFFFE60];
	v12 =	vmul.f32 v12, v61;
	[tilespmem:s4+$0xFFFFFDC0] =	vst v22  }
0x1be: {  	v62 =	vld [tilespmem:s4+$0xFFFFFE70];
	v13 =	vmul.f32 v13, v14;
	[tilespmem:s5+$0xFFFFFD30] =	vst v6  }
0x1bf: {  	v63 =	vld [tilespmem:s5+$0xFFFFFDC0];
	v17 =	vmul.f32 v17, v14;
	[tilespmem:s5+$0xFFFFFD40] =	vst v12  }
0x1c0: {  	v33 =	vld [tilespmem:s4+$0xFFFFFE80];
	v11 =	vbroadcast v3, $0x7;
	v15 =	vmul.f32 v25, v14;
	[tilespmem:s4+$0xFFFFFD50] =	vst v13  }
0x1c1: {  	v34 =	vld [tilespmem:s4+$0xFFFFFE90];
	v14 =	vmul.f32 v30, v14;
	[tilespmem:s4+$0xFFFFFD60] =	vst v17  }
0x1c2: {  	v18 =	vld [tilespmem:s5+$0xFFFFFC80];
	v7 =	vmul.f32 v50, v11;
	[tilespmem:s4+$0xFFFFFD70] =	vst v15  }
0x1c3: {  	v40 =	vbroadcast v4, $0x6;
	v19 =	vld [tilespmem:s4+$0xFFFFFD90];
	v9 =	vmul.f32 v51, v11;
	[tilespmem:s4+$0xFFFFFD80] =	vst v14  }
0x1c4: {  	v16 =	vld [tilespmem:s5+$0xFFFFFDA0];
	v8 =	vmul.f32 v53, v11;
	v6 =	vbroadcast v3, $0x8;
	[tilespmem:s4+$0xFFFFFDD0] =	vst v7  }
0x1c5: {  	v5 =	vld [tilespmem:s5+$0xFFFFFDB0];
	v22 =	vmul.f32 v63, v40;
	[tilespmem:s4+$0xFFFFFDE0] =	vst v9  }
0x1c6: {  	v13 =	vld [tilespmem:s5+$0xFFFFFD50];
	[tilespmem:s4+$0xFFFFFDF0] =	vst v8;
	v12 =	vmul.f32 v54, v6  }
0x1c7: {  	v17 =	vld [tilespmem:s5+$0xFFFFFD60];
	[tilespmem:s5+$0xFFFFFDC0] =	vst v22;
	v18 =	vmul.f32 v18, v31  }
0x1c8: {  	v15 =	vld [tilespmem:s5+$0xFFFFFD70];
	v10 =	vmul.f32 v19, v57;
	[tilespmem:s4+$0xFFFFFE10] =	vst v12  }
0x1c9: {  	v36 =	vbroadcast v4, $0x5;
	v14 =	vld [tilespmem:s5+$0xFFFFFD80];
	[tilespmem:s5+$0xFFFFFC80] =	vst v18;
	v16 =	vmul.f32 v16, v40  }
0x1ca: {  	v7 =	vld [tilespmem:s5+$0xFFFFFDD0];
	[tilespmem:s4+$0xFFFFFD90] =	vst v10;
	v5 =	vmul.f32 v5, v40  }
0x1cb: {  	v9 =	vld [tilespmem:s5+$0xFFFFFDE0];
	v13 =	vmul.f32 v13, v36;
	[tilespmem:s5+$0xFFFFFDA0] =	vst v16  }
0x1cc: {  	v8 =	vld [tilespmem:s5+$0xFFFFFDF0];
	v17 =	vmul.f32 v17, v36;
	[tilespmem:s5+$0xFFFFFDB0] =	vst v5  }
0x1cd: {  	v35 =	vld [tilespmem:s4+$0xFFFFFEA0];
	v44 =	vbroadcast v4, $0x7;
	v15 =	vmul.f32 v15, v36;
	[tilespmem:s5+$0xFFFFFD50] =	vst v13  }
0x1ce: {  	v37 =	vld [tilespmem:s4+$0xFFFFFEC0];
	v14 =	vmul.f32 v14, v36;
	[tilespmem:s5+$0xFFFFFD60] =	vst v17  }
0x1cf: {  	v19 =	vld [tilespmem:s4+$0xFFFFFE40];
	v7 =	vmul.f32 v7, v44;
	[tilespmem:s5+$0xFFFFFD70] =	vst v15  }
0x1d0: {  	v38 =	vld [tilespmem:s4+$0xFFFFFED0];
	v9 =	vmul.f32 v9, v44;
	[tilespmem:s5+$0xFFFFFD80] =	vst v14  }
0x1d1: {  	v39 =	vld [tilespmem:s4+$0xFFFFFEE0];
	v8 =	vmul.f32 v8, v44;
	[tilespmem:s5+$0xFFFFFDD0] =	vst v7  }
0x1d2: {  	v12 =	vld [tilespmem:s5+$0xFFFFFE10];
	v13 =	vmul.f32 v55, v6;
	[tilespmem:s5+$0xFFFFFDE0] =	vst v9  }
0x1d3: {  	v18 =	vld [tilespmem:s4+$0xFFFFFE00];
	v5 =	vbroadcast v3, $0xA;
	v17 =	vmul.f32 v58, v6;
	[tilespmem:s5+$0xFFFFFDF0] =	vst v8  }
0x1d4: {  	v10 =	vld [tilespmem:s5+$0xFFFFFD90];
	v6 =	vmul.f32 v19, v6;
	[tilespmem:s4+$0xFFFFFE20] =	vst v13  }
0x1d5: {  	v41 =	vld [tilespmem:s4+$0xFFFFFF00];
	v50 =	vbroadcast v4, $0x8;
	v46 =	vmul.f32 v34, v5;
	[tilespmem:s4+$0xFFFFFE30] =	vst v17  }
0x1d6: {  	v42 =	vld [tilespmem:s4+$0xFFFFFF10];
	v7 =	vmul.f32 v35, v5;
	[tilespmem:s4+$0xFFFFFE40] =	vst v6  }
0x1d7: {  	v43 =	vld [tilespmem:s4+$0xFFFFFF20];
	v12 =	vmul.f32 v12, v50;
	[tilespmem:s4+$0xFFFFFE90] =	vst v46  }
0x1d8: {  	v45 =	vld [tilespmem:s4+$0xFFFFFF30];
	v15 =	vbroadcast v3, $0x9;
	v11 =	vmul.f32 v18, v11;
	[tilespmem:s4+$0xFFFFFEA0] =	vst v7  }
0x1d9: {  	v47 =	vld [tilespmem:s4+$0xFFFFFF40];
	v10 =	vmul.f32 v10, v40;
	[tilespmem:s5+$0xFFFFFE10] =	vst v12  }
0x1da: {  	v8 =	vbroadcast v3, $0xB;
	v18 =	vld [tilespmem:s4+$0xFFFFFEB0];
	v14 =	vmul.f32 v59, v15;
	[tilespmem:s4+$0xFFFFFE00] =	vst v11  }
0x1db: {  	v52 =	vld [tilespmem:s4+$0xFFFFFF80];
	v16 =	vmul.f32 v62, v15;
	[tilespmem:s5+$0xFFFFFD90] =	vst v10  }
0x1dc: {  	v13 =	vld [tilespmem:s5+$0xFFFFFE20];
	v12 =	vmul.f32 v39, v8;
	[tilespmem:s4+$0xFFFFFE50] =	vst v14  }
0x1dd: {  	v17 =	vld [tilespmem:s5+$0xFFFFFE30];
	v10 =	vmul.f32 v60, v15;
	[tilespmem:s4+$0xFFFFFE70] =	vst v16  }
0x1de: {  	v6 =	vld [tilespmem:s5+$0xFFFFFE40];
	v15 =	vmul.f32 v33, v15;
	[tilespmem:s4+$0xFFFFFEE0] =	vst v12  }
0x1df: {  	v11 =	vld [tilespmem:s5+$0xFFFFFE00];
	[tilespmem:s4+$0xFFFFFE60] =	vst v10;
	v9 =	vmul.f32 v18, v5  }
0x1e0: {  	v19 =	vld [tilespmem:s4+$0xFFFFFEF0];
	[tilespmem:s4+$0xFFFFFE80] =	vst v15;
	v5 =	vmul.f32 v37, v5  }
0x1e1: {  	v14 =	vld [tilespmem:s5+$0xFFFFFE50];
	v13 =	vmul.f32 v13, v50;
	[tilespmem:s4+$0xFFFFFEB0] =	vst v9  }
0x1e2: {  	v56 =	vld [tilespmem:s5+$0xFFFFFF00];
	v17 =	vmul.f32 v17, v50;
	[tilespmem:s4+$0xFFFFFEC0] =	vst v5  }
0x1e3: {  	v48 =	vld [tilespmem:s5+$0xFFFFFE90];
	v6 =	vmul.f32 v6, v50;
	[tilespmem:s5+$0xFFFFFE20] =	vst v13  }
0x1e4: {  	v54 =	vbroadcast v4, $0x9;
	v10 =	vld [tilespmem:s5+$0xFFFFFE60];
	v11 =	vmul.f32 v11, v44;
	[tilespmem:s5+$0xFFFFFE30] =	vst v17  }
0x1e5: {  	v15 =	vld [tilespmem:s5+$0xFFFFFE80];
	v13 =	vmul.f32 v19, v8;
	[tilespmem:s5+$0xFFFFFE40] =	vst v6  }
0x1e6: {  	v49 =	vld [tilespmem:s4+$0xFFFFFF50];
	v14 =	vmul.f32 v14, v54;
	[tilespmem:s5+$0xFFFFFE00] =	vst v11  }
0x1e7: {  	v61 =	vld [tilespmem:s5+$0xFFFFFF50];
	v11 =	vmul.f32 v38, v8;
	[tilespmem:s4+$0xFFFFFEF0] =	vst v13  }
0x1e8: {  	v51 =	vld [tilespmem:s4+$0xFFFFFF70];
	v8 =	vmul.f32 v41, v8;
	[tilespmem:s5+$0xFFFFFE50] =	vst v14  }
0x1e9: {  	v16 =	vld [tilespmem:s5+$0xFFFFFE70];
	v17 =	vbroadcast v3, $0xC;
	v10 =	vmul.f32 v10, v54;
	[tilespmem:s4+$0xFFFFFED0] =	vst v11  }
0x1ea: {  	v53 =	vld [tilespmem:s4+$0xFFFFFF90];
	v15 =	vmul.f32 v15, v54;
	[tilespmem:s4+$0xFFFFFF00] =	vst v8  }
0x1eb: {  	v57 =	vld [tilespmem:s5+$0xFFFFFF10];
	v6 =	vmul.f32 v42, v17;
	[tilespmem:s5+$0xFFFFFE60] =	vst v10  }
0x1ec: {  	v7 =	vld [tilespmem:s5+$0xFFFFFEA0];
	v14 =	vmul.f32 v43, v17;
	[tilespmem:s5+$0xFFFFFE80] =	vst v15  }
0x1ed: {  	v9 =	vld [tilespmem:s5+$0xFFFFFEB0];
	v10 =	vmul.f32 v45, v17;
	v17 =	vmul.f32 v47, v17;
	[tilespmem:s4+$0xFFFFFF10] =	vst v6  }
0x1ee: {  	v5 =	vld [tilespmem:s5+$0xFFFFFEC0];
	v6 =	vmul.f32 v16, v54;
	[tilespmem:s4+$0xFFFFFF20] =	vst v14;
	v16 =	vbroadcast v4, $0xA  }
0x1ef: {  	v55 =	vld [tilespmem:s4+$0xFFFFFFB0];
	[tilespmem:s4+$0xFFFFFF30] =	vst v10  }
0x1f0: {  	v18 =	vld [tilespmem:s4+$0xFFFFFF60];
	[tilespmem:s4+$0xFFFFFF40] =	vst v17;
	v21 =	vmul.f32 v48, v16  }
0x1f1: {  	v58 =	vld [tilespmem:s4+$0xFFFFFFD0];
	[tilespmem:s5+$0xFFFFFE70] =	vst v6;
	v7 =	vmul.f32 v7, v16  }
0x1f2: {  	v59 =	vld [tilespmem:s4+$0xFFFFFFE0];
	v6 =	vbroadcast v3, $0xD;
	v9 =	vmul.f32 v9, v16;
	[tilespmem:s5+$0xFFFFFE90] =	vst v21  }
0x1f3: {  	v62 =	vld [tilespmem:s5+$0xFFFFFF80];
	v5 =	vmul.f32 v5, v16;
	[tilespmem:s5+$0xFFFFFEA0] =	vst v7  }
0x1f4: {  	v19 =	vld [tilespmem:s4+$0xFFFFFFA0];
	v15 =	vmul.f32 v49, v6;
	[tilespmem:s5+$0xFFFFFEB0] =	vst v9  }
0x1f5: {  	v11 =	vld [tilespmem:s5+$0xFFFFFED0];
	v18 =	vmul.f32 v18, v6;
	[tilespmem:s5+$0xFFFFFEC0] =	vst v5  }
0x1f6: {  	v12 =	vld [tilespmem:s5+$0xFFFFFEE0];
	v3 =	vbroadcast v3, $0xE;
	v7 =	vmul.f32 v51, v6;
	[tilespmem:s4+$0xFFFFFF50] =	vst v15  }
0x1f7: {  	v8 =	vld [tilespmem:s4+$0xFFFFFFC0];
	v6 =	vmul.f32 v52, v6;
	[tilespmem:s4+$0xFFFFFF60] =	vst v18  }
0x1f8: {  	v13 =	vld [tilespmem:s5+$0xFFFFFEF0];
	v5 =	vmul.f32 v53, v3;
	v15 =	vbroadcast v4, $0xB;
	[tilespmem:s4+$0xFFFFFF70] =	vst v7  }
0x1f9: {  	v14 =	vld [tilespmem:s5+$0xFFFFFF20];
	v9 =	vmul.f32 v19, v3;
	[tilespmem:s4+$0xFFFFFF80] =	vst v6  }
0x1fa: {  	v19 =	vbroadcast v4, $0xD;
	v18 =	vld [tilespmem:s5+$0xFFFFFF60];
	[tilespmem:s4+$0xFFFFFF90] =	vst v5;
	v7 =	vmul.f32 v11, v15  }
0x1fb: {  	v17 =	vld [tilespmem:s4+$0xFFFFFFF0];
	v5 =	vmul.f32 v58, v2;
	[tilespmem:s4+$0xFFFFFFA0] =	vst v9;
	v11 =	vmul.f32 v12, v15  }
0x1fc: {  	v10 =	vld [tilespmem:s5+$0xFFFFFF30];
	v12 =	vmul.f32 v8, v3;
	[tilespmem:s5+$0xFFFFFED0] =	vst v7;
	v7 =	vmul.f32 v55, v3  }
0x1fd: {  	v60 =	vld [tilespmem:s5+$0xFFFFFF40];
	v3 =	vmul.f32 v13, v15;
	[tilespmem:s5+$0xFFFFFEE0] =	vst v11;
	v11 =	vbroadcast v4, $0xC  }
0x1fe: {  	v16 =	vld [tilespmem:s5+$0xFFFFFF70];
	v4 =	vbroadcast v4, $0xE;
	v13 =	vmul.f32 v56, v15;
	[tilespmem:s4+$0xFFFFFFC0] =	vst v12  }
0x1ff: {  	v6 =	vld [tilespmem:s5+$0xFFFFFF90];
	v12 =	vmul.f32 v18, v19;
	[tilespmem:s5+$0xFFFFFEF0] =	vst v3;
	v3 =	vmul.f32 v59, v2  }
0x200: {  	v8 =	vld [tilespmem:s5+$0xFFFFFFA0];
	[tilespmem:s4+$0xFFFFFFD0] =	vst v5;
	v2 =	vmul.f32 v17, v2;
	v63 =	vmul.f32 v57, v11  }
0x201: {  	s1 =	smul.u32 $0x3C0, s18;
	v9 =	vld [tilespmem:s5+$0xFFFFFFB0];
	[tilespmem:s4+$0xFFFFFFB0] =	vst v7;
	v7 =	vmul.f32 v14, v11;
	v17 =	vmul.f32 v10, v11  }
0x202: {  	s8 =	simm.s32 $0x10650;
	[tilespmem:s5+$0xFFFFFF00] =	vst v13;
	v15 =	vmul.f32 v60, v11;
	v10 =	vld [tilespmem:s5+$0xFFFFFFC0];
	v11 =	vmul.f32 v61, v19  }
0x203: {  	s9 =	simm.s32 $0xC0;
	s6 =	sadd.s32 $0x140, s1;
	s10 =	simm.s32 $0x20;
	v13 =	vmul.f32 v16, v19;
	v14 =	vmul.f32 v62, v19;
	v16 =	vld [tilespmem:s5+$0xFFFFFFD0];
	[tilespmem:s5+$0xFFFFFF10] =	vst v63  }
.LBB2_8:
0x204: {  	p1 =	sne.s32 s9, $0x100;
	v18 =	vld.idx.msk [tilespmem:v1+s10+$0x0 ss:$0x1], $0xffff;
	[tilespmem:s5+$0xFFFFFF20] =	vst v7;
	v5 =	vmul.f32 v6, v4  }
0x205: {  	[tilespmem:s5+$0xFFFFFF30] =	vst v17;
	v6 =	vmul.f32 v8, v4;
	v17 =	vld [tilespmem:s5+$0xFFFFFFE0]  }
0x206: {  	s5 =	sadd.s32 $0x400, s5;
	[tilespmem:s8+$0xFFFFFF40] =	vst v15;
	v7 =	vmul.f32 v9, v4;
	v15 =	vld [tilespmem:s8+$0xFFFFFFF0]  }
0x207: {  	v8 =	vld [tilespmem:s5+$0x0];
	[tilespmem:s8+$0xFFFFFF50] =	vst v11;
	v4 =	vmul.f32 v10, v4  }
0x208: {  	v19 =	vld [tilespmem:s5+$0xFFFFFC10];
	[tilespmem:s8+$0xFFFFFF60] =	vst v12;
	v12 =	vmul.f32 v16, v0  }
0x209: {  	v16 =	vld [tilespmem:s5+$0xFFFFFC20];
	[tilespmem:s8+$0xFFFFFF70] =	vst v13  }
0x20a: {  	v13 =	vbroadcast v18, $0x0;
	v21 =	vbroadcast v18, $0xF;
	v20 =	vld [tilespmem:s5+$0xFFFFFC30];
	[tilespmem:s8+$0xFFFFFF80] =	vst v14  }
0x20b: {  	v22 =	vbroadcast v18, $0x1;
	v23 =	vbroadcast v18, $0x2;
	v14 =	vld [tilespmem:s5+$0xFFFFFC40];
	[tilespmem:s8+$0xFFFFFF90] =	vst v5  }
0x20c: {  	v25 =	vbroadcast v18, $0x3;
	v24 =	vld [tilespmem:s5+$0xFFFFFC50];
	v5 =	vmul.f32 v8, v21;
	[tilespmem:s8+$0xFFFFFFA0] =	vst v6  }
0x20d: {  	v27 =	vbroadcast v18, $0x4;
	v28 =	vbroadcast v18, $0x5;
	v26 =	vld [tilespmem:s5+$0xFFFFFC60];
	[tilespmem:s8+$0xFFFFFFB0] =	vst v7  }
0x20e: {  	v30 =	vbroadcast v18, $0x6;
	v11 =	vbroadcast v18, $0x7;
	v29 =	vld [tilespmem:s5+$0xFFFFFC70];
	[tilespmem:s5+$0x0] =	vst v5  }
0x20f: {  	v10 =	vbroadcast v18, $0x8;
	v9 =	vbroadcast v18, $0x9;
	v31 =	vld [tilespmem:s5+$0xFFFFFC80];
	[tilespmem:s8+$0xFFFFFFC0] =	vst v4  }
0x210: {  	v8 =	vbroadcast v18, $0xA;
	v7 =	vbroadcast v18, $0xB;
	v32 =	vld [tilespmem:s5+$0xFFFFFC90];
	[tilespmem:s8+$0xFFFFFFD0] =	vst v12  }
0x211: {  	v6 =	vbroadcast v18, $0xC;
	v5 =	vbroadcast v18, $0xD;
	v12 =	vld [tilespmem:s5+$0xFFFFFCA0];
	[tilespmem:s4+$0xFFFFFFE0] =	vst v3  }
0x212: {  	v4 =	vbroadcast v18, $0xE;
	v3 =	vmul.f32 v13, v19;
	v19 =	vld [tilespmem:s5+$0xFFFFFCB0];
	[tilespmem:s4+$0xFFFFFFF0] =	vst v2;
	s4 =	smov.u32 s8;
	s8 =	smov.u32 s5  }
0x213: {  	v2 =	vmul.f32 v16, v13;
	v16 =	vmul.f32 v20, v13;
	v18 =	vld [tilespmem:s5+$0xFFFFFCC0]  }
0x214: {  	[tilespmem:s5+$0xFFFFFC10] =	vst v3;
	v3 =	vmul.f32 v14, v13;
	v13 =	vmul.f32 v24, v22;
	v14 =	vld [tilespmem:s5+$0xFFFFFCD0]  }
0x215: {  	v20 =	vmul.f32 v29, v22;
	[tilespmem:s5+$0xFFFFFC20] =	vst v2;
	v2 =	vmul.f32 v26, v22;
	v24 =	vld [tilespmem:s5+$0xFFFFFCE0]  }
0x216: {  	[tilespmem:s5+$0xFFFFFC30] =	vst v16;
	v16 =	vmul.f32 v31, v22;
	v22 =	vmul.f32 v32, v23;
	v26 =	vld [tilespmem:s5+$0xFFFFFCF0]  }
0x217: {  	v12 =	vmul.f32 v12, v23;
	[tilespmem:s5+$0xFFFFFC40] =	vst v3;
	v19 =	vmul.f32 v19, v23;
	v29 =	vld [tilespmem:s5+$0xFFFFFD00]  }
0x218: {  	v3 =	vmul.f32 v17, v0;
	[tilespmem:s5+$0xFFFFFC50] =	vst v13;
	v13 =	vmul.f32 v18, v23;
	v18 =	vld [tilespmem:s5+$0xFFFFFD10]  }
0x219: {  	[tilespmem:s5+$0xFFFFFC60] =	vst v2;
	v14 =	vmul.f32 v14, v25;
	v17 =	vld [tilespmem:s5+$0xFFFFFD20];
	v2 =	vmul.f32 v15, v0;
	v0 =	vmov v21  }
0x21a: {  	[tilespmem:s5+$0xFFFFFC70] =	vst v20;
	v15 =	vmul.f32 v24, v25;
	v20 =	vld [tilespmem:s5+$0xFFFFFD30]  }
0x21b: {  	[tilespmem:s5+$0xFFFFFC80] =	vst v16;
	v16 =	vmul.f32 v26, v25;
	v21 =	vld [tilespmem:s5+$0xFFFFFD40]  }
0x21c: {  	[tilespmem:s5+$0xFFFFFC90] =	vst v22;
	v22 =	vmul.f32 v29, v25;
	v23 =	vld [tilespmem:s5+$0xFFFFFD50]  }
0x21d: {  	[tilespmem:s5+$0xFFFFFCA0] =	vst v12;
	v12 =	vmul.f32 v18, v27;
	v18 =	vld [tilespmem:s5+$0xFFFFFD60]  }
0x21e: {  	[tilespmem:s5+$0xFFFFFCB0] =	vst v19;
	v17 =	vmul.f32 v17, v27;
	v19 =	vld [tilespmem:s5+$0xFFFFFD70]  }
0x21f: {  	[tilespmem:s5+$0xFFFFFCC0] =	vst v13;
	v13 =	vmul.f32 v20, v27;
	v20 =	vld [tilespmem:s5+$0xFFFFFD80]  }
0x220: {  	[tilespmem:s5+$0xFFFFFCD0] =	vst v14;
	v14 =	vmul.f32 v21, v27;
	v21 =	vld [tilespmem:s5+$0xFFFFFD90]  }
0x221: {  	[tilespmem:s5+$0xFFFFFCE0] =	vst v15;
	v15 =	vmul.f32 v23, v28;
	v23 =	vld [tilespmem:s5+$0xFFFFFDA0]  }
0x222: {  	[tilespmem:s5+$0xFFFFFCF0] =	vst v16;
	v16 =	vmul.f32 v18, v28;
	v18 =	vld [tilespmem:s5+$0xFFFFFDB0]  }
0x223: {  	[tilespmem:s5+$0xFFFFFD00] =	vst v22;
	v19 =	vmul.f32 v19, v28;
	v22 =	vld [tilespmem:s5+$0xFFFFFDC0]  }
0x224: {  	[tilespmem:s5+$0xFFFFFD10] =	vst v12;
	v12 =	vmul.f32 v20, v28;
	v20 =	vld [tilespmem:s5+$0xFFFFFDD0]  }
0x225: {  	[tilespmem:s5+$0xFFFFFD20] =	vst v17;
	v17 =	vmul.f32 v21, v30;
	v21 =	vld [tilespmem:s5+$0xFFFFFDE0]  }
0x226: {  	[tilespmem:s5+$0xFFFFFD30] =	vst v13;
	v13 =	vmul.f32 v23, v30;
	v23 =	vld [tilespmem:s5+$0xFFFFFDF0]  }
0x227: {  	[tilespmem:s5+$0xFFFFFD40] =	vst v14;
	v14 =	vmul.f32 v18, v30;
	v18 =	vld [tilespmem:s5+$0xFFFFFE00]  }
0x228: {  	[tilespmem:s5+$0xFFFFFD50] =	vst v15;
	v15 =	vmul.f32 v22, v30;
	v22 =	vld [tilespmem:s5+$0xFFFFFE10]  }
0x229: {  	[tilespmem:s5+$0xFFFFFD60] =	vst v16;
	v16 =	vmul.f32 v20, v11;
	v20 =	vld [tilespmem:s5+$0xFFFFFE20]  }
0x22a: {  	[tilespmem:s5+$0xFFFFFD70] =	vst v19;
	v19 =	vmul.f32 v21, v11;
	v21 =	vld [tilespmem:s5+$0xFFFFFE30]  }
0x22b: {  	[tilespmem:s5+$0xFFFFFD80] =	vst v12;
	v12 =	vmul.f32 v23, v11;
	v23 =	vld [tilespmem:s5+$0xFFFFFE40]  }
0x22c: {  	[tilespmem:s5+$0xFFFFFD90] =	vst v17;
	v11 =	vmul.f32 v18, v11;
	v17 =	vld [tilespmem:s5+$0xFFFFFE50]  }
0x22d: {  	[tilespmem:s5+$0xFFFFFDA0] =	vst v13;
	v13 =	vmul.f32 v22, v10;
	v18 =	vld [tilespmem:s5+$0xFFFFFE60]  }
0x22e: {  	[tilespmem:s5+$0xFFFFFDB0] =	vst v14;
	v14 =	vmul.f32 v20, v10;
	v20 =	vld [tilespmem:s5+$0xFFFFFE70]  }
0x22f: {  	[tilespmem:s5+$0xFFFFFDC0] =	vst v15;
	v15 =	vmul.f32 v21, v10;
	v21 =	vld [tilespmem:s5+$0xFFFFFE80]  }
0x230: {  	[tilespmem:s5+$0xFFFFFDD0] =	vst v16;
	v10 =	vmul.f32 v23, v10;
	v16 =	vld [tilespmem:s5+$0xFFFFFE90]  }
0x231: {  	[tilespmem:s5+$0xFFFFFDE0] =	vst v19;
	v17 =	vmul.f32 v17, v9;
	v19 =	vld [tilespmem:s5+$0xFFFFFEA0]  }
0x232: {  	[tilespmem:s5+$0xFFFFFDF0] =	vst v12;
	v12 =	vmul.f32 v18, v9;
	v18 =	vld [tilespmem:s5+$0xFFFFFEB0]  }
0x233: {  	[tilespmem:s5+$0xFFFFFE00] =	vst v11;
	v11 =	vmul.f32 v20, v9;
	v20 =	vld [tilespmem:s5+$0xFFFFFEC0]  }
0x234: {  	[tilespmem:s5+$0xFFFFFE10] =	vst v13;
	v9 =	vmul.f32 v21, v9;
	v13 =	vld [tilespmem:s5+$0xFFFFFED0]  }
0x235: {  	[tilespmem:s5+$0xFFFFFE20] =	vst v14;
	v14 =	vmul.f32 v16, v8;
	v16 =	vld [tilespmem:s5+$0xFFFFFEE0]  }
0x236: {  	[tilespmem:s5+$0xFFFFFE30] =	vst v15;
	v15 =	vmul.f32 v19, v8;
	v19 =	vld [tilespmem:s5+$0xFFFFFEF0]  }
0x237: {  	[tilespmem:s5+$0xFFFFFE40] =	vst v10;
	v10 =	vmul.f32 v18, v8;
	v18 =	vld [tilespmem:s5+$0xFFFFFF00]  }
0x238: {  	[tilespmem:s5+$0xFFFFFE50] =	vst v17;
	v8 =	vmul.f32 v20, v8;
	v17 =	vld [tilespmem:s5+$0xFFFFFF10]  }
0x239: {  	[tilespmem:s5+$0xFFFFFE60] =	vst v12;
	v12 =	vmul.f32 v13, v7;
	v13 =	vld [tilespmem:s5+$0xFFFFFF20]  }
0x23a: {  	[tilespmem:s5+$0xFFFFFE70] =	vst v11;
	v11 =	vmul.f32 v16, v7;
	v16 =	vld [tilespmem:s5+$0xFFFFFF30]  }
0x23b: {  	[tilespmem:s5+$0xFFFFFE80] =	vst v9;
	v9 =	vmul.f32 v19, v7;
	v19 =	vld [tilespmem:s5+$0xFFFFFF40]  }
0x23c: {  	[tilespmem:s5+$0xFFFFFE90] =	vst v14;
	v14 =	vmul.f32 v18, v7;
	v18 =	vld [tilespmem:s5+$0xFFFFFF50]  }
0x23d: {  	[tilespmem:s5+$0xFFFFFEA0] =	vst v15;
	v20 =	vmul.f32 v17, v6;
	v21 =	vld [tilespmem:s5+$0xFFFFFF60]  }
0x23e: {  	[tilespmem:s5+$0xFFFFFEB0] =	vst v10;
	v7 =	vmul.f32 v13, v6;
	v10 =	vld [tilespmem:s5+$0xFFFFFF70]  }
0x23f: {  	[tilespmem:s5+$0xFFFFFEC0] =	vst v8;
	v17 =	vmul.f32 v16, v6;
	v16 =	vld [tilespmem:s5+$0xFFFFFF80]  }
.Ltmp5:
0x240: {  	[tilespmem:s5+$0xFFFFFED0] =	vst v12;
	v15 =	vmul.f32 v19, v6;
	v6 =	vld [tilespmem:s5+$0xFFFFFF90];
	(pc) =	sbr.rel @p1 .LBB2_8-.Ltmp5, $4  }
0x241: {  	[tilespmem:s5+$0xFFFFFEE0] =	vst v11;
	v11 =	vmul.f32 v18, v5;
	v8 =	vld [tilespmem:s5+$0xFFFFFFA0]  }
0x242: {  	[tilespmem:s5+$0xFFFFFEF0] =	vst v9;
	v12 =	vmul.f32 v21, v5;
	v9 =	vld [tilespmem:s5+$0xFFFFFFB0]  }
0x243: {  	[tilespmem:s5+$0xFFFFFF00] =	vst v14;
	v13 =	vmul.f32 v10, v5;
	v10 =	vld [tilespmem:s5+$0xFFFFFFC0]  }
0x244: {  	s10 =	sshra.s32 s9, $0x2;
	s9 =	sadd.s32 $0x40, s9;
	[tilespmem:s5+$0xFFFFFF10] =	vst v20;
	v14 =	vmul.f32 v16, v5;
	v16 =	vld [tilespmem:s5+$0xFFFFFFD0]  }
0x245: {  	[tilespmem:s5+$0xFFFFFF20] =	vst v7  }
0x246: {  	[tilespmem:s5+$0xFFFFFF30] =	vst v17  }
0x247: {  	[tilespmem:s4+$0xFFFFFFE0] =	vst v3  }
0x248: {  	v5 =	vld [tilespmem:s5+$0xFFFFFFE0];
	[tilespmem:s4+$0xFFFFFFF0] =	vst v2  }
0x249: {  	v7 =	vld.idx.msk [tilespmem:v1+s10+$0x0 ss:$0x1], $0xffff;
	[tilespmem:s8+$0xFFFFFF40] =	vst v15  }
0x24a: {  	s10 =	sadd.s32 $0x400, s5;
	[tilespmem:s8+$0xFFFFFF50] =	vst v11  }
0x24b: {  	v15 =	vld [tilespmem:s10+$0x0];
	[tilespmem:s8+$0xFFFFFF60] =	vst v12  }
0x24c: {  	v11 =	vmul.f32 v6, v4;
	[tilespmem:s8+$0xFFFFFF70] =	vst v13  }
0x24d: {  	v1 =	vld [tilespmem:s8+$0xFFFFFFF0];
	v8 =	vmul.f32 v8, v4;
	[tilespmem:s8+$0xFFFFFF80] =	vst v14  }
0x24e: {  	v13 =	vld [tilespmem:s10+$0xFFFFFC40];
	v9 =	vmul.f32 v9, v4;
	[tilespmem:s8+$0xFFFFFF90] =	vst v11;
	v6 =	vbroadcast v7, $0xF  }
0x24f: {  	v11 =	vld [tilespmem:s10+$0xFFFFFC10];
	[tilespmem:s8+$0xFFFFFFA0] =	vst v8;
	v4 =	vmul.f32 v10, v4  }
0x250: {  	v8 =	vld [tilespmem:s10+$0xFFFFFC20];
	[tilespmem:s8+$0xFFFFFFB0] =	vst v9;
	v12 =	vmul.f32 v15, v6  }
0x251: {  	v10 =	vld [tilespmem:s10+$0xFFFFFC30];
	v9 =	vmul.f32 v16, v0;
	[tilespmem:s8+$0xFFFFFFC0] =	vst v4  }
0x252: {  	v14 =	vld [tilespmem:s10+$0xFFFFFC80];
	v5 =	vmul.f32 v5, v0;
	[tilespmem:s10+$0x0] =	vst v12;
	v12 =	vbroadcast v7, $0x0  }
0x253: {  	v4 =	vld [tilespmem:s10+$0xFFFFFC50];
	[tilespmem:s8+$0xFFFFFFD0] =	vst v9;
	v0 =	vmul.f32 v1, v0  }
0x254: {  	v9 =	vld [tilespmem:s10+$0xFFFFFC60];
	[tilespmem:s8+$0xFFFFFFE0] =	vst v5;
	v3 =	vmul.f32 v12, v11  }
0x255: {  	[tilespmem:s8+$0xFFFFFFF0] =	vst v0;
	v11 =	vld [tilespmem:s10+$0xFFFFFC70];
	v2 =	vmul.f32 v8, v12;
	v8 =	vbroadcast v7, $0x1  }
0x256: {  	v10 =	vmul.f32 v10, v12;
	v12 =	vmul.f32 v13, v12;
	v13 =	vld [tilespmem:s10+$0xFFFFFCC0];
	[tilespmem:s10+$0xFFFFFC10] =	vst v3  }
0x257: {  	v3 =	vld [tilespmem:s10+$0xFFFFFC90];
	[tilespmem:s10+$0xFFFFFC20] =	vst v2  }
0x258: {  	v2 =	vld [tilespmem:s10+$0xFFFFFCA0];
	v4 =	vmul.f32 v4, v8;
	[tilespmem:s10+$0xFFFFFC30] =	vst v10  }
0x259: {  	v10 =	vld [tilespmem:s10+$0xFFFFFCB0];
	v9 =	vmul.f32 v9, v8;
	[tilespmem:s10+$0xFFFFFC40] =	vst v12  }
0x25a: {  	v12 =	vbroadcast v7, $0x2;
	[tilespmem:s10+$0xFFFFFC50] =	vst v4;
	v4 =	vld [tilespmem:s10+$0xFFFFFCD0];
	v11 =	vmul.f32 v11, v8  }
0x25b: {  	[tilespmem:s10+$0xFFFFFC60] =	vst v9;
	v9 =	vld [tilespmem:s10+$0xFFFFFCE0];
	v8 =	vmul.f32 v14, v8  }
0x25c: {  	v14 =	vld [tilespmem:s10+$0xFFFFFD00];
	v3 =	vmul.f32 v3, v12;
	[tilespmem:s10+$0xFFFFFC70] =	vst v11  }
0x25d: {  	v11 =	vld [tilespmem:s10+$0xFFFFFCF0];
	v2 =	vmul.f32 v2, v12;
	[tilespmem:s10+$0xFFFFFC80] =	vst v8;
	v8 =	vbroadcast v7, $0x3  }
0x25e: {  	v10 =	vmul.f32 v10, v12;
	[tilespmem:s10+$0xFFFFFC90] =	vst v3;
	v3 =	vmul.f32 v13, v12;
	v12 =	vld [tilespmem:s10+$0xFFFFFD10]  }
0x25f: {  	[tilespmem:s10+$0xFFFFFCA0] =	vst v2;
	v2 =	vmul.f32 v4, v8;
	v4 =	vld [tilespmem:s10+$0xFFFFFD20]  }
0x260: {  	[tilespmem:s10+$0xFFFFFCB0] =	vst v10;
	v10 =	vld [tilespmem:s10+$0xFFFFFD30]  }
0x261: {  	v9 =	vmul.f32 v9, v8;
	v13 =	vld [tilespmem:s10+$0xFFFFFD40];
	[tilespmem:s10+$0xFFFFFCC0] =	vst v3  }
0x262: {  	v3 =	vbroadcast v7, $0x4;
	[tilespmem:s10+$0xFFFFFCD0] =	vst v2;
	v2 =	vmul.f32 v14, v8;
	v14 =	vld [tilespmem:s10+$0xFFFFFD80]  }
0x263: {  	[tilespmem:s10+$0xFFFFFCE0] =	vst v9;
	v11 =	vmul.f32 v11, v8;
	v8 =	vld [tilespmem:s10+$0xFFFFFD50]  }
0x264: {  	[tilespmem:s10+$0xFFFFFD00] =	vst v2;
	v9 =	vmul.f32 v12, v3;
	v12 =	vld [tilespmem:s10+$0xFFFFFD60]  }
0x265: {  	v2 =	vbroadcast v7, $0x5;
	[tilespmem:s10+$0xFFFFFCF0] =	vst v11;
	v4 =	vmul.f32 v4, v3;
	v11 =	vld [tilespmem:s10+$0xFFFFFD70]  }
0x266: {  	v10 =	vmul.f32 v10, v3;
	v3 =	vmul.f32 v13, v3;
	v13 =	vld [tilespmem:s10+$0xFFFFFDC0];
	[tilespmem:s10+$0xFFFFFD10] =	vst v9  }
0x267: {  	v9 =	vld [tilespmem:s10+$0xFFFFFD90];
	[tilespmem:s10+$0xFFFFFD20] =	vst v4  }
0x268: {  	[tilespmem:s10+$0xFFFFFD30] =	vst v10;
	v4 =	vmul.f32 v8, v2;
	v8 =	vld [tilespmem:s10+$0xFFFFFDA0]  }
0x269: {  	[tilespmem:s10+$0xFFFFFD40] =	vst v3;
	v10 =	vmul.f32 v12, v2;
	v12 =	vld [tilespmem:s10+$0xFFFFFDB0]  }
0x26a: {  	v3 =	vbroadcast v7, $0x6;
	v11 =	vmul.f32 v11, v2;
	[tilespmem:s10+$0xFFFFFD50] =	vst v4;
	v4 =	vld [tilespmem:s10+$0xFFFFFDD0]  }
0x26b: {  	v2 =	vmul.f32 v14, v2;
	v14 =	vld [tilespmem:s10+$0xFFFFFE00];
	[tilespmem:s10+$0xFFFFFD60] =	vst v10  }
0x26c: {  	v9 =	vmul.f32 v9, v3;
	v10 =	vld [tilespmem:s10+$0xFFFFFDE0];
	[tilespmem:s10+$0xFFFFFD70] =	vst v11  }
0x26d: {  	v11 =	vld [tilespmem:s10+$0xFFFFFDF0];
	[tilespmem:s10+$0xFFFFFD80] =	vst v2;
	v8 =	vmul.f32 v8, v3  }
0x26e: {  	v2 =	vbroadcast v7, $0x7;
	[tilespmem:s10+$0xFFFFFD90] =	vst v9;
	v9 =	vld [tilespmem:s10+$0xFFFFFE10];
	v12 =	vmul.f32 v12, v3  }
0x26f: {  	v3 =	vmul.f32 v13, v3;
	[tilespmem:s10+$0xFFFFFDA0] =	vst v8;
	v8 =	vld [tilespmem:s10+$0xFFFFFE20]  }
0x270: {  	v4 =	vmul.f32 v4, v2;
	v13 =	vld [tilespmem:s10+$0xFFFFFE40];
	[tilespmem:s10+$0xFFFFFDB0] =	vst v12  }
0x271: {  	v10 =	vmul.f32 v10, v2;
	v12 =	vld [tilespmem:s10+$0xFFFFFE30];
	[tilespmem:s10+$0xFFFFFDC0] =	vst v3  }
0x272: {  	v3 =	vbroadcast v7, $0x8;
	v11 =	vmul.f32 v11, v2;
	[tilespmem:s10+$0xFFFFFDD0] =	vst v4;
	v4 =	vld [tilespmem:s10+$0xFFFFFE50]  }
0x273: {  	v2 =	vmul.f32 v14, v2;
	v14 =	vld [tilespmem:s10+$0xFFFFFE80];
	[tilespmem:s10+$0xFFFFFDE0] =	vst v10  }
0x274: {  	v9 =	vmul.f32 v9, v3;
	v10 =	vld [tilespmem:s10+$0xFFFFFE60];
	[tilespmem:s10+$0xFFFFFDF0] =	vst v11  }
0x275: {  	v11 =	vld [tilespmem:s10+$0xFFFFFE70];
	[tilespmem:s10+$0xFFFFFE00] =	vst v2;
	v8 =	vmul.f32 v8, v3  }
0x276: {  	v2 =	vbroadcast v7, $0x9;
	[tilespmem:s10+$0xFFFFFE10] =	vst v9;
	v9 =	vld [tilespmem:s10+$0xFFFFFE90];
	v12 =	vmul.f32 v12, v3  }
0x277: {  	v3 =	vmul.f32 v13, v3;
	[tilespmem:s10+$0xFFFFFE20] =	vst v8;
	v8 =	vld [tilespmem:s10+$0xFFFFFEA0]  }
0x278: {  	v4 =	vmul.f32 v4, v2;
	v13 =	vld [tilespmem:s10+$0xFFFFFEC0];
	[tilespmem:s10+$0xFFFFFE30] =	vst v12  }
0x279: {  	v10 =	vmul.f32 v10, v2;
	v12 =	vld [tilespmem:s10+$0xFFFFFEB0];
	[tilespmem:s10+$0xFFFFFE40] =	vst v3  }
0x27a: {  	v3 =	vbroadcast v7, $0xA;
	v11 =	vmul.f32 v11, v2;
	[tilespmem:s10+$0xFFFFFE50] =	vst v4;
	v4 =	vld [tilespmem:s10+$0xFFFFFED0]  }
0x27b: {  	v2 =	vmul.f32 v14, v2;
	v14 =	vld [tilespmem:s10+$0xFFFFFF00];
	[tilespmem:s10+$0xFFFFFE60] =	vst v10  }
0x27c: {  	v9 =	vmul.f32 v9, v3;
	v10 =	vld [tilespmem:s10+$0xFFFFFEE0];
	[tilespmem:s10+$0xFFFFFE70] =	vst v11  }
0x27d: {  	v11 =	vld [tilespmem:s10+$0xFFFFFEF0];
	[tilespmem:s10+$0xFFFFFE80] =	vst v2;
	v8 =	vmul.f32 v8, v3  }
0x27e: {  	v2 =	vbroadcast v7, $0xB;
	[tilespmem:s10+$0xFFFFFE90] =	vst v9;
	v9 =	vld [tilespmem:s10+$0xFFFFFF10];
	v12 =	vmul.f32 v12, v3  }
0x27f: {  	v3 =	vmul.f32 v13, v3;
	[tilespmem:s10+$0xFFFFFEA0] =	vst v8;
	v8 =	vld [tilespmem:s10+$0xFFFFFF20]  }
0x280: {  	v4 =	vmul.f32 v4, v2;
	v13 =	vld [tilespmem:s10+$0xFFFFFF40];
	[tilespmem:s10+$0xFFFFFEB0] =	vst v12  }
0x281: {  	v10 =	vmul.f32 v10, v2;
	v12 =	vld [tilespmem:s10+$0xFFFFFF30];
	[tilespmem:s10+$0xFFFFFEC0] =	vst v3  }
0x282: {  	v3 =	vbroadcast v7, $0xC;
	v11 =	vmul.f32 v11, v2;
	[tilespmem:s10+$0xFFFFFED0] =	vst v4;
	v4 =	vld [tilespmem:s10+$0xFFFFFF50]  }
0x283: {  	v2 =	vmul.f32 v14, v2;
	v14 =	vld [tilespmem:s10+$0xFFFFFF80];
	[tilespmem:s10+$0xFFFFFEE0] =	vst v10  }
0x284: {  	v9 =	vmul.f32 v9, v3;
	[tilespmem:s10+$0xFFFFFEF0] =	vst v11;
	v11 =	vld [tilespmem:s10+$0xFFFFFF70]  }
0x285: {  	v10 =	vld [tilespmem:s10+$0xFFFFFF60];
	[tilespmem:s10+$0xFFFFFF00] =	vst v2;
	v8 =	vmul.f32 v8, v3  }
0x286: {  	v2 =	vbroadcast v7, $0xD;
	[tilespmem:s10+$0xFFFFFF10] =	vst v9;
	v9 =	vld [tilespmem:s10+$0xFFFFFF90];
	v12 =	vmul.f32 v12, v3  }
0x287: {  	v3 =	vmul.f32 v13, v3;
	[tilespmem:s10+$0xFFFFFF20] =	vst v8  }
0x288: {  	v4 =	vmul.f32 v4, v2;
	v8 =	vld [tilespmem:s10+$0xFFFFFFA0];
	[tilespmem:s10+$0xFFFFFF30] =	vst v12  }
0x289: {  	v12 =	vld [tilespmem:s10+$0xFFFFFFB0];
	[tilespmem:s10+$0xFFFFFF40] =	vst v3;
	v3 =	vbroadcast v7, $0xE;
	v7 =	vmul.f32 v11, v2  }
0x28a: {  	v10 =	vmul.f32 v10, v2;
	v11 =	vld [tilespmem:s10+$0xFFFFFFC0];
	[tilespmem:s10+$0xFFFFFF50] =	vst v4;
	v2 =	vmul.f32 v14, v2  }
0x28b: {  	v4 =	vld [tilespmem:s10+$0xFFFFFFD0];
	v9 =	vmul.f32 v9, v3;
	[tilespmem:s10+$0xFFFFFF70] =	vst v7  }
0x28c: {  	[tilespmem:s10+$0xFFFFFF80] =	vst v2;
	v2 =	vld [tilespmem:s10+$0xFFFFFFE0]  }
0x28d: {  	v7 =	vmul.f32 v8, v3;
	[tilespmem:s10+$0xFFFFFF90] =	vst v9;
	v9 =	vld [tilespmem:s10+$0xFFFFFFF0]  }
0x28e: {  	[tilespmem:s10+$0xFFFFFF60] =	vst v10;
	v8 =	vmul.f32 v12, v3  }
0x28f: {  	v3 =	vmul.f32 v11, v3;
	[tilespmem:s10+$0xFFFFFFA0] =	vst v7  }
0x290: {  	v4 =	vmul.f32 v4, v6;
	[tilespmem:s10+$0xFFFFFFB0] =	vst v8  }
0x291: {  	[tilespmem:s10+$0xFFFFFFC0] =	vst v3;
	v1 =	vmul.f32 v2, v6  }
0x292: {  	[tilespmem:s10+$0xFFFFFFD0] =	vst v4;
	v0 =	vmul.f32 v9, v6  }
0x293: {  	s9 =	sshra.s32 s6, $0x2;
	[tilespmem:s10+$0xFFFFFFE0] =	vst v1  }
0x294: {  	s4 =	sadd.s32 $0x4E20, s9;
	[tilespmem:s10+$0xFFFFFFF0] =	vst v0  }
0x295: {  	[spmem:s2] =	stream.indirect.scatter.add.f32 [tilespmem:s23], [sflag:$0x5], $0x40, s4, s21, $0xb8;
	[tilespmem:$0x1F6E0] =	vst v63  }
0x296: {  	_ =	swait.ge [sflag:s30], $0x1400  }
0x297: {  	[sflag:s30] =	ssyncset.done $0x0  }
0x298: {  	v1 =	vmov s26;
	[sflag:s30] =	ssyncadd.s32 $0xFFFFEC00  }
0x299: {  	p1 =	sgt.u32 s18, $0x51;
	_ =	swait.ge [sflag:s31], $0x1400  }
0x29a: {  	s5 =	simm.s32 @!p1 $0x50;
	s6 =	simm.s32 @!p1 $0xFE60;
	[sflag:s31] =	ssyncset.done $0x0  }
0x29b: {  	s10 =	simm.s32 $0x0;
	s4 =	sadd.s32 @!p1 $0x140, s28;
	[sflag:s31] =	ssyncadd.s32 $0xFFFFEC00  }
0x29c: {  	[tilespmem:s6], [sflag:$0x2] =	stream.indirect.gather @!p1 [hbm4b:s12+s5], $0x40, s4, s5, $0xb8;
	[tilespmem:$0x1F6E0] =	vst v63  }
0x29d: {  	s4 =	simm.s32 $0x11650;
	v3 =	vld.idx.msk [tilespmem:v1+s10+$0x0 ss:$0x1], $0xffff  }
0x29e: {  	v0 =	vld [tilespmem:s4+$0x0]  }
0x29f: {  	v4 =	vld [tilespmem:s4+$0xFFFFFC10]  }
0x2a0: {  	v5 =	vld [tilespmem:s4+$0xFFFFFC20]  }
0x2a1: {  	v6 =	vld [tilespmem:s4+$0xFFFFFC30]  }
0x2a2: {  	v7 =	vld [tilespmem:s4+$0xFFFFFC40]  }
0x2a3: {  	v8 =	vld [tilespmem:s4+$0xFFFFFC50]  }
0x2a4: {  	v9 =	vld [tilespmem:s4+$0xFFFFFC60]  }
0x2a5: {  	v10 =	vld [tilespmem:s4+$0xFFFFFC70]  }
0x2a6: {  	v12 =	vld [tilespmem:s4+$0xFFFFFC90]  }
0x2a7: {  	v13 =	vld [tilespmem:s4+$0xFFFFFCA0]  }
0x2a8: {  	v14 =	vld [tilespmem:s4+$0xFFFFFCB0]  }
0x2a9: {  	v15 =	vld [tilespmem:s4+$0xFFFFFCC0];
	v2 =	vbroadcast v3, $0xF  }
0x2aa: {  	v16 =	vld [tilespmem:s4+$0xFFFFFCD0];
	v11 =	vbroadcast v3, $0x0  }
0x2ab: {  	s5 =	simm.s32 $0x11A50;
	v17 =	vld [tilespmem:s4+$0xFFFFFD60];
	v0 =	vmul.f32 v0, v2  }
0x2ac: {  	v18 =	vld [tilespmem:s5+$0x0];
	v4 =	vmul.f32 v11, v4  }
0x2ad: {  	v19 =	vld [tilespmem:s5+$0xFFFFFC10];
	v5 =	vmul.f32 v5, v11;
	[tilespmem:s4+$0x0] =	vst v0  }
0x2ae: {  	v20 =	vld [tilespmem:s5+$0xFFFFFC20];
	v28 =	vbroadcast v3, $0x3;
	v7 =	vmul.f32 v7, v11;
	[tilespmem:s4+$0xFFFFFC10] =	vst v4  }
0x2af: {  	v0 =	vld [tilespmem:s4+$0xFFFFFC80];
	v4 =	vmul.f32 v6, v11;
	[tilespmem:s4+$0xFFFFFC20] =	vst v5;
	v6 =	vbroadcast v3, $0x1  }
0x2b0: {  	v16 =	vmul.f32 v16, v28;
	v5 =	vld [tilespmem:s4+$0xFFFFFCE0];
	[tilespmem:s4+$0xFFFFFC40] =	vst v7  }
0x2b1: {  	v11 =	vld [tilespmem:s4+$0xFFFFFCF0];
	[tilespmem:s4+$0xFFFFFC30] =	vst v4;
	v4 =	vmul.f32 v8, v6  }
0x2b2: {  	v21 =	vld [tilespmem:s5+$0xFFFFFC30];
	[tilespmem:s4+$0xFFFFFCD0] =	vst v16;
	v8 =	vmul.f32 v9, v6  }
0x2b3: {  	v7 =	vld [tilespmem:s4+$0xFFFFFD00];
	[tilespmem:s4+$0xFFFFFC50] =	vst v4;
	v4 =	vmul.f32 v10, v6  }
0x2b4: {  	v22 =	vld [tilespmem:s5+$0xFFFFFC40];
	[tilespmem:s4+$0xFFFFFC60] =	vst v8;
	v0 =	vmul.f32 v0, v6  }
0x2b5: {  	v23 =	vld [tilespmem:s5+$0xFFFFFC50];
	v10 =	vbroadcast v3, $0x2;
	v5 =	vmul.f32 v5, v28;
	[tilespmem:s4+$0xFFFFFC70] =	vst v4  }
0x2b6: {  	v9 =	vld [tilespmem:s4+$0xFFFFFD10];
	v11 =	vmul.f32 v11, v28;
	[tilespmem:s4+$0xFFFFFC80] =	vst v0  }
0x2b7: {  	v8 =	vld [tilespmem:s4+$0xFFFFFD20];
	v4 =	vmul.f32 v12, v10;
	[tilespmem:s4+$0xFFFFFCE0] =	vst v5  }
0x2b8: {  	s28 =	simm.s32 $0x10;
	v6 =	vld [tilespmem:s4+$0xFFFFFD30];
	v7 =	vmul.f32 v7, v28;
	[tilespmem:s4+$0xFFFFFCF0] =	vst v11  }
0x2b9: {  	v14 =	vmul.f32 v14, v10;
	[tilespmem:s4+$0xFFFFFC90] =	vst v4;
	v4 =	vld.idx.msk [tilespmem:v1+s28+$0x0 ss:$0x1], $0xffff  }
0x2ba: {  	v47 =	vbroadcast v3, $0x4;
	v12 =	vld [tilespmem:s4+$0xFFFFFD40];
	v0 =	vmul.f32 v13, v10;
	[tilespmem:s4+$0xFFFFFD00] =	vst v7  }
0x2bb: {  	v24 =	vld [tilespmem:s5+$0xFFFFFC60];
	v10 =	vmul.f32 v15, v10;
	[tilespmem:s4+$0xFFFFFCB0] =	vst v14  }
0x2bc: {  	v25 =	vld [tilespmem:s4+$0xFFFFFD70];
	v9 =	vmul.f32 v9, v47;
	[tilespmem:s4+$0xFFFFFCA0] =	vst v0  }
0x2bd: {  	v27 =	vld [tilespmem:s5+$0xFFFFFC90];
	[tilespmem:s4+$0xFFFFFCC0] =	vst v10;
	v8 =	vmul.f32 v8, v47  }
0x2be: {  	v29 =	vld [tilespmem:s5+$0xFFFFFCB0];
	[tilespmem:s4+$0xFFFFFD10] =	vst v9;
	v6 =	vmul.f32 v6, v47;
	v0 =	vbroadcast v4, $0xF  }
0x2bf: {  	v30 =	vld [tilespmem:s4+$0xFFFFFD80];
	[tilespmem:s4+$0xFFFFFD20] =	vst v8;
	v12 =	vmul.f32 v12, v47;
	v26 =	vbroadcast v4, $0x0  }
0x2c0: {  	v46 =	vld [tilespmem:s4+$0xFFFFFDA0];
	[tilespmem:s4+$0xFFFFFD30] =	vst v6;
	v18 =	vmul.f32 v18, v0  }
0x2c1: {  	v48 =	vld [tilespmem:s4+$0xFFFFFDB0];
	[tilespmem:s4+$0xFFFFFD40] =	vst v12;
	v19 =	vmul.f32 v26, v19  }
0x2c2: {  	v14 =	vld [tilespmem:s5+$0xFFFFFC70];
	v20 =	vmul.f32 v20, v26;
	[tilespmem:s5+$0x0] =	vst v18  }
0x2c3: {  	v49 =	vld [tilespmem:s4+$0xFFFFFDC0];
	v31 =	vbroadcast v4, $0x1;
	v21 =	vmul.f32 v21, v26;
	[tilespmem:s5+$0xFFFFFC10] =	vst v19  }
0x2c4: {  	v15 =	vld [tilespmem:s5+$0xFFFFFCA0];
	v22 =	vmul.f32 v22, v26;
	[tilespmem:s5+$0xFFFFFC20] =	vst v20  }
0x2c5: {  	v50 =	vld [tilespmem:s4+$0xFFFFFDD0];
	v23 =	vmul.f32 v23, v31;
	[tilespmem:s5+$0xFFFFFC30] =	vst v21  }
0x2c6: {  	v10 =	vld [tilespmem:s5+$0xFFFFFCC0];
	v52 =	vbroadcast v4, $0x2;
	v24 =	vmul.f32 v24, v31;
	[tilespmem:s5+$0xFFFFFC40] =	vst v22  }
0x2c7: {  	v16 =	vld [tilespmem:s5+$0xFFFFFCD0];
	v14 =	vmul.f32 v14, v31;
	[tilespmem:s5+$0xFFFFFC50] =	vst v23  }
0x2c8: {  	v5 =	vld [tilespmem:s5+$0xFFFFFCE0];
	v27 =	vmul.f32 v27, v52;
	[tilespmem:s5+$0xFFFFFC60] =	vst v24  }
0x2c9: {  	v11 =	vld [tilespmem:s5+$0xFFFFFCF0];
	v15 =	vmul.f32 v15, v52;
	[tilespmem:s5+$0xFFFFFC70] =	vst v14  }
0x2ca: {  	v7 =	vld [tilespmem:s5+$0xFFFFFD00];
	v56 =	vbroadcast v4, $0x3;
	v29 =	vmul.f32 v29, v52;
	[tilespmem:s5+$0xFFFFFC90] =	vst v27  }
0x2cb: {  	v9 =	vld [tilespmem:s5+$0xFFFFFD10];
	v10 =	vmul.f32 v10, v52;
	[tilespmem:s5+$0xFFFFFCA0] =	vst v15  }
0x2cc: {  	v8 =	vld [tilespmem:s5+$0xFFFFFD20];
	v16 =	vmul.f32 v16, v56;
	[tilespmem:s5+$0xFFFFFCB0] =	vst v29  }
0x2cd: {  	v51 =	vld [tilespmem:s4+$0xFFFFFDE0];
	v5 =	vmul.f32 v5, v56;
	[tilespmem:s5+$0xFFFFFCC0] =	vst v10  }
0x2ce: {  	v53 =	vld [tilespmem:s4+$0xFFFFFDF0];
	v61 =	vbroadcast v4, $0x4;
	v11 =	vmul.f32 v11, v56;
	[tilespmem:s5+$0xFFFFFCD0] =	vst v16  }
0x2cf: {  	v54 =	vld [tilespmem:s4+$0xFFFFFE10];
	v7 =	vmul.f32 v7, v56;
	[tilespmem:s5+$0xFFFFFCE0] =	vst v5  }
0x2d0: {  	v57 =	vbroadcast v3, $0x6;
	v6 =	vld [tilespmem:s5+$0xFFFFFD30];
	v9 =	vmul.f32 v9, v61;
	[tilespmem:s5+$0xFFFFFCF0] =	vst v11  }
0x2d1: {  	v12 =	vld [tilespmem:s5+$0xFFFFFD40];
	v8 =	vmul.f32 v8, v61;
	[tilespmem:s5+$0xFFFFFD00] =	vst v7  }
0x2d2: {  	v13 =	vld [tilespmem:s4+$0xFFFFFD50];
	v16 =	vmul.f32 v46, v57;
	[tilespmem:s5+$0xFFFFFD10] =	vst v9  }
0x2d3: {  	v55 =	vld [tilespmem:s4+$0xFFFFFE20];
	v5 =	vmul.f32 v48, v57;
	[tilespmem:s5+$0xFFFFFD20] =	vst v8  }
0x2d4: {  	v58 =	vld [tilespmem:s4+$0xFFFFFE30];
	v22 =	vmul.f32 v49, v57;
	[tilespmem:s4+$0xFFFFFDA0] =	vst v16  }
0x2d5: {  	v59 =	vld [tilespmem:s4+$0xFFFFFE50];
	v14 =	vbroadcast v3, $0x5;
	v6 =	vmul.f32 v6, v61;
	[tilespmem:s4+$0xFFFFFDB0] =	vst v5  }
0x2d6: {  	v60 =	vld [tilespmem:s4+$0xFFFFFE60];
	v12 =	vmul.f32 v12, v61;
	[tilespmem:s4+$0xFFFFFDC0] =	vst v22  }
0x2d7: {  	v62 =	vld [tilespmem:s4+$0xFFFFFE70];
	v13 =	vmul.f32 v13, v14;
	[tilespmem:s5+$0xFFFFFD30] =	vst v6  }
0x2d8: {  	v63 =	vld [tilespmem:s5+$0xFFFFFDC0];
	v17 =	vmul.f32 v17, v14;
	[tilespmem:s5+$0xFFFFFD40] =	vst v12  }
0x2d9: {  	v33 =	vld [tilespmem:s4+$0xFFFFFE80];
	v11 =	vbroadcast v3, $0x7;
	v15 =	vmul.f32 v25, v14;
	[tilespmem:s4+$0xFFFFFD50] =	vst v13  }
0x2da: {  	v34 =	vld [tilespmem:s4+$0xFFFFFE90];
	v14 =	vmul.f32 v30, v14;
	[tilespmem:s4+$0xFFFFFD60] =	vst v17  }
0x2db: {  	v18 =	vld [tilespmem:s5+$0xFFFFFC80];
	v7 =	vmul.f32 v50, v11;
	[tilespmem:s4+$0xFFFFFD70] =	vst v15  }
0x2dc: {  	v40 =	vbroadcast v4, $0x6;
	v19 =	vld [tilespmem:s4+$0xFFFFFD90];
	v9 =	vmul.f32 v51, v11;
	[tilespmem:s4+$0xFFFFFD80] =	vst v14  }
0x2dd: {  	v16 =	vld [tilespmem:s5+$0xFFFFFDA0];
	v8 =	vmul.f32 v53, v11;
	v6 =	vbroadcast v3, $0x8;
	[tilespmem:s4+$0xFFFFFDD0] =	vst v7  }
0x2de: {  	v5 =	vld [tilespmem:s5+$0xFFFFFDB0];
	v22 =	vmul.f32 v63, v40;
	[tilespmem:s4+$0xFFFFFDE0] =	vst v9  }
0x2df: {  	v13 =	vld [tilespmem:s5+$0xFFFFFD50];
	[tilespmem:s4+$0xFFFFFDF0] =	vst v8;
	v12 =	vmul.f32 v54, v6  }
0x2e0: {  	v17 =	vld [tilespmem:s5+$0xFFFFFD60];
	[tilespmem:s5+$0xFFFFFDC0] =	vst v22;
	v18 =	vmul.f32 v18, v31  }
0x2e1: {  	v15 =	vld [tilespmem:s5+$0xFFFFFD70];
	v10 =	vmul.f32 v19, v57;
	[tilespmem:s4+$0xFFFFFE10] =	vst v12  }
0x2e2: {  	v36 =	vbroadcast v4, $0x5;
	v14 =	vld [tilespmem:s5+$0xFFFFFD80];
	[tilespmem:s5+$0xFFFFFC80] =	vst v18;
	v16 =	vmul.f32 v16, v40  }
0x2e3: {  	v7 =	vld [tilespmem:s5+$0xFFFFFDD0];
	[tilespmem:s4+$0xFFFFFD90] =	vst v10;
	v5 =	vmul.f32 v5, v40  }
0x2e4: {  	v9 =	vld [tilespmem:s5+$0xFFFFFDE0];
	v13 =	vmul.f32 v13, v36;
	[tilespmem:s5+$0xFFFFFDA0] =	vst v16  }
0x2e5: {  	v8 =	vld [tilespmem:s5+$0xFFFFFDF0];
	v17 =	vmul.f32 v17, v36;
	[tilespmem:s5+$0xFFFFFDB0] =	vst v5  }
0x2e6: {  	v35 =	vld [tilespmem:s4+$0xFFFFFEA0];
	v44 =	vbroadcast v4, $0x7;
	v15 =	vmul.f32 v15, v36;
	[tilespmem:s5+$0xFFFFFD50] =	vst v13  }
0x2e7: {  	v37 =	vld [tilespmem:s4+$0xFFFFFEC0];
	v14 =	vmul.f32 v14, v36;
	[tilespmem:s5+$0xFFFFFD60] =	vst v17  }
0x2e8: {  	v19 =	vld [tilespmem:s4+$0xFFFFFE40];
	v7 =	vmul.f32 v7, v44;
	[tilespmem:s5+$0xFFFFFD70] =	vst v15  }
0x2e9: {  	v38 =	vld [tilespmem:s4+$0xFFFFFED0];
	v9 =	vmul.f32 v9, v44;
	[tilespmem:s5+$0xFFFFFD80] =	vst v14  }
0x2ea: {  	v39 =	vld [tilespmem:s4+$0xFFFFFEE0];
	v8 =	vmul.f32 v8, v44;
	[tilespmem:s5+$0xFFFFFDD0] =	vst v7  }
0x2eb: {  	v12 =	vld [tilespmem:s5+$0xFFFFFE10];
	v13 =	vmul.f32 v55, v6;
	[tilespmem:s5+$0xFFFFFDE0] =	vst v9  }
0x2ec: {  	v18 =	vld [tilespmem:s4+$0xFFFFFE00];
	v5 =	vbroadcast v3, $0xA;
	v17 =	vmul.f32 v58, v6;
	[tilespmem:s5+$0xFFFFFDF0] =	vst v8  }
0x2ed: {  	v10 =	vld [tilespmem:s5+$0xFFFFFD90];
	v6 =	vmul.f32 v19, v6;
	[tilespmem:s4+$0xFFFFFE20] =	vst v13  }
0x2ee: {  	v41 =	vld [tilespmem:s4+$0xFFFFFF00];
	v50 =	vbroadcast v4, $0x8;
	v46 =	vmul.f32 v34, v5;
	[tilespmem:s4+$0xFFFFFE30] =	vst v17  }
0x2ef: {  	v42 =	vld [tilespmem:s4+$0xFFFFFF10];
	v7 =	vmul.f32 v35, v5;
	[tilespmem:s4+$0xFFFFFE40] =	vst v6  }
0x2f0: {  	v43 =	vld [tilespmem:s4+$0xFFFFFF20];
	v12 =	vmul.f32 v12, v50;
	[tilespmem:s4+$0xFFFFFE90] =	vst v46  }
0x2f1: {  	v45 =	vld [tilespmem:s4+$0xFFFFFF30];
	v15 =	vbroadcast v3, $0x9;
	v11 =	vmul.f32 v18, v11;
	[tilespmem:s4+$0xFFFFFEA0] =	vst v7  }
0x2f2: {  	v47 =	vld [tilespmem:s4+$0xFFFFFF40];
	v10 =	vmul.f32 v10, v40;
	[tilespmem:s5+$0xFFFFFE10] =	vst v12  }
0x2f3: {  	v8 =	vbroadcast v3, $0xB;
	v18 =	vld [tilespmem:s4+$0xFFFFFEB0];
	v14 =	vmul.f32 v59, v15;
	[tilespmem:s4+$0xFFFFFE00] =	vst v11  }
0x2f4: {  	v52 =	vld [tilespmem:s4+$0xFFFFFF80];
	v16 =	vmul.f32 v62, v15;
	[tilespmem:s5+$0xFFFFFD90] =	vst v10  }
0x2f5: {  	v13 =	vld [tilespmem:s5+$0xFFFFFE20];
	v12 =	vmul.f32 v39, v8;
	[tilespmem:s4+$0xFFFFFE50] =	vst v14  }
0x2f6: {  	v17 =	vld [tilespmem:s5+$0xFFFFFE30];
	v10 =	vmul.f32 v60, v15;
	[tilespmem:s4+$0xFFFFFE70] =	vst v16  }
0x2f7: {  	v6 =	vld [tilespmem:s5+$0xFFFFFE40];
	v15 =	vmul.f32 v33, v15;
	[tilespmem:s4+$0xFFFFFEE0] =	vst v12  }
0x2f8: {  	v11 =	vld [tilespmem:s5+$0xFFFFFE00];
	[tilespmem:s4+$0xFFFFFE60] =	vst v10;
	v9 =	vmul.f32 v18, v5  }
0x2f9: {  	v19 =	vld [tilespmem:s4+$0xFFFFFEF0];
	[tilespmem:s4+$0xFFFFFE80] =	vst v15;
	v5 =	vmul.f32 v37, v5  }
0x2fa: {  	v14 =	vld [tilespmem:s5+$0xFFFFFE50];
	v13 =	vmul.f32 v13, v50;
	[tilespmem:s4+$0xFFFFFEB0] =	vst v9  }
0x2fb: {  	v56 =	vld [tilespmem:s5+$0xFFFFFF00];
	v17 =	vmul.f32 v17, v50;
	[tilespmem:s4+$0xFFFFFEC0] =	vst v5  }
0x2fc: {  	v48 =	vld [tilespmem:s5+$0xFFFFFE90];
	v6 =	vmul.f32 v6, v50;
	[tilespmem:s5+$0xFFFFFE20] =	vst v13  }
0x2fd: {  	v54 =	vbroadcast v4, $0x9;
	v10 =	vld [tilespmem:s5+$0xFFFFFE60];
	v11 =	vmul.f32 v11, v44;
	[tilespmem:s5+$0xFFFFFE30] =	vst v17  }
0x2fe: {  	v15 =	vld [tilespmem:s5+$0xFFFFFE80];
	v13 =	vmul.f32 v19, v8;
	[tilespmem:s5+$0xFFFFFE40] =	vst v6  }
0x2ff: {  	v49 =	vld [tilespmem:s4+$0xFFFFFF50];
	v14 =	vmul.f32 v14, v54;
	[tilespmem:s5+$0xFFFFFE00] =	vst v11  }
0x300: {  	v61 =	vld [tilespmem:s5+$0xFFFFFF50];
	v11 =	vmul.f32 v38, v8;
	[tilespmem:s4+$0xFFFFFEF0] =	vst v13  }
0x301: {  	v51 =	vld [tilespmem:s4+$0xFFFFFF70];
	v8 =	vmul.f32 v41, v8;
	[tilespmem:s5+$0xFFFFFE50] =	vst v14  }
0x302: {  	v16 =	vld [tilespmem:s5+$0xFFFFFE70];
	v17 =	vbroadcast v3, $0xC;
	v10 =	vmul.f32 v10, v54;
	[tilespmem:s4+$0xFFFFFED0] =	vst v11  }
0x303: {  	v53 =	vld [tilespmem:s4+$0xFFFFFF90];
	v15 =	vmul.f32 v15, v54;
	[tilespmem:s4+$0xFFFFFF00] =	vst v8  }
0x304: {  	v57 =	vld [tilespmem:s5+$0xFFFFFF10];
	v6 =	vmul.f32 v42, v17;
	[tilespmem:s5+$0xFFFFFE60] =	vst v10  }
0x305: {  	v7 =	vld [tilespmem:s5+$0xFFFFFEA0];
	v14 =	vmul.f32 v43, v17;
	[tilespmem:s5+$0xFFFFFE80] =	vst v15  }
0x306: {  	v9 =	vld [tilespmem:s5+$0xFFFFFEB0];
	v10 =	vmul.f32 v45, v17;
	v17 =	vmul.f32 v47, v17;
	[tilespmem:s4+$0xFFFFFF10] =	vst v6  }
0x307: {  	v5 =	vld [tilespmem:s5+$0xFFFFFEC0];
	v6 =	vmul.f32 v16, v54;
	[tilespmem:s4+$0xFFFFFF20] =	vst v14;
	v16 =	vbroadcast v4, $0xA  }
0x308: {  	v55 =	vld [tilespmem:s4+$0xFFFFFFB0];
	[tilespmem:s4+$0xFFFFFF30] =	vst v10  }
0x309: {  	v18 =	vld [tilespmem:s4+$0xFFFFFF60];
	[tilespmem:s4+$0xFFFFFF40] =	vst v17;
	v21 =	vmul.f32 v48, v16  }
0x30a: {  	v58 =	vld [tilespmem:s4+$0xFFFFFFD0];
	[tilespmem:s5+$0xFFFFFE70] =	vst v6;
	v7 =	vmul.f32 v7, v16  }
0x30b: {  	v59 =	vld [tilespmem:s4+$0xFFFFFFE0];
	v6 =	vbroadcast v3, $0xD;
	v9 =	vmul.f32 v9, v16;
	[tilespmem:s5+$0xFFFFFE90] =	vst v21  }
0x30c: {  	v62 =	vld [tilespmem:s5+$0xFFFFFF80];
	v5 =	vmul.f32 v5, v16;
	[tilespmem:s5+$0xFFFFFEA0] =	vst v7  }
0x30d: {  	v19 =	vld [tilespmem:s4+$0xFFFFFFA0];
	v15 =	vmul.f32 v49, v6;
	[tilespmem:s5+$0xFFFFFEB0] =	vst v9  }
0x30e: {  	v11 =	vld [tilespmem:s5+$0xFFFFFED0];
	v18 =	vmul.f32 v18, v6;
	[tilespmem:s5+$0xFFFFFEC0] =	vst v5  }
0x30f: {  	v12 =	vld [tilespmem:s5+$0xFFFFFEE0];
	v3 =	vbroadcast v3, $0xE;
	v7 =	vmul.f32 v51, v6;
	[tilespmem:s4+$0xFFFFFF50] =	vst v15  }
0x310: {  	v8 =	vld [tilespmem:s4+$0xFFFFFFC0];
	v6 =	vmul.f32 v52, v6;
	[tilespmem:s4+$0xFFFFFF60] =	vst v18  }
0x311: {  	v13 =	vld [tilespmem:s5+$0xFFFFFEF0];
	v5 =	vmul.f32 v53, v3;
	v15 =	vbroadcast v4, $0xB;
	[tilespmem:s4+$0xFFFFFF70] =	vst v7  }
0x312: {  	v14 =	vld [tilespmem:s5+$0xFFFFFF20];
	v9 =	vmul.f32 v19, v3;
	[tilespmem:s4+$0xFFFFFF80] =	vst v6  }
0x313: {  	v19 =	vbroadcast v4, $0xD;
	v18 =	vld [tilespmem:s5+$0xFFFFFF60];
	[tilespmem:s4+$0xFFFFFF90] =	vst v5;
	v7 =	vmul.f32 v11, v15  }
0x314: {  	v17 =	vld [tilespmem:s4+$0xFFFFFFF0];
	v5 =	vmul.f32 v58, v2;
	[tilespmem:s4+$0xFFFFFFA0] =	vst v9;
	v11 =	vmul.f32 v12, v15  }
0x315: {  	v10 =	vld [tilespmem:s5+$0xFFFFFF30];
	v12 =	vmul.f32 v8, v3;
	[tilespmem:s5+$0xFFFFFED0] =	vst v7;
	v7 =	vmul.f32 v55, v3  }
0x316: {  	v60 =	vld [tilespmem:s5+$0xFFFFFF40];
	v3 =	vmul.f32 v13, v15;
	[tilespmem:s5+$0xFFFFFEE0] =	vst v11;
	v11 =	vbroadcast v4, $0xC  }
0x317: {  	v16 =	vld [tilespmem:s5+$0xFFFFFF70];
	v4 =	vbroadcast v4, $0xE;
	v13 =	vmul.f32 v56, v15;
	[tilespmem:s4+$0xFFFFFFC0] =	vst v12  }
0x318: {  	v6 =	vld [tilespmem:s5+$0xFFFFFF90];
	v12 =	vmul.f32 v18, v19;
	[tilespmem:s5+$0xFFFFFEF0] =	vst v3;
	v3 =	vmul.f32 v59, v2  }
0x319: {  	v8 =	vld [tilespmem:s5+$0xFFFFFFA0];
	[tilespmem:s4+$0xFFFFFFD0] =	vst v5;
	v2 =	vmul.f32 v17, v2;
	v63 =	vmul.f32 v57, v11  }
0x31a: {  	v9 =	vld [tilespmem:s5+$0xFFFFFFB0];
	[tilespmem:s4+$0xFFFFFFB0] =	vst v7;
	v7 =	vmul.f32 v14, v11;
	v17 =	vmul.f32 v10, v11  }
0x31b: {  	s1 =	sadd.s32 $0x280, s1;
	[tilespmem:s5+$0xFFFFFF00] =	vst v13;
	v15 =	vmul.f32 v60, v11;
	v10 =	vld [tilespmem:s5+$0xFFFFFFC0];
	v11 =	vmul.f32 v61, v19  }
0x31c: {  	s9 =	simm.s32 $0x20;
	s8 =	simm.s32 $0xC0;
	s6 =	simm.s32 $0x11A50;
	v13 =	vmul.f32 v16, v19;
	v14 =	vmul.f32 v62, v19;
	v16 =	vld [tilespmem:s5+$0xFFFFFFD0];
	[tilespmem:s5+$0xFFFFFF10] =	vst v63  }
.LBB2_10:
0x31d: {  	p1 =	sne.s32 s8, $0x100;
	v18 =	vld.idx.msk [tilespmem:v1+s9+$0x0 ss:$0x1], $0xffff;
	[tilespmem:s5+$0xFFFFFF20] =	vst v7;
	v5 =	vmul.f32 v6, v4  }
0x31e: {  	[tilespmem:s5+$0xFFFFFF30] =	vst v17;
	v6 =	vmul.f32 v8, v4;
	v17 =	vld [tilespmem:s5+$0xFFFFFFE0]  }
0x31f: {  	s5 =	sadd.s32 $0x400, s5;
	[tilespmem:s6+$0xFFFFFF40] =	vst v15;
	v7 =	vmul.f32 v9, v4;
	v15 =	vld [tilespmem:s6+$0xFFFFFFF0]  }
0x320: {  	v8 =	vld [tilespmem:s5+$0x0];
	[tilespmem:s6+$0xFFFFFF50] =	vst v11;
	v4 =	vmul.f32 v10, v4  }
0x321: {  	v19 =	vld [tilespmem:s5+$0xFFFFFC10];
	[tilespmem:s6+$0xFFFFFF60] =	vst v12;
	v12 =	vmul.f32 v16, v0  }
0x322: {  	v16 =	vld [tilespmem:s5+$0xFFFFFC20];
	[tilespmem:s6+$0xFFFFFF70] =	vst v13  }
0x323: {  	v13 =	vbroadcast v18, $0x0;
	v21 =	vbroadcast v18, $0xF;
	v20 =	vld [tilespmem:s5+$0xFFFFFC30];
	[tilespmem:s6+$0xFFFFFF80] =	vst v14  }
0x324: {  	v22 =	vbroadcast v18, $0x1;
	v23 =	vbroadcast v18, $0x2;
	v14 =	vld [tilespmem:s5+$0xFFFFFC40];
	[tilespmem:s6+$0xFFFFFF90] =	vst v5  }
0x325: {  	v25 =	vbroadcast v18, $0x3;
	v24 =	vld [tilespmem:s5+$0xFFFFFC50];
	v5 =	vmul.f32 v8, v21;
	[tilespmem:s6+$0xFFFFFFA0] =	vst v6  }
0x326: {  	v27 =	vbroadcast v18, $0x4;
	v28 =	vbroadcast v18, $0x5;
	v26 =	vld [tilespmem:s5+$0xFFFFFC60];
	[tilespmem:s6+$0xFFFFFFB0] =	vst v7  }
0x327: {  	v30 =	vbroadcast v18, $0x6;
	v11 =	vbroadcast v18, $0x7;
	v29 =	vld [tilespmem:s5+$0xFFFFFC70];
	[tilespmem:s5+$0x0] =	vst v5  }
0x328: {  	v10 =	vbroadcast v18, $0x8;
	v9 =	vbroadcast v18, $0x9;
	v31 =	vld [tilespmem:s5+$0xFFFFFC80];
	[tilespmem:s6+$0xFFFFFFC0] =	vst v4  }
0x329: {  	v8 =	vbroadcast v18, $0xA;
	v7 =	vbroadcast v18, $0xB;
	v32 =	vld [tilespmem:s5+$0xFFFFFC90];
	[tilespmem:s6+$0xFFFFFFD0] =	vst v12  }
0x32a: {  	v6 =	vbroadcast v18, $0xC;
	v5 =	vbroadcast v18, $0xD;
	v12 =	vld [tilespmem:s5+$0xFFFFFCA0];
	[tilespmem:s4+$0xFFFFFFE0] =	vst v3  }
0x32b: {  	v4 =	vbroadcast v18, $0xE;
	v3 =	vmul.f32 v13, v19;
	v19 =	vld [tilespmem:s5+$0xFFFFFCB0];
	[tilespmem:s4+$0xFFFFFFF0] =	vst v2;
	s4 =	smov.u32 s6;
	s6 =	smov.u32 s5  }
0x32c: {  	v2 =	vmul.f32 v16, v13;
	v16 =	vmul.f32 v20, v13;
	v18 =	vld [tilespmem:s5+$0xFFFFFCC0]  }
0x32d: {  	[tilespmem:s5+$0xFFFFFC10] =	vst v3;
	v3 =	vmul.f32 v14, v13;
	v13 =	vmul.f32 v24, v22;
	v14 =	vld [tilespmem:s5+$0xFFFFFCD0]  }
0x32e: {  	v20 =	vmul.f32 v29, v22;
	[tilespmem:s5+$0xFFFFFC20] =	vst v2;
	v2 =	vmul.f32 v26, v22;
	v24 =	vld [tilespmem:s5+$0xFFFFFCE0]  }
0x32f: {  	[tilespmem:s5+$0xFFFFFC30] =	vst v16;
	v16 =	vmul.f32 v31, v22;
	v22 =	vmul.f32 v32, v23;
	v26 =	vld [tilespmem:s5+$0xFFFFFCF0]  }
0x330: {  	v12 =	vmul.f32 v12, v23;
	[tilespmem:s5+$0xFFFFFC40] =	vst v3;
	v19 =	vmul.f32 v19, v23;
	v29 =	vld [tilespmem:s5+$0xFFFFFD00]  }
0x331: {  	v3 =	vmul.f32 v17, v0;
	[tilespmem:s5+$0xFFFFFC50] =	vst v13;
	v13 =	vmul.f32 v18, v23;
	v18 =	vld [tilespmem:s5+$0xFFFFFD10]  }
0x332: {  	[tilespmem:s5+$0xFFFFFC60] =	vst v2;
	v14 =	vmul.f32 v14, v25;
	v17 =	vld [tilespmem:s5+$0xFFFFFD20];
	v2 =	vmul.f32 v15, v0;
	v0 =	vmov v21  }
0x333: {  	[tilespmem:s5+$0xFFFFFC70] =	vst v20;
	v15 =	vmul.f32 v24, v25;
	v20 =	vld [tilespmem:s5+$0xFFFFFD30]  }
0x334: {  	[tilespmem:s5+$0xFFFFFC80] =	vst v16;
	v16 =	vmul.f32 v26, v25;
	v21 =	vld [tilespmem:s5+$0xFFFFFD40]  }
0x335: {  	[tilespmem:s5+$0xFFFFFC90] =	vst v22;
	v22 =	vmul.f32 v29, v25;
	v23 =	vld [tilespmem:s5+$0xFFFFFD50]  }
0x336: {  	[tilespmem:s5+$0xFFFFFCA0] =	vst v12;
	v12 =	vmul.f32 v18, v27;
	v18 =	vld [tilespmem:s5+$0xFFFFFD60]  }
0x337: {  	[tilespmem:s5+$0xFFFFFCB0] =	vst v19;
	v17 =	vmul.f32 v17, v27;
	v19 =	vld [tilespmem:s5+$0xFFFFFD70]  }
0x338: {  	[tilespmem:s5+$0xFFFFFCC0] =	vst v13;
	v13 =	vmul.f32 v20, v27;
	v20 =	vld [tilespmem:s5+$0xFFFFFD80]  }
0x339: {  	[tilespmem:s5+$0xFFFFFCD0] =	vst v14;
	v14 =	vmul.f32 v21, v27;
	v21 =	vld [tilespmem:s5+$0xFFFFFD90]  }
0x33a: {  	[tilespmem:s5+$0xFFFFFCE0] =	vst v15;
	v15 =	vmul.f32 v23, v28;
	v23 =	vld [tilespmem:s5+$0xFFFFFDA0]  }
0x33b: {  	[tilespmem:s5+$0xFFFFFCF0] =	vst v16;
	v16 =	vmul.f32 v18, v28;
	v18 =	vld [tilespmem:s5+$0xFFFFFDB0]  }
0x33c: {  	[tilespmem:s5+$0xFFFFFD00] =	vst v22;
	v19 =	vmul.f32 v19, v28;
	v22 =	vld [tilespmem:s5+$0xFFFFFDC0]  }
0x33d: {  	[tilespmem:s5+$0xFFFFFD10] =	vst v12;
	v12 =	vmul.f32 v20, v28;
	v20 =	vld [tilespmem:s5+$0xFFFFFDD0]  }
0x33e: {  	[tilespmem:s5+$0xFFFFFD20] =	vst v17;
	v17 =	vmul.f32 v21, v30;
	v21 =	vld [tilespmem:s5+$0xFFFFFDE0]  }
0x33f: {  	[tilespmem:s5+$0xFFFFFD30] =	vst v13;
	v13 =	vmul.f32 v23, v30;
	v23 =	vld [tilespmem:s5+$0xFFFFFDF0]  }
0x340: {  	[tilespmem:s5+$0xFFFFFD40] =	vst v14;
	v14 =	vmul.f32 v18, v30;
	v18 =	vld [tilespmem:s5+$0xFFFFFE00]  }
0x341: {  	[tilespmem:s5+$0xFFFFFD50] =	vst v15;
	v15 =	vmul.f32 v22, v30;
	v22 =	vld [tilespmem:s5+$0xFFFFFE10]  }
0x342: {  	[tilespmem:s5+$0xFFFFFD60] =	vst v16;
	v16 =	vmul.f32 v20, v11;
	v20 =	vld [tilespmem:s5+$0xFFFFFE20]  }
0x343: {  	[tilespmem:s5+$0xFFFFFD70] =	vst v19;
	v19 =	vmul.f32 v21, v11;
	v21 =	vld [tilespmem:s5+$0xFFFFFE30]  }
0x344: {  	[tilespmem:s5+$0xFFFFFD80] =	vst v12;
	v12 =	vmul.f32 v23, v11;
	v23 =	vld [tilespmem:s5+$0xFFFFFE40]  }
0x345: {  	[tilespmem:s5+$0xFFFFFD90] =	vst v17;
	v11 =	vmul.f32 v18, v11;
	v17 =	vld [tilespmem:s5+$0xFFFFFE50]  }
0x346: {  	[tilespmem:s5+$0xFFFFFDA0] =	vst v13;
	v13 =	vmul.f32 v22, v10;
	v18 =	vld [tilespmem:s5+$0xFFFFFE60]  }
0x347: {  	[tilespmem:s5+$0xFFFFFDB0] =	vst v14;
	v14 =	vmul.f32 v20, v10;
	v20 =	vld [tilespmem:s5+$0xFFFFFE70]  }
0x348: {  	[tilespmem:s5+$0xFFFFFDC0] =	vst v15;
	v15 =	vmul.f32 v21, v10;
	v21 =	vld [tilespmem:s5+$0xFFFFFE80]  }
0x349: {  	[tilespmem:s5+$0xFFFFFDD0] =	vst v16;
	v10 =	vmul.f32 v23, v10;
	v16 =	vld [tilespmem:s5+$0xFFFFFE90]  }
0x34a: {  	[tilespmem:s5+$0xFFFFFDE0] =	vst v19;
	v17 =	vmul.f32 v17, v9;
	v19 =	vld [tilespmem:s5+$0xFFFFFEA0]  }
0x34b: {  	[tilespmem:s5+$0xFFFFFDF0] =	vst v12;
	v12 =	vmul.f32 v18, v9;
	v18 =	vld [tilespmem:s5+$0xFFFFFEB0]  }
0x34c: {  	[tilespmem:s5+$0xFFFFFE00] =	vst v11;
	v11 =	vmul.f32 v20, v9;
	v20 =	vld [tilespmem:s5+$0xFFFFFEC0]  }
0x34d: {  	[tilespmem:s5+$0xFFFFFE10] =	vst v13;
	v9 =	vmul.f32 v21, v9;
	v13 =	vld [tilespmem:s5+$0xFFFFFED0]  }
0x34e: {  	[tilespmem:s5+$0xFFFFFE20] =	vst v14;
	v14 =	vmul.f32 v16, v8;
	v16 =	vld [tilespmem:s5+$0xFFFFFEE0]  }
0x34f: {  	[tilespmem:s5+$0xFFFFFE30] =	vst v15;
	v15 =	vmul.f32 v19, v8;
	v19 =	vld [tilespmem:s5+$0xFFFFFEF0]  }
0x350: {  	[tilespmem:s5+$0xFFFFFE40] =	vst v10;
	v10 =	vmul.f32 v18, v8;
	v18 =	vld [tilespmem:s5+$0xFFFFFF00]  }
0x351: {  	[tilespmem:s5+$0xFFFFFE50] =	vst v17;
	v8 =	vmul.f32 v20, v8;
	v17 =	vld [tilespmem:s5+$0xFFFFFF10]  }
0x352: {  	[tilespmem:s5+$0xFFFFFE60] =	vst v12;
	v12 =	vmul.f32 v13, v7;
	v13 =	vld [tilespmem:s5+$0xFFFFFF20]  }
0x353: {  	[tilespmem:s5+$0xFFFFFE70] =	vst v11;
	v11 =	vmul.f32 v16, v7;
	v16 =	vld [tilespmem:s5+$0xFFFFFF30]  }
0x354: {  	[tilespmem:s5+$0xFFFFFE80] =	vst v9;
	v9 =	vmul.f32 v19, v7;
	v19 =	vld [tilespmem:s5+$0xFFFFFF40]  }
0x355: {  	[tilespmem:s5+$0xFFFFFE90] =	vst v14;
	v14 =	vmul.f32 v18, v7;
	v18 =	vld [tilespmem:s5+$0xFFFFFF50]  }
0x356: {  	[tilespmem:s5+$0xFFFFFEA0] =	vst v15;
	v20 =	vmul.f32 v17, v6;
	v21 =	vld [tilespmem:s5+$0xFFFFFF60]  }
0x357: {  	[tilespmem:s5+$0xFFFFFEB0] =	vst v10;
	v7 =	vmul.f32 v13, v6;
	v10 =	vld [tilespmem:s5+$0xFFFFFF70]  }
0x358: {  	[tilespmem:s5+$0xFFFFFEC0] =	vst v8;
	v17 =	vmul.f32 v16, v6;
	v16 =	vld [tilespmem:s5+$0xFFFFFF80]  }
.Ltmp6:
0x359: {  	[tilespmem:s5+$0xFFFFFED0] =	vst v12;
	v15 =	vmul.f32 v19, v6;
	v6 =	vld [tilespmem:s5+$0xFFFFFF90];
	(pc) =	sbr.rel @p1 .LBB2_10-.Ltmp6, $4  }
0x35a: {  	[tilespmem:s5+$0xFFFFFEE0] =	vst v11;
	v11 =	vmul.f32 v18, v5;
	v8 =	vld [tilespmem:s5+$0xFFFFFFA0]  }
0x35b: {  	[tilespmem:s5+$0xFFFFFEF0] =	vst v9;
	v12 =	vmul.f32 v21, v5;
	v9 =	vld [tilespmem:s5+$0xFFFFFFB0]  }
0x35c: {  	[tilespmem:s5+$0xFFFFFF00] =	vst v14;
	v13 =	vmul.f32 v10, v5;
	v10 =	vld [tilespmem:s5+$0xFFFFFFC0]  }
0x35d: {  	s9 =	sshra.s32 s8, $0x2;
	s8 =	sadd.s32 $0x40, s8;
	[tilespmem:s5+$0xFFFFFF10] =	vst v20;
	v14 =	vmul.f32 v16, v5;
	v16 =	vld [tilespmem:s5+$0xFFFFFFD0]  }
0x35e: {  	[tilespmem:s5+$0xFFFFFF20] =	vst v7  }
0x35f: {  	[tilespmem:s5+$0xFFFFFF30] =	vst v17  }
0x360: {  	[tilespmem:s4+$0xFFFFFFE0] =	vst v3  }
0x361: {  	[tilespmem:s4+$0xFFFFFFF0] =	vst v2  }
0x362: {  	v5 =	vld [tilespmem:s5+$0xFFFFFFE0];
	[tilespmem:s6+$0xFFFFFF40] =	vst v15  }
0x363: {  	[tilespmem:s6+$0xFFFFFF50] =	vst v11  }
0x364: {  	v7 =	vld.idx.msk [tilespmem:v1+s9+$0x0 ss:$0x1], $0xffff;
	[tilespmem:s6+$0xFFFFFF60] =	vst v12  }
0x365: {  	s28 =	sadd.s32 $0x400, s5;
	v12 =	vmul.f32 v6, v4;
	[tilespmem:s6+$0xFFFFFF70] =	vst v13  }
0x366: {  	v63 =	vld [tilespmem:s28+$0x0];
	v8 =	vmul.f32 v8, v4;
	[tilespmem:s6+$0xFFFFFF80] =	vst v14  }
0x367: {  	v17 =	vld [tilespmem:s28+$0xFFFFFC10];
	v9 =	vmul.f32 v9, v4;
	[tilespmem:s6+$0xFFFFFF90] =	vst v12  }
0x368: {  	v20 =	vld [tilespmem:s28+$0xFFFFFC20];
	[tilespmem:s6+$0xFFFFFFA0] =	vst v8;
	v19 =	vmul.f32 v10, v4  }
0x369: {  	v22 =	vld [tilespmem:s28+$0xFFFFFC30];
	[tilespmem:s6+$0xFFFFFFB0] =	vst v9;
	v21 =	vmul.f32 v16, v0;
	v6 =	vbroadcast v7, $0xF  }
0x36a: {  	v24 =	vld [tilespmem:s28+$0xFFFFFC40];
	v23 =	vbroadcast v7, $0x0;
	[tilespmem:s6+$0xFFFFFFC0] =	vst v19;
	v5 =	vmul.f32 v5, v0  }
0x36b: {  	v25 =	vld [tilespmem:s28+$0xFFFFFC50];
	[tilespmem:s6+$0xFFFFFFD0] =	vst v21;
	v18 =	vmul.f32 v63, v6  }
0x36c: {  	v26 =	vld [tilespmem:s28+$0xFFFFFC60];
	v27 =	vmul.f32 v23, v17;
	[tilespmem:s6+$0xFFFFFFE0] =	vst v5  }
0x36d: {  	v28 =	vld [tilespmem:s28+$0xFFFFFC70];
	v29 =	vmul.f32 v20, v23;
	[tilespmem:s28+$0x0] =	vst v18  }
0x36e: {  	v31 =	vld [tilespmem:s28+$0xFFFFFC80];
	v30 =	vbroadcast v7, $0x1;
	v10 =	vmul.f32 v22, v23;
	[tilespmem:s28+$0xFFFFFC10] =	vst v27  }
0x36f: {  	v32 =	vld [tilespmem:s28+$0xFFFFFC90];
	v12 =	vmul.f32 v24, v23;
	[tilespmem:s28+$0xFFFFFC20] =	vst v29  }
0x370: {  	v33 =	vld [tilespmem:s28+$0xFFFFFCA0];
	v4 =	vmul.f32 v25, v30;
	[tilespmem:s28+$0xFFFFFC30] =	vst v10  }
0x371: {  	v36 =	vld [tilespmem:s28+$0xFFFFFCC0];
	v9 =	vmul.f32 v26, v30;
	[tilespmem:s28+$0xFFFFFC40] =	vst v12  }
0x372: {  	v37 =	vld [tilespmem:s28+$0xFFFFFCD0];
	v35 =	vbroadcast v7, $0x2;
	v11 =	vmul.f32 v28, v30;
	[tilespmem:s28+$0xFFFFFC50] =	vst v4  }
0x373: {  	v41 =	vld [tilespmem:s28+$0xFFFFFD00];
	v8 =	vmul.f32 v31, v30;
	[tilespmem:s28+$0xFFFFFC60] =	vst v9  }
0x374: {  	v43 =	vld [tilespmem:s28+$0xFFFFFD10];
	v3 =	vmul.f32 v32, v35;
	[tilespmem:s28+$0xFFFFFC70] =	vst v11  }
0x375: {  	v50 =	vld [tilespmem:s28+$0xFFFFFD50];
	v40 =	vbroadcast v7, $0x3;
	v2 =	vmul.f32 v33, v35;
	[tilespmem:s28+$0xFFFFFC80] =	vst v8  }
0x376: {  	v52 =	vld [tilespmem:s28+$0xFFFFFD60];
	v42 =	vmul.f32 v36, v35;
	[tilespmem:s28+$0xFFFFFC90] =	vst v3  }
0x377: {  	v34 =	vld [tilespmem:s28+$0xFFFFFCB0];
	v47 =	vbroadcast v7, $0x4;
	v44 =	vmul.f32 v37, v40;
	[tilespmem:s28+$0xFFFFFCA0] =	vst v2  }
0x378: {  	v38 =	vld [tilespmem:s28+$0xFFFFFCE0];
	v54 =	vbroadcast v7, $0x5;
	v49 =	vmul.f32 v41, v40;
	[tilespmem:s28+$0xFFFFFCC0] =	vst v42  }
0x379: {  	v39 =	vld [tilespmem:s28+$0xFFFFFCF0];
	v51 =	vmul.f32 v43, v47;
	[tilespmem:s28+$0xFFFFFCD0] =	vst v44  }
0x37a: {  	v45 =	vld [tilespmem:s28+$0xFFFFFD20];
	v57 =	vmul.f32 v50, v54;
	[tilespmem:s28+$0xFFFFFD00] =	vst v49  }
0x37b: {  	v48 =	vld [tilespmem:s28+$0xFFFFFD40];
	v59 =	vmul.f32 v52, v54;
	[tilespmem:s28+$0xFFFFFD10] =	vst v51  }
0x37c: {  	v55 =	vld [tilespmem:s28+$0xFFFFFD80];
	v10 =	vmul.f32 v34, v35;
	[tilespmem:s28+$0xFFFFFD50] =	vst v57  }
0x37d: {  	v58 =	vld [tilespmem:s28+$0xFFFFFDA0];
	v9 =	vmul.f32 v38, v40;
	[tilespmem:s28+$0xFFFFFD60] =	vst v59  }
0x37e: {  	v60 =	vld [tilespmem:s28+$0xFFFFFDB0];
	v11 =	vmul.f32 v39, v40;
	[tilespmem:s28+$0xFFFFFCB0] =	vst v10  }
0x37f: {  	v46 =	vld [tilespmem:s28+$0xFFFFFD30];
	v4 =	vmul.f32 v45, v47;
	[tilespmem:s28+$0xFFFFFCE0] =	vst v9  }
0x380: {  	v53 =	vld [tilespmem:s28+$0xFFFFFD70];
	v61 =	vbroadcast v7, $0x6;
	v3 =	vmul.f32 v48, v47;
	[tilespmem:s28+$0xFFFFFCF0] =	vst v11  }
0x381: {  	v56 =	vld [tilespmem:s28+$0xFFFFFD90];
	v2 =	vmul.f32 v55, v54;
	[tilespmem:s28+$0xFFFFFD20] =	vst v4  }
0x382: {  	v62 =	vld [tilespmem:s28+$0xFFFFFDC0];
	v8 =	vmul.f32 v58, v61;
	[tilespmem:s28+$0xFFFFFD40] =	vst v3  }
0x383: {  	v19 =	vld [tilespmem:s28+$0xFFFFFE00];
	v12 =	vmul.f32 v60, v61;
	[tilespmem:s28+$0xFFFFFD80] =	vst v2  }
0x384: {  	v21 =	vld [tilespmem:s28+$0xFFFFFE20];
	v10 =	vmul.f32 v46, v47;
	[tilespmem:s28+$0xFFFFFDA0] =	vst v8  }
0x385: {  	v1 =	vld [tilespmem:s6+$0xFFFFFFF0];
	v11 =	vmul.f32 v53, v54;
	[tilespmem:s28+$0xFFFFFDB0] =	vst v12  }
0x386: {  	v63 =	vld [tilespmem:s28+$0xFFFFFDD0];
	v18 =	vbroadcast v7, $0x7;
	v9 =	vmul.f32 v56, v61;
	[tilespmem:s28+$0xFFFFFD30] =	vst v10  }
0x387: {  	v22 =	vld [tilespmem:s28+$0xFFFFFE30];
	v23 =	vbroadcast v7, $0x8;
	v3 =	vmul.f32 v62, v61;
	[tilespmem:s28+$0xFFFFFD70] =	vst v11  }
0x388: {  	v16 =	vld [tilespmem:s28+$0xFFFFFDE0];
	v2 =	vmul.f32 v19, v18;
	[tilespmem:s28+$0xFFFFFD90] =	vst v9  }
0x389: {  	v17 =	vld [tilespmem:s28+$0xFFFFFDF0];
	v8 =	vmul.f32 v21, v23;
	[tilespmem:s28+$0xFFFFFDC0] =	vst v3  }
0x38a: {  	v20 =	vld [tilespmem:s28+$0xFFFFFE10];
	v61 =	vmul.f32 v1, v0;
	[tilespmem:s28+$0xFFFFFE00] =	vst v2  }
0x38b: {  	v24 =	vld [tilespmem:s28+$0xFFFFFE40];
	v4 =	vmul.f32 v63, v18;
	[tilespmem:s28+$0xFFFFFE20] =	vst v8  }
0x38c: {  	v31 =	vld [tilespmem:s28+$0xFFFFFEA0];
	v12 =	vmul.f32 v22, v23;
	[tilespmem:s6+$0xFFFFFFF0] =	vst v61  }
0x38d: {  	v52 =	vld [tilespmem:s28+$0xFFFFFFB0];
	v10 =	vmul.f32 v16, v18;
	[tilespmem:s28+$0xFFFFFDD0] =	vst v4  }
0x38e: {  	v25 =	vld [tilespmem:s28+$0xFFFFFE50];
	v11 =	vmul.f32 v17, v18;
	[tilespmem:s28+$0xFFFFFE30] =	vst v12  }
0x38f: {  	v33 =	vbroadcast v7, $0xA;
	v29 =	vld [tilespmem:s28+$0xFFFFFE80];
	v9 =	vmul.f32 v20, v23;
	[tilespmem:s28+$0xFFFFFDE0] =	vst v10  }
0x390: {  	v32 =	vld [tilespmem:s28+$0xFFFFFEB0];
	v53 =	vbroadcast v7, $0xE;
	v3 =	vmul.f32 v24, v23;
	[tilespmem:s28+$0xFFFFFDF0] =	vst v11  }
0x391: {  	v28 =	vbroadcast v7, $0x9;
	v51 =	vld [tilespmem:s28+$0xFFFFFFA0];
	v8 =	vmul.f32 v31, v33;
	[tilespmem:s28+$0xFFFFFE10] =	vst v9  }
0x392: {  	v58 =	vld [tilespmem:s28+$0xFFFFFFE0];
	v59 =	vmul.f32 v52, v53;
	[tilespmem:s28+$0xFFFFFE40] =	vst v3  }
0x393: {  	v60 =	vld [tilespmem:s28+$0xFFFFFFF0];
	v4 =	vmul.f32 v25, v28;
	[tilespmem:s28+$0xFFFFFEA0] =	vst v8  }
0x394: {  	v26 =	vld [tilespmem:s28+$0xFFFFFE60];
	v2 =	vmul.f32 v29, v28;
	[tilespmem:s28+$0xFFFFFFB0] =	vst v59  }
0x395: {  	v27 =	vld [tilespmem:s28+$0xFFFFFE70];
	v12 =	vmul.f32 v32, v33;
	[tilespmem:s28+$0xFFFFFE50] =	vst v4  }
0x396: {  	v30 =	vld [tilespmem:s28+$0xFFFFFE90];
	v57 =	vmul.f32 v51, v53;
	[tilespmem:s28+$0xFFFFFE80] =	vst v2  }
0x397: {  	v34 =	vld [tilespmem:s28+$0xFFFFFEC0];
	v62 =	vmul.f32 v58, v6;
	[tilespmem:s28+$0xFFFFFEB0] =	vst v12  }
0x398: {  	v41 =	vld [tilespmem:s28+$0xFFFFFF20];
	v63 =	vmul.f32 v60, v6;
	[tilespmem:s28+$0xFFFFFFA0] =	vst v57  }
0x399: {  	v35 =	vld [tilespmem:s28+$0xFFFFFED0];
	v10 =	vmul.f32 v26, v28;
	[tilespmem:s28+$0xFFFFFFE0] =	vst v62  }
0x39a: {  	v39 =	vld [tilespmem:s28+$0xFFFFFF00];
	v11 =	vmul.f32 v27, v28;
	[tilespmem:s28+$0xFFFFFFF0] =	vst v63  }
0x39b: {  	v43 =	vbroadcast v7, $0xC;
	v42 =	vld [tilespmem:s28+$0xFFFFFF30];
	v9 =	vmul.f32 v30, v33;
	[tilespmem:s28+$0xFFFFFE60] =	vst v10  }
0x39c: {  	v38 =	vbroadcast v7, $0xB;
	v47 =	vld [tilespmem:s28+$0xFFFFFF70];
	v3 =	vmul.f32 v34, v33;
	[tilespmem:s28+$0xFFFFFE70] =	vst v11  }
0x39d: {  	v36 =	vld [tilespmem:s28+$0xFFFFFEE0];
	v8 =	vmul.f32 v41, v43;
	[tilespmem:s28+$0xFFFFFE90] =	vst v9  }
0x39e: {  	v37 =	vld [tilespmem:s28+$0xFFFFFEF0];
	v4 =	vmul.f32 v35, v38;
	[tilespmem:s28+$0xFFFFFEC0] =	vst v3  }
0x39f: {  	v40 =	vld [tilespmem:s28+$0xFFFFFF10];
	v48 =	vbroadcast v7, $0xD;
	v2 =	vmul.f32 v39, v38;
	[tilespmem:s28+$0xFFFFFF20] =	vst v8  }
0x3a0: {  	v44 =	vld [tilespmem:s28+$0xFFFFFF40];
	v12 =	vmul.f32 v42, v43;
	[tilespmem:s28+$0xFFFFFED0] =	vst v4  }
0x3a1: {  	v45 =	vld [tilespmem:s28+$0xFFFFFF50];
	v54 =	vmul.f32 v47, v48;
	[tilespmem:s28+$0xFFFFFF00] =	vst v2  }
0x3a2: {  	v49 =	vld [tilespmem:s28+$0xFFFFFF80];
	v10 =	vmul.f32 v36, v38;
	[tilespmem:s28+$0xFFFFFF30] =	vst v12  }
0x3a3: {  	v46 =	vld [tilespmem:s28+$0xFFFFFF60];
	v11 =	vmul.f32 v37, v38;
	[tilespmem:s28+$0xFFFFFF70] =	vst v54  }
0x3a4: {  	v50 =	vld [tilespmem:s28+$0xFFFFFF90];
	v9 =	vmul.f32 v40, v43;
	[tilespmem:s28+$0xFFFFFEE0] =	vst v10  }
0x3a5: {  	v55 =	vld [tilespmem:s28+$0xFFFFFFC0];
	v3 =	vmul.f32 v44, v43;
	[tilespmem:s28+$0xFFFFFEF0] =	vst v11  }
0x3a6: {  	v56 =	vld [tilespmem:s28+$0xFFFFFFD0];
	v4 =	vmul.f32 v45, v48;
	[tilespmem:s28+$0xFFFFFF10] =	vst v9  }
0x3a7: {  	v2 =	vmul.f32 v49, v48;
	[tilespmem:s28+$0xFFFFFF40] =	vst v3  }
0x3a8: {  	s18 =	sadd.s32 $0x1, s18;
	v10 =	vmul.f32 v46, v48;
	[tilespmem:s28+$0xFFFFFF50] =	vst v4  }
0x3a9: {  	p1 =	sne.s32 s18, $0x54;
	v9 =	vmul.f32 v50, v53;
	[tilespmem:s28+$0xFFFFFF80] =	vst v2  }
.Ltmp7:
0x3aa: {  	v3 =	vmul.f32 v55, v53;
	[tilespmem:s28+$0xFFFFFF60] =	vst v10;
	(pc) =	sbr.rel @p1 .LBB2_4-.Ltmp7, $4  }
.Ltmp8:
0x3ab: {  	v4 =	vmul.f32 v56, v6;
	[tilespmem:s28+$0xFFFFFF90] =	vst v9;
	(pc) =	sbr.rel @!p1 .LBB2_12-.Ltmp8, $4  }
0x3ac: {  	s1 =	sshra.s32 s1, $0x2;
	[tilespmem:s28+$0xFFFFFFC0] =	vst v3  }
0x3ad: {  	s19 =	sadd.s32 $0xF0, s19;
	s26 =	sadd.s32 $0xF0, s26;
	s1 =	sadd.s32 $0x4E20, s1;
	[tilespmem:s28+$0xFFFFFFD0] =	vst v4  }
0x3ae: {  	[spmem:s2] =	stream.indirect.scatter.add.f32 [tilespmem:s0], [sflag:$0x6], $0x40, s1, s21, $0xb8;
	[tilespmem:$0x1F6E0] =	vst v63  }
0x3af: {  	_ = 	snop  }
.LBB2_13:
0x3b0: {  	_ =	sfence.sel $0x180000  }
0x3b1: {  	[bflag:$0x0] =	sbarrier.arrive $0xFFFF  }
0x3b2: {  	_ =	strace $0x90000047  }
0x3b3: {  	s0 =	stileid.u32;
	[bflag:$0x2] =	sbarrier.arrive $0xFFFF  }
0x3b4: {  	p0 =	sne.s32 s0, $0x0;
	s0 =	rddreg [dreg:$0x4]  }
0x3b5: {  	s0 =	sadd.s32 @!p0 $0x100000, s0  }
0x3b6: {  	[sflag:s0] =	ssyncadd.tile.s32 @!p0 $0x1;
	_ =	shalt  }
.Lfunc_end2:
_tile_overlayer_lowered:
.L_overlay_start_2:
0x3b7: {  	(tag) =	ssettag $0x2  }
0x3b8: {  	s0 =	rddreg [dreg:$0x0];
	s2 =	stileid.u32  }
0x3b9: {  	s1 =	rddreg [dreg:$0x1];
	p0 =	sne.s32 s2, $0x0  }
0x3ba: {  	s3 =	rddreg [dreg:$0x2];
	[bflag:$0x3] =	sbarrier.arrive $0xFFFF;
	s2 =	simm.s32 @!p0 $0x1C07  }
0x3bb: {  	[timem:s3], [sflag:s2] =	dma.local @!p0 [hbm:s0], s1  }
0x3bc: {  	s0 =	simm.s32 @!p0 $0x7  }
0x3bd: {  	_ =	swait.ge @!p0 [sflag:s0], s1  }
0x3be: {  	s1 =	ssub.s32 @!p0 $0x0, s1;
	[sflag:s0] =	ssyncset.done @!p0 $0x0  }
0x3bf: {  	[sflag:s0] =	ssyncadd.s32 @!p0 s1  }
0x3c0: {  	[bflag:$0x3] =	sbarrier.arrive $0xFFFF  }
0x3c1: {  	_ =	shalt  }

</sc_bundles>
